<compile_context>
chip_gen: v7x
topology: tpu7x:2x2x1
jax: 0.10.2.dev20260603
libtpu: 0.0.44.dev20260713+nightly
codegen_flags: <defaults>
</compile_context>

<pallas_src>
import functools

import jax
import jax.numpy as jnp
from jax import lax
from jax.experimental import pallas as pl
from jax.experimental.pallas import tpu as pltpu
from jax.experimental.pallas import tpu_sc as plsc

N = 10000
E = 320000
H = 128
C = 40

NC = 2
NS = 16
NW = NC * NS

B = 128
CH = 80
CH2 = 40
E_PAD = NW * CH * B

SEG = 40
CH_SLOW = 80
CH_FAST = 80
SLOW_CORE = 0
E_SLOW = NS * CH_SLOW * B
E_FAST = NS * CH_FAST * B
N_PAD = 10112
ROWS_PER_TILE = N_PAD // NS

_mesh = plsc.VectorSubcoreMesh(core_axis_name="c", subcore_axis_name="s")



def _sc_count(dst_p):
    def body(dst_hbm, out_hbm, dst_v, ones_v, acc_sh):
        c = lax.axis_index("c")
        s = lax.axis_index("s")
        wid = c * NS + s
        base = s * ROWS_PER_TILE

        def fill(val):
            def go(j, _):
                for q in range(H // 16):
                    ones_v[j, pl.ds(q * 16, 16)] = jnp.full((16,), val,
                                                            jnp.float32)
                return _
            return go

        lax.fori_loop(0, B, fill(0.0), None)
        for kk in range(4):
            pltpu.sync_copy(ones_v, acc_sh.at[pl.ds(base + kk * B, B)])
        pltpu.sync_copy(ones_v.at[pl.ds(0, ROWS_PER_TILE - 4 * B)],
                        acc_sh.at[pl.ds(base + 4 * B,
                                        ROWS_PER_TILE - 4 * B)])
        lax.fori_loop(0, B, fill(1.0), None)
        plsc.subcore_barrier()

        for half in range(CH // CH2):
            pltpu.sync_copy(dst_hbm.at[wid, pl.ds(half * CH2, CH2)], dst_v)

            def chunk(j, _):
                pltpu.sync_copy(ones_v, acc_sh.at[dst_v.at[j]], add=True)
                return _

            lax.fori_loop(0, CH2, chunk, None)
        plsc.subcore_barrier()
        pltpu.sync_copy(
            acc_sh.at[pl.ds(base, ROWS_PER_TILE)],
            out_hbm.at[c, pl.ds(base, ROWS_PER_TILE)])

    k = pl.kernel(
        body,
        out_type=jax.ShapeDtypeStruct((NC, N_PAD, H), jnp.float32),
        mesh=_mesh,
        scratch_types=[
            pltpu.VMEM((CH2, B), jnp.int32),
            pltpu.VMEM((B, H), jnp.float32),
            pltpu.VMEM_SHARED((N_PAD, H), jnp.float32),
        ],
    )
    return k(dst_p)


def _sc_agg(p, src0, dst0, src1, dst1):

    def body(p_hbm, s0_hbm, d0_hbm, s1_hbm, d1_hbm, out_hbm, src_v, dst_v,
             rows0_v, rows1_v, acc_sh, g0, g1):
        c = lax.axis_index("c")
        s = lax.axis_index("s")
        base = s * ROWS_PER_TILE

        def fill_z(j, _):
            for q in range(H // 16):
                rows0_v[j, pl.ds(q * 16, 16)] = jnp.zeros((16,), jnp.float32)
            return _

        lax.fori_loop(0, B, fill_z, None)
        for kk in range(4):
            pltpu.sync_copy(rows0_v, acc_sh.at[pl.ds(base + kk * B, B)])
        pltpu.sync_copy(rows0_v.at[pl.ds(0, ROWS_PER_TILE - 4 * B)],
                        acc_sh.at[pl.ds(base + 4 * B,
                                        ROWS_PER_TILE - 4 * B)])
        plsc.subcore_barrier()

        def gwait(buf, sem):
            pltpu.make_async_copy(p_hbm.at[pl.ds(0, B)], buf, sem).wait()

        def seg_loop(sh, dh, nseg):
            for seg in range(nseg):
                pltpu.sync_copy(sh.at[s, pl.ds(seg * SEG, SEG)], src_v)
                pltpu.sync_copy(dh.at[s, pl.ds(seg * SEG, SEG)], dst_v)
                pltpu.async_copy(p_hbm.at[src_v.at[0]], rows0_v, g0)

                def pair(i, _):
                    ja = 2 * i
                    jb = 2 * i + 1
                    jc = lax.rem(2 * i + 2, SEG)
                    gb = pltpu.async_copy(p_hbm.at[src_v.at[jb]], rows1_v,
                                          g1)
                    gwait(rows0_v, g0)
                    pltpu.sync_copy(rows0_v, acc_sh.at[dst_v.at[ja]],
                                    add=True)
                    pltpu.async_copy(p_hbm.at[src_v.at[jc]], rows0_v, g0)
                    gb.wait()
                    pltpu.sync_copy(rows1_v, acc_sh.at[dst_v.at[jb]],
                                    add=True)
                    return _

                lax.fori_loop(0, SEG // 2, pair, None)
                gwait(rows0_v, g0)

        @pl.when(c == SLOW_CORE)
        def _():
            seg_loop(s0_hbm, d0_hbm, CH_SLOW // SEG)

        @pl.when(c == 1 - SLOW_CORE)
        def _():
            seg_loop(s1_hbm, d1_hbm, CH_FAST // SEG)

        plsc.subcore_barrier()
        pltpu.sync_copy(acc_sh.at[pl.ds(base, ROWS_PER_TILE)],
                        out_hbm.at[c, pl.ds(base, ROWS_PER_TILE)])

    k = pl.kernel(
        body,
        out_type=jax.ShapeDtypeStruct((NC, N_PAD, H), jnp.float32),
        mesh=_mesh,
        scratch_types=[
            pltpu.VMEM((SEG, B), jnp.int32),
            pltpu.VMEM((SEG, B), jnp.int32),
            pltpu.VMEM((B, H), jnp.float32),
            pltpu.VMEM((B, H), jnp.float32),
            pltpu.VMEM_SHARED((N_PAD, H), jnp.float32),
            pltpu.SemaphoreType.DMA,
            pltpu.SemaphoreType.DMA,
        ],
    )
    return k(p, src0, dst0, src1, dst1)



_BR = 400
_GRID = N // _BR


def _tc_layer_body(a0, a1, c0, c1, h, wl, wr, bl, o):
    cnt = c0[:, 0:1] + c1[:, 0:1]
    inv = 1.0 / jnp.maximum(cnt, 1.0)
    agg = (a0[:] + a1[:]) * inv
    o[:] = (jnp.dot(agg, wl[:], preferred_element_type=jnp.float32)
            + jnp.dot(h[:], wr[:], preferred_element_type=jnp.float32)
            + bl[:])


def _tc_layer(a0, a1, c0, c1, h, wl, wr, bl):
    return pl.pallas_call(
        _tc_layer_body,
        grid=(_GRID,),
        in_specs=[
            pl.BlockSpec((_BR, H), lambda i: (i, 0)),
            pl.BlockSpec((_BR, H), lambda i: (i, 0)),
            pl.BlockSpec((_BR, H), lambda i: (i, 0)),
            pl.BlockSpec((_BR, H), lambda i: (i, 0)),
            pl.BlockSpec((_BR, H), lambda i: (i, 0)),
            pl.BlockSpec((H, H), lambda i: (0, 0)),
            pl.BlockSpec((H, H), lambda i: (0, 0)),
            pl.BlockSpec((1, H), lambda i: (0, 0)),
        ],
        out_specs=pl.BlockSpec((_BR, H), lambda i: (i, 0)),
        out_shape=jax.ShapeDtypeStruct((N, H), jnp.float32),
    )(a0, a1, c0, c1, h, wl, wr, bl)


def _tc_final_body(a0, a1, c0, c1, h, wl, wr, bl, wo, bo, o):
    cnt = c0[:, 0:1] + c1[:, 0:1]
    inv = 1.0 / jnp.maximum(cnt, 1.0)
    agg = (a0[:] + a1[:]) * inv
    h3 = (jnp.dot(agg, wl[:], preferred_element_type=jnp.float32)
          + jnp.dot(h[:], wr[:], preferred_element_type=jnp.float32)
          + bl[:])
    o[:] = jnp.dot(h3, wo[:], preferred_element_type=jnp.float32) + bo[:]


def _tc_final(a0, a1, c0, c1, h, wl, wr, bl, wo, bo):
    return pl.pallas_call(
        _tc_final_body,
        grid=(_GRID,),
        in_specs=[
            pl.BlockSpec((_BR, H), lambda i: (i, 0)),
            pl.BlockSpec((_BR, H), lambda i: (i, 0)),
            pl.BlockSpec((_BR, H), lambda i: (i, 0)),
            pl.BlockSpec((_BR, H), lambda i: (i, 0)),
            pl.BlockSpec((_BR, H), lambda i: (i, 0)),
            pl.BlockSpec((H, H), lambda i: (0, 0)),
            pl.BlockSpec((H, H), lambda i: (0, 0)),
            pl.BlockSpec((1, H), lambda i: (0, 0)),
            pl.BlockSpec((H, C), lambda i: (0, 0)),
            pl.BlockSpec((1, C), lambda i: (0, 0)),
        ],
        out_specs=pl.BlockSpec((_BR, C), lambda i: (i, 0)),
        out_shape=jax.ShapeDtypeStruct((N, C), jnp.float32),
    )(a0, a1, c0, c1, h, wl, wr, bl, wo, bo)



def kernel(x, edge_index, Wl0, bl0, Wr0, Wl1, bl1, Wr1, Wl2, bl2, Wr2, Wout,
           bout):
    src = edge_index[0]
    dst = edge_index[1]
    pad = E_PAD - E
    dst_pad_rows = N + (jnp.arange(pad, dtype=jnp.int32) % (N_PAD - N))
    src_f = jnp.concatenate([src, jnp.zeros((pad,), jnp.int32)])
    dst_f = jnp.concatenate([dst, dst_pad_rows])
    src_p = src_f.reshape(NW, CH, B)
    dst_p = dst_f.reshape(NW, CH, B)
    src0 = src_f[:E_SLOW].reshape(NS, CH_SLOW, B)
    dst0 = dst_f[:E_SLOW].reshape(NS, CH_SLOW, B)
    src1 = src_f[E_SLOW:].reshape(NS, CH_FAST, B)
    dst1 = dst_f[E_SLOW:].reshape(NS, CH_FAST, B)

    cnt = _sc_count(dst_p)
    c0, c1 = cnt[0], cnt[1]

    bl0_ = bl0.reshape(1, H)
    bl1_ = bl1.reshape(1, H)
    bl2_ = bl2.reshape(1, H)
    bout_ = bout.reshape(1, C)

    a = _sc_agg(x, src0, dst0, src1, dst1)
    h1 = _tc_layer(a[0], a[1], c0, c1, x, Wl0, Wr0, bl0_)
    a = _sc_agg(h1, src0, dst0, src1, dst1)
    h2 = _tc_layer(a[0], a[1], c0, c1, h1, Wl1, Wr1, bl1_)
    a = _sc_agg(h2, src0, dst0, src1, dst1)
    return _tc_final(a[0], a[1], c0, c1, h2, Wl2, Wr2, bl2_, Wout, bout_)

# --- scband reference (transcript-rebuilt; emitter-appended) ---
"""Pipeline reference for scband-model-9414568313039 (READ-ONLY COPY).

The authoritative reference and input builder live on the scoring server;
editing this copy changes nothing except your own understanding.
"""

import jax, jax.numpy as jnp
import numpy as np

N = 10000
E = 320000
F = 128
H = 128
C = 40


def setup_inputs(seed: int = 0):
    key = jax.random.key(seed)
    ks = jax.random.split(key, 16)
    x = jax.random.normal(ks[0], (N, F), dtype=jnp.float32)
    edge_index = jax.random.randint(ks[1], (2, E), 0, N, dtype=jnp.int32)

    def lin(k, fi, fo):
        return (jax.random.normal(k, (fi, fo), dtype=jnp.float32) / np.sqrt(fi)).astype(jnp.float32)

    inp = {"x": x, "edge_index": edge_index}
    dims = [(F, H), (H, H), (H, H)]
    for i, (fi, fo) in enumerate(dims):
        inp[f"Wl{i}"] = lin(ks[2 + 3 * i], fi, fo)
        inp[f"bl{i}"] = jnp.zeros((fo,), dtype=jnp.float32)
        inp[f"Wr{i}"] = lin(ks[3 + 3 * i], fi, fo)
    inp["Wout"] = lin(ks[12], H, C)
    inp["bout"] = jnp.zeros((C,), dtype=jnp.float32)
    return inp


def _sage(x, src, dst, Wl, bl, Wr):
    # PyG SAGEConv: mean-aggregate neighbor messages, lin_l(agg) + lin_r(x)
    msgs = jnp.take(x, src, axis=0)
    agg = jax.ops.segment_sum(msgs, dst, num_segments=N)
    cnt = jax.ops.segment_sum(jnp.ones((src.shape[0],), x.dtype), dst, num_segments=N)
    agg = agg / jnp.clip(cnt, 1.0)[:, None]
    return agg @ Wl + bl + x @ Wr


def reference(x, edge_index, Wl0, bl0, Wr0, Wl1, bl1, Wr1, Wl2, bl2, Wr2, Wout, bout):
    src = edge_index[0]
    dst = edge_index[1]
    # dropout is identity at inference (training=False)
    h = _sage(x, src, dst, Wl0, bl0, Wr0)
    h = _sage(h, src, dst, Wl1, bl1, Wr1)
    h = _sage(h, src, dst, Wl2, bl2, Wr2)
    return h @ Wout + bout

if __name__ == "__main__":
    import jax
    _d = setup_inputs()
    print(jax.jit(kernel)(*tuple(_d.values())))

</pallas_src>

<mosaic_0001>
#map = affine_map<(d0, d1) -> (0, 0)>
#map1 = affine_map<(d0, d1) -> (0, 0, 0)>
module attributes {stable_mosaic.version = 14 : i64} {
  func.func @body(%arg0: i32, %arg1: i32, %arg2: memref<10000x128xf32, #tpu.memory_space<hbm>>, %arg3: memref<16x80x128xi32, #tpu.memory_space<hbm>>, %arg4: memref<16x80x128xi32, #tpu.memory_space<hbm>>, %arg5: memref<16x80x128xi32, #tpu.memory_space<hbm>>, %arg6: memref<16x80x128xi32, #tpu.memory_space<hbm>>, %arg7: memref<2x10112x128xf32, #tpu.memory_space<hbm>>, %arg8: memref<40x128xi32, #tpu.memory_space<vmem>>, %arg9: memref<40x128xi32, #tpu.memory_space<vmem>>, %arg10: memref<128x128xf32, #tpu.memory_space<vmem>>, %arg11: memref<128x128xf32, #tpu.memory_space<vmem>>, %arg12: memref<10112x128xf32, #tpu.memory_space<vmem_shared>>, %arg13: memref<!tpu.dma_semaphore, #tpu.memory_space<semaphore_mem>>, %arg14: memref<!tpu.dma_semaphore, #tpu.memory_space<semaphore_mem>>) attributes {dimension_semantics = [#tpu.dimension_semantics<core_parallel>, #tpu.dimension_semantics<subcore_parallel>], iteration_bounds = array<i64: 2, 16>, scalar_prefetch = 0 : i64, scratch_operands = 7 : i64, tpu.core_type = #tpu.core_type<sc_vector_subcore>, window_params = [{transform_indices = #map}, {transform_indices = #map1}, {transform_indices = #map1}, {transform_indices = #map1}, {transform_indices = #map1}, {transform_indices = #map1}]} {
    %mul3A = arith.constant 632 : i32
    %mul3A_0 = arith.muli %arg1, %mul3A : i32
    %scan3A = arith.constant 0 : i32
    %scan3A_1 = arith.constant 128 : i32
    %scan3A_2 = arith.addi %scan3A, %scan3A_1 : i32
    %scan3A_3 = arith.constant 1 : i32
    scf.for %scan3A_22 = %scan3A to %scan3A_2 step %scan3A_3  : i32 {
      %broadcast_in_dim3A = arith.constant 0.000000e+00 : f32
      %broadcast_in_dim3A_23 = vector.broadcast %broadcast_in_dim3A : f32 to vector<16xf32>
      %swap3A = arith.index_cast %scan3A_22 : i32 to index
      %swap3A_24 = arith.constant 0 : index
      %swap3A_25 = tpu.vector_load %arg10[%swap3A, %swap3A_24] {strides = array<i32>} : memref<128x128xf32, #tpu.memory_space<vmem>>, vector<1x16xf32>,
      %swap3A_26 = vector.shape_cast %swap3A_25 : vector<1x16xf32> to vector<16xf32>
      %swap3A_27 = vector.shape_cast %broadcast_in_dim3A_23 : vector<16xf32> to vector<1x16xf32>
      tpu.vector_store %arg10[%swap3A, %swap3A_24], %swap3A_27 {strides = array<i32>} : memref<128x128xf32, #tpu.memory_space<vmem>>, vector<1x16xf32>,
      %broadcast_in_dim3A_28 = arith.constant 0.000000e+00 : f32
      %broadcast_in_dim3A_29 = vector.broadcast %broadcast_in_dim3A_28 : f32 to vector<16xf32>
      %swap3A_30 = arith.index_cast %scan3A_22 : i32 to index
      %swap3A_31 = arith.constant 16 : index
      %swap3A_32 = tpu.vector_load %arg10[%swap3A_30, %swap3A_31] {strides = array<i32>} : memref<128x128xf32, #tpu.memory_space<vmem>>, vector<1x16xf32>,
      %swap3A_33 = vector.shape_cast %swap3A_32 : vector<1x16xf32> to vector<16xf32>
      %swap3A_34 = vector.shape_cast %broadcast_in_dim3A_29 : vector<16xf32> to vector<1x16xf32>
      tpu.vector_store %arg10[%swap3A_30, %swap3A_31], %swap3A_34 {strides = array<i32>} : memref<128x128xf32, #tpu.memory_space<vmem>>, vector<1x16xf32>,
      %broadcast_in_dim3A_35 = arith.constant 0.000000e+00 : f32
      %broadcast_in_dim3A_36 = vector.broadcast %broadcast_in_dim3A_35 : f32 to vector<16xf32>
      %swap3A_37 = arith.index_cast %scan3A_22 : i32 to index
      %swap3A_38 = arith.constant 32 : index
      %swap3A_39 = tpu.vector_load %arg10[%swap3A_37, %swap3A_38] {strides = array<i32>} : memref<128x128xf32, #tpu.memory_space<vmem>>, vector<1x16xf32>,
      %swap3A_40 = vector.shape_cast %swap3A_39 : vector<1x16xf32> to vector<16xf32>
      %swap3A_41 = vector.shape_cast %broadcast_in_dim3A_36 : vector<16xf32> to vector<1x16xf32>
      tpu.vector_store %arg10[%swap3A_37, %swap3A_38], %swap3A_41 {strides = array<i32>} : memref<128x128xf32, #tpu.memory_space<vmem>>, vector<1x16xf32>,
      %broadcast_in_dim3A_42 = arith.constant 0.000000e+00 : f32
      %broadcast_in_dim3A_43 = vector.broadcast %broadcast_in_dim3A_42 : f32 to vector<16xf32>
      %swap3A_44 = arith.index_cast %scan3A_22 : i32 to index
      %swap3A_45 = arith.constant 48 : index
      %swap3A_46 = tpu.vector_load %arg10[%swap3A_44, %swap3A_45] {strides = array<i32>} : memref<128x128xf32, #tpu.memory_space<vmem>>, vector<1x16xf32>,
      %swap3A_47 = vector.shape_cast %swap3A_46 : vector<1x16xf32> to vector<16xf32>
      %swap3A_48 = vector.shape_cast %broadcast_in_dim3A_43 : vector<16xf32> to vector<1x16xf32>
      tpu.vector_store %arg10[%swap3A_44, %swap3A_45], %swap3A_48 {strides = array<i32>} : memref<128x128xf32, #tpu.memory_space<vmem>>, vector<1x16xf32>,
      %broadcast_in_dim3A_49 = arith.constant 0.000000e+00 : f32
      %broadcast_in_dim3A_50 = vector.broadcast %broadcast_in_dim3A_49 : f32 to vector<16xf32>
      %swap3A_51 = arith.index_cast %scan3A_22 : i32 to index
      %swap3A_52 = arith.constant 64 : index
      %swap3A_53 = tpu.vector_load %arg10[%swap3A_51, %swap3A_52] {strides = array<i32>} : memref<128x128xf32, #tpu.memory_space<vmem>>, vector<1x16xf32>,
      %swap3A_54 = vector.shape_cast %swap3A_53 : vector<1x16xf32> to vector<16xf32>
      %swap3A_55 = vector.shape_cast %broadcast_in_dim3A_50 : vector<16xf32> to vector<1x16xf32>
      tpu.vector_store %arg10[%swap3A_51, %swap3A_52], %swap3A_55 {strides = array<i32>} : memref<128x128xf32, #tpu.memory_space<vmem>>, vector<1x16xf32>,
      %broadcast_in_dim3A_56 = arith.constant 0.000000e+00 : f32
      %broadcast_in_dim3A_57 = vector.broadcast %broadcast_in_dim3A_56 : f32 to vector<16xf32>
      %swap3A_58 = arith.index_cast %scan3A_22 : i32 to index
      %swap3A_59 = arith.constant 80 : index
      %swap3A_60 = tpu.vector_load %arg10[%swap3A_58, %swap3A_59] {strides = array<i32>} : memref<128x128xf32, #tpu.memory_space<vmem>>, vector<1x16xf32>,
      %swap3A_61 = vector.shape_cast %swap3A_60 : vector<1x16xf32> to vector<16xf32>
      %swap3A_62 = vector.shape_cast %broadcast_in_dim3A_57 : vector<16xf32> to vector<1x16xf32>
      tpu.vector_store %arg10[%swap3A_58, %swap3A_59], %swap3A_62 {strides = array<i32>} : memref<128x128xf32, #tpu.memory_space<vmem>>, vector<1x16xf32>,
      %broadcast_in_dim3A_63 = arith.constant 0.000000e+00 : f32
      %broadcast_in_dim3A_64 = vector.broadcast %broadcast_in_dim3A_63 : f32 to vector<16xf32>
      %swap3A_65 = arith.index_cast %scan3A_22 : i32 to index
      %swap3A_66 = arith.constant 96 : index
      %swap3A_67 = tpu.vector_load %arg10[%swap3A_65, %swap3A_66] {strides = array<i32>} : memref<128x128xf32, #tpu.memory_space<vmem>>, vector<1x16xf32>,
      %swap3A_68 = vector.shape_cast %swap3A_67 : vector<1x16xf32> to vector<16xf32>
      %swap3A_69 = vector.shape_cast %broadcast_in_dim3A_64 : vector<16xf32> to vector<1x16xf32>
      tpu.vector_store %arg10[%swap3A_65, %swap3A_66], %swap3A_69 {strides = array<i32>} : memref<128x128xf32, #tpu.memory_space<vmem>>, vector<1x16xf32>,
      %broadcast_in_dim3A_70 = arith.constant 0.000000e+00 : f32
      %broadcast_in_dim3A_71 = vector.broadcast %broadcast_in_dim3A_70 : f32 to vector<16xf32>
      %swap3A_72 = arith.index_cast %scan3A_22 : i32 to index
      %swap3A_73 = arith.constant 112 : index
      %swap3A_74 = tpu.vector_load %arg10[%swap3A_72, %swap3A_73] {strides = array<i32>} : memref<128x128xf32, #tpu.memory_space<vmem>>, vector<1x16xf32>,
      %swap3A_75 = vector.shape_cast %swap3A_74 : vector<1x16xf32> to vector<16xf32>
      %swap3A_76 = vector.shape_cast %broadcast_in_dim3A_71 : vector<16xf32> to vector<1x16xf32>
      tpu.vector_store %arg10[%swap3A_72, %swap3A_73], %swap3A_76 {strides = array<i32>} : memref<128x128xf32, #tpu.memory_space<vmem>>, vector<1x16xf32>,
    }
    %scan3A_4 = arith.constant 128 : i32
    %add3A = arith.constant 0 : i32
    %add3A_5 = arith.addi %mul3A_0, %add3A : i32
    "tpu.region"() ({
      %run_scoped3A = tpu.sem_alloc : memref<!tpu.dma_semaphore, #tpu.memory_space<semaphore_mem>>
      %dma_start3A = arith.constant 0 : i32
      %dma_start3A_22 = tpu.memref_slice %arg12[%add3A_5, %dma_start3A] : memref<10112x128xf32, #tpu.memory_space<vmem_shared>> -> memref<128x128xf32, #tpu.memory_space<vmem_shared>>
      %dma_start3A_23 = arith.constant 0 : i32
      %dma_start3A_24 = tpu.memref_slice %arg12[%add3A_5, %dma_start3A_23] : memref<10112x128xf32, #tpu.memory_space<vmem_shared>> -> memref<128x128xf32, #tpu.memory_space<vmem_shared>>
      tpu.enqueue_dma source(%arg10 : memref<128x128xf32, #tpu.memory_space<vmem>>) target(%dma_start3A_24 : memref<128x128xf32, #tpu.memory_space<vmem_shared>>) target_semaphore(%run_scoped3A : memref<!tpu.dma_semaphore, #tpu.memory_space<semaphore_mem>>)
      %dma_wait3A = arith.constant 0 : i32
      %dma_wait3A_25 = tpu.memref_slice %arg12[%add3A_5, %dma_wait3A] : memref<10112x128xf32, #tpu.memory_space<vmem_shared>> -> memref<128x128xf32, #tpu.memory_space<vmem_shared>>
      %dma_wait3A_26 = arith.constant 0 : i32
      %dma_wait3A_27 = tpu.memref_slice %arg12[%add3A_5, %dma_wait3A_26] : memref<10112x128xf32, #tpu.memory_space<vmem_shared>> -> memref<128x128xf32, #tpu.memory_space<vmem_shared>>
      tpu.wait_dma2 semaphore(%run_scoped3A : memref<!tpu.dma_semaphore, #tpu.memory_space<semaphore_mem>>) src(%arg10 : memref<128x128xf32, #tpu.memory_space<vmem>>) dst(%dma_wait3A_27 : memref<128x128xf32, #tpu.memory_space<vmem_shared>>)
      tpu.yield
    }) : () -> ()
    %add3A_6 = arith.constant 128 : i32
    %add3A_7 = arith.addi %mul3A_0, %add3A_6 : i32
    "tpu.region"() ({
      %run_scoped3A = tpu.sem_alloc : memref<!tpu.dma_semaphore, #tpu.memory_space<semaphore_mem>>
      %dma_start3A = arith.constant 0 : i32
      %dma_start3A_22 = tpu.memref_slice %arg12[%add3A_7, %dma_start3A] : memref<10112x128xf32, #tpu.memory_space<vmem_shared>> -> memref<128x128xf32, #tpu.memory_space<vmem_shared>>
      %dma_start3A_23 = arith.constant 0 : i32
      %dma_start3A_24 = tpu.memref_slice %arg12[%add3A_7, %dma_start3A_23] : memref<10112x128xf32, #tpu.memory_space<vmem_shared>> -> memref<128x128xf32, #tpu.memory_space<vmem_shared>>
      tpu.enqueue_dma source(%arg10 : memref<128x128xf32, #tpu.memory_space<vmem>>) target(%dma_start3A_24 : memref<128x128xf32, #tpu.memory_space<vmem_shared>>) target_semaphore(%run_scoped3A : memref<!tpu.dma_semaphore, #tpu.memory_space<semaphore_mem>>)
      %dma_wait3A = arith.constant 0 : i32
      %dma_wait3A_25 = tpu.memref_slice %arg12[%add3A_7, %dma_wait3A] : memref<10112x128xf32, #tpu.memory_space<vmem_shared>> -> memref<128x128xf32, #tpu.memory_space<vmem_shared>>
      %dma_wait3A_26 = arith.constant 0 : i32
      %dma_wait3A_27 = tpu.memref_slice %arg12[%add3A_7, %dma_wait3A_26] : memref<10112x128xf32, #tpu.memory_space<vmem_shared>> -> memref<128x128xf32, #tpu.memory_space<vmem_shared>>
      tpu.wait_dma2 semaphore(%run_scoped3A : memref<!tpu.dma_semaphore, #tpu.memory_space<semaphore_mem>>) src(%arg10 : memref<128x128xf32, #tpu.memory_space<vmem>>) dst(%dma_wait3A_27 : memref<128x128xf32, #tpu.memory_space<vmem_shared>>)
      tpu.yield
    }) : () -> ()
    %add3A_8 = arith.constant 256 : i32
    %add3A_9 = arith.addi %mul3A_0, %add3A_8 : i32
    "tpu.region"() ({
      %run_scoped3A = tpu.sem_alloc : memref<!tpu.dma_semaphore, #tpu.memory_space<semaphore_mem>>
      %dma_start3A = arith.constant 0 : i32
      %dma_start3A_22 = tpu.memref_slice %arg12[%add3A_9, %dma_start3A] : memref<10112x128xf32, #tpu.memory_space<vmem_shared>> -> memref<128x128xf32, #tpu.memory_space<vmem_shared>>
      %dma_start3A_23 = arith.constant 0 : i32
      %dma_start3A_24 = tpu.memref_slice %arg12[%add3A_9, %dma_start3A_23] : memref<10112x128xf32, #tpu.memory_space<vmem_shared>> -> memref<128x128xf32, #tpu.memory_space<vmem_shared>>
      tpu.enqueue_dma source(%arg10 : memref<128x128xf32, #tpu.memory_space<vmem>>) target(%dma_start3A_24 : memref<128x128xf32, #tpu.memory_space<vmem_shared>>) target_semaphore(%run_scoped3A : memref<!tpu.dma_semaphore, #tpu.memory_space<semaphore_mem>>)
      %dma_wait3A = arith.constant 0 : i32
      %dma_wait3A_25 = tpu.memref_slice %arg12[%add3A_9, %dma_wait3A] : memref<10112x128xf32, #tpu.memory_space<vmem_shared>> -> memref<128x128xf32, #tpu.memory_space<vmem_shared>>
      %dma_wait3A_26 = arith.constant 0 : i32
      %dma_wait3A_27 = tpu.memref_slice %arg12[%add3A_9, %dma_wait3A_26] : memref<10112x128xf32, #tpu.memory_space<vmem_shared>> -> memref<128x128xf32, #tpu.memory_space<vmem_shared>>
      tpu.wait_dma2 semaphore(%run_scoped3A : memref<!tpu.dma_semaphore, #tpu.memory_space<semaphore_mem>>) src(%arg10 : memref<128x128xf32, #tpu.memory_space<vmem>>) dst(%dma_wait3A_27 : memref<128x128xf32, #tpu.memory_space<vmem_shared>>)
      tpu.yield
    }) : () -> ()
    %add3A_10 = arith.constant 384 : i32
    %add3A_11 = arith.addi %mul3A_0, %add3A_10 : i32
    "tpu.region"() ({
      %run_scoped3A = tpu.sem_alloc : memref<!tpu.dma_semaphore, #tpu.memory_space<semaphore_mem>>
      %dma_start3A = arith.constant 0 : i32
      %dma_start3A_22 = tpu.memref_slice %arg12[%add3A_11, %dma_start3A] : memref<10112x128xf32, #tpu.memory_space<vmem_shared>> -> memref<128x128xf32, #tpu.memory_space<vmem_shared>>
      %dma_start3A_23 = arith.constant 0 : i32
      %dma_start3A_24 = tpu.memref_slice %arg12[%add3A_11, %dma_start3A_23] : memref<10112x128xf32, #tpu.memory_space<vmem_shared>> -> memref<128x128xf32, #tpu.memory_space<vmem_shared>>
      tpu.enqueue_dma source(%arg10 : memref<128x128xf32, #tpu.memory_space<vmem>>) target(%dma_start3A_24 : memref<128x128xf32, #tpu.memory_space<vmem_shared>>) target_semaphore(%run_scoped3A : memref<!tpu.dma_semaphore, #tpu.memory_space<semaphore_mem>>)
      %dma_wait3A = arith.constant 0 : i32
      %dma_wait3A_25 = tpu.memref_slice %arg12[%add3A_11, %dma_wait3A] : memref<10112x128xf32, #tpu.memory_space<vmem_shared>> -> memref<128x128xf32, #tpu.memory_space<vmem_shared>>
      %dma_wait3A_26 = arith.constant 0 : i32
      %dma_wait3A_27 = tpu.memref_slice %arg12[%add3A_11, %dma_wait3A_26] : memref<10112x128xf32, #tpu.memory_space<vmem_shared>> -> memref<128x128xf32, #tpu.memory_space<vmem_shared>>
      tpu.wait_dma2 semaphore(%run_scoped3A : memref<!tpu.dma_semaphore, #tpu.memory_space<semaphore_mem>>) src(%arg10 : memref<128x128xf32, #tpu.memory_space<vmem>>) dst(%dma_wait3A_27 : memref<128x128xf32, #tpu.memory_space<vmem_shared>>)
      tpu.yield
    }) : () -> ()
    %add3A_12 = arith.constant 512 : i32
    %add3A_13 = arith.addi %mul3A_0, %add3A_12 : i32
    "tpu.region"() ({
      %run_scoped3A = tpu.sem_alloc : memref<!tpu.dma_semaphore, #tpu.memory_space<semaphore_mem>>
      %dma_start3A = arith.constant 0 : i32
      %dma_start3A_22 = arith.constant 0 : i32
      %dma_start3A_23 = tpu.memref_slice %arg10[%dma_start3A, %dma_start3A_22] : memref<128x128xf32, #tpu.memory_space<vmem>> -> memref<120x128xf32, #tpu.memory_space<vmem>>
      %dma_start3A_24 = arith.constant 0 : i32
      %dma_start3A_25 = tpu.memref_slice %arg12[%add3A_13, %dma_start3A_24] : memref<10112x128xf32, #tpu.memory_space<vmem_shared>> -> memref<120x128xf32, #tpu.memory_space<vmem_shared>>
      %dma_start3A_26 = arith.constant 0 : i32
      %dma_start3A_27 = tpu.memref_slice %arg12[%add3A_13, %dma_start3A_26] : memref<10112x128xf32, #tpu.memory_space<vmem_shared>> -> memref<120x128xf32, #tpu.memory_space<vmem_shared>>
      %dma_start3A_28 = arith.constant 0 : i32
      %dma_start3A_29 = arith.constant 0 : i32
      %dma_start3A_30 = tpu.memref_slice %arg10[%dma_start3A_28, %dma_start3A_29] : memref<128x128xf32, #tpu.memory_space<vmem>> -> memref<120x128xf32, #tpu.memory_space<vmem>>
      tpu.enqueue_dma source(%dma_start3A_30 : memref<120x128xf32, #tpu.memory_space<vmem>>) target(%dma_start3A_27 : memref<120x128xf32, #tpu.memory_space<vmem_shared>>) target_semaphore(%run_scoped3A : memref<!tpu.dma_semaphore, #tpu.memory_space<semaphore_mem>>)
      %dma_wait3A = arith.constant 0 : i32
      %dma_wait3A_31 = arith.constant 0 : i32
      %dma_wait3A_32 = tpu.memref_slice %arg10[%dma_wait3A, %dma_wait3A_31] : memref<128x128xf32, #tpu.memory_space<vmem>> -> memref<120x128xf32, #tpu.memory_space<vmem>>
      %dma_wait3A_33 = arith.constant 0 : i32
      %dma_wait3A_34 = tpu.memref_slice %arg12[%add3A_13, %dma_wait3A_33] : memref<10112x128xf32, #tpu.memory_space<vmem_shared>> -> memref<120x128xf32, #tpu.memory_space<vmem_shared>>
      %dma_wait3A_35 = arith.constant 0 : i32
      %dma_wait3A_36 = tpu.memref_slice %arg12[%add3A_13, %dma_wait3A_35] : memref<10112x128xf32, #tpu.memory_space<vmem_shared>> -> memref<120x128xf32, #tpu.memory_space<vmem_shared>>
      %dma_wait3A_37 = arith.constant 0 : i32
      %dma_wait3A_38 = arith.constant 0 : i32
      %dma_wait3A_39 = tpu.memref_slice %arg10[%dma_wait3A_37, %dma_wait3A_38] : memref<128x128xf32, #tpu.memory_space<vmem>> -> memref<120x128xf32, #tpu.memory_space<vmem>>
      tpu.wait_dma2 semaphore(%run_scoped3A : memref<!tpu.dma_semaphore, #tpu.memory_space<semaphore_mem>>) src(%dma_wait3A_39 : memref<120x128xf32, #tpu.memory_space<vmem>>) dst(%dma_wait3A_36 : memref<120x128xf32, #tpu.memory_space<vmem_shared>>)
      tpu.yield
    }) : () -> ()
    %barrier3A = arith.constant 0 : index
    tpu.barrier barrier_id(%barrier3A)
    %eq3A = arith.constant 0 : i32
    %eq3A_14 = arith.cmpi eq, %arg0, %eq3A : i32
    %convert_element_type3A = arith.extui %eq3A_14 : i1 to i32
    %cond3A = arith.constant 0 : i32
    %cond3A_15 = arith.cmpi ne, %convert_element_type3A, %cond3A : i32
    scf.if %cond3A_15 {
      "tpu.region"() ({
        %run_scoped3A = tpu.sem_alloc : memref<!tpu.dma_semaphore, #tpu.memory_space<semaphore_mem>>
        %dma_start3A_56 = arith.constant 0 : i32
        %dma_start3A_57 = arith.constant 0 : i32
        %dma_start3A_58 = tpu.memref_slice %arg3[%arg1, %dma_start3A_56, %dma_start3A_57] : memref<16x80x128xi32, #tpu.memory_space<hbm>> -> memref<1x40x128xi32, #tpu.memory_space<hbm>>
        %dma_start3A_59 = tpu.memref_squeeze %dma_start3A_58 : memref<1x40x128xi32, #tpu.memory_space<hbm>> -> memref<40x128xi32, #tpu.memory_space<hbm>>
        %dma_start3A_60 = arith.constant 0 : i32
        %dma_start3A_61 = arith.constant 0 : i32
        %dma_start3A_62 = tpu.memref_slice %arg3[%arg1, %dma_start3A_60, %dma_start3A_61] : memref<16x80x128xi32, #tpu.memory_space<hbm>> -> memref<1x40x128xi32, #tpu.memory_space<hbm>>
        %dma_start3A_63 = tpu.memref_squeeze %dma_start3A_62 : memref<1x40x128xi32, #tpu.memory_space<hbm>> -> memref<40x128xi32, #tpu.memory_space<hbm>>
        tpu.enqueue_dma source(%dma_start3A_63 : memref<40x128xi32, #tpu.memory_space<hbm>>) target(%arg8 : memref<40x128xi32, #tpu.memory_space<vmem>>) target_semaphore(%run_scoped3A : memref<!tpu.dma_semaphore, #tpu.memory_space<semaphore_mem>>)
        %dma_wait3A_64 = arith.constant 0 : i32
        %dma_wait3A_65 = arith.constant 0 : i32
        %dma_wait3A_66 = tpu.memref_slice %arg3[%arg1, %dma_wait3A_64, %dma_wait3A_65] : memref<16x80x128xi32, #tpu.memory_space<hbm>> -> memref<1x40x128xi32, #tpu.memory_space<hbm>>
        %dma_wait3A_67 = tpu.memref_squeeze %dma_wait3A_66 : memref<1x40x128xi32, #tpu.memory_space<hbm>> -> memref<40x128xi32, #tpu.memory_space<hbm>>
        %dma_wait3A_68 = arith.constant 0 : i32
        %dma_wait3A_69 = arith.constant 0 : i32
        %dma_wait3A_70 = tpu.memref_slice %arg3[%arg1, %dma_wait3A_68, %dma_wait3A_69] : memref<16x80x128xi32, #tpu.memory_space<hbm>> -> memref<1x40x128xi32, #tpu.memory_space<hbm>>
        %dma_wait3A_71 = tpu.memref_squeeze %dma_wait3A_70 : memref<1x40x128xi32, #tpu.memory_space<hbm>> -> memref<40x128xi32, #tpu.memory_space<hbm>>
        tpu.wait_dma2 semaphore(%run_scoped3A : memref<!tpu.dma_semaphore, #tpu.memory_space<semaphore_mem>>) src(%dma_wait3A_71 : memref<40x128xi32, #tpu.memory_space<hbm>>) dst(%arg8 : memref<40x128xi32, #tpu.memory_space<vmem>>)
        tpu.yield
      }) : () -> ()
      "tpu.region"() ({
        %run_scoped3A = tpu.sem_alloc : memref<!tpu.dma_semaphore, #tpu.memory_space<semaphore_mem>>
        %dma_start3A_56 = arith.constant 0 : i32
        %dma_start3A_57 = arith.constant 0 : i32
        %dma_start3A_58 = tpu.memref_slice %arg4[%arg1, %dma_start3A_56, %dma_start3A_57] : memref<16x80x128xi32, #tpu.memory_space<hbm>> -> memref<1x40x128xi32, #tpu.memory_space<hbm>>
        %dma_start3A_59 = tpu.memref_squeeze %dma_start3A_58 : memref<1x40x128xi32, #tpu.memory_space<hbm>> -> memref<40x128xi32, #tpu.memory_space<hbm>>
        %dma_start3A_60 = arith.constant 0 : i32
        %dma_start3A_61 = arith.constant 0 : i32
        %dma_start3A_62 = tpu.memref_slice %arg4[%arg1, %dma_start3A_60, %dma_start3A_61] : memref<16x80x128xi32, #tpu.memory_space<hbm>> -> memref<1x40x128xi32, #tpu.memory_space<hbm>>
        %dma_start3A_63 = tpu.memref_squeeze %dma_start3A_62 : memref<1x40x128xi32, #tpu.memory_space<hbm>> -> memref<40x128xi32, #tpu.memory_space<hbm>>
        tpu.enqueue_dma source(%dma_start3A_63 : memref<40x128xi32, #tpu.memory_space<hbm>>) target(%arg9 : memref<40x128xi32, #tpu.memory_space<vmem>>) target_semaphore(%run_scoped3A : memref<!tpu.dma_semaphore, #tpu.memory_space<semaphore_mem>>)
        %dma_wait3A_64 = arith.constant 0 : i32
        %dma_wait3A_65 = arith.constant 0 : i32
        %dma_wait3A_66 = tpu.memref_slice %arg4[%arg1, %dma_wait3A_64, %dma_wait3A_65] : memref<16x80x128xi32, #tpu.memory_space<hbm>> -> memref<1x40x128xi32, #tpu.memory_space<hbm>>
        %dma_wait3A_67 = tpu.memref_squeeze %dma_wait3A_66 : memref<1x40x128xi32, #tpu.memory_space<hbm>> -> memref<40x128xi32, #tpu.memory_space<hbm>>
        %dma_wait3A_68 = arith.constant 0 : i32
        %dma_wait3A_69 = arith.constant 0 : i32
        %dma_wait3A_70 = tpu.memref_slice %arg4[%arg1, %dma_wait3A_68, %dma_wait3A_69] : memref<16x80x128xi32, #tpu.memory_space<hbm>> -> memref<1x40x128xi32, #tpu.memory_space<hbm>>
        %dma_wait3A_71 = tpu.memref_squeeze %dma_wait3A_70 : memref<1x40x128xi32, #tpu.memory_space<hbm>> -> memref<40x128xi32, #tpu.memory_space<hbm>>
        tpu.wait_dma2 semaphore(%run_scoped3A : memref<!tpu.dma_semaphore, #tpu.memory_space<semaphore_mem>>) src(%dma_wait3A_71 : memref<40x128xi32, #tpu.memory_space<hbm>>) dst(%arg9 : memref<40x128xi32, #tpu.memory_space<vmem>>)
        tpu.yield
      }) : () -> ()
      %dma_start3A = arith.constant 0 : i32
      %dma_start3A_22 = arith.constant 0 : i32
      %dma_start3A_23 = tpu.memref_slice %arg8[%dma_start3A, %dma_start3A_22] : memref<40x128xi32, #tpu.memory_space<vmem>> -> memref<1x128xi32, #tpu.memory_space<vmem>>
      %dma_start3A_24 = tpu.memref_squeeze %dma_start3A_23 : memref<1x128xi32, #tpu.memory_space<vmem>> -> memref<128xi32, #tpu.memory_space<vmem>>
      %dma_start3A_25 = arith.constant 0 : i32
      %dma_start3A_26 = arith.constant 0 : i32
      %dma_start3A_27 = tpu.memref_slice %arg2[%dma_start3A_25, %dma_start3A_26] : memref<10000x128xf32, #tpu.memory_space<hbm>> -> memref<10000x128xf32, #tpu.memory_space<hbm>>
      tpu.enqueue_indirect_dma source(%dma_start3A_27 : memref<10000x128xf32, #tpu.memory_space<hbm>>) target(%arg10 : memref<128x128xf32, #tpu.memory_space<vmem>>) offsets(%dma_start3A_24 : memref<128xi32, #tpu.memory_space<vmem>>) semaphore(%arg13 : memref<!tpu.dma_semaphore, #tpu.memory_space<semaphore_mem>>)
      %scan3A_28 = arith.constant 0 : i32
      %scan3A_29 = arith.constant 20 : i32
      %scan3A_30 = arith.addi %scan3A_28, %scan3A_29 : i32
      %scan3A_31 = arith.constant 1 : i32
      scf.for %scan3A_56 = %scan3A_28 to %scan3A_30 step %scan3A_31  : i32 {
        %mul3A_57 = arith.constant 2 : i32
        %mul3A_58 = arith.muli %mul3A_57, %scan3A_56 : i32
        %mul3A_59 = arith.constant 2 : i32
        %mul3A_60 = arith.muli %mul3A_59, %scan3A_56 : i32
        %add3A_61 = arith.constant 1 : i32
        %add3A_62 = arith.addi %mul3A_60, %add3A_61 : i32
        %mul3A_63 = arith.constant 2 : i32
        %mul3A_64 = arith.muli %mul3A_63, %scan3A_56 : i32
        %add3A_65 = arith.constant 2 : i32
        %add3A_66 = arith.addi %mul3A_64, %add3A_65 : i32
        %rem3A = arith.constant 40 : i32
        %rem3A_67 = arith.remsi %add3A_66, %rem3A : i32
        %dma_start3A_68 = arith.constant 0 : i32
        %dma_start3A_69 = tpu.memref_slice %arg8[%add3A_62, %dma_start3A_68] : memref<40x128xi32, #tpu.memory_space<vmem>> -> memref<1x128xi32, #tpu.memory_space<vmem>>
        %dma_start3A_70 = tpu.memref_squeeze %dma_start3A_69 : memref<1x128xi32, #tpu.memory_space<vmem>> -> memref<128xi32, #tpu.memory_space<vmem>>
        %dma_start3A_71 = arith.constant 0 : i32
        %dma_start3A_72 = arith.constant 0 : i32
        %dma_start3A_73 = tpu.memref_slice %arg2[%dma_start3A_71, %dma_start3A_72] : memref<10000x128xf32, #tpu.memory_space<hbm>> -> memref<10000x128xf32, #tpu.memory_space<hbm>>
        tpu.enqueue_indirect_dma source(%dma_start3A_73 : memref<10000x128xf32, #tpu.memory_space<hbm>>) target(%arg11 : memref<128x128xf32, #tpu.memory_space<vmem>>) offsets(%dma_start3A_70 : memref<128xi32, #tpu.memory_space<vmem>>) semaphore(%arg14 : memref<!tpu.dma_semaphore, #tpu.memory_space<semaphore_mem>>)
        %dma_wait3A_74 = arith.constant 0 : i32
        %dma_wait3A_75 = arith.constant 0 : i32
        %dma_wait3A_76 = tpu.memref_slice %arg2[%dma_wait3A_74, %dma_wait3A_75] : memref<10000x128xf32, #tpu.memory_space<hbm>> -> memref<128x128xf32, #tpu.memory_space<hbm>>
        %dma_wait3A_77 = arith.constant 0 : i32
        %dma_wait3A_78 = arith.constant 0 : i32
        %dma_wait3A_79 = tpu.memref_slice %arg2[%dma_wait3A_77, %dma_wait3A_78] : memref<10000x128xf32, #tpu.memory_space<hbm>> -> memref<128x128xf32, #tpu.memory_space<hbm>>
        tpu.wait_dma2 semaphore(%arg13 : memref<!tpu.dma_semaphore, #tpu.memory_space<semaphore_mem>>) src(%dma_wait3A_79 : memref<128x128xf32, #tpu.memory_space<hbm>>) dst(%arg10 : memref<128x128xf32, #tpu.memory_space<vmem>>)
        "tpu.region"() ({
          %run_scoped3A = tpu.sem_alloc : memref<!tpu.dma_semaphore, #tpu.memory_space<semaphore_mem>>
          %dma_start3A_92 = arith.constant 0 : i32
          %dma_start3A_93 = tpu.memref_slice %arg9[%mul3A_58, %dma_start3A_92] : memref<40x128xi32, #tpu.memory_space<vmem>> -> memref<1x128xi32, #tpu.memory_space<vmem>>
          %dma_start3A_94 = tpu.memref_squeeze %dma_start3A_93 : memref<1x128xi32, #tpu.memory_space<vmem>> -> memref<128xi32, #tpu.memory_space<vmem>>
          %dma_start3A_95 = arith.constant 0 : i32
          %dma_start3A_96 = arith.constant 0 : i32
          %dma_start3A_97 = tpu.memref_slice %arg12[%dma_start3A_95, %dma_start3A_96] : memref<10112x128xf32, #tpu.memory_space<vmem_shared>> -> memref<10112x128xf32, #tpu.memory_space<vmem_shared>>
          tpu.enqueue_indirect_dma source(%arg10 : memref<128x128xf32, #tpu.memory_space<vmem>>) target(%dma_start3A_97 : memref<10112x128xf32, #tpu.memory_space<vmem_shared>>) offsets(%dma_start3A_94 : memref<128xi32, #tpu.memory_space<vmem>>) semaphore(%run_scoped3A : memref<!tpu.dma_semaphore, #tpu.memory_space<semaphore_mem>>) {add = true}
          %dma_wait3A_98 = arith.constant 0 : i32
          %dma_wait3A_99 = tpu.memref_slice %arg9[%mul3A_58, %dma_wait3A_98] : memref<40x128xi32, #tpu.memory_space<vmem>> -> memref<1x128xi32, #tpu.memory_space<vmem>>
          %dma_wait3A_100 = tpu.memref_squeeze %dma_wait3A_99 : memref<1x128xi32, #tpu.memory_space<vmem>> -> memref<128xi32, #tpu.memory_space<vmem>>
          %dma_wait3A_101 = arith.constant 0 : i32
          %dma_wait3A_102 = arith.constant 0 : i32
          %dma_wait3A_103 = tpu.memref_slice %arg12[%dma_wait3A_101, %dma_wait3A_102] : memref<10112x128xf32, #tpu.memory_space<vmem_shared>> -> memref<10112x128xf32, #tpu.memory_space<vmem_shared>>
          tpu.wait_indirect_dma semaphore(%run_scoped3A : memref<!tpu.dma_semaphore, #tpu.memory_space<semaphore_mem>>) src(%arg10 : memref<128x128xf32, #tpu.memory_space<vmem>>) dst(%dma_wait3A_103 : memref<10112x128xf32, #tpu.memory_space<vmem_shared>>)
          tpu.yield
        }) : () -> ()
        %dma_start3A_80 = arith.constant 0 : i32
        %dma_start3A_81 = tpu.memref_slice %arg8[%rem3A_67, %dma_start3A_80] : memref<40x128xi32, #tpu.memory_space<vmem>> -> memref<1x128xi32, #tpu.memory_space<vmem>>
        %dma_start3A_82 = tpu.memref_squeeze %dma_start3A_81 : memref<1x128xi32, #tpu.memory_space<vmem>> -> memref<128xi32, #tpu.memory_space<vmem>>
        %dma_start3A_83 = arith.constant 0 : i32
        %dma_start3A_84 = arith.constant 0 : i32
        %dma_start3A_85 = tpu.memref_slice %arg2[%dma_start3A_83, %dma_start3A_84] : memref<10000x128xf32, #tpu.memory_space<hbm>> -> memref<10000x128xf32, #tpu.memory_space<hbm>>
        tpu.enqueue_indirect_dma source(%dma_start3A_85 : memref<10000x128xf32, #tpu.memory_space<hbm>>) target(%arg10 : memref<128x128xf32, #tpu.memory_space<vmem>>) offsets(%dma_start3A_82 : memref<128xi32, #tpu.memory_space<vmem>>) semaphore(%arg13 : memref<!tpu.dma_semaphore, #tpu.memory_space<semaphore_mem>>)
        %dma_wait3A_86 = arith.constant 0 : i32
        %dma_wait3A_87 = tpu.memref_slice %arg8[%add3A_62, %dma_wait3A_86] : memref<40x128xi32, #tpu.memory_space<vmem>> -> memref<1x128xi32, #tpu.memory_space<vmem>>
        %dma_wait3A_88 = tpu.memref_squeeze %dma_wait3A_87 : memref<1x128xi32, #tpu.memory_space<vmem>> -> memref<128xi32, #tpu.memory_space<vmem>>
        %dma_wait3A_89 = arith.constant 0 : i32
        %dma_wait3A_90 = arith.constant 0 : i32
        %dma_wait3A_91 = tpu.memref_slice %arg2[%dma_wait3A_89, %dma_wait3A_90] : memref<10000x128xf32, #tpu.memory_space<hbm>> -> memref<10000x128xf32, #tpu.memory_space<hbm>>
        tpu.wait_indirect_dma semaphore(%arg14 : memref<!tpu.dma_semaphore, #tpu.memory_space<semaphore_mem>>) src(%dma_wait3A_91 : memref<10000x128xf32, #tpu.memory_space<hbm>>) dst(%arg11 : memref<128x128xf32, #tpu.memory_space<vmem>>)
        "tpu.region"() ({
          %run_scoped3A = tpu.sem_alloc : memref<!tpu.dma_semaphore, #tpu.memory_space<semaphore_mem>>
          %dma_start3A_92 = arith.constant 0 : i32
          %dma_start3A_93 = tpu.memref_slice %arg9[%add3A_62, %dma_start3A_92] : memref<40x128xi32, #tpu.memory_space<vmem>> -> memref<1x128xi32, #tpu.memory_space<vmem>>
          %dma_start3A_94 = tpu.memref_squeeze %dma_start3A_93 : memref<1x128xi32, #tpu.memory_space<vmem>> -> memref<128xi32, #tpu.memory_space<vmem>>
          %dma_start3A_95 = arith.constant 0 : i32
          %dma_start3A_96 = arith.constant 0 : i32
          %dma_start3A_97 = tpu.memref_slice %arg12[%dma_start3A_95, %dma_start3A_96] : memref<10112x128xf32, #tpu.memory_space<vmem_shared>> -> memref<10112x128xf32, #tpu.memory_space<vmem_shared>>
          tpu.enqueue_indirect_dma source(%arg11 : memref<128x128xf32, #tpu.memory_space<vmem>>) target(%dma_start3A_97 : memref<10112x128xf32, #tpu.memory_space<vmem_shared>>) offsets(%dma_start3A_94 : memref<128xi32, #tpu.memory_space<vmem>>) semaphore(%run_scoped3A : memref<!tpu.dma_semaphore, #tpu.memory_space<semaphore_mem>>) {add = true}
          %dma_wait3A_98 = arith.constant 0 : i32
          %dma_wait3A_99 = tpu.memref_slice %arg9[%add3A_62, %dma_wait3A_98] : memref<40x128xi32, #tpu.memory_space<vmem>> -> memref<1x128xi32, #tpu.memory_space<vmem>>
          %dma_wait3A_100 = tpu.memref_squeeze %dma_wait3A_99 : memref<1x128xi32, #tpu.memory_space<vmem>> -> memref<128xi32, #tpu.memory_space<vmem>>
          %dma_wait3A_101 = arith.constant 0 : i32
          %dma_wait3A_102 = arith.constant 0 : i32
          %dma_wait3A_103 = tpu.memref_slice %arg12[%dma_wait3A_101, %dma_wait3A_102] : memref<10112x128xf32, #tpu.memory_space<vmem_shared>> -> memref<10112x128xf32, #tpu.memory_space<vmem_shared>>
          tpu.wait_indirect_dma semaphore(%run_scoped3A : memref<!tpu.dma_semaphore, #tpu.memory_space<semaphore_mem>>) src(%arg11 : memref<128x128xf32, #tpu.memory_space<vmem>>) dst(%dma_wait3A_103 : memref<10112x128xf32, #tpu.memory_space<vmem_shared>>)
          tpu.yield
        }) : () -> ()
      }
      %scan3A_32 = arith.constant 20 : i32
      %dma_wait3A = arith.constant 0 : i32
      %dma_wait3A_33 = arith.constant 0 : i32
      %dma_wait3A_34 = tpu.memref_slice %arg2[%dma_wait3A, %dma_wait3A_33] : memref<10000x128xf32, #tpu.memory_space<hbm>> -> memref<128x128xf32, #tpu.memory_space<hbm>>
      %dma_wait3A_35 = arith.constant 0 : i32
      %dma_wait3A_36 = arith.constant 0 : i32
      %dma_wait3A_37 = tpu.memref_slice %arg2[%dma_wait3A_35, %dma_wait3A_36] : memref<10000x128xf32, #tpu.memory_space<hbm>> -> memref<128x128xf32, #tpu.memory_space<hbm>>
      tpu.wait_dma2 semaphore(%arg13 : memref<!tpu.dma_semaphore, #tpu.memory_space<semaphore_mem>>) src(%dma_wait3A_37 : memref<128x128xf32, #tpu.memory_space<hbm>>) dst(%arg10 : memref<128x128xf32, #tpu.memory_space<vmem>>)
      "tpu.region"() ({
        %run_scoped3A = tpu.sem_alloc : memref<!tpu.dma_semaphore, #tpu.memory_space<semaphore_mem>>
        %dma_start3A_56 = arith.constant 40 : i32
        %dma_start3A_57 = arith.constant 0 : i32
        %dma_start3A_58 = tpu.memref_slice %arg3[%arg1, %dma_start3A_56, %dma_start3A_57] : memref<16x80x128xi32, #tpu.memory_space<hbm>> -> memref<1x40x128xi32, #tpu.memory_space<hbm>>
        %dma_start3A_59 = tpu.memref_squeeze %dma_start3A_58 : memref<1x40x128xi32, #tpu.memory_space<hbm>> -> memref<40x128xi32, #tpu.memory_space<hbm>>
        %dma_start3A_60 = arith.constant 40 : i32
        %dma_start3A_61 = arith.constant 0 : i32
        %dma_start3A_62 = tpu.memref_slice %arg3[%arg1, %dma_start3A_60, %dma_start3A_61] : memref<16x80x128xi32, #tpu.memory_space<hbm>> -> memref<1x40x128xi32, #tpu.memory_space<hbm>>
        %dma_start3A_63 = tpu.memref_squeeze %dma_start3A_62 : memref<1x40x128xi32, #tpu.memory_space<hbm>> -> memref<40x128xi32, #tpu.memory_space<hbm>>
        tpu.enqueue_dma source(%dma_start3A_63 : memref<40x128xi32, #tpu.memory_space<hbm>>) target(%arg8 : memref<40x128xi32, #tpu.memory_space<vmem>>) target_semaphore(%run_scoped3A : memref<!tpu.dma_semaphore, #tpu.memory_space<semaphore_mem>>)
        %dma_wait3A_64 = arith.constant 40 : i32
        %dma_wait3A_65 = arith.constant 0 : i32
        %dma_wait3A_66 = tpu.memref_slice %arg3[%arg1, %dma_wait3A_64, %dma_wait3A_65] : memref<16x80x128xi32, #tpu.memory_space<hbm>> -> memref<1x40x128xi32, #tpu.memory_space<hbm>>
        %dma_wait3A_67 = tpu.memref_squeeze %dma_wait3A_66 : memref<1x40x128xi32, #tpu.memory_space<hbm>> -> memref<40x128xi32, #tpu.memory_space<hbm>>
        %dma_wait3A_68 = arith.constant 40 : i32
        %dma_wait3A_69 = arith.constant 0 : i32
        %dma_wait3A_70 = tpu.memref_slice %arg3[%arg1, %dma_wait3A_68, %dma_wait3A_69] : memref<16x80x128xi32, #tpu.memory_space<hbm>> -> memref<1x40x128xi32, #tpu.memory_space<hbm>>
        %dma_wait3A_71 = tpu.memref_squeeze %dma_wait3A_70 : memref<1x40x128xi32, #tpu.memory_space<hbm>> -> memref<40x128xi32, #tpu.memory_space<hbm>>
        tpu.wait_dma2 semaphore(%run_scoped3A : memref<!tpu.dma_semaphore, #tpu.memory_space<semaphore_mem>>) src(%dma_wait3A_71 : memref<40x128xi32, #tpu.memory_space<hbm>>) dst(%arg8 : memref<40x128xi32, #tpu.memory_space<vmem>>)
        tpu.yield
      }) : () -> ()
      "tpu.region"() ({
        %run_scoped3A = tpu.sem_alloc : memref<!tpu.dma_semaphore, #tpu.memory_space<semaphore_mem>>
        %dma_start3A_56 = arith.constant 40 : i32
        %dma_start3A_57 = arith.constant 0 : i32
        %dma_start3A_58 = tpu.memref_slice %arg4[%arg1, %dma_start3A_56, %dma_start3A_57] : memref<16x80x128xi32, #tpu.memory_space<hbm>> -> memref<1x40x128xi32, #tpu.memory_space<hbm>>
        %dma_start3A_59 = tpu.memref_squeeze %dma_start3A_58 : memref<1x40x128xi32, #tpu.memory_space<hbm>> -> memref<40x128xi32, #tpu.memory_space<hbm>>
        %dma_start3A_60 = arith.constant 40 : i32
        %dma_start3A_61 = arith.constant 0 : i32
        %dma_start3A_62 = tpu.memref_slice %arg4[%arg1, %dma_start3A_60, %dma_start3A_61] : memref<16x80x128xi32, #tpu.memory_space<hbm>> -> memref<1x40x128xi32, #tpu.memory_space<hbm>>
        %dma_start3A_63 = tpu.memref_squeeze %dma_start3A_62 : memref<1x40x128xi32, #tpu.memory_space<hbm>> -> memref<40x128xi32, #tpu.memory_space<hbm>>
        tpu.enqueue_dma source(%dma_start3A_63 : memref<40x128xi32, #tpu.memory_space<hbm>>) target(%arg9 : memref<40x128xi32, #tpu.memory_space<vmem>>) target_semaphore(%run_scoped3A : memref<!tpu.dma_semaphore, #tpu.memory_space<semaphore_mem>>)
        %dma_wait3A_64 = arith.constant 40 : i32
        %dma_wait3A_65 = arith.constant 0 : i32
        %dma_wait3A_66 = tpu.memref_slice %arg4[%arg1, %dma_wait3A_64, %dma_wait3A_65] : memref<16x80x128xi32, #tpu.memory_space<hbm>> -> memref<1x40x128xi32, #tpu.memory_space<hbm>>
        %dma_wait3A_67 = tpu.memref_squeeze %dma_wait3A_66 : memref<1x40x128xi32, #tpu.memory_space<hbm>> -> memref<40x128xi32, #tpu.memory_space<hbm>>
        %dma_wait3A_68 = arith.constant 40 : i32
        %dma_wait3A_69 = arith.constant 0 : i32
        %dma_wait3A_70 = tpu.memref_slice %arg4[%arg1, %dma_wait3A_68, %dma_wait3A_69] : memref<16x80x128xi32, #tpu.memory_space<hbm>> -> memref<1x40x128xi32, #tpu.memory_space<hbm>>
        %dma_wait3A_71 = tpu.memref_squeeze %dma_wait3A_70 : memref<1x40x128xi32, #tpu.memory_space<hbm>> -> memref<40x128xi32, #tpu.memory_space<hbm>>
        tpu.wait_dma2 semaphore(%run_scoped3A : memref<!tpu.dma_semaphore, #tpu.memory_space<semaphore_mem>>) src(%dma_wait3A_71 : memref<40x128xi32, #tpu.memory_space<hbm>>) dst(%arg9 : memref<40x128xi32, #tpu.memory_space<vmem>>)
        tpu.yield
      }) : () -> ()
      %dma_start3A_38 = arith.constant 0 : i32
      %dma_start3A_39 = arith.constant 0 : i32
      %dma_start3A_40 = tpu.memref_slice %arg8[%dma_start3A_38, %dma_start3A_39] : memref<40x128xi32, #tpu.memory_space<vmem>> -> memref<1x128xi32, #tpu.memory_space<vmem>>
      %dma_start3A_41 = tpu.memref_squeeze %dma_start3A_40 : memref<1x128xi32, #tpu.memory_space<vmem>> -> memref<128xi32, #tpu.memory_space<vmem>>
      %dma_start3A_42 = arith.constant 0 : i32
      %dma_start3A_43 = arith.constant 0 : i32
      %dma_start3A_44 = tpu.memref_slice %arg2[%dma_start3A_42, %dma_start3A_43] : memref<10000x128xf32, #tpu.memory_space<hbm>> -> memref<10000x128xf32, #tpu.memory_space<hbm>>
      tpu.enqueue_indirect_dma source(%dma_start3A_44 : memref<10000x128xf32, #tpu.memory_space<hbm>>) target(%arg10 : memref<128x128xf32, #tpu.memory_space<vmem>>) offsets(%dma_start3A_41 : memref<128xi32, #tpu.memory_space<vmem>>) semaphore(%arg13 : memref<!tpu.dma_semaphore, #tpu.memory_space<semaphore_mem>>)
      %scan3A_45 = arith.constant 0 : i32
      %scan3A_46 = arith.constant 20 : i32
      %scan3A_47 = arith.addi %scan3A_45, %scan3A_46 : i32
      %scan3A_48 = arith.constant 1 : i32
      scf.for %scan3A_56 = %scan3A_45 to %scan3A_47 step %scan3A_48  : i32 {
        %mul3A_57 = arith.constant 2 : i32
        %mul3A_58 = arith.muli %mul3A_57, %scan3A_56 : i32
        %mul3A_59 = arith.constant 2 : i32
        %mul3A_60 = arith.muli %mul3A_59, %scan3A_56 : i32
        %add3A_61 = arith.constant 1 : i32
        %add3A_62 = arith.addi %mul3A_60, %add3A_61 : i32
        %mul3A_63 = arith.constant 2 : i32
        %mul3A_64 = arith.muli %mul3A_63, %scan3A_56 : i32
        %add3A_65 = arith.constant 2 : i32
        %add3A_66 = arith.addi %mul3A_64, %add3A_65 : i32
        %rem3A = arith.constant 40 : i32
        %rem3A_67 = arith.remsi %add3A_66, %rem3A : i32
        %dma_start3A_68 = arith.constant 0 : i32
        %dma_start3A_69 = tpu.memref_slice %arg8[%add3A_62, %dma_start3A_68] : memref<40x128xi32, #tpu.memory_space<vmem>> -> memref<1x128xi32, #tpu.memory_space<vmem>>
        %dma_start3A_70 = tpu.memref_squeeze %dma_start3A_69 : memref<1x128xi32, #tpu.memory_space<vmem>> -> memref<128xi32, #tpu.memory_space<vmem>>
        %dma_start3A_71 = arith.constant 0 : i32
        %dma_start3A_72 = arith.constant 0 : i32
        %dma_start3A_73 = tpu.memref_slice %arg2[%dma_start3A_71, %dma_start3A_72] : memref<10000x128xf32, #tpu.memory_space<hbm>> -> memref<10000x128xf32, #tpu.memory_space<hbm>>
        tpu.enqueue_indirect_dma source(%dma_start3A_73 : memref<10000x128xf32, #tpu.memory_space<hbm>>) target(%arg11 : memref<128x128xf32, #tpu.memory_space<vmem>>) offsets(%dma_start3A_70 : memref<128xi32, #tpu.memory_space<vmem>>) semaphore(%arg14 : memref<!tpu.dma_semaphore, #tpu.memory_space<semaphore_mem>>)
        %dma_wait3A_74 = arith.constant 0 : i32
        %dma_wait3A_75 = arith.constant 0 : i32
        %dma_wait3A_76 = tpu.memref_slice %arg2[%dma_wait3A_74, %dma_wait3A_75] : memref<10000x128xf32, #tpu.memory_space<hbm>> -> memref<128x128xf32, #tpu.memory_space<hbm>>
        %dma_wait3A_77 = arith.constant 0 : i32
        %dma_wait3A_78 = arith.constant 0 : i32
        %dma_wait3A_79 = tpu.memref_slice %arg2[%dma_wait3A_77, %dma_wait3A_78] : memref<10000x128xf32, #tpu.memory_space<hbm>> -> memref<128x128xf32, #tpu.memory_space<hbm>>
        tpu.wait_dma2 semaphore(%arg13 : memref<!tpu.dma_semaphore, #tpu.memory_space<semaphore_mem>>) src(%dma_wait3A_79 : memref<128x128xf32, #tpu.memory_space<hbm>>) dst(%arg10 : memref<128x128xf32, #tpu.memory_space<vmem>>)
        "tpu.region"() ({
          %run_scoped3A = tpu.sem_alloc : memref<!tpu.dma_semaphore, #tpu.memory_space<semaphore_mem>>
          %dma_start3A_92 = arith.constant 0 : i32
          %dma_start3A_93 = tpu.memref_slice %arg9[%mul3A_58, %dma_start3A_92] : memref<40x128xi32, #tpu.memory_space<vmem>> -> memref<1x128xi32, #tpu.memory_space<vmem>>
          %dma_start3A_94 = tpu.memref_squeeze %dma_start3A_93 : memref<1x128xi32, #tpu.memory_space<vmem>> -> memref<128xi32, #tpu.memory_space<vmem>>
          %dma_start3A_95 = arith.constant 0 : i32
          %dma_start3A_96 = arith.constant 0 : i32
          %dma_start3A_97 = tpu.memref_slice %arg12[%dma_start3A_95, %dma_start3A_96] : memref<10112x128xf32, #tpu.memory_space<vmem_shared>> -> memref<10112x128xf32, #tpu.memory_space<vmem_shared>>
          tpu.enqueue_indirect_dma source(%arg10 : memref<128x128xf32, #tpu.memory_space<vmem>>) target(%dma_start3A_97 : memref<10112x128xf32, #tpu.memory_space<vmem_shared>>) offsets(%dma_start3A_94 : memref<128xi32, #tpu.memory_space<vmem>>) semaphore(%run_scoped3A : memref<!tpu.dma_semaphore, #tpu.memory_space<semaphore_mem>>) {add = true}
          %dma_wait3A_98 = arith.constant 0 : i32
          %dma_wait3A_99 = tpu.memref_slice %arg9[%mul3A_58, %dma_wait3A_98] : memref<40x128xi32, #tpu.memory_space<vmem>> -> memref<1x128xi32, #tpu.memory_space<vmem>>
          %dma_wait3A_100 = tpu.memref_squeeze %dma_wait3A_99 : memref<1x128xi32, #tpu.memory_space<vmem>> -> memref<128xi32, #tpu.memory_space<vmem>>
          %dma_wait3A_101 = arith.constant 0 : i32
          %dma_wait3A_102 = arith.constant 0 : i32
          %dma_wait3A_103 = tpu.memref_slice %arg12[%dma_wait3A_101, %dma_wait3A_102] : memref<10112x128xf32, #tpu.memory_space<vmem_shared>> -> memref<10112x128xf32, #tpu.memory_space<vmem_shared>>
          tpu.wait_indirect_dma semaphore(%run_scoped3A : memref<!tpu.dma_semaphore, #tpu.memory_space<semaphore_mem>>) src(%arg10 : memref<128x128xf32, #tpu.memory_space<vmem>>) dst(%dma_wait3A_103 : memref<10112x128xf32, #tpu.memory_space<vmem_shared>>)
          tpu.yield
        }) : () -> ()
        %dma_start3A_80 = arith.constant 0 : i32
        %dma_start3A_81 = tpu.memref_slice %arg8[%rem3A_67, %dma_start3A_80] : memref<40x128xi32, #tpu.memory_space<vmem>> -> memref<1x128xi32, #tpu.memory_space<vmem>>
        %dma_start3A_82 = tpu.memref_squeeze %dma_start3A_81 : memref<1x128xi32, #tpu.memory_space<vmem>> -> memref<128xi32, #tpu.memory_space<vmem>>
        %dma_start3A_83 = arith.constant 0 : i32
        %dma_start3A_84 = arith.constant 0 : i32
        %dma_start3A_85 = tpu.memref_slice %arg2[%dma_start3A_83, %dma_start3A_84] : memref<10000x128xf32, #tpu.memory_space<hbm>> -> memref<10000x128xf32, #tpu.memory_space<hbm>>
        tpu.enqueue_indirect_dma source(%dma_start3A_85 : memref<10000x128xf32, #tpu.memory_space<hbm>>) target(%arg10 : memref<128x128xf32, #tpu.memory_space<vmem>>) offsets(%dma_start3A_82 : memref<128xi32, #tpu.memory_space<vmem>>) semaphore(%arg13 : memref<!tpu.dma_semaphore, #tpu.memory_space<semaphore_mem>>)
        %dma_wait3A_86 = arith.constant 0 : i32
        %dma_wait3A_87 = tpu.memref_slice %arg8[%add3A_62, %dma_wait3A_86] : memref<40x128xi32, #tpu.memory_space<vmem>> -> memref<1x128xi32, #tpu.memory_space<vmem>>
        %dma_wait3A_88 = tpu.memref_squeeze %dma_wait3A_87 : memref<1x128xi32, #tpu.memory_space<vmem>> -> memref<128xi32, #tpu.memory_space<vmem>>
        %dma_wait3A_89 = arith.constant 0 : i32
        %dma_wait3A_90 = arith.constant 0 : i32
        %dma_wait3A_91 = tpu.memref_slice %arg2[%dma_wait3A_89, %dma_wait3A_90] : memref<10000x128xf32, #tpu.memory_space<hbm>> -> memref<10000x128xf32, #tpu.memory_space<hbm>>
        tpu.wait_indirect_dma semaphore(%arg14 : memref<!tpu.dma_semaphore, #tpu.memory_space<semaphore_mem>>) src(%dma_wait3A_91 : memref<10000x128xf32, #tpu.memory_space<hbm>>) dst(%arg11 : memref<128x128xf32, #tpu.memory_space<vmem>>)
        "tpu.region"() ({
          %run_scoped3A = tpu.sem_alloc : memref<!tpu.dma_semaphore, #tpu.memory_space<semaphore_mem>>
          %dma_start3A_92 = arith.constant 0 : i32
          %dma_start3A_93 = tpu.memref_slice %arg9[%add3A_62, %dma_start3A_92] : memref<40x128xi32, #tpu.memory_space<vmem>> -> memref<1x128xi32, #tpu.memory_space<vmem>>
          %dma_start3A_94 = tpu.memref_squeeze %dma_start3A_93 : memref<1x128xi32, #tpu.memory_space<vmem>> -> memref<128xi32, #tpu.memory_space<vmem>>
          %dma_start3A_95 = arith.constant 0 : i32
          %dma_start3A_96 = arith.constant 0 : i32
          %dma_start3A_97 = tpu.memref_slice %arg12[%dma_start3A_95, %dma_start3A_96] : memref<10112x128xf32, #tpu.memory_space<vmem_shared>> -> memref<10112x128xf32, #tpu.memory_space<vmem_shared>>
          tpu.enqueue_indirect_dma source(%arg11 : memref<128x128xf32, #tpu.memory_space<vmem>>) target(%dma_start3A_97 : memref<10112x128xf32, #tpu.memory_space<vmem_shared>>) offsets(%dma_start3A_94 : memref<128xi32, #tpu.memory_space<vmem>>) semaphore(%run_scoped3A : memref<!tpu.dma_semaphore, #tpu.memory_space<semaphore_mem>>) {add = true}
          %dma_wait3A_98 = arith.constant 0 : i32
          %dma_wait3A_99 = tpu.memref_slice %arg9[%add3A_62, %dma_wait3A_98] : memref<40x128xi32, #tpu.memory_space<vmem>> -> memref<1x128xi32, #tpu.memory_space<vmem>>
          %dma_wait3A_100 = tpu.memref_squeeze %dma_wait3A_99 : memref<1x128xi32, #tpu.memory_space<vmem>> -> memref<128xi32, #tpu.memory_space<vmem>>
          %dma_wait3A_101 = arith.constant 0 : i32
          %dma_wait3A_102 = arith.constant 0 : i32
          %dma_wait3A_103 = tpu.memref_slice %arg12[%dma_wait3A_101, %dma_wait3A_102] : memref<10112x128xf32, #tpu.memory_space<vmem_shared>> -> memref<10112x128xf32, #tpu.memory_space<vmem_shared>>
          tpu.wait_indirect_dma semaphore(%run_scoped3A : memref<!tpu.dma_semaphore, #tpu.memory_space<semaphore_mem>>) src(%arg11 : memref<128x128xf32, #tpu.memory_space<vmem>>) dst(%dma_wait3A_103 : memref<10112x128xf32, #tpu.memory_space<vmem_shared>>)
          tpu.yield
        }) : () -> ()
      }
      %scan3A_49 = arith.constant 20 : i32
      %dma_wait3A_50 = arith.constant 0 : i32
      %dma_wait3A_51 = arith.constant 0 : i32
      %dma_wait3A_52 = tpu.memref_slice %arg2[%dma_wait3A_50, %dma_wait3A_51] : memref<10000x128xf32, #tpu.memory_space<hbm>> -> memref<128x128xf32, #tpu.memory_space<hbm>>
      %dma_wait3A_53 = arith.constant 0 : i32
      %dma_wait3A_54 = arith.constant 0 : i32
      %dma_wait3A_55 = tpu.memref_slice %arg2[%dma_wait3A_53, %dma_wait3A_54] : memref<10000x128xf32, #tpu.memory_space<hbm>> -> memref<128x128xf32, #tpu.memory_space<hbm>>
      tpu.wait_dma2 semaphore(%arg13 : memref<!tpu.dma_semaphore, #tpu.memory_space<semaphore_mem>>) src(%dma_wait3A_55 : memref<128x128xf32, #tpu.memory_space<hbm>>) dst(%arg10 : memref<128x128xf32, #tpu.memory_space<vmem>>)
    } else {
    }
    %eq3A_16 = arith.constant 1 : i32
    %eq3A_17 = arith.cmpi eq, %arg0, %eq3A_16 : i32
    %convert_element_type3A_18 = arith.extui %eq3A_17 : i1 to i32
    %cond3A_19 = arith.constant 0 : i32
    %cond3A_20 = arith.cmpi ne, %convert_element_type3A_18, %cond3A_19 : i32
    scf.if %cond3A_20 {
      "tpu.region"() ({
        %run_scoped3A = tpu.sem_alloc : memref<!tpu.dma_semaphore, #tpu.memory_space<semaphore_mem>>
        %dma_start3A_56 = arith.constant 0 : i32
        %dma_start3A_57 = arith.constant 0 : i32
        %dma_start3A_58 = tpu.memref_slice %arg5[%arg1, %dma_start3A_56, %dma_start3A_57] : memref<16x80x128xi32, #tpu.memory_space<hbm>> -> memref<1x40x128xi32, #tpu.memory_space<hbm>>
        %dma_start3A_59 = tpu.memref_squeeze %dma_start3A_58 : memref<1x40x128xi32, #tpu.memory_space<hbm>> -> memref<40x128xi32, #tpu.memory_space<hbm>>
        %dma_start3A_60 = arith.constant 0 : i32
        %dma_start3A_61 = arith.constant 0 : i32
        %dma_start3A_62 = tpu.memref_slice %arg5[%arg1, %dma_start3A_60, %dma_start3A_61] : memref<16x80x128xi32, #tpu.memory_space<hbm>> -> memref<1x40x128xi32, #tpu.memory_space<hbm>>
        %dma_start3A_63 = tpu.memref_squeeze %dma_start3A_62 : memref<1x40x128xi32, #tpu.memory_space<hbm>> -> memref<40x128xi32, #tpu.memory_space<hbm>>
        tpu.enqueue_dma source(%dma_start3A_63 : memref<40x128xi32, #tpu.memory_space<hbm>>) target(%arg8 : memref<40x128xi32, #tpu.memory_space<vmem>>) target_semaphore(%run_scoped3A : memref<!tpu.dma_semaphore, #tpu.memory_space<semaphore_mem>>)
        %dma_wait3A_64 = arith.constant 0 : i32
        %dma_wait3A_65 = arith.constant 0 : i32
        %dma_wait3A_66 = tpu.memref_slice %arg5[%arg1, %dma_wait3A_64, %dma_wait3A_65] : memref<16x80x128xi32, #tpu.memory_space<hbm>> -> memref<1x40x128xi32, #tpu.memory_space<hbm>>
        %dma_wait3A_67 = tpu.memref_squeeze %dma_wait3A_66 : memref<1x40x128xi32, #tpu.memory_space<hbm>> -> memref<40x128xi32, #tpu.memory_space<hbm>>
        %dma_wait3A_68 = arith.constant 0 : i32
        %dma_wait3A_69 = arith.constant 0 : i32
        %dma_wait3A_70 = tpu.memref_slice %arg5[%arg1, %dma_wait3A_68, %dma_wait3A_69] : memref<16x80x128xi32, #tpu.memory_space<hbm>> -> memref<1x40x128xi32, #tpu.memory_space<hbm>>
        %dma_wait3A_71 = tpu.memref_squeeze %dma_wait3A_70 : memref<1x40x128xi32, #tpu.memory_space<hbm>> -> memref<40x128xi32, #tpu.memory_space<hbm>>
        tpu.wait_dma2 semaphore(%run_scoped3A : memref<!tpu.dma_semaphore, #tpu.memory_space<semaphore_mem>>) src(%dma_wait3A_71 : memref<40x128xi32, #tpu.memory_space<hbm>>) dst(%arg8 : memref<40x128xi32, #tpu.memory_space<vmem>>)
        tpu.yield
      }) : () -> ()
      "tpu.region"() ({
        %run_scoped3A = tpu.sem_alloc : memref<!tpu.dma_semaphore, #tpu.memory_space<semaphore_mem>>
        %dma_start3A_56 = arith.constant 0 : i32
        %dma_start3A_57 = arith.constant 0 : i32
        %dma_start3A_58 = tpu.memref_slice %arg6[%arg1, %dma_start3A_56, %dma_start3A_57] : memref<16x80x128xi32, #tpu.memory_space<hbm>> -> memref<1x40x128xi32, #tpu.memory_space<hbm>>
        %dma_start3A_59 = tpu.memref_squeeze %dma_start3A_58 : memref<1x40x128xi32, #tpu.memory_space<hbm>> -> memref<40x128xi32, #tpu.memory_space<hbm>>
        %dma_start3A_60 = arith.constant 0 : i32
        %dma_start3A_61 = arith.constant 0 : i32
        %dma_start3A_62 = tpu.memref_slice %arg6[%arg1, %dma_start3A_60, %dma_start3A_61] : memref<16x80x128xi32, #tpu.memory_space<hbm>> -> memref<1x40x128xi32, #tpu.memory_space<hbm>>
        %dma_start3A_63 = tpu.memref_squeeze %dma_start3A_62 : memref<1x40x128xi32, #tpu.memory_space<hbm>> -> memref<40x128xi32, #tpu.memory_space<hbm>>
        tpu.enqueue_dma source(%dma_start3A_63 : memref<40x128xi32, #tpu.memory_space<hbm>>) target(%arg9 : memref<40x128xi32, #tpu.memory_space<vmem>>) target_semaphore(%run_scoped3A : memref<!tpu.dma_semaphore, #tpu.memory_space<semaphore_mem>>)
        %dma_wait3A_64 = arith.constant 0 : i32
        %dma_wait3A_65 = arith.constant 0 : i32
        %dma_wait3A_66 = tpu.memref_slice %arg6[%arg1, %dma_wait3A_64, %dma_wait3A_65] : memref<16x80x128xi32, #tpu.memory_space<hbm>> -> memref<1x40x128xi32, #tpu.memory_space<hbm>>
        %dma_wait3A_67 = tpu.memref_squeeze %dma_wait3A_66 : memref<1x40x128xi32, #tpu.memory_space<hbm>> -> memref<40x128xi32, #tpu.memory_space<hbm>>
        %dma_wait3A_68 = arith.constant 0 : i32
        %dma_wait3A_69 = arith.constant 0 : i32
        %dma_wait3A_70 = tpu.memref_slice %arg6[%arg1, %dma_wait3A_68, %dma_wait3A_69] : memref<16x80x128xi32, #tpu.memory_space<hbm>> -> memref<1x40x128xi32, #tpu.memory_space<hbm>>
        %dma_wait3A_71 = tpu.memref_squeeze %dma_wait3A_70 : memref<1x40x128xi32, #tpu.memory_space<hbm>> -> memref<40x128xi32, #tpu.memory_space<hbm>>
        tpu.wait_dma2 semaphore(%run_scoped3A : memref<!tpu.dma_semaphore, #tpu.memory_space<semaphore_mem>>) src(%dma_wait3A_71 : memref<40x128xi32, #tpu.memory_space<hbm>>) dst(%arg9 : memref<40x128xi32, #tpu.memory_space<vmem>>)
        tpu.yield
      }) : () -> ()
      %dma_start3A = arith.constant 0 : i32
      %dma_start3A_22 = arith.constant 0 : i32
      %dma_start3A_23 = tpu.memref_slice %arg8[%dma_start3A, %dma_start3A_22] : memref<40x128xi32, #tpu.memory_space<vmem>> -> memref<1x128xi32, #tpu.memory_space<vmem>>
      %dma_start3A_24 = tpu.memref_squeeze %dma_start3A_23 : memref<1x128xi32, #tpu.memory_space<vmem>> -> memref<128xi32, #tpu.memory_space<vmem>>
      %dma_start3A_25 = arith.constant 0 : i32
      %dma_start3A_26 = arith.constant 0 : i32
      %dma_start3A_27 = tpu.memref_slice %arg2[%dma_start3A_25, %dma_start3A_26] : memref<10000x128xf32, #tpu.memory_space<hbm>> -> memref<10000x128xf32, #tpu.memory_space<hbm>>
      tpu.enqueue_indirect_dma source(%dma_start3A_27 : memref<10000x128xf32, #tpu.memory_space<hbm>>) target(%arg10 : memref<128x128xf32, #tpu.memory_space<vmem>>) offsets(%dma_start3A_24 : memref<128xi32, #tpu.memory_space<vmem>>) semaphore(%arg13 : memref<!tpu.dma_semaphore, #tpu.memory_space<semaphore_mem>>)
      %scan3A_28 = arith.constant 0 : i32
      %scan3A_29 = arith.constant 20 : i32
      %scan3A_30 = arith.addi %scan3A_28, %scan3A_29 : i32
      %scan3A_31 = arith.constant 1 : i32
      scf.for %scan3A_56 = %scan3A_28 to %scan3A_30 step %scan3A_31  : i32 {
        %mul3A_57 = arith.constant 2 : i32
        %mul3A_58 = arith.muli %mul3A_57, %scan3A_56 : i32
        %mul3A_59 = arith.constant 2 : i32
        %mul3A_60 = arith.muli %mul3A_59, %scan3A_56 : i32
        %add3A_61 = arith.constant 1 : i32
        %add3A_62 = arith.addi %mul3A_60, %add3A_61 : i32
        %mul3A_63 = arith.constant 2 : i32
        %mul3A_64 = arith.muli %mul3A_63, %scan3A_56 : i32
        %add3A_65 = arith.constant 2 : i32
        %add3A_66 = arith.addi %mul3A_64, %add3A_65 : i32
        %rem3A = arith.constant 40 : i32
        %rem3A_67 = arith.remsi %add3A_66, %rem3A : i32
        %dma_start3A_68 = arith.constant 0 : i32
        %dma_start3A_69 = tpu.memref_slice %arg8[%add3A_62, %dma_start3A_68] : memref<40x128xi32, #tpu.memory_space<vmem>> -> memref<1x128xi32, #tpu.memory_space<vmem>>
        %dma_start3A_70 = tpu.memref_squeeze %dma_start3A_69 : memref<1x128xi32, #tpu.memory_space<vmem>> -> memref<128xi32, #tpu.memory_space<vmem>>
        %dma_start3A_71 = arith.constant 0 : i32
        %dma_start3A_72 = arith.constant 0 : i32
        %dma_start3A_73 = tpu.memref_slice %arg2[%dma_start3A_71, %dma_start3A_72] : memref<10000x128xf32, #tpu.memory_space<hbm>> -> memref<10000x128xf32, #tpu.memory_space<hbm>>
        tpu.enqueue_indirect_dma source(%dma_start3A_73 : memref<10000x128xf32, #tpu.memory_space<hbm>>) target(%arg11 : memref<128x128xf32, #tpu.memory_space<vmem>>) offsets(%dma_start3A_70 : memref<128xi32, #tpu.memory_space<vmem>>) semaphore(%arg14 : memref<!tpu.dma_semaphore, #tpu.memory_space<semaphore_mem>>)
        %dma_wait3A_74 = arith.constant 0 : i32
        %dma_wait3A_75 = arith.constant 0 : i32
        %dma_wait3A_76 = tpu.memref_slice %arg2[%dma_wait3A_74, %dma_wait3A_75] : memref<10000x128xf32, #tpu.memory_space<hbm>> -> memref<128x128xf32, #tpu.memory_space<hbm>>
        %dma_wait3A_77 = arith.constant 0 : i32
        %dma_wait3A_78 = arith.constant 0 : i32
        %dma_wait3A_79 = tpu.memref_slice %arg2[%dma_wait3A_77, %dma_wait3A_78] : memref<10000x128xf32, #tpu.memory_space<hbm>> -> memref<128x128xf32, #tpu.memory_space<hbm>>
        tpu.wait_dma2 semaphore(%arg13 : memref<!tpu.dma_semaphore, #tpu.memory_space<semaphore_mem>>) src(%dma_wait3A_79 : memref<128x128xf32, #tpu.memory_space<hbm>>) dst(%arg10 : memref<128x128xf32, #tpu.memory_space<vmem>>)
        "tpu.region"() ({
          %run_scoped3A = tpu.sem_alloc : memref<!tpu.dma_semaphore, #tpu.memory_space<semaphore_mem>>
          %dma_start3A_92 = arith.constant 0 : i32
          %dma_start3A_93 = tpu.memref_slice %arg9[%mul3A_58, %dma_start3A_92] : memref<40x128xi32, #tpu.memory_space<vmem>> -> memref<1x128xi32, #tpu.memory_space<vmem>>
          %dma_start3A_94 = tpu.memref_squeeze %dma_start3A_93 : memref<1x128xi32, #tpu.memory_space<vmem>> -> memref<128xi32, #tpu.memory_space<vmem>>
          %dma_start3A_95 = arith.constant 0 : i32
          %dma_start3A_96 = arith.constant 0 : i32
          %dma_start3A_97 = tpu.memref_slice %arg12[%dma_start3A_95, %dma_start3A_96] : memref<10112x128xf32, #tpu.memory_space<vmem_shared>> -> memref<10112x128xf32, #tpu.memory_space<vmem_shared>>
          tpu.enqueue_indirect_dma source(%arg10 : memref<128x128xf32, #tpu.memory_space<vmem>>) target(%dma_start3A_97 : memref<10112x128xf32, #tpu.memory_space<vmem_shared>>) offsets(%dma_start3A_94 : memref<128xi32, #tpu.memory_space<vmem>>) semaphore(%run_scoped3A : memref<!tpu.dma_semaphore, #tpu.memory_space<semaphore_mem>>) {add = true}
          %dma_wait3A_98 = arith.constant 0 : i32
          %dma_wait3A_99 = tpu.memref_slice %arg9[%mul3A_58, %dma_wait3A_98] : memref<40x128xi32, #tpu.memory_space<vmem>> -> memref<1x128xi32, #tpu.memory_space<vmem>>
          %dma_wait3A_100 = tpu.memref_squeeze %dma_wait3A_99 : memref<1x128xi32, #tpu.memory_space<vmem>> -> memref<128xi32, #tpu.memory_space<vmem>>
          %dma_wait3A_101 = arith.constant 0 : i32
          %dma_wait3A_102 = arith.constant 0 : i32
          %dma_wait3A_103 = tpu.memref_slice %arg12[%dma_wait3A_101, %dma_wait3A_102] : memref<10112x128xf32, #tpu.memory_space<vmem_shared>> -> memref<10112x128xf32, #tpu.memory_space<vmem_shared>>
          tpu.wait_indirect_dma semaphore(%run_scoped3A : memref<!tpu.dma_semaphore, #tpu.memory_space<semaphore_mem>>) src(%arg10 : memref<128x128xf32, #tpu.memory_space<vmem>>) dst(%dma_wait3A_103 : memref<10112x128xf32, #tpu.memory_space<vmem_shared>>)
          tpu.yield
        }) : () -> ()
        %dma_start3A_80 = arith.constant 0 : i32
        %dma_start3A_81 = tpu.memref_slice %arg8[%rem3A_67, %dma_start3A_80] : memref<40x128xi32, #tpu.memory_space<vmem>> -> memref<1x128xi32, #tpu.memory_space<vmem>>
        %dma_start3A_82 = tpu.memref_squeeze %dma_start3A_81 : memref<1x128xi32, #tpu.memory_space<vmem>> -> memref<128xi32, #tpu.memory_space<vmem>>
        %dma_start3A_83 = arith.constant 0 : i32
        %dma_start3A_84 = arith.constant 0 : i32
        %dma_start3A_85 = tpu.memref_slice %arg2[%dma_start3A_83, %dma_start3A_84] : memref<10000x128xf32, #tpu.memory_space<hbm>> -> memref<10000x128xf32, #tpu.memory_space<hbm>>
        tpu.enqueue_indirect_dma source(%dma_start3A_85 : memref<10000x128xf32, #tpu.memory_space<hbm>>) target(%arg10 : memref<128x128xf32, #tpu.memory_space<vmem>>) offsets(%dma_start3A_82 : memref<128xi32, #tpu.memory_space<vmem>>) semaphore(%arg13 : memref<!tpu.dma_semaphore, #tpu.memory_space<semaphore_mem>>)
        %dma_wait3A_86 = arith.constant 0 : i32
        %dma_wait3A_87 = tpu.memref_slice %arg8[%add3A_62, %dma_wait3A_86] : memref<40x128xi32, #tpu.memory_space<vmem>> -> memref<1x128xi32, #tpu.memory_space<vmem>>
        %dma_wait3A_88 = tpu.memref_squeeze %dma_wait3A_87 : memref<1x128xi32, #tpu.memory_space<vmem>> -> memref<128xi32, #tpu.memory_space<vmem>>
        %dma_wait3A_89 = arith.constant 0 : i32
        %dma_wait3A_90 = arith.constant 0 : i32
        %dma_wait3A_91 = tpu.memref_slice %arg2[%dma_wait3A_89, %dma_wait3A_90] : memref<10000x128xf32, #tpu.memory_space<hbm>> -> memref<10000x128xf32, #tpu.memory_space<hbm>>
        tpu.wait_indirect_dma semaphore(%arg14 : memref<!tpu.dma_semaphore, #tpu.memory_space<semaphore_mem>>) src(%dma_wait3A_91 : memref<10000x128xf32, #tpu.memory_space<hbm>>) dst(%arg11 : memref<128x128xf32, #tpu.memory_space<vmem>>)
        "tpu.region"() ({
          %run_scoped3A = tpu.sem_alloc : memref<!tpu.dma_semaphore, #tpu.memory_space<semaphore_mem>>
          %dma_start3A_92 = arith.constant 0 : i32
          %dma_start3A_93 = tpu.memref_slice %arg9[%add3A_62, %dma_start3A_92] : memref<40x128xi32, #tpu.memory_space<vmem>> -> memref<1x128xi32, #tpu.memory_space<vmem>>
          %dma_start3A_94 = tpu.memref_squeeze %dma_start3A_93 : memref<1x128xi32, #tpu.memory_space<vmem>> -> memref<128xi32, #tpu.memory_space<vmem>>
          %dma_start3A_95 = arith.constant 0 : i32
          %dma_start3A_96 = arith.constant 0 : i32
          %dma_start3A_97 = tpu.memref_slice %arg12[%dma_start3A_95, %dma_start3A_96] : memref<10112x128xf32, #tpu.memory_space<vmem_shared>> -> memref<10112x128xf32, #tpu.memory_space<vmem_shared>>
          tpu.enqueue_indirect_dma source(%arg11 : memref<128x128xf32, #tpu.memory_space<vmem>>) target(%dma_start3A_97 : memref<10112x128xf32, #tpu.memory_space<vmem_shared>>) offsets(%dma_start3A_94 : memref<128xi32, #tpu.memory_space<vmem>>) semaphore(%run_scoped3A : memref<!tpu.dma_semaphore, #tpu.memory_space<semaphore_mem>>) {add = true}
          %dma_wait3A_98 = arith.constant 0 : i32
          %dma_wait3A_99 = tpu.memref_slice %arg9[%add3A_62, %dma_wait3A_98] : memref<40x128xi32, #tpu.memory_space<vmem>> -> memref<1x128xi32, #tpu.memory_space<vmem>>
          %dma_wait3A_100 = tpu.memref_squeeze %dma_wait3A_99 : memref<1x128xi32, #tpu.memory_space<vmem>> -> memref<128xi32, #tpu.memory_space<vmem>>
          %dma_wait3A_101 = arith.constant 0 : i32
          %dma_wait3A_102 = arith.constant 0 : i32
          %dma_wait3A_103 = tpu.memref_slice %arg12[%dma_wait3A_101, %dma_wait3A_102] : memref<10112x128xf32, #tpu.memory_space<vmem_shared>> -> memref<10112x128xf32, #tpu.memory_space<vmem_shared>>
          tpu.wait_indirect_dma semaphore(%run_scoped3A : memref<!tpu.dma_semaphore, #tpu.memory_space<semaphore_mem>>) src(%arg11 : memref<128x128xf32, #tpu.memory_space<vmem>>) dst(%dma_wait3A_103 : memref<10112x128xf32, #tpu.memory_space<vmem_shared>>)
          tpu.yield
        }) : () -> ()
      }
      %scan3A_32 = arith.constant 20 : i32
      %dma_wait3A = arith.constant 0 : i32
      %dma_wait3A_33 = arith.constant 0 : i32
      %dma_wait3A_34 = tpu.memref_slice %arg2[%dma_wait3A, %dma_wait3A_33] : memref<10000x128xf32, #tpu.memory_space<hbm>> -> memref<128x128xf32, #tpu.memory_space<hbm>>
      %dma_wait3A_35 = arith.constant 0 : i32
      %dma_wait3A_36 = arith.constant 0 : i32
      %dma_wait3A_37 = tpu.memref_slice %arg2[%dma_wait3A_35, %dma_wait3A_36] : memref<10000x128xf32, #tpu.memory_space<hbm>> -> memref<128x128xf32, #tpu.memory_space<hbm>>
      tpu.wait_dma2 semaphore(%arg13 : memref<!tpu.dma_semaphore, #tpu.memory_space<semaphore_mem>>) src(%dma_wait3A_37 : memref<128x128xf32, #tpu.memory_space<hbm>>) dst(%arg10 : memref<128x128xf32, #tpu.memory_space<vmem>>)
      "tpu.region"() ({
        %run_scoped3A = tpu.sem_alloc : memref<!tpu.dma_semaphore, #tpu.memory_space<semaphore_mem>>
        %dma_start3A_56 = arith.constant 40 : i32
        %dma_start3A_57 = arith.constant 0 : i32
        %dma_start3A_58 = tpu.memref_slice %arg5[%arg1, %dma_start3A_56, %dma_start3A_57] : memref<16x80x128xi32, #tpu.memory_space<hbm>> -> memref<1x40x128xi32, #tpu.memory_space<hbm>>
        %dma_start3A_59 = tpu.memref_squeeze %dma_start3A_58 : memref<1x40x128xi32, #tpu.memory_space<hbm>> -> memref<40x128xi32, #tpu.memory_space<hbm>>
        %dma_start3A_60 = arith.constant 40 : i32
        %dma_start3A_61 = arith.constant 0 : i32
        %dma_start3A_62 = tpu.memref_slice %arg5[%arg1, %dma_start3A_60, %dma_start3A_61] : memref<16x80x128xi32, #tpu.memory_space<hbm>> -> memref<1x40x128xi32, #tpu.memory_space<hbm>>
        %dma_start3A_63 = tpu.memref_squeeze %dma_start3A_62 : memref<1x40x128xi32, #tpu.memory_space<hbm>> -> memref<40x128xi32, #tpu.memory_space<hbm>>
        tpu.enqueue_dma source(%dma_start3A_63 : memref<40x128xi32, #tpu.memory_space<hbm>>) target(%arg8 : memref<40x128xi32, #tpu.memory_space<vmem>>) target_semaphore(%run_scoped3A : memref<!tpu.dma_semaphore, #tpu.memory_space<semaphore_mem>>)
        %dma_wait3A_64 = arith.constant 40 : i32
        %dma_wait3A_65 = arith.constant 0 : i32
        %dma_wait3A_66 = tpu.memref_slice %arg5[%arg1, %dma_wait3A_64, %dma_wait3A_65] : memref<16x80x128xi32, #tpu.memory_space<hbm>> -> memref<1x40x128xi32, #tpu.memory_space<hbm>>
        %dma_wait3A_67 = tpu.memref_squeeze %dma_wait3A_66 : memref<1x40x128xi32, #tpu.memory_space<hbm>> -> memref<40x128xi32, #tpu.memory_space<hbm>>
        %dma_wait3A_68 = arith.constant 40 : i32
        %dma_wait3A_69 = arith.constant 0 : i32
        %dma_wait3A_70 = tpu.memref_slice %arg5[%arg1, %dma_wait3A_68, %dma_wait3A_69] : memref<16x80x128xi32, #tpu.memory_space<hbm>> -> memref<1x40x128xi32, #tpu.memory_space<hbm>>
        %dma_wait3A_71 = tpu.memref_squeeze %dma_wait3A_70 : memref<1x40x128xi32, #tpu.memory_space<hbm>> -> memref<40x128xi32, #tpu.memory_space<hbm>>
        tpu.wait_dma2 semaphore(%run_scoped3A : memref<!tpu.dma_semaphore, #tpu.memory_space<semaphore_mem>>) src(%dma_wait3A_71 : memref<40x128xi32, #tpu.memory_space<hbm>>) dst(%arg8 : memref<40x128xi32, #tpu.memory_space<vmem>>)
        tpu.yield
      }) : () -> ()
      "tpu.region"() ({
        %run_scoped3A = tpu.sem_alloc : memref<!tpu.dma_semaphore, #tpu.memory_space<semaphore_mem>>
        %dma_start3A_56 = arith.constant 40 : i32
        %dma_start3A_57 = arith.constant 0 : i32
        %dma_start3A_58 = tpu.memref_slice %arg6[%arg1, %dma_start3A_56, %dma_start3A_57] : memref<16x80x128xi32, #tpu.memory_space<hbm>> -> memref<1x40x128xi32, #tpu.memory_space<hbm>>
        %dma_start3A_59 = tpu.memref_squeeze %dma_start3A_58 : memref<1x40x128xi32, #tpu.memory_space<hbm>> -> memref<40x128xi32, #tpu.memory_space<hbm>>
        %dma_start3A_60 = arith.constant 40 : i32
        %dma_start3A_61 = arith.constant 0 : i32
        %dma_start3A_62 = tpu.memref_slice %arg6[%arg1, %dma_start3A_60, %dma_start3A_61] : memref<16x80x128xi32, #tpu.memory_space<hbm>> -> memref<1x40x128xi32, #tpu.memory_space<hbm>>
        %dma_start3A_63 = tpu.memref_squeeze %dma_start3A_62 : memref<1x40x128xi32, #tpu.memory_space<hbm>> -> memref<40x128xi32, #tpu.memory_space<hbm>>
        tpu.enqueue_dma source(%dma_start3A_63 : memref<40x128xi32, #tpu.memory_space<hbm>>) target(%arg9 : memref<40x128xi32, #tpu.memory_space<vmem>>) target_semaphore(%run_scoped3A : memref<!tpu.dma_semaphore, #tpu.memory_space<semaphore_mem>>)
        %dma_wait3A_64 = arith.constant 40 : i32
        %dma_wait3A_65 = arith.constant 0 : i32
        %dma_wait3A_66 = tpu.memref_slice %arg6[%arg1, %dma_wait3A_64, %dma_wait3A_65] : memref<16x80x128xi32, #tpu.memory_space<hbm>> -> memref<1x40x128xi32, #tpu.memory_space<hbm>>
        %dma_wait3A_67 = tpu.memref_squeeze %dma_wait3A_66 : memref<1x40x128xi32, #tpu.memory_space<hbm>> -> memref<40x128xi32, #tpu.memory_space<hbm>>
        %dma_wait3A_68 = arith.constant 40 : i32
        %dma_wait3A_69 = arith.constant 0 : i32
        %dma_wait3A_70 = tpu.memref_slice %arg6[%arg1, %dma_wait3A_68, %dma_wait3A_69] : memref<16x80x128xi32, #tpu.memory_space<hbm>> -> memref<1x40x128xi32, #tpu.memory_space<hbm>>
        %dma_wait3A_71 = tpu.memref_squeeze %dma_wait3A_70 : memref<1x40x128xi32, #tpu.memory_space<hbm>> -> memref<40x128xi32, #tpu.memory_space<hbm>>
        tpu.wait_dma2 semaphore(%run_scoped3A : memref<!tpu.dma_semaphore, #tpu.memory_space<semaphore_mem>>) src(%dma_wait3A_71 : memref<40x128xi32, #tpu.memory_space<hbm>>) dst(%arg9 : memref<40x128xi32, #tpu.memory_space<vmem>>)
        tpu.yield
      }) : () -> ()
      %dma_start3A_38 = arith.constant 0 : i32
      %dma_start3A_39 = arith.constant 0 : i32
      %dma_start3A_40 = tpu.memref_slice %arg8[%dma_start3A_38, %dma_start3A_39] : memref<40x128xi32, #tpu.memory_space<vmem>> -> memref<1x128xi32, #tpu.memory_space<vmem>>
      %dma_start3A_41 = tpu.memref_squeeze %dma_start3A_40 : memref<1x128xi32, #tpu.memory_space<vmem>> -> memref<128xi32, #tpu.memory_space<vmem>>
      %dma_start3A_42 = arith.constant 0 : i32
      %dma_start3A_43 = arith.constant 0 : i32
      %dma_start3A_44 = tpu.memref_slice %arg2[%dma_start3A_42, %dma_start3A_43] : memref<10000x128xf32, #tpu.memory_space<hbm>> -> memref<10000x128xf32, #tpu.memory_space<hbm>>
      tpu.enqueue_indirect_dma source(%dma_start3A_44 : memref<10000x128xf32, #tpu.memory_space<hbm>>) target(%arg10 : memref<128x128xf32, #tpu.memory_space<vmem>>) offsets(%dma_start3A_41 : memref<128xi32, #tpu.memory_space<vmem>>) semaphore(%arg13 : memref<!tpu.dma_semaphore, #tpu.memory_space<semaphore_mem>>)
      %scan3A_45 = arith.constant 0 : i32
      %scan3A_46 = arith.constant 20 : i32
      %scan3A_47 = arith.addi %scan3A_45, %scan3A_46 : i32
      %scan3A_48 = arith.constant 1 : i32
      scf.for %scan3A_56 = %scan3A_45 to %scan3A_47 step %scan3A_48  : i32 {
        %mul3A_57 = arith.constant 2 : i32
        %mul3A_58 = arith.muli %mul3A_57, %scan3A_56 : i32
        %mul3A_59 = arith.constant 2 : i32
        %mul3A_60 = arith.muli %mul3A_59, %scan3A_56 : i32
        %add3A_61 = arith.constant 1 : i32
        %add3A_62 = arith.addi %mul3A_60, %add3A_61 : i32
        %mul3A_63 = arith.constant 2 : i32
        %mul3A_64 = arith.muli %mul3A_63, %scan3A_56 : i32
        %add3A_65 = arith.constant 2 : i32
        %add3A_66 = arith.addi %mul3A_64, %add3A_65 : i32
        %rem3A = arith.constant 40 : i32
        %rem3A_67 = arith.remsi %add3A_66, %rem3A : i32
        %dma_start3A_68 = arith.constant 0 : i32
        %dma_start3A_69 = tpu.memref_slice %arg8[%add3A_62, %dma_start3A_68] : memref<40x128xi32, #tpu.memory_space<vmem>> -> memref<1x128xi32, #tpu.memory_space<vmem>>
        %dma_start3A_70 = tpu.memref_squeeze %dma_start3A_69 : memref<1x128xi32, #tpu.memory_space<vmem>> -> memref<128xi32, #tpu.memory_space<vmem>>
        %dma_start3A_71 = arith.constant 0 : i32
        %dma_start3A_72 = arith.constant 0 : i32
        %dma_start3A_73 = tpu.memref_slice %arg2[%dma_start3A_71, %dma_start3A_72] : memref<10000x128xf32, #tpu.memory_space<hbm>> -> memref<10000x128xf32, #tpu.memory_space<hbm>>
        tpu.enqueue_indirect_dma source(%dma_start3A_73 : memref<10000x128xf32, #tpu.memory_space<hbm>>) target(%arg11 : memref<128x128xf32, #tpu.memory_space<vmem>>) offsets(%dma_start3A_70 : memref<128xi32, #tpu.memory_space<vmem>>) semaphore(%arg14 : memref<!tpu.dma_semaphore, #tpu.memory_space<semaphore_mem>>)
        %dma_wait3A_74 = arith.constant 0 : i32
        %dma_wait3A_75 = arith.constant 0 : i32
        %dma_wait3A_76 = tpu.memref_slice %arg2[%dma_wait3A_74, %dma_wait3A_75] : memref<10000x128xf32, #tpu.memory_space<hbm>> -> memref<128x128xf32, #tpu.memory_space<hbm>>
        %dma_wait3A_77 = arith.constant 0 : i32
        %dma_wait3A_78 = arith.constant 0 : i32
        %dma_wait3A_79 = tpu.memref_slice %arg2[%dma_wait3A_77, %dma_wait3A_78] : memref<10000x128xf32, #tpu.memory_space<hbm>> -> memref<128x128xf32, #tpu.memory_space<hbm>>
        tpu.wait_dma2 semaphore(%arg13 : memref<!tpu.dma_semaphore, #tpu.memory_space<semaphore_mem>>) src(%dma_wait3A_79 : memref<128x128xf32, #tpu.memory_space<hbm>>) dst(%arg10 : memref<128x128xf32, #tpu.memory_space<vmem>>)
        "tpu.region"() ({
          %run_scoped3A = tpu.sem_alloc : memref<!tpu.dma_semaphore, #tpu.memory_space<semaphore_mem>>
          %dma_start3A_92 = arith.constant 0 : i32
          %dma_start3A_93 = tpu.memref_slice %arg9[%mul3A_58, %dma_start3A_92] : memref<40x128xi32, #tpu.memory_space<vmem>> -> memref<1x128xi32, #tpu.memory_space<vmem>>
          %dma_start3A_94 = tpu.memref_squeeze %dma_start3A_93 : memref<1x128xi32, #tpu.memory_space<vmem>> -> memref<128xi32, #tpu.memory_space<vmem>>
          %dma_start3A_95 = arith.constant 0 : i32
          %dma_start3A_96 = arith.constant 0 : i32
          %dma_start3A_97 = tpu.memref_slice %arg12[%dma_start3A_95, %dma_start3A_96] : memref<10112x128xf32, #tpu.memory_space<vmem_shared>> -> memref<10112x128xf32, #tpu.memory_space<vmem_shared>>
          tpu.enqueue_indirect_dma source(%arg10 : memref<128x128xf32, #tpu.memory_space<vmem>>) target(%dma_start3A_97 : memref<10112x128xf32, #tpu.memory_space<vmem_shared>>) offsets(%dma_start3A_94 : memref<128xi32, #tpu.memory_space<vmem>>) semaphore(%run_scoped3A : memref<!tpu.dma_semaphore, #tpu.memory_space<semaphore_mem>>) {add = true}
          %dma_wait3A_98 = arith.constant 0 : i32
          %dma_wait3A_99 = tpu.memref_slice %arg9[%mul3A_58, %dma_wait3A_98] : memref<40x128xi32, #tpu.memory_space<vmem>> -> memref<1x128xi32, #tpu.memory_space<vmem>>
          %dma_wait3A_100 = tpu.memref_squeeze %dma_wait3A_99 : memref<1x128xi32, #tpu.memory_space<vmem>> -> memref<128xi32, #tpu.memory_space<vmem>>
          %dma_wait3A_101 = arith.constant 0 : i32
          %dma_wait3A_102 = arith.constant 0 : i32
          %dma_wait3A_103 = tpu.memref_slice %arg12[%dma_wait3A_101, %dma_wait3A_102] : memref<10112x128xf32, #tpu.memory_space<vmem_shared>> -> memref<10112x128xf32, #tpu.memory_space<vmem_shared>>
          tpu.wait_indirect_dma semaphore(%run_scoped3A : memref<!tpu.dma_semaphore, #tpu.memory_space<semaphore_mem>>) src(%arg10 : memref<128x128xf32, #tpu.memory_space<vmem>>) dst(%dma_wait3A_103 : memref<10112x128xf32, #tpu.memory_space<vmem_shared>>)
          tpu.yield
        }) : () -> ()
        %dma_start3A_80 = arith.constant 0 : i32
        %dma_start3A_81 = tpu.memref_slice %arg8[%rem3A_67, %dma_start3A_80] : memref<40x128xi32, #tpu.memory_space<vmem>> -> memref<1x128xi32, #tpu.memory_space<vmem>>
        %dma_start3A_82 = tpu.memref_squeeze %dma_start3A_81 : memref<1x128xi32, #tpu.memory_space<vmem>> -> memref<128xi32, #tpu.memory_space<vmem>>
        %dma_start3A_83 = arith.constant 0 : i32
        %dma_start3A_84 = arith.constant 0 : i32
        %dma_start3A_85 = tpu.memref_slice %arg2[%dma_start3A_83, %dma_start3A_84] : memref<10000x128xf32, #tpu.memory_space<hbm>> -> memref<10000x128xf32, #tpu.memory_space<hbm>>
        tpu.enqueue_indirect_dma source(%dma_start3A_85 : memref<10000x128xf32, #tpu.memory_space<hbm>>) target(%arg10 : memref<128x128xf32, #tpu.memory_space<vmem>>) offsets(%dma_start3A_82 : memref<128xi32, #tpu.memory_space<vmem>>) semaphore(%arg13 : memref<!tpu.dma_semaphore, #tpu.memory_space<semaphore_mem>>)
        %dma_wait3A_86 = arith.constant 0 : i32
        %dma_wait3A_87 = tpu.memref_slice %arg8[%add3A_62, %dma_wait3A_86] : memref<40x128xi32, #tpu.memory_space<vmem>> -> memref<1x128xi32, #tpu.memory_space<vmem>>
        %dma_wait3A_88 = tpu.memref_squeeze %dma_wait3A_87 : memref<1x128xi32, #tpu.memory_space<vmem>> -> memref<128xi32, #tpu.memory_space<vmem>>
        %dma_wait3A_89 = arith.constant 0 : i32
        %dma_wait3A_90 = arith.constant 0 : i32
        %dma_wait3A_91 = tpu.memref_slice %arg2[%dma_wait3A_89, %dma_wait3A_90] : memref<10000x128xf32, #tpu.memory_space<hbm>> -> memref<10000x128xf32, #tpu.memory_space<hbm>>
        tpu.wait_indirect_dma semaphore(%arg14 : memref<!tpu.dma_semaphore, #tpu.memory_space<semaphore_mem>>) src(%dma_wait3A_91 : memref<10000x128xf32, #tpu.memory_space<hbm>>) dst(%arg11 : memref<128x128xf32, #tpu.memory_space<vmem>>)
        "tpu.region"() ({
          %run_scoped3A = tpu.sem_alloc : memref<!tpu.dma_semaphore, #tpu.memory_space<semaphore_mem>>
          %dma_start3A_92 = arith.constant 0 : i32
          %dma_start3A_93 = tpu.memref_slice %arg9[%add3A_62, %dma_start3A_92] : memref<40x128xi32, #tpu.memory_space<vmem>> -> memref<1x128xi32, #tpu.memory_space<vmem>>
          %dma_start3A_94 = tpu.memref_squeeze %dma_start3A_93 : memref<1x128xi32, #tpu.memory_space<vmem>> -> memref<128xi32, #tpu.memory_space<vmem>>
          %dma_start3A_95 = arith.constant 0 : i32
          %dma_start3A_96 = arith.constant 0 : i32
          %dma_start3A_97 = tpu.memref_slice %arg12[%dma_start3A_95, %dma_start3A_96] : memref<10112x128xf32, #tpu.memory_space<vmem_shared>> -> memref<10112x128xf32, #tpu.memory_space<vmem_shared>>
          tpu.enqueue_indirect_dma source(%arg11 : memref<128x128xf32, #tpu.memory_space<vmem>>) target(%dma_start3A_97 : memref<10112x128xf32, #tpu.memory_space<vmem_shared>>) offsets(%dma_start3A_94 : memref<128xi32, #tpu.memory_space<vmem>>) semaphore(%run_scoped3A : memref<!tpu.dma_semaphore, #tpu.memory_space<semaphore_mem>>) {add = true}
          %dma_wait3A_98 = arith.constant 0 : i32
          %dma_wait3A_99 = tpu.memref_slice %arg9[%add3A_62, %dma_wait3A_98] : memref<40x128xi32, #tpu.memory_space<vmem>> -> memref<1x128xi32, #tpu.memory_space<vmem>>
          %dma_wait3A_100 = tpu.memref_squeeze %dma_wait3A_99 : memref<1x128xi32, #tpu.memory_space<vmem>> -> memref<128xi32, #tpu.memory_space<vmem>>
          %dma_wait3A_101 = arith.constant 0 : i32
          %dma_wait3A_102 = arith.constant 0 : i32
          %dma_wait3A_103 = tpu.memref_slice %arg12[%dma_wait3A_101, %dma_wait3A_102] : memref<10112x128xf32, #tpu.memory_space<vmem_shared>> -> memref<10112x128xf32, #tpu.memory_space<vmem_shared>>
          tpu.wait_indirect_dma semaphore(%run_scoped3A : memref<!tpu.dma_semaphore, #tpu.memory_space<semaphore_mem>>) src(%arg11 : memref<128x128xf32, #tpu.memory_space<vmem>>) dst(%dma_wait3A_103 : memref<10112x128xf32, #tpu.memory_space<vmem_shared>>)
          tpu.yield
        }) : () -> ()
      }
      %scan3A_49 = arith.constant 20 : i32
      %dma_wait3A_50 = arith.constant 0 : i32
      %dma_wait3A_51 = arith.constant 0 : i32
      %dma_wait3A_52 = tpu.memref_slice %arg2[%dma_wait3A_50, %dma_wait3A_51] : memref<10000x128xf32, #tpu.memory_space<hbm>> -> memref<128x128xf32, #tpu.memory_space<hbm>>
      %dma_wait3A_53 = arith.constant 0 : i32
      %dma_wait3A_54 = arith.constant 0 : i32
      %dma_wait3A_55 = tpu.memref_slice %arg2[%dma_wait3A_53, %dma_wait3A_54] : memref<10000x128xf32, #tpu.memory_space<hbm>> -> memref<128x128xf32, #tpu.memory_space<hbm>>
      tpu.wait_dma2 semaphore(%arg13 : memref<!tpu.dma_semaphore, #tpu.memory_space<semaphore_mem>>) src(%dma_wait3A_55 : memref<128x128xf32, #tpu.memory_space<hbm>>) dst(%arg10 : memref<128x128xf32, #tpu.memory_space<vmem>>)
    } else {
    }
    %barrier3A_21 = arith.constant 0 : index
    tpu.barrier barrier_id(%barrier3A_21)
    "tpu.region"() ({
      %run_scoped3A = tpu.sem_alloc : memref<!tpu.dma_semaphore, #tpu.memory_space<semaphore_mem>>
      %dma_start3A = arith.constant 0 : i32
      %dma_start3A_22 = tpu.memref_slice %arg7[%arg0, %mul3A_0, %dma_start3A] : memref<2x10112x128xf32, #tpu.memory_space<hbm>> -> memref<1x632x128xf32, #tpu.memory_space<hbm>>
      %dma_start3A_23 = tpu.memref_squeeze %dma_start3A_22 : memref<1x632x128xf32, #tpu.memory_space<hbm>> -> memref<632x128xf32, #tpu.memory_space<hbm>>
      %dma_start3A_24 = arith.constant 0 : i32
      %dma_start3A_25 = tpu.memref_slice %arg12[%mul3A_0, %dma_start3A_24] : memref<10112x128xf32, #tpu.memory_space<vmem_shared>> -> memref<632x128xf32, #tpu.memory_space<vmem_shared>>
      tpu.enqueue_dma source(%dma_start3A_25 : memref<632x128xf32, #tpu.memory_space<vmem_shared>>) target(%dma_start3A_23 : memref<632x128xf32, #tpu.memory_space<hbm>>) target_semaphore(%run_scoped3A : memref<!tpu.dma_semaphore, #tpu.memory_space<semaphore_mem>>)
      %dma_wait3A = arith.constant 0 : i32
      %dma_wait3A_26 = tpu.memref_slice %arg7[%arg0, %mul3A_0, %dma_wait3A] : memref<2x10112x128xf32, #tpu.memory_space<hbm>> -> memref<1x632x128xf32, #tpu.memory_space<hbm>>
      %dma_wait3A_27 = tpu.memref_squeeze %dma_wait3A_26 : memref<1x632x128xf32, #tpu.memory_space<hbm>> -> memref<632x128xf32, #tpu.memory_space<hbm>>
      %dma_wait3A_28 = arith.constant 0 : i32
      %dma_wait3A_29 = tpu.memref_slice %arg12[%mul3A_0, %dma_wait3A_28] : memref<10112x128xf32, #tpu.memory_space<vmem_shared>> -> memref<632x128xf32, #tpu.memory_space<vmem_shared>>
      tpu.wait_dma2 semaphore(%run_scoped3A : memref<!tpu.dma_semaphore, #tpu.memory_space<semaphore_mem>>) src(%dma_wait3A_29 : memref<632x128xf32, #tpu.memory_space<vmem_shared>>) dst(%dma_wait3A_27 : memref<632x128xf32, #tpu.memory_space<hbm>>)
      tpu.yield
    }) : () -> ()
    return
  }
}

#map = affine_map<(d0, d1) -> (0, 0)>
#map1 = affine_map<(d0, d1) -> (0, 0, 0)>
module attributes {stable_mosaic.version = 14 : i64} {
  func.func @body(%arg0: i32, %arg1: i32, %arg2: memref<10000x128xf32, #tpu.memory_space<hbm>>, %arg3: memref<16x80x128xi32, #tpu.memory_space<hbm>>, %arg4: memref<16x80x128xi32, #tpu.memory_space<hbm>>, %arg5: memref<16x80x128xi32, #tpu.memory_space<hbm>>, %arg6: memref<16x80x128xi32, #tpu.memory_space<hbm>>, %arg7: memref<2x10112x128xf32, #tpu.memory_space<hbm>>, %arg8: memref<40x128xi32, #tpu.memory_space<vmem>>, %arg9: memref<40x128xi32, #tpu.memory_space<vmem>>, %arg10: memref<128x128xf32, #tpu.memory_space<vmem>>, %arg11: memref<128x128xf32, #tpu.memory_space<vmem>>, %arg12: memref<10112x128xf32, #tpu.memory_space<vmem_shared>>, %arg13: memref<!tpu.dma_semaphore, #tpu.memory_space<semaphore_mem>>, %arg14: memref<!tpu.dma_semaphore, #tpu.memory_space<semaphore_mem>>) attributes {dimension_semantics = [#tpu.dimension_semantics<core_parallel>, #tpu.dimension_semantics<subcore_parallel>], iteration_bounds = array<i64: 2, 16>, scalar_prefetch = 0 : i64, scratch_operands = 7 : i64, tpu.core_type = #tpu.core_type<sc_vector_subcore>, window_params = [{transform_indices = #map}, {transform_indices = #map1}, {transform_indices = #map1}, {transform_indices = #map1}, {transform_indices = #map1}, {transform_indices = #map1}]} {
    %mul3A = arith.constant 632 : i32
    %mul3A_0 = arith.muli %arg1, %mul3A : i32
    %scan3A = arith.constant 0 : i32
    %scan3A_1 = arith.constant 128 : i32
    %scan3A_2 = arith.addi %scan3A, %scan3A_1 : i32
    %scan3A_3 = arith.constant 1 : i32
    scf.for %scan3A_22 = %scan3A to %scan3A_2 step %scan3A_3  : i32 {
      %broadcast_in_dim3A = arith.constant 0.000000e+00 : f32
      %broadcast_in_dim3A_23 = vector.broadcast %broadcast_in_dim3A : f32 to vector<16xf32>
      %swap3A = arith.index_cast %scan3A_22 : i32 to index
      %swap3A_24 = arith.constant 0 : index
      %swap3A_25 = tpu.vector_load %arg10[%swap3A, %swap3A_24] {strides = array<i32>} : memref<128x128xf32, #tpu.memory_space<vmem>>, vector<1x16xf32>,
      %swap3A_26 = vector.shape_cast %swap3A_25 : vector<1x16xf32> to vector<16xf32>
      %swap3A_27 = vector.shape_cast %broadcast_in_dim3A_23 : vector<16xf32> to vector<1x16xf32>
      tpu.vector_store %arg10[%swap3A, %swap3A_24], %swap3A_27 {strides = array<i32>} : memref<128x128xf32, #tpu.memory_space<vmem>>, vector<1x16xf32>,
      %broadcast_in_dim3A_28 = arith.constant 0.000000e+00 : f32
      %broadcast_in_dim3A_29 = vector.broadcast %broadcast_in_dim3A_28 : f32 to vector<16xf32>
      %swap3A_30 = arith.index_cast %scan3A_22 : i32 to index
      %swap3A_31 = arith.constant 16 : index
      %swap3A_32 = tpu.vector_load %arg10[%swap3A_30, %swap3A_31] {strides = array<i32>} : memref<128x128xf32, #tpu.memory_space<vmem>>, vector<1x16xf32>,
      %swap3A_33 = vector.shape_cast %swap3A_32 : vector<1x16xf32> to vector<16xf32>
      %swap3A_34 = vector.shape_cast %broadcast_in_dim3A_29 : vector<16xf32> to vector<1x16xf32>
      tpu.vector_store %arg10[%swap3A_30, %swap3A_31], %swap3A_34 {strides = array<i32>} : memref<128x128xf32, #tpu.memory_space<vmem>>, vector<1x16xf32>,
      %broadcast_in_dim3A_35 = arith.constant 0.000000e+00 : f32
      %broadcast_in_dim3A_36 = vector.broadcast %broadcast_in_dim3A_35 : f32 to vector<16xf32>
      %swap3A_37 = arith.index_cast %scan3A_22 : i32 to index
      %swap3A_38 = arith.constant 32 : index
      %swap3A_39 = tpu.vector_load %arg10[%swap3A_37, %swap3A_38] {strides = array<i32>} : memref<128x128xf32, #tpu.memory_space<vmem>>, vector<1x16xf32>,
      %swap3A_40 = vector.shape_cast %swap3A_39 : vector<1x16xf32> to vector<16xf32>
      %swap3A_41 = vector.shape_cast %broadcast_in_dim3A_36 : vector<16xf32> to vector<1x16xf32>
      tpu.vector_store %arg10[%swap3A_37, %swap3A_38], %swap3A_41 {strides = array<i32>} : memref<128x128xf32, #tpu.memory_space<vmem>>, vector<1x16xf32>,
      %broadcast_in_dim3A_42 = arith.constant 0.000000e+00 : f32
      %broadcast_in_dim3A_43 = vector.broadcast %broadcast_in_dim3A_42 : f32 to vector<16xf32>
      %swap3A_44 = arith.index_cast %scan3A_22 : i32 to index
      %swap3A_45 = arith.constant 48 : index
      %swap3A_46 = tpu.vector_load %arg10[%swap3A_44, %swap3A_45] {strides = array<i32>} : memref<128x128xf32, #tpu.memory_space<vmem>>, vector<1x16xf32>,
      %swap3A_47 = vector.shape_cast %swap3A_46 : vector<1x16xf32> to vector<16xf32>
      %swap3A_48 = vector.shape_cast %broadcast_in_dim3A_43 : vector<16xf32> to vector<1x16xf32>
      tpu.vector_store %arg10[%swap3A_44, %swap3A_45], %swap3A_48 {strides = array<i32>} : memref<128x128xf32, #tpu.memory_space<vmem>>, vector<1x16xf32>,
      %broadcast_in_dim3A_49 = arith.constant 0.000000e+00 : f32
      %broadcast_in_dim3A_50 = vector.broadcast %broadcast_in_dim3A_49 : f32 to vector<16xf32>
      %swap3A_51 = arith.index_cast %scan3A_22 : i32 to index
      %swap3A_52 = arith.constant 64 : index
      %swap3A_53 = tpu.vector_load %arg10[%swap3A_51, %swap3A_52] {strides = array<i32>} : memref<128x128xf32, #tpu.memory_space<vmem>>, vector<1x16xf32>,
      %swap3A_54 = vector.shape_cast %swap3A_53 : vector<1x16xf32> to vector<16xf32>
      %swap3A_55 = vector.shape_cast %broadcast_in_dim3A_50 : vector<16xf32> to vector<1x16xf32>
      tpu.vector_store %arg10[%swap3A_51, %swap3A_52], %swap3A_55 {strides = array<i32>} : memref<128x128xf32, #tpu.memory_space<vmem>>, vector<1x16xf32>,
      %broadcast_in_dim3A_56 = arith.constant 0.000000e+00 : f32
      %broadcast_in_dim3A_57 = vector.broadcast %broadcast_in_dim3A_56 : f32 to vector<16xf32>
      %swap3A_58 = arith.index_cast %scan3A_22 : i32 to index
      %swap3A_59 = arith.constant 80 : index
      %swap3A_60 = tpu.vector_load %arg10[%swap3A_58, %swap3A_59] {strides = array<i32>} : memref<128x128xf32, #tpu.memory_space<vmem>>, vector<1x16xf32>,
      %swap3A_61 = vector.shape_cast %swap3A_60 : vector<1x16xf32> to vector<16xf32>
      %swap3A_62 = vector.shape_cast %broadcast_in_dim3A_57 : vector<16xf32> to vector<1x16xf32>
      tpu.vector_store %arg10[%swap3A_58, %swap3A_59], %swap3A_62 {strides = array<i32>} : memref<128x128xf32, #tpu.memory_space<vmem>>, vector<1x16xf32>,
      %broadcast_in_dim3A_63 = arith.constant 0.000000e+00 : f32
      %broadcast_in_dim3A_64 = vector.broadcast %broadcast_in_dim3A_63 : f32 to vector<16xf32>
      %swap3A_65 = arith.index_cast %scan3A_22 : i32 to index
      %swap3A_66 = arith.constant 96 : index
      %swap3A_67 = tpu.vector_load %arg10[%swap3A_65, %swap3A_66] {strides = array<i32>} : memref<128x128xf32, #tpu.memory_space<vmem>>, vector<1x16xf32>,
      %swap3A_68 = vector.shape_cast %swap3A_67 : vector<1x16xf32> to vector<16xf32>
      %swap3A_69 = vector.shape_cast %broadcast_in_dim3A_64 : vector<16xf32> to vector<1x16xf32>
      tpu.vector_store %arg10[%swap3A_65, %swap3A_66], %swap3A_69 {strides = array<i32>} : memref<128x128xf32, #tpu.memory_space<vmem>>, vector<1x16xf32>,
      %broadcast_in_dim3A_70 = arith.constant 0.000000e+00 : f32
      %broadcast_in_dim3A_71 = vector.broadcast %broadcast_in_dim3A_70 : f32 to vector<16xf32>
      %swap3A_72 = arith.index_cast %scan3A_22 : i32 to index
      %swap3A_73 = arith.constant 112 : index
      %swap3A_74 = tpu.vector_load %arg10[%swap3A_72, %swap3A_73] {strides = array<i32>} : memref<128x128xf32, #tpu.memory_space<vmem>>, vector<1x16xf32>,
      %swap3A_75 = vector.shape_cast %swap3A_74 : vector<1x16xf32> to vector<16xf32>
      %swap3A_76 = vector.shape_cast %broadcast_in_dim3A_71 : vector<16xf32> to vector<1x16xf32>
      tpu.vector_store %arg10[%swap3A_72, %swap3A_73], %swap3A_76 {strides = array<i32>} : memref<128x128xf32, #tpu.memory_space<vmem>>, vector<1x16xf32>,
    }
    %scan3A_4 = arith.constant 128 : i32
    %add3A = arith.constant 0 : i32
    %add3A_5 = arith.addi %mul3A_0, %add3A : i32
    "tpu.region"() ({
      %run_scoped3A = tpu.sem_alloc : memref<!tpu.dma_semaphore, #tpu.memory_space<semaphore_mem>>
      %dma_start3A = arith.constant 0 : i32
      %dma_start3A_22 = tpu.memref_slice %arg12[%add3A_5, %dma_start3A] : memref<10112x128xf32, #tpu.memory_space<vmem_shared>> -> memref<128x128xf32, #tpu.memory_space<vmem_shared>>
      %dma_start3A_23 = arith.constant 0 : i32
      %dma_start3A_24 = tpu.memref_slice %arg12[%add3A_5, %dma_start3A_23] : memref<10112x128xf32, #tpu.memory_space<vmem_shared>> -> memref<128x128xf32, #tpu.memory_space<vmem_shared>>
      tpu.enqueue_dma source(%arg10 : memref<128x128xf32, #tpu.memory_space<vmem>>) target(%dma_start3A_24 : memref<128x128xf32, #tpu.memory_space<vmem_shared>>) target_semaphore(%run_scoped3A : memref<!tpu.dma_semaphore, #tpu.memory_space<semaphore_mem>>)
      %dma_wait3A = arith.constant 0 : i32
      %dma_wait3A_25 = tpu.memref_slice %arg12[%add3A_5, %dma_wait3A] : memref<10112x128xf32, #tpu.memory_space<vmem_shared>> -> memref<128x128xf32, #tpu.memory_space<vmem_shared>>
      %dma_wait3A_26 = arith.constant 0 : i32
      %dma_wait3A_27 = tpu.memref_slice %arg12[%add3A_5, %dma_wait3A_26] : memref<10112x128xf32, #tpu.memory_space<vmem_shared>> -> memref<128x128xf32, #tpu.memory_space<vmem_shared>>
      tpu.wait_dma2 semaphore(%run_scoped3A : memref<!tpu.dma_semaphore, #tpu.memory_space<semaphore_mem>>) src(%arg10 : memref<128x128xf32, #tpu.memory_space<vmem>>) dst(%dma_wait3A_27 : memref<128x128xf32, #tpu.memory_space<vmem_shared>>)
      tpu.yield
    }) : () -> ()
    %add3A_6 = arith.constant 128 : i32
    %add3A_7 = arith.addi %mul3A_0, %add3A_6 : i32
    "tpu.region"() ({
      %run_scoped3A = tpu.sem_alloc : memref<!tpu.dma_semaphore, #tpu.memory_space<semaphore_mem>>
      %dma_start3A = arith.constant 0 : i32
      %dma_start3A_22 = tpu.memref_slice %arg12[%add3A_7, %dma_start3A] : memref<10112x128xf32, #tpu.memory_space<vmem_shared>> -> memref<128x128xf32, #tpu.memory_space<vmem_shared>>
      %dma_start3A_23 = arith.constant 0 : i32
      %dma_start3A_24 = tpu.memref_slice %arg12[%add3A_7, %dma_start3A_23] : memref<10112x128xf32, #tpu.memory_space<vmem_shared>> -> memref<128x128xf32, #tpu.memory_space<vmem_shared>>
      tpu.enqueue_dma source(%arg10 : memref<128x128xf32, #tpu.memory_space<vmem>>) target(%dma_start3A_24 : memref<128x128xf32, #tpu.memory_space<vmem_shared>>) target_semaphore(%run_scoped3A : memref<!tpu.dma_semaphore, #tpu.memory_space<semaphore_mem>>)
      %dma_wait3A = arith.constant 0 : i32
      %dma_wait3A_25 = tpu.memref_slice %arg12[%add3A_7, %dma_wait3A] : memref<10112x128xf32, #tpu.memory_space<vmem_shared>> -> memref<128x128xf32, #tpu.memory_space<vmem_shared>>
      %dma_wait3A_26 = arith.constant 0 : i32
      %dma_wait3A_27 = tpu.memref_slice %arg12[%add3A_7, %dma_wait3A_26] : memref<10112x128xf32, #tpu.memory_space<vmem_shared>> -> memref<128x128xf32, #tpu.memory_space<vmem_shared>>
      tpu.wait_dma2 semaphore(%run_scoped3A : memref<!tpu.dma_semaphore, #tpu.memory_space<semaphore_mem>>) src(%arg10 : memref<128x128xf32, #tpu.memory_space<vmem>>) dst(%dma_wait3A_27 : memref<128x128xf32, #tpu.memory_space<vmem_shared>>)
      tpu.yield
    }) : () -> ()
    %add3A_8 = arith.constant 256 : i32
    %add3A_9 = arith.addi %mul3A_0, %add3A_8 : i32
    "tpu.region"() ({
      %run_scoped3A = tpu.sem_alloc : memref<!tpu.dma_semaphore, #tpu.memory_space<semaphore_mem>>
      %dma_start3A = arith.constant 0 : i32
      %dma_start3A_22 = tpu.memref_slice %arg12[%add3A_9, %dma_start3A] : memref<10112x128xf32, #tpu.memory_space<vmem_shared>> -> memref<128x128xf32, #tpu.memory_space<vmem_shared>>
      %dma_start3A_23 = arith.constant 0 : i32
      %dma_start3A_24 = tpu.memref_slice %arg12[%add3A_9, %dma_start3A_23] : memref<10112x128xf32, #tpu.memory_space<vmem_shared>> -> memref<128x128xf32, #tpu.memory_space<vmem_shared>>
      tpu.enqueue_dma source(%arg10 : memref<128x128xf32, #tpu.memory_space<vmem>>) target(%dma_start3A_24 : memref<128x128xf32, #tpu.memory_space<vmem_shared>>) target_semaphore(%run_scoped3A : memref<!tpu.dma_semaphore, #tpu.memory_space<semaphore_mem>>)
      %dma_wait3A = arith.constant 0 : i32
      %dma_wait3A_25 = tpu.memref_slice %arg12[%add3A_9, %dma_wait3A] : memref<10112x128xf32, #tpu.memory_space<vmem_shared>> -> memref<128x128xf32, #tpu.memory_space<vmem_shared>>
      %dma_wait3A_26 = arith.constant 0 : i32
      %dma_wait3A_27 = tpu.memref_slice %arg12[%add3A_9, %dma_wait3A_26] : memref<10112x128xf32, #tpu.memory_space<vmem_shared>> -> memref<128x128xf32, #tpu.memory_space<vmem_shared>>
      tpu.wait_dma2 semaphore(%run_scoped3A : memref<!tpu.dma_semaphore, #tpu.memory_space<semaphore_mem>>) src(%arg10 : memref<128x128xf32, #tpu.memory_space<vmem>>) dst(%dma_wait3A_27 : memref<128x128xf32, #tpu.memory_space<vmem_shared>>)
      tpu.yield
    }) : () -> ()
    %add3A_10 = arith.constant 384 : i32
    %add3A_11 = arith.addi %mul3A_0, %add3A_10 : i32
    "tpu.region"() ({
      %run_scoped3A = tpu.sem_alloc : memref<!tpu.dma_semaphore, #tpu.memory_space<semaphore_mem>>
      %dma_start3A = arith.constant 0 : i32
      %dma_start3A_22 = tpu.memref_slice %arg12[%add3A_11, %dma_start3A] : memref<10112x128xf32, #tpu.memory_space<vmem_shared>> -> memref<128x128xf32, #tpu.memory_space<vmem_shared>>
      %dma_start3A_23 = arith.constant 0 : i32
      %dma_start3A_24 = tpu.memref_slice %arg12[%add3A_11, %dma_start3A_23] : memref<10112x128xf32, #tpu.memory_space<vmem_shared>> -> memref<128x128xf32, #tpu.memory_space<vmem_shared>>
      tpu.enqueue_dma source(%arg10 : memref<128x128xf32, #tpu.memory_space<vmem>>) target(%dma_start3A_24 : memref<128x128xf32, #tpu.memory_space<vmem_shared>>) target_semaphore(%run_scoped3A : memref<!tpu.dma_semaphore, #tpu.memory_space<semaphore_mem>>)
      %dma_wait3A = arith.constant 0 : i32
      %dma_wait3A_25 = tpu.memref_slice %arg12[%add3A_11, %dma_wait3A] : memref<10112x128xf32, #tpu.memory_space<vmem_shared>> -> memref<128x128xf32, #tpu.memory_space<vmem_shared>>
      %dma_wait3A_26 = arith.constant 0 : i32
      %dma_wait3A_27 = tpu.memref_slice %arg12[%add3A_11, %dma_wait3A_26] : memref<10112x128xf32, #tpu.memory_space<vmem_shared>> -> memref<128x128xf32, #tpu.memory_space<vmem_shared>>
      tpu.wait_dma2 semaphore(%run_scoped3A : memref<!tpu.dma_semaphore, #tpu.memory_space<semaphore_mem>>) src(%arg10 : memref<128x128xf32, #tpu.memory_space<vmem>>) dst(%dma_wait3A_27 : memref<128x128xf32, #tpu.memory_space<vmem_shared>>)
      tpu.yield
    }) : () -> ()
    %add3A_12 = arith.constant 512 : i32
    %add3A_13 = arith.addi %mul3A_0, %add3A_12 : i32
    "tpu.region"() ({
      %run_scoped3A = tpu.sem_alloc : memref<!tpu.dma_semaphore, #tpu.memory_space<semaphore_mem>>
      %dma_start3A = arith.constant 0 : i32
      %dma_start3A_22 = arith.constant 0 : i32
      %dma_start3A_23 = tpu.memref_slice %arg10[%dma_start3A, %dma_start3A_22] : memref<128x128xf32, #tpu.memory_space<vmem>> -> memref<120x128xf32, #tpu.memory_space<vmem>>
      %dma_start3A_24 = arith.constant 0 : i32
      %dma_start3A_25 = tpu.memref_slice %arg12[%add3A_13, %dma_start3A_24] : memref<10112x128xf32, #tpu.memory_space<vmem_shared>> -> memref<120x128xf32, #tpu.memory_space<vmem_shared>>
      %dma_start3A_26 = arith.constant 0 : i32
      %dma_start3A_27 = tpu.memref_slice %arg12[%add3A_13, %dma_start3A_26] : memref<10112x128xf32, #tpu.memory_space<vmem_shared>> -> memref<120x128xf32, #tpu.memory_space<vmem_shared>>
      %dma_start3A_28 = arith.constant 0 : i32
      %dma_start3A_29 = arith.constant 0 : i32
      %dma_start3A_30 = tpu.memref_slice %arg10[%dma_start3A_28, %dma_start3A_29] : memref<128x128xf32, #tpu.memory_space<vmem>> -> memref<120x128xf32, #tpu.memory_space<vmem>>
      tpu.enqueue_dma source(%dma_start3A_30 : memref<120x128xf32, #tpu.memory_space<vmem>>) target(%dma_start3A_27 : memref<120x128xf32, #tpu.memory_space<vmem_shared>>) target_semaphore(%run_scoped3A : memref<!tpu.dma_semaphore, #tpu.memory_space<semaphore_mem>>)
      %dma_wait3A = arith.constant 0 : i32
      %dma_wait3A_31 = arith.constant 0 : i32
      %dma_wait3A_32 = tpu.memref_slice %arg10[%dma_wait3A, %dma_wait3A_31] : memref<128x128xf32, #tpu.memory_space<vmem>> -> memref<120x128xf32, #tpu.memory_space<vmem>>
      %dma_wait3A_33 = arith.constant 0 : i32
      %dma_wait3A_34 = tpu.memref_slice %arg12[%add3A_13, %dma_wait3A_33] : memref<10112x128xf32, #tpu.memory_space<vmem_shared>> -> memref<120x128xf32, #tpu.memory_space<vmem_shared>>
      %dma_wait3A_35 = arith.constant 0 : i32
      %dma_wait3A_36 = tpu.memref_slice %arg12[%add3A_13, %dma_wait3A_35] : memref<10112x128xf32, #tpu.memory_space<vmem_shared>> -> memref<120x128xf32, #tpu.memory_space<vmem_shared>>
      %dma_wait3A_37 = arith.constant 0 : i32
      %dma_wait3A_38 = arith.constant 0 : i32
      %dma_wait3A_39 = tpu.memref_slice %arg10[%dma_wait3A_37, %dma_wait3A_38] : memref<128x128xf32, #tpu.memory_space<vmem>> -> memref<120x128xf32, #tpu.memory_space<vmem>>
      tpu.wait_dma2 semaphore(%run_scoped3A : memref<!tpu.dma_semaphore, #tpu.memory_space<semaphore_mem>>) src(%dma_wait3A_39 : memref<120x128xf32, #tpu.memory_space<vmem>>) dst(%dma_wait3A_36 : memref<120x128xf32, #tpu.memory_space<vmem_shared>>)
      tpu.yield
    }) : () -> ()
    %barrier3A = arith.constant 0 : index
    tpu.barrier barrier_id(%barrier3A)
    %eq3A = arith.constant 0 : i32
    %eq3A_14 = arith.cmpi eq, %arg0, %eq3A : i32
    %convert_element_type3A = arith.extui %eq3A_14 : i1 to i32
    %cond3A = arith.constant 0 : i32
    %cond3A_15 = arith.cmpi ne, %convert_element_type3A, %cond3A : i32
    scf.if %cond3A_15 {
      "tpu.region"() ({
        %run_scoped3A = tpu.sem_alloc : memref<!tpu.dma_semaphore, #tpu.memory_space<semaphore_mem>>
        %dma_start3A_56 = arith.constant 0 : i32
        %dma_start3A_57 = arith.constant 0 : i32
        %dma_start3A_58 = tpu.memref_slice %arg3[%arg1, %dma_start3A_56, %dma_start3A_57] : memref<16x80x128xi32, #tpu.memory_space<hbm>> -> memref<1x40x128xi32, #tpu.memory_space<hbm>>
        %dma_start3A_59 = tpu.memref_squeeze %dma_start3A_58 : memref<1x40x128xi32, #tpu.memory_space<hbm>> -> memref<40x128xi32, #tpu.memory_space<hbm>>
        %dma_start3A_60 = arith.constant 0 : i32
        %dma_start3A_61 = arith.constant 0 : i32
        %dma_start3A_62 = tpu.memref_slice %arg3[%arg1, %dma_start3A_60, %dma_start3A_61] : memref<16x80x128xi32, #tpu.memory_space<hbm>> -> memref<1x40x128xi32, #tpu.memory_space<hbm>>
        %dma_start3A_63 = tpu.memref_squeeze %dma_start3A_62 : memref<1x40x128xi32, #tpu.memory_space<hbm>> -> memref<40x128xi32, #tpu.memory_space<hbm>>
        tpu.enqueue_dma source(%dma_start3A_63 : memref<40x128xi32, #tpu.memory_space<hbm>>) target(%arg8 : memref<40x128xi32, #tpu.memory_space<vmem>>) target_semaphore(%run_scoped3A : memref<!tpu.dma_semaphore, #tpu.memory_space<semaphore_mem>>)
        %dma_wait3A_64 = arith.constant 0 : i32
        %dma_wait3A_65 = arith.constant 0 : i32
        %dma_wait3A_66 = tpu.memref_slice %arg3[%arg1, %dma_wait3A_64, %dma_wait3A_65] : memref<16x80x128xi32, #tpu.memory_space<hbm>> -> memref<1x40x128xi32, #tpu.memory_space<hbm>>
        %dma_wait3A_67 = tpu.memref_squeeze %dma_wait3A_66 : memref<1x40x128xi32, #tpu.memory_space<hbm>> -> memref<40x128xi32, #tpu.memory_space<hbm>>
        %dma_wait3A_68 = arith.constant 0 : i32
        %dma_wait3A_69 = arith.constant 0 : i32
        %dma_wait3A_70 = tpu.memref_slice %arg3[%arg1, %dma_wait3A_68, %dma_wait3A_69] : memref<16x80x128xi32, #tpu.memory_space<hbm>> -> memref<1x40x128xi32, #tpu.memory_space<hbm>>
        %dma_wait3A_71 = tpu.memref_squeeze %dma_wait3A_70 : memref<1x40x128xi32, #tpu.memory_space<hbm>> -> memref<40x128xi32, #tpu.memory_space<hbm>>
        tpu.wait_dma2 semaphore(%run_scoped3A : memref<!tpu.dma_semaphore, #tpu.memory_space<semaphore_mem>>) src(%dma_wait3A_71 : memref<40x128xi32, #tpu.memory_space<hbm>>) dst(%arg8 : memref<40x128xi32, #tpu.memory_space<vmem>>)
        tpu.yield
      }) : () -> ()
      "tpu.region"() ({
        %run_scoped3A = tpu.sem_alloc : memref<!tpu.dma_semaphore, #tpu.memory_space<semaphore_mem>>
        %dma_start3A_56 = arith.constant 0 : i32
        %dma_start3A_57 = arith.constant 0 : i32
        %dma_start3A_58 = tpu.memref_slice %arg4[%arg1, %dma_start3A_56, %dma_start3A_57] : memref<16x80x128xi32, #tpu.memory_space<hbm>> -> memref<1x40x128xi32, #tpu.memory_space<hbm>>
        %dma_start3A_59 = tpu.memref_squeeze %dma_start3A_58 : memref<1x40x128xi32, #tpu.memory_space<hbm>> -> memref<40x128xi32, #tpu.memory_space<hbm>>
        %dma_start3A_60 = arith.constant 0 : i32
        %dma_start3A_61 = arith.constant 0 : i32
        %dma_start3A_62 = tpu.memref_slice %arg4[%arg1, %dma_start3A_60, %dma_start3A_61] : memref<16x80x128xi32, #tpu.memory_space<hbm>> -> memref<1x40x128xi32, #tpu.memory_space<hbm>>
        %dma_start3A_63 = tpu.memref_squeeze %dma_start3A_62 : memref<1x40x128xi32, #tpu.memory_space<hbm>> -> memref<40x128xi32, #tpu.memory_space<hbm>>
        tpu.enqueue_dma source(%dma_start3A_63 : memref<40x128xi32, #tpu.memory_space<hbm>>) target(%arg9 : memref<40x128xi32, #tpu.memory_space<vmem>>) target_semaphore(%run_scoped3A : memref<!tpu.dma_semaphore, #tpu.memory_space<semaphore_mem>>)
        %dma_wait3A_64 = arith.constant 0 : i32
        %dma_wait3A_65 = arith.constant 0 : i32
        %dma_wait3A_66 = tpu.memref_slice %arg4[%arg1, %dma_wait3A_64, %dma_wait3A_65] : memref<16x80x128xi32, #tpu.memory_space<hbm>> -> memref<1x40x128xi32, #tpu.memory_space<hbm>>
        %dma_wait3A_67 = tpu.memref_squeeze %dma_wait3A_66 : memref<1x40x128xi32, #tpu.memory_space<hbm>> -> memref<40x128xi32, #tpu.memory_space<hbm>>
        %dma_wait3A_68 = arith.constant 0 : i32
        %dma_wait3A_69 = arith.constant 0 : i32
        %dma_wait3A_70 = tpu.memref_slice %arg4[%arg1, %dma_wait3A_68, %dma_wait3A_69] : memref<16x80x128xi32, #tpu.memory_space<hbm>> -> memref<1x40x128xi32, #tpu.memory_space<hbm>>
        %dma_wait3A_71 = tpu.memref_squeeze %dma_wait3A_70 : memref<1x40x128xi32, #tpu.memory_space<hbm>> -> memref<40x128xi32, #tpu.memory_space<hbm>>
        tpu.wait_dma2 semaphore(%run_scoped3A : memref<!tpu.dma_semaphore, #tpu.memory_space<semaphore_mem>>) src(%dma_wait3A_71 : memref<40x128xi32, #tpu.memory_space<hbm>>) dst(%arg9 : memref<40x128xi32, #tpu.memory_space<vmem>>)
        tpu.yield
      }) : () -> ()
      %dma_start3A = arith.constant 0 : i32
      %dma_start3A_22 = arith.constant 0 : i32
      %dma_start3A_23 = tpu.memref_slice %arg8[%dma_start3A, %dma_start3A_22] : memref<40x128xi32, #tpu.memory_space<vmem>> -> memref<1x128xi32, #tpu.memory_space<vmem>>
      %dma_start3A_24 = tpu.memref_squeeze %dma_start3A_23 : memref<1x128xi32, #tpu.memory_space<vmem>> -> memref<128xi32, #tpu.memory_space<vmem>>
      %dma_start3A_25 = arith.constant 0 : i32
      %dma_start3A_26 = arith.constant 0 : i32
      %dma_start3A_27 = tpu.memref_slice %arg2[%dma_start3A_25, %dma_start3A_26] : memref<10000x128xf32, #tpu.memory_space<hbm>> -> memref<10000x128xf32, #tpu.memory_space<hbm>>
      tpu.enqueue_indirect_dma source(%dma_start3A_27 : memref<10000x128xf32, #tpu.memory_space<hbm>>) target(%arg10 : memref<128x128xf32, #tpu.memory_space<vmem>>) offsets(%dma_start3A_24 : memref<128xi32, #tpu.memory_space<vmem>>) semaphore(%arg13 : memref<!tpu.dma_semaphore, #tpu.memory_space<semaphore_mem>>)
      %scan3A_28 = arith.constant 0 : i32
      %scan3A_29 = arith.constant 20 : i32
      %scan3A_30 = arith.addi %scan3A_28, %scan3A_29 : i32
      %scan3A_31 = arith.constant 1 : i32
      scf.for %scan3A_56 = %scan3A_28 to %scan3A_30 step %scan3A_31  : i32 {
        %mul3A_57 = arith.constant 2 : i32
        %mul3A_58 = arith.muli %mul3A_57, %scan3A_56 : i32
        %mul3A_59 = arith.constant 2 : i32
        %mul3A_60 = arith.muli %mul3A_59, %scan3A_56 : i32
        %add3A_61 = arith.constant 1 : i32
        %add3A_62 = arith.addi %mul3A_60, %add3A_61 : i32
        %mul3A_63 = arith.constant 2 : i32
        %mul3A_64 = arith.muli %mul3A_63, %scan3A_56 : i32
        %add3A_65 = arith.constant 2 : i32
        %add3A_66 = arith.addi %mul3A_64, %add3A_65 : i32
        %rem3A = arith.constant 40 : i32
        %rem3A_67 = arith.remsi %add3A_66, %rem3A : i32
        %dma_start3A_68 = arith.constant 0 : i32
        %dma_start3A_69 = tpu.memref_slice %arg8[%add3A_62, %dma_start3A_68] : memref<40x128xi32, #tpu.memory_space<vmem>> -> memref<1x128xi32, #tpu.memory_space<vmem>>
        %dma_start3A_70 = tpu.memref_squeeze %dma_start3A_69 : memref<1x128xi32, #tpu.memory_space<vmem>> -> memref<128xi32, #tpu.memory_space<vmem>>
        %dma_start3A_71 = arith.constant 0 : i32
        %dma_start3A_72 = arith.constant 0 : i32
        %dma_start3A_73 = tpu.memref_slice %arg2[%dma_start3A_71, %dma_start3A_72] : memref<10000x128xf32, #tpu.memory_space<hbm>> -> memref<10000x128xf32, #tpu.memory_space<hbm>>
        tpu.enqueue_indirect_dma source(%dma_start3A_73 : memref<10000x128xf32, #tpu.memory_space<hbm>>) target(%arg11 : memref<128x128xf32, #tpu.memory_space<vmem>>) offsets(%dma_start3A_70 : memref<128xi32, #tpu.memory_space<vmem>>) semaphore(%arg14 : memref<!tpu.dma_semaphore, #tpu.memory_space<semaphore_mem>>)
        %dma_wait3A_74 = arith.constant 0 : i32
        %dma_wait3A_75 = arith.constant 0 : i32
        %dma_wait3A_76 = tpu.memref_slice %arg2[%dma_wait3A_74, %dma_wait3A_75] : memref<10000x128xf32, #tpu.memory_space<hbm>> -> memref<128x128xf32, #tpu.memory_space<hbm>>
        %dma_wait3A_77 = arith.constant 0 : i32
        %dma_wait3A_78 = arith.constant 0 : i32
        %dma_wait3A_79 = tpu.memref_slice %arg2[%dma_wait3A_77, %dma_wait3A_78] : memref<10000x128xf32, #tpu.memory_space<hbm>> -> memref<128x128xf32, #tpu.memory_space<hbm>>
        tpu.wait_dma2 semaphore(%arg13 : memref<!tpu.dma_semaphore, #tpu.memory_space<semaphore_mem>>) src(%dma_wait3A_79 : memref<128x128xf32, #tpu.memory_space<hbm>>) dst(%arg10 : memref<128x128xf32, #tpu.memory_space<vmem>>)
        "tpu.region"() ({
          %run_scoped3A = tpu.sem_alloc : memref<!tpu.dma_semaphore, #tpu.memory_space<semaphore_mem>>
          %dma_start3A_92 = arith.constant 0 : i32
          %dma_start3A_93 = tpu.memref_slice %arg9[%mul3A_58, %dma_start3A_92] : memref<40x128xi32, #tpu.memory_space<vmem>> -> memref<1x128xi32, #tpu.memory_space<vmem>>
          %dma_start3A_94 = tpu.memref_squeeze %dma_start3A_93 : memref<1x128xi32, #tpu.memory_space<vmem>> -> memref<128xi32, #tpu.memory_space<vmem>>
          %dma_start3A_95 = arith.constant 0 : i32
          %dma_start3A_96 = arith.constant 0 : i32
          %dma_start3A_97 = tpu.memref_slice %arg12[%dma_start3A_95, %dma_start3A_96] : memref<10112x128xf32, #tpu.memory_space<vmem_shared>> -> memref<10112x128xf32, #tpu.memory_space<vmem_shared>>
          tpu.enqueue_indirect_dma source(%arg10 : memref<128x128xf32, #tpu.memory_space<vmem>>) target(%dma_start3A_97 : memref<10112x128xf32, #tpu.memory_space<vmem_shared>>) offsets(%dma_start3A_94 : memref<128xi32, #tpu.memory_space<vmem>>) semaphore(%run_scoped3A : memref<!tpu.dma_semaphore, #tpu.memory_space<semaphore_mem>>) {add = true}
          %dma_wait3A_98 = arith.constant 0 : i32
          %dma_wait3A_99 = tpu.memref_slice %arg9[%mul3A_58, %dma_wait3A_98] : memref<40x128xi32, #tpu.memory_space<vmem>> -> memref<1x128xi32, #tpu.memory_space<vmem>>
          %dma_wait3A_100 = tpu.memref_squeeze %dma_wait3A_99 : memref<1x128xi32, #tpu.memory_space<vmem>> -> memref<128xi32, #tpu.memory_space<vmem>>
          %dma_wait3A_101 = arith.constant 0 : i32
          %dma_wait3A_102 = arith.constant 0 : i32
          %dma_wait3A_103 = tpu.memref_slice %arg12[%dma_wait3A_101, %dma_wait3A_102] : memref<10112x128xf32, #tpu.memory_space<vmem_shared>> -> memref<10112x128xf32, #tpu.memory_space<vmem_shared>>
          tpu.wait_indirect_dma semaphore(%run_scoped3A : memref<!tpu.dma_semaphore, #tpu.memory_space<semaphore_mem>>) src(%arg10 : memref<128x128xf32, #tpu.memory_space<vmem>>) dst(%dma_wait3A_103 : memref<10112x128xf32, #tpu.memory_space<vmem_shared>>)
          tpu.yield
        }) : () -> ()
        %dma_start3A_80 = arith.constant 0 : i32
        %dma_start3A_81 = tpu.memref_slice %arg8[%rem3A_67, %dma_start3A_80] : memref<40x128xi32, #tpu.memory_space<vmem>> -> memref<1x128xi32, #tpu.memory_space<vmem>>
        %dma_start3A_82 = tpu.memref_squeeze %dma_start3A_81 : memref<1x128xi32, #tpu.memory_space<vmem>> -> memref<128xi32, #tpu.memory_space<vmem>>
        %dma_start3A_83 = arith.constant 0 : i32
        %dma_start3A_84 = arith.constant 0 : i32
        %dma_start3A_85 = tpu.memref_slice %arg2[%dma_start3A_83, %dma_start3A_84] : memref<10000x128xf32, #tpu.memory_space<hbm>> -> memref<10000x128xf32, #tpu.memory_space<hbm>>
        tpu.enqueue_indirect_dma source(%dma_start3A_85 : memref<10000x128xf32, #tpu.memory_space<hbm>>) target(%arg10 : memref<128x128xf32, #tpu.memory_space<vmem>>) offsets(%dma_start3A_82 : memref<128xi32, #tpu.memory_space<vmem>>) semaphore(%arg13 : memref<!tpu.dma_semaphore, #tpu.memory_space<semaphore_mem>>)
        %dma_wait3A_86 = arith.constant 0 : i32
        %dma_wait3A_87 = tpu.memref_slice %arg8[%add3A_62, %dma_wait3A_86] : memref<40x128xi32, #tpu.memory_space<vmem>> -> memref<1x128xi32, #tpu.memory_space<vmem>>
        %dma_wait3A_88 = tpu.memref_squeeze %dma_wait3A_87 : memref<1x128xi32, #tpu.memory_space<vmem>> -> memref<128xi32, #tpu.memory_space<vmem>>
        %dma_wait3A_89 = arith.constant 0 : i32
        %dma_wait3A_90 = arith.constant 0 : i32
        %dma_wait3A_91 = tpu.memref_slice %arg2[%dma_wait3A_89, %dma_wait3A_90] : memref<10000x128xf32, #tpu.memory_space<hbm>> -> memref<10000x128xf32, #tpu.memory_space<hbm>>
        tpu.wait_indirect_dma semaphore(%arg14 : memref<!tpu.dma_semaphore, #tpu.memory_space<semaphore_mem>>) src(%dma_wait3A_91 : memref<10000x128xf32, #tpu.memory_space<hbm>>) dst(%arg11 : memref<128x128xf32, #tpu.memory_space<vmem>>)
        "tpu.region"() ({
          %run_scoped3A = tpu.sem_alloc : memref<!tpu.dma_semaphore, #tpu.memory_space<semaphore_mem>>
          %dma_start3A_92 = arith.constant 0 : i32
          %dma_start3A_93 = tpu.memref_slice %arg9[%add3A_62, %dma_start3A_92] : memref<40x128xi32, #tpu.memory_space<vmem>> -> memref<1x128xi32, #tpu.memory_space<vmem>>
          %dma_start3A_94 = tpu.memref_squeeze %dma_start3A_93 : memref<1x128xi32, #tpu.memory_space<vmem>> -> memref<128xi32, #tpu.memory_space<vmem>>
          %dma_start3A_95 = arith.constant 0 : i32
          %dma_start3A_96 = arith.constant 0 : i32
          %dma_start3A_97 = tpu.memref_slice %arg12[%dma_start3A_95, %dma_start3A_96] : memref<10112x128xf32, #tpu.memory_space<vmem_shared>> -> memref<10112x128xf32, #tpu.memory_space<vmem_shared>>
          tpu.enqueue_indirect_dma source(%arg11 : memref<128x128xf32, #tpu.memory_space<vmem>>) target(%dma_start3A_97 : memref<10112x128xf32, #tpu.memory_space<vmem_shared>>) offsets(%dma_start3A_94 : memref<128xi32, #tpu.memory_space<vmem>>) semaphore(%run_scoped3A : memref<!tpu.dma_semaphore, #tpu.memory_space<semaphore_mem>>) {add = true}
          %dma_wait3A_98 = arith.constant 0 : i32
          %dma_wait3A_99 = tpu.memref_slice %arg9[%add3A_62, %dma_wait3A_98] : memref<40x128xi32, #tpu.memory_space<vmem>> -> memref<1x128xi32, #tpu.memory_space<vmem>>
          %dma_wait3A_100 = tpu.memref_squeeze %dma_wait3A_99 : memref<1x128xi32, #tpu.memory_space<vmem>> -> memref<128xi32, #tpu.memory_space<vmem>>
          %dma_wait3A_101 = arith.constant 0 : i32
          %dma_wait3A_102 = arith.constant 0 : i32
          %dma_wait3A_103 = tpu.memref_slice %arg12[%dma_wait3A_101, %dma_wait3A_102] : memref<10112x128xf32, #tpu.memory_space<vmem_shared>> -> memref<10112x128xf32, #tpu.memory_space<vmem_shared>>
          tpu.wait_indirect_dma semaphore(%run_scoped3A : memref<!tpu.dma_semaphore, #tpu.memory_space<semaphore_mem>>) src(%arg11 : memref<128x128xf32, #tpu.memory_space<vmem>>) dst(%dma_wait3A_103 : memref<10112x128xf32, #tpu.memory_space<vmem_shared>>)
          tpu.yield
        }) : () -> ()
      }
      %scan3A_32 = arith.constant 20 : i32
      %dma_wait3A = arith.constant 0 : i32
      %dma_wait3A_33 = arith.constant 0 : i32
      %dma_wait3A_34 = tpu.memref_slice %arg2[%dma_wait3A, %dma_wait3A_33] : memref<10000x128xf32, #tpu.memory_space<hbm>> -> memref<128x128xf32, #tpu.memory_space<hbm>>
      %dma_wait3A_35 = arith.constant 0 : i32
      %dma_wait3A_36 = arith.constant 0 : i32
      %dma_wait3A_37 = tpu.memref_slice %arg2[%dma_wait3A_35, %dma_wait3A_36] : memref<10000x128xf32, #tpu.memory_space<hbm>> -> memref<128x128xf32, #tpu.memory_space<hbm>>
      tpu.wait_dma2 semaphore(%arg13 : memref<!tpu.dma_semaphore, #tpu.memory_space<semaphore_mem>>) src(%dma_wait3A_37 : memref<128x128xf32, #tpu.memory_space<hbm>>) dst(%arg10 : memref<128x128xf32, #tpu.memory_space<vmem>>)
      "tpu.region"() ({
        %run_scoped3A = tpu.sem_alloc : memref<!tpu.dma_semaphore, #tpu.memory_space<semaphore_mem>>
        %dma_start3A_56 = arith.constant 40 : i32
        %dma_start3A_57 = arith.constant 0 : i32
        %dma_start3A_58 = tpu.memref_slice %arg3[%arg1, %dma_start3A_56, %dma_start3A_57] : memref<16x80x128xi32, #tpu.memory_space<hbm>> -> memref<1x40x128xi32, #tpu.memory_space<hbm>>
        %dma_start3A_59 = tpu.memref_squeeze %dma_start3A_58 : memref<1x40x128xi32, #tpu.memory_space<hbm>> -> memref<40x128xi32, #tpu.memory_space<hbm>>
        %dma_start3A_60 = arith.constant 40 : i32
        %dma_start3A_61 = arith.constant 0 : i32
        %dma_start3A_62 = tpu.memref_slice %arg3[%arg1, %dma_start3A_60, %dma_start3A_61] : memref<16x80x128xi32, #tpu.memory_space<hbm>> -> memref<1x40x128xi32, #tpu.memory_space<hbm>>
        %dma_start3A_63 = tpu.memref_squeeze %dma_start3A_62 : memref<1x40x128xi32, #tpu.memory_space<hbm>> -> memref<40x128xi32, #tpu.memory_space<hbm>>
        tpu.enqueue_dma source(%dma_start3A_63 : memref<40x128xi32, #tpu.memory_space<hbm>>) target(%arg8 : memref<40x128xi32, #tpu.memory_space<vmem>>) target_semaphore(%run_scoped3A : memref<!tpu.dma_semaphore, #tpu.memory_space<semaphore_mem>>)
        %dma_wait3A_64 = arith.constant 40 : i32
        %dma_wait3A_65 = arith.constant 0 : i32
        %dma_wait3A_66 = tpu.memref_slice %arg3[%arg1, %dma_wait3A_64, %dma_wait3A_65] : memref<16x80x128xi32, #tpu.memory_space<hbm>> -> memref<1x40x128xi32, #tpu.memory_space<hbm>>
        %dma_wait3A_67 = tpu.memref_squeeze %dma_wait3A_66 : memref<1x40x128xi32, #tpu.memory_space<hbm>> -> memref<40x128xi32, #tpu.memory_space<hbm>>
        %dma_wait3A_68 = arith.constant 40 : i32
        %dma_wait3A_69 = arith.constant 0 : i32
        %dma_wait3A_70 = tpu.memref_slice %arg3[%arg1, %dma_wait3A_68, %dma_wait3A_69] : memref<16x80x128xi32, #tpu.memory_space<hbm>> -> memref<1x40x128xi32, #tpu.memory_space<hbm>>
        %dma_wait3A_71 = tpu.memref_squeeze %dma_wait3A_70 : memref<1x40x128xi32, #tpu.memory_space<hbm>> -> memref<40x128xi32, #tpu.memory_space<hbm>>
        tpu.wait_dma2 semaphore(%run_scoped3A : memref<!tpu.dma_semaphore, #tpu.memory_space<semaphore_mem>>) src(%dma_wait3A_71 : memref<40x128xi32, #tpu.memory_space<hbm>>) dst(%arg8 : memref<40x128xi32, #tpu.memory_space<vmem>>)
        tpu.yield
      }) : () -> ()
      "tpu.region"() ({
        %run_scoped3A = tpu.sem_alloc : memref<!tpu.dma_semaphore, #tpu.memory_space<semaphore_mem>>
        %dma_start3A_56 = arith.constant 40 : i32
        %dma_start3A_57 = arith.constant 0 : i32
        %dma_start3A_58 = tpu.memref_slice %arg4[%arg1, %dma_start3A_56, %dma_start3A_57] : memref<16x80x128xi32, #tpu.memory_space<hbm>> -> memref<1x40x128xi32, #tpu.memory_space<hbm>>
        %dma_start3A_59 = tpu.memref_squeeze %dma_start3A_58 : memref<1x40x128xi32, #tpu.memory_space<hbm>> -> memref<40x128xi32, #tpu.memory_space<hbm>>
        %dma_start3A_60 = arith.constant 40 : i32
        %dma_start3A_61 = arith.constant 0 : i32
        %dma_start3A_62 = tpu.memref_slice %arg4[%arg1, %dma_start3A_60, %dma_start3A_61] : memref<16x80x128xi32, #tpu.memory_space<hbm>> -> memref<1x40x128xi32, #tpu.memory_space<hbm>>
        %dma_start3A_63 = tpu.memref_squeeze %dma_start3A_62 : memref<1x40x128xi32, #tpu.memory_space<hbm>> -> memref<40x128xi32, #tpu.memory_space<hbm>>
        tpu.enqueue_dma source(%dma_start3A_63 : memref<40x128xi32, #tpu.memory_space<hbm>>) target(%arg9 : memref<40x128xi32, #tpu.memory_space<vmem>>) target_semaphore(%run_scoped3A : memref<!tpu.dma_semaphore, #tpu.memory_space<semaphore_mem>>)
        %dma_wait3A_64 = arith.constant 40 : i32
        %dma_wait3A_65 = arith.constant 0 : i32
        %dma_wait3A_66 = tpu.memref_slice %arg4[%arg1, %dma_wait3A_64, %dma_wait3A_65] : memref<16x80x128xi32, #tpu.memory_space<hbm>> -> memref<1x40x128xi32, #tpu.memory_space<hbm>>
        %dma_wait3A_67 = tpu.memref_squeeze %dma_wait3A_66 : memref<1x40x128xi32, #tpu.memory_space<hbm>> -> memref<40x128xi32, #tpu.memory_space<hbm>>
        %dma_wait3A_68 = arith.constant 40 : i32
        %dma_wait3A_69 = arith.constant 0 : i32
        %dma_wait3A_70 = tpu.memref_slice %arg4[%arg1, %dma_wait3A_68, %dma_wait3A_69] : memref<16x80x128xi32, #tpu.memory_space<hbm>> -> memref<1x40x128xi32, #tpu.memory_space<hbm>>
        %dma_wait3A_71 = tpu.memref_squeeze %dma_wait3A_70 : memref<1x40x128xi32, #tpu.memory_space<hbm>> -> memref<40x128xi32, #tpu.memory_space<hbm>>
        tpu.wait_dma2 semaphore(%run_scoped3A : memref<!tpu.dma_semaphore, #tpu.memory_space<semaphore_mem>>) src(%dma_wait3A_71 : memref<40x128xi32, #tpu.memory_space<hbm>>) dst(%arg9 : memref<40x128xi32, #tpu.memory_space<vmem>>)
        tpu.yield
      }) : () -> ()
      %dma_start3A_38 = arith.constant 0 : i32
      %dma_start3A_39 = arith.constant 0 : i32
      %dma_start3A_40 = tpu.memref_slice %arg8[%dma_start3A_38, %dma_start3A_39] : memref<40x128xi32, #tpu.memory_space<vmem>> -> memref<1x128xi32, #tpu.memory_space<vmem>>
      %dma_start3A_41 = tpu.memref_squeeze %dma_start3A_40 : memref<1x128xi32, #tpu.memory_space<vmem>> -> memref<128xi32, #tpu.memory_space<vmem>>
      %dma_start3A_42 = arith.constant 0 : i32
      %dma_start3A_43 = arith.constant 0 : i32
      %dma_start3A_44 = tpu.memref_slice %arg2[%dma_start3A_42, %dma_start3A_43] : memref<10000x128xf32, #tpu.memory_space<hbm>> -> memref<10000x128xf32, #tpu.memory_space<hbm>>
      tpu.enqueue_indirect_dma source(%dma_start3A_44 : memref<10000x128xf32, #tpu.memory_space<hbm>>) target(%arg10 : memref<128x128xf32, #tpu.memory_space<vmem>>) offsets(%dma_start3A_41 : memref<128xi32, #tpu.memory_space<vmem>>) semaphore(%arg13 : memref<!tpu.dma_semaphore, #tpu.memory_space<semaphore_mem>>)
      %scan3A_45 = arith.constant 0 : i32
      %scan3A_46 = arith.constant 20 : i32
      %scan3A_47 = arith.addi %scan3A_45, %scan3A_46 : i32
      %scan3A_48 = arith.constant 1 : i32
      scf.for %scan3A_56 = %scan3A_45 to %scan3A_47 step %scan3A_48  : i32 {
        %mul3A_57 = arith.constant 2 : i32
        %mul3A_58 = arith.muli %mul3A_57, %scan3A_56 : i32
        %mul3A_59 = arith.constant 2 : i32
        %mul3A_60 = arith.muli %mul3A_59, %scan3A_56 : i32
        %add3A_61 = arith.constant 1 : i32
        %add3A_62 = arith.addi %mul3A_60, %add3A_61 : i32
        %mul3A_63 = arith.constant 2 : i32
        %mul3A_64 = arith.muli %mul3A_63, %scan3A_56 : i32
        %add3A_65 = arith.constant 2 : i32
        %add3A_66 = arith.addi %mul3A_64, %add3A_65 : i32
        %rem3A = arith.constant 40 : i32
        %rem3A_67 = arith.remsi %add3A_66, %rem3A : i32
        %dma_start3A_68 = arith.constant 0 : i32
        %dma_start3A_69 = tpu.memref_slice %arg8[%add3A_62, %dma_start3A_68] : memref<40x128xi32, #tpu.memory_space<vmem>> -> memref<1x128xi32, #tpu.memory_space<vmem>>
        %dma_start3A_70 = tpu.memref_squeeze %dma_start3A_69 : memref<1x128xi32, #tpu.memory_space<vmem>> -> memref<128xi32, #tpu.memory_space<vmem>>
        %dma_start3A_71 = arith.constant 0 : i32
        %dma_start3A_72 = arith.constant 0 : i32
        %dma_start3A_73 = tpu.memref_slice %arg2[%dma_start3A_71, %dma_start3A_72] : memref<10000x128xf32, #tpu.memory_space<hbm>> -> memref<10000x128xf32, #tpu.memory_space<hbm>>
        tpu.enqueue_indirect_dma source(%dma_start3A_73 : memref<10000x128xf32, #tpu.memory_space<hbm>>) target(%arg11 : memref<128x128xf32, #tpu.memory_space<vmem>>) offsets(%dma_start3A_70 : memref<128xi32, #tpu.memory_space<vmem>>) semaphore(%arg14 : memref<!tpu.dma_semaphore, #tpu.memory_space<semaphore_mem>>)
        %dma_wait3A_74 = arith.constant 0 : i32
        %dma_wait3A_75 = arith.constant 0 : i32
        %dma_wait3A_76 = tpu.memref_slice %arg2[%dma_wait3A_74, %dma_wait3A_75] : memref<10000x128xf32, #tpu.memory_space<hbm>> -> memref<128x128xf32, #tpu.memory_space<hbm>>
        %dma_wait3A_77 = arith.constant 0 : i32
        %dma_wait3A_78 = arith.constant 0 : i32
        %dma_wait3A_79 = tpu.memref_slice %arg2[%dma_wait3A_77, %dma_wait3A_78] : memref<10000x128xf32, #tpu.memory_space<hbm>> -> memref<128x128xf32, #tpu.memory_space<hbm>>
        tpu.wait_dma2 semaphore(%arg13 : memref<!tpu.dma_semaphore, #tpu.memory_space<semaphore_mem>>) src(%dma_wait3A_79 : memref<128x128xf32, #tpu.memory_space<hbm>>) dst(%arg10 : memref<128x128xf32, #tpu.memory_space<vmem>>)
        "tpu.region"() ({
          %run_scoped3A = tpu.sem_alloc : memref<!tpu.dma_semaphore, #tpu.memory_space<semaphore_mem>>
          %dma_start3A_92 = arith.constant 0 : i32
          %dma_start3A_93 = tpu.memref_slice %arg9[%mul3A_58, %dma_start3A_92] : memref<40x128xi32, #tpu.memory_space<vmem>> -> memref<1x128xi32, #tpu.memory_space<vmem>>
          %dma_start3A_94 = tpu.memref_squeeze %dma_start3A_93 : memref<1x128xi32, #tpu.memory_space<vmem>> -> memref<128xi32, #tpu.memory_space<vmem>>
          %dma_start3A_95 = arith.constant 0 : i32
          %dma_start3A_96 = arith.constant 0 : i32
          %dma_start3A_97 = tpu.memref_slice %arg12[%dma_start3A_95, %dma_start3A_96] : memref<10112x128xf32, #tpu.memory_space<vmem_shared>> -> memref<10112x128xf32, #tpu.memory_space<vmem_shared>>
          tpu.enqueue_indirect_dma source(%arg10 : memref<128x128xf32, #tpu.memory_space<vmem>>) target(%dma_start3A_97 : memref<10112x128xf32, #tpu.memory_space<vmem_shared>>) offsets(%dma_start3A_94 : memref<128xi32, #tpu.memory_space<vmem>>) semaphore(%run_scoped3A : memref<!tpu.dma_semaphore, #tpu.memory_space<semaphore_mem>>) {add = true}
          %dma_wait3A_98 = arith.constant 0 : i32
          %dma_wait3A_99 = tpu.memref_slice %arg9[%mul3A_58, %dma_wait3A_98] : memref<40x128xi32, #tpu.memory_space<vmem>> -> memref<1x128xi32, #tpu.memory_space<vmem>>
          %dma_wait3A_100 = tpu.memref_squeeze %dma_wait3A_99 : memref<1x128xi32, #tpu.memory_space<vmem>> -> memref<128xi32, #tpu.memory_space<vmem>>
          %dma_wait3A_101 = arith.constant 0 : i32
          %dma_wait3A_102 = arith.constant 0 : i32
          %dma_wait3A_103 = tpu.memref_slice %arg12[%dma_wait3A_101, %dma_wait3A_102] : memref<10112x128xf32, #tpu.memory_space<vmem_shared>> -> memref<10112x128xf32, #tpu.memory_space<vmem_shared>>
          tpu.wait_indirect_dma semaphore(%run_scoped3A : memref<!tpu.dma_semaphore, #tpu.memory_space<semaphore_mem>>) src(%arg10 : memref<128x128xf32, #tpu.memory_space<vmem>>) dst(%dma_wait3A_103 : memref<10112x128xf32, #tpu.memory_space<vmem_shared>>)
          tpu.yield
        }) : () -> ()
        %dma_start3A_80 = arith.constant 0 : i32
        %dma_start3A_81 = tpu.memref_slice %arg8[%rem3A_67, %dma_start3A_80] : memref<40x128xi32, #tpu.memory_space<vmem>> -> memref<1x128xi32, #tpu.memory_space<vmem>>
        %dma_start3A_82 = tpu.memref_squeeze %dma_start3A_81 : memref<1x128xi32, #tpu.memory_space<vmem>> -> memref<128xi32, #tpu.memory_space<vmem>>
        %dma_start3A_83 = arith.constant 0 : i32
        %dma_start3A_84 = arith.constant 0 : i32
        %dma_start3A_85 = tpu.memref_slice %arg2[%dma_start3A_83, %dma_start3A_84] : memref<10000x128xf32, #tpu.memory_space<hbm>> -> memref<10000x128xf32, #tpu.memory_space<hbm>>
        tpu.enqueue_indirect_dma source(%dma_start3A_85 : memref<10000x128xf32, #tpu.memory_space<hbm>>) target(%arg10 : memref<128x128xf32, #tpu.memory_space<vmem>>) offsets(%dma_start3A_82 : memref<128xi32, #tpu.memory_space<vmem>>) semaphore(%arg13 : memref<!tpu.dma_semaphore, #tpu.memory_space<semaphore_mem>>)
        %dma_wait3A_86 = arith.constant 0 : i32
        %dma_wait3A_87 = tpu.memref_slice %arg8[%add3A_62, %dma_wait3A_86] : memref<40x128xi32, #tpu.memory_space<vmem>> -> memref<1x128xi32, #tpu.memory_space<vmem>>
        %dma_wait3A_88 = tpu.memref_squeeze %dma_wait3A_87 : memref<1x128xi32, #tpu.memory_space<vmem>> -> memref<128xi32, #tpu.memory_space<vmem>>
        %dma_wait3A_89 = arith.constant 0 : i32
        %dma_wait3A_90 = arith.constant 0 : i32
        %dma_wait3A_91 = tpu.memref_slice %arg2[%dma_wait3A_89, %dma_wait3A_90] : memref<10000x128xf32, #tpu.memory_space<hbm>> -> memref<10000x128xf32, #tpu.memory_space<hbm>>
        tpu.wait_indirect_dma semaphore(%arg14 : memref<!tpu.dma_semaphore, #tpu.memory_space<semaphore_mem>>) src(%dma_wait3A_91 : memref<10000x128xf32, #tpu.memory_space<hbm>>) dst(%arg11 : memref<128x128xf32, #tpu.memory_space<vmem>>)
        "tpu.region"() ({
          %run_scoped3A = tpu.sem_alloc : memref<!tpu.dma_semaphore, #tpu.memory_space<semaphore_mem>>
          %dma_start3A_92 = arith.constant 0 : i32
          %dma_start3A_93 = tpu.memref_slice %arg9[%add3A_62, %dma_start3A_92] : memref<40x128xi32, #tpu.memory_space<vmem>> -> memref<1x128xi32, #tpu.memory_space<vmem>>
          %dma_start3A_94 = tpu.memref_squeeze %dma_start3A_93 : memref<1x128xi32, #tpu.memory_space<vmem>> -> memref<128xi32, #tpu.memory_space<vmem>>
          %dma_start3A_95 = arith.constant 0 : i32
          %dma_start3A_96 = arith.constant 0 : i32
          %dma_start3A_97 = tpu.memref_slice %arg12[%dma_start3A_95, %dma_start3A_96] : memref<10112x128xf32, #tpu.memory_space<vmem_shared>> -> memref<10112x128xf32, #tpu.memory_space<vmem_shared>>
          tpu.enqueue_indirect_dma source(%arg11 : memref<128x128xf32, #tpu.memory_space<vmem>>) target(%dma_start3A_97 : memref<10112x128xf32, #tpu.memory_space<vmem_shared>>) offsets(%dma_start3A_94 : memref<128xi32, #tpu.memory_space<vmem>>) semaphore(%run_scoped3A : memref<!tpu.dma_semaphore, #tpu.memory_space<semaphore_mem>>) {add = true}
          %dma_wait3A_98 = arith.constant 0 : i32
          %dma_wait3A_99 = tpu.memref_slice %arg9[%add3A_62, %dma_wait3A_98] : memref<40x128xi32, #tpu.memory_space<vmem>> -> memref<1x128xi32, #tpu.memory_space<vmem>>
          %dma_wait3A_100 = tpu.memref_squeeze %dma_wait3A_99 : memref<1x128xi32, #tpu.memory_space<vmem>> -> memref<128xi32, #tpu.memory_space<vmem>>
          %dma_wait3A_101 = arith.constant 0 : i32
          %dma_wait3A_102 = arith.constant 0 : i32
          %dma_wait3A_103 = tpu.memref_slice %arg12[%dma_wait3A_101, %dma_wait3A_102] : memref<10112x128xf32, #tpu.memory_space<vmem_shared>> -> memref<10112x128xf32, #tpu.memory_space<vmem_shared>>
          tpu.wait_indirect_dma semaphore(%run_scoped3A : memref<!tpu.dma_semaphore, #tpu.memory_space<semaphore_mem>>) src(%arg11 : memref<128x128xf32, #tpu.memory_space<vmem>>) dst(%dma_wait3A_103 : memref<10112x128xf32, #tpu.memory_space<vmem_shared>>)
          tpu.yield
        }) : () -> ()
      }
      %scan3A_49 = arith.constant 20 : i32
      %dma_wait3A_50 = arith.constant 0 : i32
      %dma_wait3A_51 = arith.constant 0 : i32
      %dma_wait3A_52 = tpu.memref_slice %arg2[%dma_wait3A_50, %dma_wait3A_51] : memref<10000x128xf32, #tpu.memory_space<hbm>> -> memref<128x128xf32, #tpu.memory_space<hbm>>
      %dma_wait3A_53 = arith.constant 0 : i32
      %dma_wait3A_54 = arith.constant 0 : i32
      %dma_wait3A_55 = tpu.memref_slice %arg2[%dma_wait3A_53, %dma_wait3A_54] : memref<10000x128xf32, #tpu.memory_space<hbm>> -> memref<128x128xf32, #tpu.memory_space<hbm>>
      tpu.wait_dma2 semaphore(%arg13 : memref<!tpu.dma_semaphore, #tpu.memory_space<semaphore_mem>>) src(%dma_wait3A_55 : memref<128x128xf32, #tpu.memory_space<hbm>>) dst(%arg10 : memref<128x128xf32, #tpu.memory_space<vmem>>)
    } else {
    }
    %eq3A_16 = arith.constant 1 : i32
    %eq3A_17 = arith.cmpi eq, %arg0, %eq3A_16 : i32
    %convert_element_type3A_18 = arith.extui %eq3A_17 : i1 to i32
    %cond3A_19 = arith.constant 0 : i32
    %cond3A_20 = arith.cmpi ne, %convert_element_type3A_18, %cond3A_19 : i32
    scf.if %cond3A_20 {
      "tpu.region"() ({
        %run_scoped3A = tpu.sem_alloc : memref<!tpu.dma_semaphore, #tpu.memory_space<semaphore_mem>>
        %dma_start3A_56 = arith.constant 0 : i32
        %dma_start3A_57 = arith.constant 0 : i32
        %dma_start3A_58 = tpu.memref_slice %arg5[%arg1, %dma_start3A_56, %dma_start3A_57] : memref<16x80x128xi32, #tpu.memory_space<hbm>> -> memref<1x40x128xi32, #tpu.memory_space<hbm>>
        %dma_start3A_59 = tpu.memref_squeeze %dma_start3A_58 : memref<1x40x128xi32, #tpu.memory_space<hbm>> -> memref<40x128xi32, #tpu.memory_space<hbm>>
        %dma_start3A_60 = arith.constant 0 : i32
        %dma_start3A_61 = arith.constant 0 : i32
        %dma_start3A_62 = tpu.memref_slice %arg5[%arg1, %dma_start3A_60, %dma_start3A_61] : memref<16x80x128xi32, #tpu.memory_space<hbm>> -> memref<1x40x128xi32, #tpu.memory_space<hbm>>
        %dma_start3A_63 = tpu.memref_squeeze %dma_start3A_62 : memref<1x40x128xi32, #tpu.memory_space<hbm>> -> memref<40x128xi32, #tpu.memory_space<hbm>>
        tpu.enqueue_dma source(%dma_start3A_63 : memref<40x128xi32, #tpu.memory_space<hbm>>) target(%arg8 : memref<40x128xi32, #tpu.memory_space<vmem>>) target_semaphore(%run_scoped3A : memref<!tpu.dma_semaphore, #tpu.memory_space<semaphore_mem>>)
        %dma_wait3A_64 = arith.constant 0 : i32
        %dma_wait3A_65 = arith.constant 0 : i32
        %dma_wait3A_66 = tpu.memref_slice %arg5[%arg1, %dma_wait3A_64, %dma_wait3A_65] : memref<16x80x128xi32, #tpu.memory_space<hbm>> -> memref<1x40x128xi32, #tpu.memory_space<hbm>>
        %dma_wait3A_67 = tpu.memref_squeeze %dma_wait3A_66 : memref<1x40x128xi32, #tpu.memory_space<hbm>> -> memref<40x128xi32, #tpu.memory_space<hbm>>
        %dma_wait3A_68 = arith.constant 0 : i32
        %dma_wait3A_69 = arith.constant 0 : i32
        %dma_wait3A_70 = tpu.memref_slice %arg5[%arg1, %dma_wait3A_68, %dma_wait3A_69] : memref<16x80x128xi32, #tpu.memory_space<hbm>> -> memref<1x40x128xi32, #tpu.memory_space<hbm>>
        %dma_wait3A_71 = tpu.memref_squeeze %dma_wait3A_70 : memref<1x40x128xi32, #tpu.memory_space<hbm>> -> memref<40x128xi32, #tpu.memory_space<hbm>>
        tpu.wait_dma2 semaphore(%run_scoped3A : memref<!tpu.dma_semaphore, #tpu.memory_space<semaphore_mem>>) src(%dma_wait3A_71 : memref<40x128xi32, #tpu.memory_space<hbm>>) dst(%arg8 : memref<40x128xi32, #tpu.memory_space<vmem>>)
        tpu.yield
      }) : () -> ()
      "tpu.region"() ({
        %run_scoped3A = tpu.sem_alloc : memref<!tpu.dma_semaphore, #tpu.memory_space<semaphore_mem>>
        %dma_start3A_56 = arith.constant 0 : i32
        %dma_start3A_57 = arith.constant 0 : i32
        %dma_start3A_58 = tpu.memref_slice %arg6[%arg1, %dma_start3A_56, %dma_start3A_57] : memref<16x80x128xi32, #tpu.memory_space<hbm>> -> memref<1x40x128xi32, #tpu.memory_space<hbm>>
        %dma_start3A_59 = tpu.memref_squeeze %dma_start3A_58 : memref<1x40x128xi32, #tpu.memory_space<hbm>> -> memref<40x128xi32, #tpu.memory_space<hbm>>
        %dma_start3A_60 = arith.constant 0 : i32
        %dma_start3A_61 = arith.constant 0 : i32
        %dma_start3A_62 = tpu.memref_slice %arg6[%arg1, %dma_start3A_60, %dma_start3A_61] : memref<16x80x128xi32, #tpu.memory_space<hbm>> -> memref<1x40x128xi32, #tpu.memory_space<hbm>>
        %dma_start3A_63 = tpu.memref_squeeze %dma_start3A_62 : memref<1x40x128xi32, #tpu.memory_space<hbm>> -> memref<40x128xi32, #tpu.memory_space<hbm>>
        tpu.enqueue_dma source(%dma_start3A_63 : memref<40x128xi32, #tpu.memory_space<hbm>>) target(%arg9 : memref<40x128xi32, #tpu.memory_space<vmem>>) target_semaphore(%run_scoped3A : memref<!tpu.dma_semaphore, #tpu.memory_space<semaphore_mem>>)
        %dma_wait3A_64 = arith.constant 0 : i32
        %dma_wait3A_65 = arith.constant 0 : i32
        %dma_wait3A_66 = tpu.memref_slice %arg6[%arg1, %dma_wait3A_64, %dma_wait3A_65] : memref<16x80x128xi32, #tpu.memory_space<hbm>> -> memref<1x40x128xi32, #tpu.memory_space<hbm>>
        %dma_wait3A_67 = tpu.memref_squeeze %dma_wait3A_66 : memref<1x40x128xi32, #tpu.memory_space<hbm>> -> memref<40x128xi32, #tpu.memory_space<hbm>>
        %dma_wait3A_68 = arith.constant 0 : i32
        %dma_wait3A_69 = arith.constant 0 : i32
        %dma_wait3A_70 = tpu.memref_slice %arg6[%arg1, %dma_wait3A_68, %dma_wait3A_69] : memref<16x80x128xi32, #tpu.memory_space<hbm>> -> memref<1x40x128xi32, #tpu.memory_space<hbm>>
        %dma_wait3A_71 = tpu.memref_squeeze %dma_wait3A_70 : memref<1x40x128xi32, #tpu.memory_space<hbm>> -> memref<40x128xi32, #tpu.memory_space<hbm>>
        tpu.wait_dma2 semaphore(%run_scoped3A : memref<!tpu.dma_semaphore, #tpu.memory_space<semaphore_mem>>) src(%dma_wait3A_71 : memref<40x128xi32, #tpu.memory_space<hbm>>) dst(%arg9 : memref<40x128xi32, #tpu.memory_space<vmem>>)
        tpu.yield
      }) : () -> ()
      %dma_start3A = arith.constant 0 : i32
      %dma_start3A_22 = arith.constant 0 : i32
      %dma_start3A_23 = tpu.memref_slice %arg8[%dma_start3A, %dma_start3A_22] : memref<40x128xi32, #tpu.memory_space<vmem>> -> memref<1x128xi32, #tpu.memory_space<vmem>>
      %dma_start3A_24 = tpu.memref_squeeze %dma_start3A_23 : memref<1x128xi32, #tpu.memory_space<vmem>> -> memref<128xi32, #tpu.memory_space<vmem>>
      %dma_start3A_25 = arith.constant 0 : i32
      %dma_start3A_26 = arith.constant 0 : i32
      %dma_start3A_27 = tpu.memref_slice %arg2[%dma_start3A_25, %dma_start3A_26] : memref<10000x128xf32, #tpu.memory_space<hbm>> -> memref<10000x128xf32, #tpu.memory_space<hbm>>
      tpu.enqueue_indirect_dma source(%dma_start3A_27 : memref<10000x128xf32, #tpu.memory_space<hbm>>) target(%arg10 : memref<128x128xf32, #tpu.memory_space<vmem>>) offsets(%dma_start3A_24 : memref<128xi32, #tpu.memory_space<vmem>>) semaphore(%arg13 : memref<!tpu.dma_semaphore, #tpu.memory_space<semaphore_mem>>)
      %scan3A_28 = arith.constant 0 : i32
      %scan3A_29 = arith.constant 20 : i32
      %scan3A_30 = arith.addi %scan3A_28, %scan3A_29 : i32
      %scan3A_31 = arith.constant 1 : i32
      scf.for %scan3A_56 = %scan3A_28 to %scan3A_30 step %scan3A_31  : i32 {
        %mul3A_57 = arith.constant 2 : i32
        %mul3A_58 = arith.muli %mul3A_57, %scan3A_56 : i32
        %mul3A_59 = arith.constant 2 : i32
        %mul3A_60 = arith.muli %mul3A_59, %scan3A_56 : i32
        %add3A_61 = arith.constant 1 : i32
        %add3A_62 = arith.addi %mul3A_60, %add3A_61 : i32
        %mul3A_63 = arith.constant 2 : i32
        %mul3A_64 = arith.muli %mul3A_63, %scan3A_56 : i32
        %add3A_65 = arith.constant 2 : i32
        %add3A_66 = arith.addi %mul3A_64, %add3A_65 : i32
        %rem3A = arith.constant 40 : i32
        %rem3A_67 = arith.remsi %add3A_66, %rem3A : i32
        %dma_start3A_68 = arith.constant 0 : i32
        %dma_start3A_69 = tpu.memref_slice %arg8[%add3A_62, %dma_start3A_68] : memref<40x128xi32, #tpu.memory_space<vmem>> -> memref<1x128xi32, #tpu.memory_space<vmem>>
        %dma_start3A_70 = tpu.memref_squeeze %dma_start3A_69 : memref<1x128xi32, #tpu.memory_space<vmem>> -> memref<128xi32, #tpu.memory_space<vmem>>
        %dma_start3A_71 = arith.constant 0 : i32
        %dma_start3A_72 = arith.constant 0 : i32
        %dma_start3A_73 = tpu.memref_slice %arg2[%dma_start3A_71, %dma_start3A_72] : memref<10000x128xf32, #tpu.memory_space<hbm>> -> memref<10000x128xf32, #tpu.memory_space<hbm>>
        tpu.enqueue_indirect_dma source(%dma_start3A_73 : memref<10000x128xf32, #tpu.memory_space<hbm>>) target(%arg11 : memref<128x128xf32, #tpu.memory_space<vmem>>) offsets(%dma_start3A_70 : memref<128xi32, #tpu.memory_space<vmem>>) semaphore(%arg14 : memref<!tpu.dma_semaphore, #tpu.memory_space<semaphore_mem>>)
        %dma_wait3A_74 = arith.constant 0 : i32
        %dma_wait3A_75 = arith.constant 0 : i32
        %dma_wait3A_76 = tpu.memref_slice %arg2[%dma_wait3A_74, %dma_wait3A_75] : memref<10000x128xf32, #tpu.memory_space<hbm>> -> memref<128x128xf32, #tpu.memory_space<hbm>>
        %dma_wait3A_77 = arith.constant 0 : i32
        %dma_wait3A_78 = arith.constant 0 : i32
        %dma_wait3A_79 = tpu.memref_slice %arg2[%dma_wait3A_77, %dma_wait3A_78] : memref<10000x128xf32, #tpu.memory_space<hbm>> -> memref<128x128xf32, #tpu.memory_space<hbm>>
        tpu.wait_dma2 semaphore(%arg13 : memref<!tpu.dma_semaphore, #tpu.memory_space<semaphore_mem>>) src(%dma_wait3A_79 : memref<128x128xf32, #tpu.memory_space<hbm>>) dst(%arg10 : memref<128x128xf32, #tpu.memory_space<vmem>>)
        "tpu.region"() ({
          %run_scoped3A = tpu.sem_alloc : memref<!tpu.dma_semaphore, #tpu.memory_space<semaphore_mem>>
          %dma_start3A_92 = arith.constant 0 : i32
          %dma_start3A_93 = tpu.memref_slice %arg9[%mul3A_58, %dma_start3A_92] : memref<40x128xi32, #tpu.memory_space<vmem>> -> memref<1x128xi32, #tpu.memory_space<vmem>>
          %dma_start3A_94 = tpu.memref_squeeze %dma_start3A_93 : memref<1x128xi32, #tpu.memory_space<vmem>> -> memref<128xi32, #tpu.memory_space<vmem>>
          %dma_start3A_95 = arith.constant 0 : i32
          %dma_start3A_96 = arith.constant 0 : i32
          %dma_start3A_97 = tpu.memref_slice %arg12[%dma_start3A_95, %dma_start3A_96] : memref<10112x128xf32, #tpu.memory_space<vmem_shared>> -> memref<10112x128xf32, #tpu.memory_space<vmem_shared>>
          tpu.enqueue_indirect_dma source(%arg10 : memref<128x128xf32, #tpu.memory_space<vmem>>) target(%dma_start3A_97 : memref<10112x128xf32, #tpu.memory_space<vmem_shared>>) offsets(%dma_start3A_94 : memref<128xi32, #tpu.memory_space<vmem>>) semaphore(%run_scoped3A : memref<!tpu.dma_semaphore, #tpu.memory_space<semaphore_mem>>) {add = true}
          %dma_wait3A_98 = arith.constant 0 : i32
          %dma_wait3A_99 = tpu.memref_slice %arg9[%mul3A_58, %dma_wait3A_98] : memref<40x128xi32, #tpu.memory_space<vmem>> -> memref<1x128xi32, #tpu.memory_space<vmem>>
          %dma_wait3A_100 = tpu.memref_squeeze %dma_wait3A_99 : memref<1x128xi32, #tpu.memory_space<vmem>> -> memref<128xi32, #tpu.memory_space<vmem>>
          %dma_wait3A_101 = arith.constant 0 : i32
          %dma_wait3A_102 = arith.constant 0 : i32
          %dma_wait3A_103 = tpu.memref_slice %arg12[%dma_wait3A_101, %dma_wait3A_102] : memref<10112x128xf32, #tpu.memory_space<vmem_shared>> -> memref<10112x128xf32, #tpu.memory_space<vmem_shared>>
          tpu.wait_indirect_dma semaphore(%run_scoped3A : memref<!tpu.dma_semaphore, #tpu.memory_space<semaphore_mem>>) src(%arg10 : memref<128x128xf32, #tpu.memory_space<vmem>>) dst(%dma_wait3A_103 : memref<10112x128xf32, #tpu.memory_space<vmem_shared>>)
          tpu.yield
        }) : () -> ()
        %dma_start3A_80 = arith.constant 0 : i32
        %dma_start3A_81 = tpu.memref_slice %arg8[%rem3A_67, %dma_start3A_80] : memref<40x128xi32, #tpu.memory_space<vmem>> -> memref<1x128xi32, #tpu.memory_space<vmem>>
        %dma_start3A_82 = tpu.memref_squeeze %dma_start3A_81 : memref<1x128xi32, #tpu.memory_space<vmem>> -> memref<128xi32, #tpu.memory_space<vmem>>
        %dma_start3A_83 = arith.constant 0 : i32
        %dma_start3A_84 = arith.constant 0 : i32
        %dma_start3A_85 = tpu.memref_slice %arg2[%dma_start3A_83, %dma_start3A_84] : memref<10000x128xf32, #tpu.memory_space<hbm>> -> memref<10000x128xf32, #tpu.memory_space<hbm>>
        tpu.enqueue_indirect_dma source(%dma_start3A_85 : memref<10000x128xf32, #tpu.memory_space<hbm>>) target(%arg10 : memref<128x128xf32, #tpu.memory_space<vmem>>) offsets(%dma_start3A_82 : memref<128xi32, #tpu.memory_space<vmem>>) semaphore(%arg13 : memref<!tpu.dma_semaphore, #tpu.memory_space<semaphore_mem>>)
        %dma_wait3A_86 = arith.constant 0 : i32
        %dma_wait3A_87 = tpu.memref_slice %arg8[%add3A_62, %dma_wait3A_86] : memref<40x128xi32, #tpu.memory_space<vmem>> -> memref<1x128xi32, #tpu.memory_space<vmem>>
        %dma_wait3A_88 = tpu.memref_squeeze %dma_wait3A_87 : memref<1x128xi32, #tpu.memory_space<vmem>> -> memref<128xi32, #tpu.memory_space<vmem>>
        %dma_wait3A_89 = arith.constant 0 : i32
        %dma_wait3A_90 = arith.constant 0 : i32
        %dma_wait3A_91 = tpu.memref_slice %arg2[%dma_wait3A_89, %dma_wait3A_90] : memref<10000x128xf32, #tpu.memory_space<hbm>> -> memref<10000x128xf32, #tpu.memory_space<hbm>>
        tpu.wait_indirect_dma semaphore(%arg14 : memref<!tpu.dma_semaphore, #tpu.memory_space<semaphore_mem>>) src(%dma_wait3A_91 : memref<10000x128xf32, #tpu.memory_space<hbm>>) dst(%arg11 : memref<128x128xf32, #tpu.memory_space<vmem>>)
        "tpu.region"() ({
          %run_scoped3A = tpu.sem_alloc : memref<!tpu.dma_semaphore, #tpu.memory_space<semaphore_mem>>
          %dma_start3A_92 = arith.constant 0 : i32
          %dma_start3A_93 = tpu.memref_slice %arg9[%add3A_62, %dma_start3A_92] : memref<40x128xi32, #tpu.memory_space<vmem>> -> memref<1x128xi32, #tpu.memory_space<vmem>>
          %dma_start3A_94 = tpu.memref_squeeze %dma_start3A_93 : memref<1x128xi32, #tpu.memory_space<vmem>> -> memref<128xi32, #tpu.memory_space<vmem>>
          %dma_start3A_95 = arith.constant 0 : i32
          %dma_start3A_96 = arith.constant 0 : i32
          %dma_start3A_97 = tpu.memref_slice %arg12[%dma_start3A_95, %dma_start3A_96] : memref<10112x128xf32, #tpu.memory_space<vmem_shared>> -> memref<10112x128xf32, #tpu.memory_space<vmem_shared>>
          tpu.enqueue_indirect_dma source(%arg11 : memref<128x128xf32, #tpu.memory_space<vmem>>) target(%dma_start3A_97 : memref<10112x128xf32, #tpu.memory_space<vmem_shared>>) offsets(%dma_start3A_94 : memref<128xi32, #tpu.memory_space<vmem>>) semaphore(%run_scoped3A : memref<!tpu.dma_semaphore, #tpu.memory_space<semaphore_mem>>) {add = true}
          %dma_wait3A_98 = arith.constant 0 : i32
          %dma_wait3A_99 = tpu.memref_slice %arg9[%add3A_62, %dma_wait3A_98] : memref<40x128xi32, #tpu.memory_space<vmem>> -> memref<1x128xi32, #tpu.memory_space<vmem>>
          %dma_wait3A_100 = tpu.memref_squeeze %dma_wait3A_99 : memref<1x128xi32, #tpu.memory_space<vmem>> -> memref<128xi32, #tpu.memory_space<vmem>>
          %dma_wait3A_101 = arith.constant 0 : i32
          %dma_wait3A_102 = arith.constant 0 : i32
          %dma_wait3A_103 = tpu.memref_slice %arg12[%dma_wait3A_101, %dma_wait3A_102] : memref<10112x128xf32, #tpu.memory_space<vmem_shared>> -> memref<10112x128xf32, #tpu.memory_space<vmem_shared>>
          tpu.wait_indirect_dma semaphore(%run_scoped3A : memref<!tpu.dma_semaphore, #tpu.memory_space<semaphore_mem>>) src(%arg11 : memref<128x128xf32, #tpu.memory_space<vmem>>) dst(%dma_wait3A_103 : memref<10112x128xf32, #tpu.memory_space<vmem_shared>>)
          tpu.yield
        }) : () -> ()
      }
      %scan3A_32 = arith.constant 20 : i32
      %dma_wait3A = arith.constant 0 : i32
      %dma_wait3A_33 = arith.constant 0 : i32
      %dma_wait3A_34 = tpu.memref_slice %arg2[%dma_wait3A, %dma_wait3A_33] : memref<10000x128xf32, #tpu.memory_space<hbm>> -> memref<128x128xf32, #tpu.memory_space<hbm>>
      %dma_wait3A_35 = arith.constant 0 : i32
      %dma_wait3A_36 = arith.constant 0 : i32
      %dma_wait3A_37 = tpu.memref_slice %arg2[%dma_wait3A_35, %dma_wait3A_36] : memref<10000x128xf32, #tpu.memory_space<hbm>> -> memref<128x128xf32, #tpu.memory_space<hbm>>
      tpu.wait_dma2 semaphore(%arg13 : memref<!tpu.dma_semaphore, #tpu.memory_space<semaphore_mem>>) src(%dma_wait3A_37 : memref<128x128xf32, #tpu.memory_space<hbm>>) dst(%arg10 : memref<128x128xf32, #tpu.memory_space<vmem>>)
      "tpu.region"() ({
        %run_scoped3A = tpu.sem_alloc : memref<!tpu.dma_semaphore, #tpu.memory_space<semaphore_mem>>
        %dma_start3A_56 = arith.constant 40 : i32
        %dma_start3A_57 = arith.constant 0 : i32
        %dma_start3A_58 = tpu.memref_slice %arg5[%arg1, %dma_start3A_56, %dma_start3A_57] : memref<16x80x128xi32, #tpu.memory_space<hbm>> -> memref<1x40x128xi32, #tpu.memory_space<hbm>>
        %dma_start3A_59 = tpu.memref_squeeze %dma_start3A_58 : memref<1x40x128xi32, #tpu.memory_space<hbm>> -> memref<40x128xi32, #tpu.memory_space<hbm>>
        %dma_start3A_60 = arith.constant 40 : i32
        %dma_start3A_61 = arith.constant 0 : i32
        %dma_start3A_62 = tpu.memref_slice %arg5[%arg1, %dma_start3A_60, %dma_start3A_61] : memref<16x80x128xi32, #tpu.memory_space<hbm>> -> memref<1x40x128xi32, #tpu.memory_space<hbm>>
        %dma_start3A_63 = tpu.memref_squeeze %dma_start3A_62 : memref<1x40x128xi32, #tpu.memory_space<hbm>> -> memref<40x128xi32, #tpu.memory_space<hbm>>
        tpu.enqueue_dma source(%dma_start3A_63 : memref<40x128xi32, #tpu.memory_space<hbm>>) target(%arg8 : memref<40x128xi32, #tpu.memory_space<vmem>>) target_semaphore(%run_scoped3A : memref<!tpu.dma_semaphore, #tpu.memory_space<semaphore_mem>>)
        %dma_wait3A_64 = arith.constant 40 : i32
        %dma_wait3A_65 = arith.constant 0 : i32
        %dma_wait3A_66 = tpu.memref_slice %arg5[%arg1, %dma_wait3A_64, %dma_wait3A_65] : memref<16x80x128xi32, #tpu.memory_space<hbm>> -> memref<1x40x128xi32, #tpu.memory_space<hbm>>
        %dma_wait3A_67 = tpu.memref_squeeze %dma_wait3A_66 : memref<1x40x128xi32, #tpu.memory_space<hbm>> -> memref<40x128xi32, #tpu.memory_space<hbm>>
        %dma_wait3A_68 = arith.constant 40 : i32
        %dma_wait3A_69 = arith.constant 0 : i32
        %dma_wait3A_70 = tpu.memref_slice %arg5[%arg1, %dma_wait3A_68, %dma_wait3A_69] : memref<16x80x128xi32, #tpu.memory_space<hbm>> -> memref<1x40x128xi32, #tpu.memory_space<hbm>>
        %dma_wait3A_71 = tpu.memref_squeeze %dma_wait3A_70 : memref<1x40x128xi32, #tpu.memory_space<hbm>> -> memref<40x128xi32, #tpu.memory_space<hbm>>
        tpu.wait_dma2 semaphore(%run_scoped3A : memref<!tpu.dma_semaphore, #tpu.memory_space<semaphore_mem>>) src(%dma_wait3A_71 : memref<40x128xi32, #tpu.memory_space<hbm>>) dst(%arg8 : memref<40x128xi32, #tpu.memory_space<vmem>>)
        tpu.yield
      }) : () -> ()
      "tpu.region"() ({
        %run_scoped3A = tpu.sem_alloc : memref<!tpu.dma_semaphore, #tpu.memory_space<semaphore_mem>>
        %dma_start3A_56 = arith.constant 40 : i32
        %dma_start3A_57 = arith.constant 0 : i32
        %dma_start3A_58 = tpu.memref_slice %arg6[%arg1, %dma_start3A_56, %dma_start3A_57] : memref<16x80x128xi32, #tpu.memory_space<hbm>> -> memref<1x40x128xi32, #tpu.memory_space<hbm>>
        %dma_start3A_59 = tpu.memref_squeeze %dma_start3A_58 : memref<1x40x128xi32, #tpu.memory_space<hbm>> -> memref<40x128xi32, #tpu.memory_space<hbm>>
        %dma_start3A_60 = arith.constant 40 : i32
        %dma_start3A_61 = arith.constant 0 : i32
        %dma_start3A_62 = tpu.memref_slice %arg6[%arg1, %dma_start3A_60, %dma_start3A_61] : memref<16x80x128xi32, #tpu.memory_space<hbm>> -> memref<1x40x128xi32, #tpu.memory_space<hbm>>
        %dma_start3A_63 = tpu.memref_squeeze %dma_start3A_62 : memref<1x40x128xi32, #tpu.memory_space<hbm>> -> memref<40x128xi32, #tpu.memory_space<hbm>>
        tpu.enqueue_dma source(%dma_start3A_63 : memref<40x128xi32, #tpu.memory_space<hbm>>) target(%arg9 : memref<40x128xi32, #tpu.memory_space<vmem>>) target_semaphore(%run_scoped3A : memref<!tpu.dma_semaphore, #tpu.memory_space<semaphore_mem>>)
        %dma_wait3A_64 = arith.constant 40 : i32
        %dma_wait3A_65 = arith.constant 0 : i32
        %dma_wait3A_66 = tpu.memref_slice %arg6[%arg1, %dma_wait3A_64, %dma_wait3A_65] : memref<16x80x128xi32, #tpu.memory_space<hbm>> -> memref<1x40x128xi32, #tpu.memory_space<hbm>>
        %dma_wait3A_67 = tpu.memref_squeeze %dma_wait3A_66 : memref<1x40x128xi32, #tpu.memory_space<hbm>> -> memref<40x128xi32, #tpu.memory_space<hbm>>
        %dma_wait3A_68 = arith.constant 40 : i32
        %dma_wait3A_69 = arith.constant 0 : i32
        %dma_wait3A_70 = tpu.memref_slice %arg6[%arg1, %dma_wait3A_68, %dma_wait3A_69] : memref<16x80x128xi32, #tpu.memory_space<hbm>> -> memref<1x40x128xi32, #tpu.memory_space<hbm>>
        %dma_wait3A_71 = tpu.memref_squeeze %dma_wait3A_70 : memref<1x40x128xi32, #tpu.memory_space<hbm>> -> memref<40x128xi32, #tpu.memory_space<hbm>>
        tpu.wait_dma2 semaphore(%run_scoped3A : memref<!tpu.dma_semaphore, #tpu.memory_space<semaphore_mem>>) src(%dma_wait3A_71 : memref<40x128xi32, #tpu.memory_space<hbm>>) dst(%arg9 : memref<40x128xi32, #tpu.memory_space<vmem>>)
        tpu.yield
      }) : () -> ()
      %dma_start3A_38 = arith.constant 0 : i32
      %dma_start3A_39 = arith.constant 0 : i32
      %dma_start3A_40 = tpu.memref_slice %arg8[%dma_start3A_38, %dma_start3A_39] : memref<40x128xi32, #tpu.memory_space<vmem>> -> memref<1x128xi32, #tpu.memory_space<vmem>>
      %dma_start3A_41 = tpu.memref_squeeze %dma_start3A_40 : memref<1x128xi32, #tpu.memory_space<vmem>> -> memref<128xi32, #tpu.memory_space<vmem>>
      %dma_start3A_42 = arith.constant 0 : i32
      %dma_start3A_43 = arith.constant 0 : i32
      %dma_start3A_44 = tpu.memref_slice %arg2[%dma_start3A_42, %dma_start3A_43] : memref<10000x128xf32, #tpu.memory_space<hbm>> -> memref<10000x128xf32, #tpu.memory_space<hbm>>
      tpu.enqueue_indirect_dma source(%dma_start3A_44 : memref<10000x128xf32, #tpu.memory_space<hbm>>) target(%arg10 : memref<128x128xf32, #tpu.memory_space<vmem>>) offsets(%dma_start3A_41 : memref<128xi32, #tpu.memory_space<vmem>>) semaphore(%arg13 : memref<!tpu.dma_semaphore, #tpu.memory_space<semaphore_mem>>)
      %scan3A_45 = arith.constant 0 : i32
      %scan3A_46 = arith.constant 20 : i32
      %scan3A_47 = arith.addi %scan3A_45, %scan3A_46 : i32
      %scan3A_48 = arith.constant 1 : i32
      scf.for %scan3A_56 = %scan3A_45 to %scan3A_47 step %scan3A_48  : i32 {
        %mul3A_57 = arith.constant 2 : i32
        %mul3A_58 = arith.muli %mul3A_57, %scan3A_56 : i32
        %mul3A_59 = arith.constant 2 : i32
        %mul3A_60 = arith.muli %mul3A_59, %scan3A_56 : i32
        %add3A_61 = arith.constant 1 : i32
        %add3A_62 = arith.addi %mul3A_60, %add3A_61 : i32
        %mul3A_63 = arith.constant 2 : i32
        %mul3A_64 = arith.muli %mul3A_63, %scan3A_56 : i32
        %add3A_65 = arith.constant 2 : i32
        %add3A_66 = arith.addi %mul3A_64, %add3A_65 : i32
        %rem3A = arith.constant 40 : i32
        %rem3A_67 = arith.remsi %add3A_66, %rem3A : i32
        %dma_start3A_68 = arith.constant 0 : i32
        %dma_start3A_69 = tpu.memref_slice %arg8[%add3A_62, %dma_start3A_68] : memref<40x128xi32, #tpu.memory_space<vmem>> -> memref<1x128xi32, #tpu.memory_space<vmem>>
        %dma_start3A_70 = tpu.memref_squeeze %dma_start3A_69 : memref<1x128xi32, #tpu.memory_space<vmem>> -> memref<128xi32, #tpu.memory_space<vmem>>
        %dma_start3A_71 = arith.constant 0 : i32
        %dma_start3A_72 = arith.constant 0 : i32
        %dma_start3A_73 = tpu.memref_slice %arg2[%dma_start3A_71, %dma_start3A_72] : memref<10000x128xf32, #tpu.memory_space<hbm>> -> memref<10000x128xf32, #tpu.memory_space<hbm>>
        tpu.enqueue_indirect_dma source(%dma_start3A_73 : memref<10000x128xf32, #tpu.memory_space<hbm>>) target(%arg11 : memref<128x128xf32, #tpu.memory_space<vmem>>) offsets(%dma_start3A_70 : memref<128xi32, #tpu.memory_space<vmem>>) semaphore(%arg14 : memref<!tpu.dma_semaphore, #tpu.memory_space<semaphore_mem>>)
        %dma_wait3A_74 = arith.constant 0 : i32
        %dma_wait3A_75 = arith.constant 0 : i32
        %dma_wait3A_76 = tpu.memref_slice %arg2[%dma_wait3A_74, %dma_wait3A_75] : memref<10000x128xf32, #tpu.memory_space<hbm>> -> memref<128x128xf32, #tpu.memory_space<hbm>>
        %dma_wait3A_77 = arith.constant 0 : i32
        %dma_wait3A_78 = arith.constant 0 : i32
        %dma_wait3A_79 = tpu.memref_slice %arg2[%dma_wait3A_77, %dma_wait3A_78] : memref<10000x128xf32, #tpu.memory_space<hbm>> -> memref<128x128xf32, #tpu.memory_space<hbm>>
        tpu.wait_dma2 semaphore(%arg13 : memref<!tpu.dma_semaphore, #tpu.memory_space<semaphore_mem>>) src(%dma_wait3A_79 : memref<128x128xf32, #tpu.memory_space<hbm>>) dst(%arg10 : memref<128x128xf32, #tpu.memory_space<vmem>>)
        "tpu.region"() ({
          %run_scoped3A = tpu.sem_alloc : memref<!tpu.dma_semaphore, #tpu.memory_space<semaphore_mem>>
          %dma_start3A_92 = arith.constant 0 : i32
          %dma_start3A_93 = tpu.memref_slice %arg9[%mul3A_58, %dma_start3A_92] : memref<40x128xi32, #tpu.memory_space<vmem>> -> memref<1x128xi32, #tpu.memory_space<vmem>>
          %dma_start3A_94 = tpu.memref_squeeze %dma_start3A_93 : memref<1x128xi32, #tpu.memory_space<vmem>> -> memref<128xi32, #tpu.memory_space<vmem>>
          %dma_start3A_95 = arith.constant 0 : i32
          %dma_start3A_96 = arith.constant 0 : i32
          %dma_start3A_97 = tpu.memref_slice %arg12[%dma_start3A_95, %dma_start3A_96] : memref<10112x128xf32, #tpu.memory_space<vmem_shared>> -> memref<10112x128xf32, #tpu.memory_space<vmem_shared>>
          tpu.enqueue_indirect_dma source(%arg10 : memref<128x128xf32, #tpu.memory_space<vmem>>) target(%dma_start3A_97 : memref<10112x128xf32, #tpu.memory_space<vmem_shared>>) offsets(%dma_start3A_94 : memref<128xi32, #tpu.memory_space<vmem>>) semaphore(%run_scoped3A : memref<!tpu.dma_semaphore, #tpu.memory_space<semaphore_mem>>) {add = true}
          %dma_wait3A_98 = arith.constant 0 : i32
          %dma_wait3A_99 = tpu.memref_slice %arg9[%mul3A_58, %dma_wait3A_98] : memref<40x128xi32, #tpu.memory_space<vmem>> -> memref<1x128xi32, #tpu.memory_space<vmem>>
          %dma_wait3A_100 = tpu.memref_squeeze %dma_wait3A_99 : memref<1x128xi32, #tpu.memory_space<vmem>> -> memref<128xi32, #tpu.memory_space<vmem>>
          %dma_wait3A_101 = arith.constant 0 : i32
          %dma_wait3A_102 = arith.constant 0 : i32
          %dma_wait3A_103 = tpu.memref_slice %arg12[%dma_wait3A_101, %dma_wait3A_102] : memref<10112x128xf32, #tpu.memory_space<vmem_shared>> -> memref<10112x128xf32, #tpu.memory_space<vmem_shared>>
          tpu.wait_indirect_dma semaphore(%run_scoped3A : memref<!tpu.dma_semaphore, #tpu.memory_space<semaphore_mem>>) src(%arg10 : memref<128x128xf32, #tpu.memory_space<vmem>>) dst(%dma_wait3A_103 : memref<10112x128xf32, #tpu.memory_space<vmem_shared>>)
          tpu.yield
        }) : () -> ()
        %dma_start3A_80 = arith.constant 0 : i32
        %dma_start3A_81 = tpu.memref_slice %arg8[%rem3A_67, %dma_start3A_80] : memref<40x128xi32, #tpu.memory_space<vmem>> -> memref<1x128xi32, #tpu.memory_space<vmem>>
        %dma_start3A_82 = tpu.memref_squeeze %dma_start3A_81 : memref<1x128xi32, #tpu.memory_space<vmem>> -> memref<128xi32, #tpu.memory_space<vmem>>
        %dma_start3A_83 = arith.constant 0 : i32
        %dma_start3A_84 = arith.constant 0 : i32
        %dma_start3A_85 = tpu.memref_slice %arg2[%dma_start3A_83, %dma_start3A_84] : memref<10000x128xf32, #tpu.memory_space<hbm>> -> memref<10000x128xf32, #tpu.memory_space<hbm>>
        tpu.enqueue_indirect_dma source(%dma_start3A_85 : memref<10000x128xf32, #tpu.memory_space<hbm>>) target(%arg10 : memref<128x128xf32, #tpu.memory_space<vmem>>) offsets(%dma_start3A_82 : memref<128xi32, #tpu.memory_space<vmem>>) semaphore(%arg13 : memref<!tpu.dma_semaphore, #tpu.memory_space<semaphore_mem>>)
        %dma_wait3A_86 = arith.constant 0 : i32
        %dma_wait3A_87 = tpu.memref_slice %arg8[%add3A_62, %dma_wait3A_86] : memref<40x128xi32, #tpu.memory_space<vmem>> -> memref<1x128xi32, #tpu.memory_space<vmem>>
        %dma_wait3A_88 = tpu.memref_squeeze %dma_wait3A_87 : memref<1x128xi32, #tpu.memory_space<vmem>> -> memref<128xi32, #tpu.memory_space<vmem>>
        %dma_wait3A_89 = arith.constant 0 : i32
        %dma_wait3A_90 = arith.constant 0 : i32
        %dma_wait3A_91 = tpu.memref_slice %arg2[%dma_wait3A_89, %dma_wait3A_90] : memref<10000x128xf32, #tpu.memory_space<hbm>> -> memref<10000x128xf32, #tpu.memory_space<hbm>>
        tpu.wait_indirect_dma semaphore(%arg14 : memref<!tpu.dma_semaphore, #tpu.memory_space<semaphore_mem>>) src(%dma_wait3A_91 : memref<10000x128xf32, #tpu.memory_space<hbm>>) dst(%arg11 : memref<128x128xf32, #tpu.memory_space<vmem>>)
        "tpu.region"() ({
          %run_scoped3A = tpu.sem_alloc : memref<!tpu.dma_semaphore, #tpu.memory_space<semaphore_mem>>
          %dma_start3A_92 = arith.constant 0 : i32
          %dma_start3A_93 = tpu.memref_slice %arg9[%add3A_62, %dma_start3A_92] : memref<40x128xi32, #tpu.memory_space<vmem>> -> memref<1x128xi32, #tpu.memory_space<vmem>>
          %dma_start3A_94 = tpu.memref_squeeze %dma_start3A_93 : memref<1x128xi32, #tpu.memory_space<vmem>> -> memref<128xi32, #tpu.memory_space<vmem>>
          %dma_start3A_95 = arith.constant 0 : i32
          %dma_start3A_96 = arith.constant 0 : i32
          %dma_start3A_97 = tpu.memref_slice %arg12[%dma_start3A_95, %dma_start3A_96] : memref<10112x128xf32, #tpu.memory_space<vmem_shared>> -> memref<10112x128xf32, #tpu.memory_space<vmem_shared>>
          tpu.enqueue_indirect_dma source(%arg11 : memref<128x128xf32, #tpu.memory_space<vmem>>) target(%dma_start3A_97 : memref<10112x128xf32, #tpu.memory_space<vmem_shared>>) offsets(%dma_start3A_94 : memref<128xi32, #tpu.memory_space<vmem>>) semaphore(%run_scoped3A : memref<!tpu.dma_semaphore, #tpu.memory_space<semaphore_mem>>) {add = true}
          %dma_wait3A_98 = arith.constant 0 : i32
          %dma_wait3A_99 = tpu.memref_slice %arg9[%add3A_62, %dma_wait3A_98] : memref<40x128xi32, #tpu.memory_space<vmem>> -> memref<1x128xi32, #tpu.memory_space<vmem>>
          %dma_wait3A_100 = tpu.memref_squeeze %dma_wait3A_99 : memref<1x128xi32, #tpu.memory_space<vmem>> -> memref<128xi32, #tpu.memory_space<vmem>>
          %dma_wait3A_101 = arith.constant 0 : i32
          %dma_wait3A_102 = arith.constant 0 : i32
          %dma_wait3A_103 = tpu.memref_slice %arg12[%dma_wait3A_101, %dma_wait3A_102] : memref<10112x128xf32, #tpu.memory_space<vmem_shared>> -> memref<10112x128xf32, #tpu.memory_space<vmem_shared>>
          tpu.wait_indirect_dma semaphore(%run_scoped3A : memref<!tpu.dma_semaphore, #tpu.memory_space<semaphore_mem>>) src(%arg11 : memref<128x128xf32, #tpu.memory_space<vmem>>) dst(%dma_wait3A_103 : memref<10112x128xf32, #tpu.memory_space<vmem_shared>>)
          tpu.yield
        }) : () -> ()
      }
      %scan3A_49 = arith.constant 20 : i32
      %dma_wait3A_50 = arith.constant 0 : i32
      %dma_wait3A_51 = arith.constant 0 : i32
      %dma_wait3A_52 = tpu.memref_slice %arg2[%dma_wait3A_50, %dma_wait3A_51] : memref<10000x128xf32, #tpu.memory_space<hbm>> -> memref<128x128xf32, #tpu.memory_space<hbm>>
      %dma_wait3A_53 = arith.constant 0 : i32
      %dma_wait3A_54 = arith.constant 0 : i32
      %dma_wait3A_55 = tpu.memref_slice %arg2[%dma_wait3A_53, %dma_wait3A_54] : memref<10000x128xf32, #tpu.memory_space<hbm>> -> memref<128x128xf32, #tpu.memory_space<hbm>>
      tpu.wait_dma2 semaphore(%arg13 : memref<!tpu.dma_semaphore, #tpu.memory_space<semaphore_mem>>) src(%dma_wait3A_55 : memref<128x128xf32, #tpu.memory_space<hbm>>) dst(%arg10 : memref<128x128xf32, #tpu.memory_space<vmem>>)
    } else {
    }
    %barrier3A_21 = arith.constant 0 : index
    tpu.barrier barrier_id(%barrier3A_21)
    "tpu.region"() ({
      %run_scoped3A = tpu.sem_alloc : memref<!tpu.dma_semaphore, #tpu.memory_space<semaphore_mem>>
      %dma_start3A = arith.constant 0 : i32
      %dma_start3A_22 = tpu.memref_slice %arg7[%arg0, %mul3A_0, %dma_start3A] : memref<2x10112x128xf32, #tpu.memory_space<hbm>> -> memref<1x632x128xf32, #tpu.memory_space<hbm>>
      %dma_start3A_23 = tpu.memref_squeeze %dma_start3A_22 : memref<1x632x128xf32, #tpu.memory_space<hbm>> -> memref<632x128xf32, #tpu.memory_space<hbm>>
      %dma_start3A_24 = arith.constant 0 : i32
      %dma_start3A_25 = tpu.memref_slice %arg12[%mul3A_0, %dma_start3A_24] : memref<10112x128xf32, #tpu.memory_space<vmem_shared>> -> memref<632x128xf32, #tpu.memory_space<vmem_shared>>
      tpu.enqueue_dma source(%dma_start3A_25 : memref<632x128xf32, #tpu.memory_space<vmem_shared>>) target(%dma_start3A_23 : memref<632x128xf32, #tpu.memory_space<hbm>>) target_semaphore(%run_scoped3A : memref<!tpu.dma_semaphore, #tpu.memory_space<semaphore_mem>>)
      %dma_wait3A = arith.constant 0 : i32
      %dma_wait3A_26 = tpu.memref_slice %arg7[%arg0, %mul3A_0, %dma_wait3A] : memref<2x10112x128xf32, #tpu.memory_space<hbm>> -> memref<1x632x128xf32, #tpu.memory_space<hbm>>
      %dma_wait3A_27 = tpu.memref_squeeze %dma_wait3A_26 : memref<1x632x128xf32, #tpu.memory_space<hbm>> -> memref<632x128xf32, #tpu.memory_space<hbm>>
      %dma_wait3A_28 = arith.constant 0 : i32
      %dma_wait3A_29 = tpu.memref_slice %arg12[%mul3A_0, %dma_wait3A_28] : memref<10112x128xf32, #tpu.memory_space<vmem_shared>> -> memref<632x128xf32, #tpu.memory_space<vmem_shared>>
      tpu.wait_dma2 semaphore(%run_scoped3A : memref<!tpu.dma_semaphore, #tpu.memory_space<semaphore_mem>>) src(%dma_wait3A_29 : memref<632x128xf32, #tpu.memory_space<vmem_shared>>) dst(%dma_wait3A_27 : memref<632x128xf32, #tpu.memory_space<hbm>>)
      tpu.yield
    }) : () -> ()
    return
  }
}

#map = affine_map<(d0, d1) -> (0, 0)>
#map1 = affine_map<(d0, d1) -> (0, 0, 0)>
module attributes {stable_mosaic.version = 14 : i64} {
  func.func @body(%arg0: i32, %arg1: i32, %arg2: memref<10000x128xf32, #tpu.memory_space<hbm>>, %arg3: memref<16x80x128xi32, #tpu.memory_space<hbm>>, %arg4: memref<16x80x128xi32, #tpu.memory_space<hbm>>, %arg5: memref<16x80x128xi32, #tpu.memory_space<hbm>>, %arg6: memref<16x80x128xi32, #tpu.memory_space<hbm>>, %arg7: memref<2x10112x128xf32, #tpu.memory_space<hbm>>, %arg8: memref<40x128xi32, #tpu.memory_space<vmem>>, %arg9: memref<40x128xi32, #tpu.memory_space<vmem>>, %arg10: memref<128x128xf32, #tpu.memory_space<vmem>>, %arg11: memref<128x128xf32, #tpu.memory_space<vmem>>, %arg12: memref<10112x128xf32, #tpu.memory_space<vmem_shared>>, %arg13: memref<!tpu.dma_semaphore, #tpu.memory_space<semaphore_mem>>, %arg14: memref<!tpu.dma_semaphore, #tpu.memory_space<semaphore_mem>>) attributes {dimension_semantics = [#tpu.dimension_semantics<core_parallel>, #tpu.dimension_semantics<subcore_parallel>], iteration_bounds = array<i64: 2, 16>, scalar_prefetch = 0 : i64, scratch_operands = 7 : i64, tpu.core_type = #tpu.core_type<sc_vector_subcore>, window_params = [{transform_indices = #map}, {transform_indices = #map1}, {transform_indices = #map1}, {transform_indices = #map1}, {transform_indices = #map1}, {transform_indices = #map1}]} {
    %mul3A = arith.constant 632 : i32
    %mul3A_0 = arith.muli %arg1, %mul3A : i32
    %scan3A = arith.constant 0 : i32
    %scan3A_1 = arith.constant 128 : i32
    %scan3A_2 = arith.addi %scan3A, %scan3A_1 : i32
    %scan3A_3 = arith.constant 1 : i32
    scf.for %scan3A_22 = %scan3A to %scan3A_2 step %scan3A_3  : i32 {
      %broadcast_in_dim3A = arith.constant 0.000000e+00 : f32
      %broadcast_in_dim3A_23 = vector.broadcast %broadcast_in_dim3A : f32 to vector<16xf32>
      %swap3A = arith.index_cast %scan3A_22 : i32 to index
      %swap3A_24 = arith.constant 0 : index
      %swap3A_25 = tpu.vector_load %arg10[%swap3A, %swap3A_24] {strides = array<i32>} : memref<128x128xf32, #tpu.memory_space<vmem>>, vector<1x16xf32>,
      %swap3A_26 = vector.shape_cast %swap3A_25 : vector<1x16xf32> to vector<16xf32>
      %swap3A_27 = vector.shape_cast %broadcast_in_dim3A_23 : vector<16xf32> to vector<1x16xf32>
      tpu.vector_store %arg10[%swap3A, %swap3A_24], %swap3A_27 {strides = array<i32>} : memref<128x128xf32, #tpu.memory_space<vmem>>, vector<1x16xf32>,
      %broadcast_in_dim3A_28 = arith.constant 0.000000e+00 : f32
      %broadcast_in_dim3A_29 = vector.broadcast %broadcast_in_dim3A_28 : f32 to vector<16xf32>
      %swap3A_30 = arith.index_cast %scan3A_22 : i32 to index
      %swap3A_31 = arith.constant 16 : index
      %swap3A_32 = tpu.vector_load %arg10[%swap3A_30, %swap3A_31] {strides = array<i32>} : memref<128x128xf32, #tpu.memory_space<vmem>>, vector<1x16xf32>,
      %swap3A_33 = vector.shape_cast %swap3A_32 : vector<1x16xf32> to vector<16xf32>
      %swap3A_34 = vector.shape_cast %broadcast_in_dim3A_29 : vector<16xf32> to vector<1x16xf32>
      tpu.vector_store %arg10[%swap3A_30, %swap3A_31], %swap3A_34 {strides = array<i32>} : memref<128x128xf32, #tpu.memory_space<vmem>>, vector<1x16xf32>,
      %broadcast_in_dim3A_35 = arith.constant 0.000000e+00 : f32
      %broadcast_in_dim3A_36 = vector.broadcast %broadcast_in_dim3A_35 : f32 to vector<16xf32>
      %swap3A_37 = arith.index_cast %scan3A_22 : i32 to index
      %swap3A_38 = arith.constant 32 : index
      %swap3A_39 = tpu.vector_load %arg10[%swap3A_37, %swap3A_38] {strides = array<i32>} : memref<128x128xf32, #tpu.memory_space<vmem>>, vector<1x16xf32>,
      %swap3A_40 = vector.shape_cast %swap3A_39 : vector<1x16xf32> to vector<16xf32>
      %swap3A_41 = vector.shape_cast %broadcast_in_dim3A_36 : vector<16xf32> to vector<1x16xf32>
      tpu.vector_store %arg10[%swap3A_37, %swap3A_38], %swap3A_41 {strides = array<i32>} : memref<128x128xf32, #tpu.memory_space<vmem>>, vector<1x16xf32>,
      %broadcast_in_dim3A_42 = arith.constant 0.000000e+00 : f32
      %broadcast_in_dim3A_43 = vector.broadcast %broadcast_in_dim3A_42 : f32 to vector<16xf32>
      %swap3A_44 = arith.index_cast %scan3A_22 : i32 to index
      %swap3A_45 = arith.constant 48 : index
      %swap3A_46 = tpu.vector_load %arg10[%swap3A_44, %swap3A_45] {strides = array<i32>} : memref<128x128xf32, #tpu.memory_space<vmem>>, vector<1x16xf32>,
      %swap3A_47 = vector.shape_cast %swap3A_46 : vector<1x16xf32> to vector<16xf32>
      %swap3A_48 = vector.shape_cast %broadcast_in_dim3A_43 : vector<16xf32> to vector<1x16xf32>
      tpu.vector_store %arg10[%swap3A_44, %swap3A_45], %swap3A_48 {strides = array<i32>} : memref<128x128xf32, #tpu.memory_space<vmem>>, vector<1x16xf32>,
      %broadcast_in_dim3A_49 = arith.constant 0.000000e+00 : f32
      %broadcast_in_dim3A_50 = vector.broadcast %broadcast_in_dim3A_49 : f32 to vector<16xf32>
      %swap3A_51 = arith.index_cast %scan3A_22 : i32 to index
      %swap3A_52 = arith.constant 64 : index
      %swap3A_53 = tpu.vector_load %arg10[%swap3A_51, %swap3A_52] {strides = array<i32>} : memref<128x128xf32, #tpu.memory_space<vmem>>, vector<1x16xf32>,
      %swap3A_54 = vector.shape_cast %swap3A_53 : vector<1x16xf32> to vector<16xf32>
      %swap3A_55 = vector.shape_cast %broadcast_in_dim3A_50 : vector<16xf32> to vector<1x16xf32>
      tpu.vector_store %arg10[%swap3A_51, %swap3A_52], %swap3A_55 {strides = array<i32>} : memref<128x128xf32, #tpu.memory_space<vmem>>, vector<1x16xf32>,
      %broadcast_in_dim3A_56 = arith.constant 0.000000e+00 : f32
      %broadcast_in_dim3A_57 = vector.broadcast %broadcast_in_dim3A_56 : f32 to vector<16xf32>
      %swap3A_58 = arith.index_cast %scan3A_22 : i32 to index
      %swap3A_59 = arith.constant 80 : index
      %swap3A_60 = tpu.vector_load %arg10[%swap3A_58, %swap3A_59] {strides = array<i32>} : memref<128x128xf32, #tpu.memory_space<vmem>>, vector<1x16xf32>,
      %swap3A_61 = vector.shape_cast %swap3A_60 : vector<1x16xf32> to vector<16xf32>
      %swap3A_62 = vector.shape_cast %broadcast_in_dim3A_57 : vector<16xf32> to vector<1x16xf32>
      tpu.vector_store %arg10[%swap3A_58, %swap3A_59], %swap3A_62 {strides = array<i32>} : memref<128x128xf32, #tpu.memory_space<vmem>>, vector<1x16xf32>,
      %broadcast_in_dim3A_63 = arith.constant 0.000000e+00 : f32
      %broadcast_in_dim3A_64 = vector.broadcast %broadcast_in_dim3A_63 : f32 to vector<16xf32>
      %swap3A_65 = arith.index_cast %scan3A_22 : i32 to index
      %swap3A_66 = arith.constant 96 : index
      %swap3A_67 = tpu.vector_load %arg10[%swap3A_65, %swap3A_66] {strides = array<i32>} : memref<128x128xf32, #tpu.memory_space<vmem>>, vector<1x16xf32>,
      %swap3A_68 = vector.shape_cast %swap3A_67 : vector<1x16xf32> to vector<16xf32>
      %swap3A_69 = vector.shape_cast %broadcast_in_dim3A_64 : vector<16xf32> to vector<1x16xf32>
      tpu.vector_store %arg10[%swap3A_65, %swap3A_66], %swap3A_69 {strides = array<i32>} : memref<128x128xf32, #tpu.memory_space<vmem>>, vector<1x16xf32>,
      %broadcast_in_dim3A_70 = arith.constant 0.000000e+00 : f32
      %broadcast_in_dim3A_71 = vector.broadcast %broadcast_in_dim3A_70 : f32 to vector<16xf32>
      %swap3A_72 = arith.index_cast %scan3A_22 : i32 to index
      %swap3A_73 = arith.constant 112 : index
      %swap3A_74 = tpu.vector_load %arg10[%swap3A_72, %swap3A_73] {strides = array<i32>} : memref<128x128xf32, #tpu.memory_space<vmem>>, vector<1x16xf32>,
      %swap3A_75 = vector.shape_cast %swap3A_74 : vector<1x16xf32> to vector<16xf32>
      %swap3A_76 = vector.shape_cast %broadcast_in_dim3A_71 : vector<16xf32> to vector<1x16xf32>
      tpu.vector_store %arg10[%swap3A_72, %swap3A_73], %swap3A_76 {strides = array<i32>} : memref<128x128xf32, #tpu.memory_space<vmem>>, vector<1x16xf32>,
    }
    %scan3A_4 = arith.constant 128 : i32
    %add3A = arith.constant 0 : i32
    %add3A_5 = arith.addi %mul3A_0, %add3A : i32
    "tpu.region"() ({
      %run_scoped3A = tpu.sem_alloc : memref<!tpu.dma_semaphore, #tpu.memory_space<semaphore_mem>>
      %dma_start3A = arith.constant 0 : i32
      %dma_start3A_22 = tpu.memref_slice %arg12[%add3A_5, %dma_start3A] : memref<10112x128xf32, #tpu.memory_space<vmem_shared>> -> memref<128x128xf32, #tpu.memory_space<vmem_shared>>
      %dma_start3A_23 = arith.constant 0 : i32
      %dma_start3A_24 = tpu.memref_slice %arg12[%add3A_5, %dma_start3A_23] : memref<10112x128xf32, #tpu.memory_space<vmem_shared>> -> memref<128x128xf32, #tpu.memory_space<vmem_shared>>
      tpu.enqueue_dma source(%arg10 : memref<128x128xf32, #tpu.memory_space<vmem>>) target(%dma_start3A_24 : memref<128x128xf32, #tpu.memory_space<vmem_shared>>) target_semaphore(%run_scoped3A : memref<!tpu.dma_semaphore, #tpu.memory_space<semaphore_mem>>)
      %dma_wait3A = arith.constant 0 : i32
      %dma_wait3A_25 = tpu.memref_slice %arg12[%add3A_5, %dma_wait3A] : memref<10112x128xf32, #tpu.memory_space<vmem_shared>> -> memref<128x128xf32, #tpu.memory_space<vmem_shared>>
      %dma_wait3A_26 = arith.constant 0 : i32
      %dma_wait3A_27 = tpu.memref_slice %arg12[%add3A_5, %dma_wait3A_26] : memref<10112x128xf32, #tpu.memory_space<vmem_shared>> -> memref<128x128xf32, #tpu.memory_space<vmem_shared>>
      tpu.wait_dma2 semaphore(%run_scoped3A : memref<!tpu.dma_semaphore, #tpu.memory_space<semaphore_mem>>) src(%arg10 : memref<128x128xf32, #tpu.memory_space<vmem>>) dst(%dma_wait3A_27 : memref<128x128xf32, #tpu.memory_space<vmem_shared>>)
      tpu.yield
    }) : () -> ()
    %add3A_6 = arith.constant 128 : i32
    %add3A_7 = arith.addi %mul3A_0, %add3A_6 : i32
    "tpu.region"() ({
      %run_scoped3A = tpu.sem_alloc : memref<!tpu.dma_semaphore, #tpu.memory_space<semaphore_mem>>
      %dma_start3A = arith.constant 0 : i32
      %dma_start3A_22 = tpu.memref_slice %arg12[%add3A_7, %dma_start3A] : memref<10112x128xf32, #tpu.memory_space<vmem_shared>> -> memref<128x128xf32, #tpu.memory_space<vmem_shared>>
      %dma_start3A_23 = arith.constant 0 : i32
      %dma_start3A_24 = tpu.memref_slice %arg12[%add3A_7, %dma_start3A_23] : memref<10112x128xf32, #tpu.memory_space<vmem_shared>> -> memref<128x128xf32, #tpu.memory_space<vmem_shared>>
      tpu.enqueue_dma source(%arg10 : memref<128x128xf32, #tpu.memory_space<vmem>>) target(%dma_start3A_24 : memref<128x128xf32, #tpu.memory_space<vmem_shared>>) target_semaphore(%run_scoped3A : memref<!tpu.dma_semaphore, #tpu.memory_space<semaphore_mem>>)
      %dma_wait3A = arith.constant 0 : i32
      %dma_wait3A_25 = tpu.memref_slice %arg12[%add3A_7, %dma_wait3A] : memref<10112x128xf32, #tpu.memory_space<vmem_shared>> -> memref<128x128xf32, #tpu.memory_space<vmem_shared>>
      %dma_wait3A_26 = arith.constant 0 : i32
      %dma_wait3A_27 = tpu.memref_slice %arg12[%add3A_7, %dma_wait3A_26] : memref<10112x128xf32, #tpu.memory_space<vmem_shared>> -> memref<128x128xf32, #tpu.memory_space<vmem_shared>>
      tpu.wait_dma2 semaphore(%run_scoped3A : memref<!tpu.dma_semaphore, #tpu.memory_space<semaphore_mem>>) src(%arg10 : memref<128x128xf32, #tpu.memory_space<vmem>>) dst(%dma_wait3A_27 : memref<128x128xf32, #tpu.memory_space<vmem_shared>>)
      tpu.yield
    }) : () -> ()
    %add3A_8 = arith.constant 256 : i32
    %add3A_9 = arith.addi %mul3A_0, %add3A_8 : i32
    "tpu.region"() ({
      %run_scoped3A = tpu.sem_alloc : memref<!tpu.dma_semaphore, #tpu.memory_space<semaphore_mem>>
      %dma_start3A = arith.constant 0 : i32
      %dma_start3A_22 = tpu.memref_slice %arg12[%add3A_9, %dma_start3A] : memref<10112x128xf32, #tpu.memory_space<vmem_shared>> -> memref<128x128xf32, #tpu.memory_space<vmem_shared>>
      %dma_start3A_23 = arith.constant 0 : i32
      %dma_start3A_24 = tpu.memref_slice %arg12[%add3A_9, %dma_start3A_23] : memref<10112x128xf32, #tpu.memory_space<vmem_shared>> -> memref<128x128xf32, #tpu.memory_space<vmem_shared>>
      tpu.enqueue_dma source(%arg10 : memref<128x128xf32, #tpu.memory_space<vmem>>) target(%dma_start3A_24 : memref<128x128xf32, #tpu.memory_space<vmem_shared>>) target_semaphore(%run_scoped3A : memref<!tpu.dma_semaphore, #tpu.memory_space<semaphore_mem>>)
      %dma_wait3A = arith.constant 0 : i32
      %dma_wait3A_25 = tpu.memref_slice %arg12[%add3A_9, %dma_wait3A] : memref<10112x128xf32, #tpu.memory_space<vmem_shared>> -> memref<128x128xf32, #tpu.memory_space<vmem_shared>>
      %dma_wait3A_26 = arith.constant 0 : i32
      %dma_wait3A_27 = tpu.memref_slice %arg12[%add3A_9, %dma_wait3A_26] : memref<10112x128xf32, #tpu.memory_space<vmem_shared>> -> memref<128x128xf32, #tpu.memory_space<vmem_shared>>
      tpu.wait_dma2 semaphore(%run_scoped3A : memref<!tpu.dma_semaphore, #tpu.memory_space<semaphore_mem>>) src(%arg10 : memref<128x128xf32, #tpu.memory_space<vmem>>) dst(%dma_wait3A_27 : memref<128x128xf32, #tpu.memory_space<vmem_shared>>)
      tpu.yield
    }) : () -> ()
    %add3A_10 = arith.constant 384 : i32
    %add3A_11 = arith.addi %mul3A_0, %add3A_10 : i32
    "tpu.region"() ({
      %run_scoped3A = tpu.sem_alloc : memref<!tpu.dma_semaphore, #tpu.memory_space<semaphore_mem>>
      %dma_start3A = arith.constant 0 : i32
      %dma_start3A_22 = tpu.memref_slice %arg12[%add3A_11, %dma_start3A] : memref<10112x128xf32, #tpu.memory_space<vmem_shared>> -> memref<128x128xf32, #tpu.memory_space<vmem_shared>>
      %dma_start3A_23 = arith.constant 0 : i32
      %dma_start3A_24 = tpu.memref_slice %arg12[%add3A_11, %dma_start3A_23] : memref<10112x128xf32, #tpu.memory_space<vmem_shared>> -> memref<128x128xf32, #tpu.memory_space<vmem_shared>>
      tpu.enqueue_dma source(%arg10 : memref<128x128xf32, #tpu.memory_space<vmem>>) target(%dma_start3A_24 : memref<128x128xf32, #tpu.memory_space<vmem_shared>>) target_semaphore(%run_scoped3A : memref<!tpu.dma_semaphore, #tpu.memory_space<semaphore_mem>>)
      %dma_wait3A = arith.constant 0 : i32
      %dma_wait3A_25 = tpu.memref_slice %arg12[%add3A_11, %dma_wait3A] : memref<10112x128xf32, #tpu.memory_space<vmem_shared>> -> memref<128x128xf32, #tpu.memory_space<vmem_shared>>
      %dma_wait3A_26 = arith.constant 0 : i32
      %dma_wait3A_27 = tpu.memref_slice %arg12[%add3A_11, %dma_wait3A_26] : memref<10112x128xf32, #tpu.memory_space<vmem_shared>> -> memref<128x128xf32, #tpu.memory_space<vmem_shared>>
      tpu.wait_dma2 semaphore(%run_scoped3A : memref<!tpu.dma_semaphore, #tpu.memory_space<semaphore_mem>>) src(%arg10 : memref<128x128xf32, #tpu.memory_space<vmem>>) dst(%dma_wait3A_27 : memref<128x128xf32, #tpu.memory_space<vmem_shared>>)
      tpu.yield
    }) : () -> ()
    %add3A_12 = arith.constant 512 : i32
    %add3A_13 = arith.addi %mul3A_0, %add3A_12 : i32
    "tpu.region"() ({
      %run_scoped3A = tpu.sem_alloc : memref<!tpu.dma_semaphore, #tpu.memory_space<semaphore_mem>>
      %dma_start3A = arith.constant 0 : i32
      %dma_start3A_22 = arith.constant 0 : i32
      %dma_start3A_23 = tpu.memref_slice %arg10[%dma_start3A, %dma_start3A_22] : memref<128x128xf32, #tpu.memory_space<vmem>> -> memref<120x128xf32, #tpu.memory_space<vmem>>
      %dma_start3A_24 = arith.constant 0 : i32
      %dma_start3A_25 = tpu.memref_slice %arg12[%add3A_13, %dma_start3A_24] : memref<10112x128xf32, #tpu.memory_space<vmem_shared>> -> memref<120x128xf32, #tpu.memory_space<vmem_shared>>
      %dma_start3A_26 = arith.constant 0 : i32
      %dma_start3A_27 = tpu.memref_slice %arg12[%add3A_13, %dma_start3A_26] : memref<10112x128xf32, #tpu.memory_space<vmem_shared>> -> memref<120x128xf32, #tpu.memory_space<vmem_shared>>
      %dma_start3A_28 = arith.constant 0 : i32
      %dma_start3A_29 = arith.constant 0 : i32
      %dma_start3A_30 = tpu.memref_slice %arg10[%dma_start3A_28, %dma_start3A_29] : memref<128x128xf32, #tpu.memory_space<vmem>> -> memref<120x128xf32, #tpu.memory_space<vmem>>
      tpu.enqueue_dma source(%dma_start3A_30 : memref<120x128xf32, #tpu.memory_space<vmem>>) target(%dma_start3A_27 : memref<120x128xf32, #tpu.memory_space<vmem_shared>>) target_semaphore(%run_scoped3A : memref<!tpu.dma_semaphore, #tpu.memory_space<semaphore_mem>>)
      %dma_wait3A = arith.constant 0 : i32
      %dma_wait3A_31 = arith.constant 0 : i32
      %dma_wait3A_32 = tpu.memref_slice %arg10[%dma_wait3A, %dma_wait3A_31] : memref<128x128xf32, #tpu.memory_space<vmem>> -> memref<120x128xf32, #tpu.memory_space<vmem>>
      %dma_wait3A_33 = arith.constant 0 : i32
      %dma_wait3A_34 = tpu.memref_slice %arg12[%add3A_13, %dma_wait3A_33] : memref<10112x128xf32, #tpu.memory_space<vmem_shared>> -> memref<120x128xf32, #tpu.memory_space<vmem_shared>>
      %dma_wait3A_35 = arith.constant 0 : i32
      %dma_wait3A_36 = tpu.memref_slice %arg12[%add3A_13, %dma_wait3A_35] : memref<10112x128xf32, #tpu.memory_space<vmem_shared>> -> memref<120x128xf32, #tpu.memory_space<vmem_shared>>
      %dma_wait3A_37 = arith.constant 0 : i32
      %dma_wait3A_38 = arith.constant 0 : i32
      %dma_wait3A_39 = tpu.memref_slice %arg10[%dma_wait3A_37, %dma_wait3A_38] : memref<128x128xf32, #tpu.memory_space<vmem>> -> memref<120x128xf32, #tpu.memory_space<vmem>>
      tpu.wait_dma2 semaphore(%run_scoped3A : memref<!tpu.dma_semaphore, #tpu.memory_space<semaphore_mem>>) src(%dma_wait3A_39 : memref<120x128xf32, #tpu.memory_space<vmem>>) dst(%dma_wait3A_36 : memref<120x128xf32, #tpu.memory_space<vmem_shared>>)
      tpu.yield
    }) : () -> ()
    %barrier3A = arith.constant 0 : index
    tpu.barrier barrier_id(%barrier3A)
    %eq3A = arith.constant 0 : i32
    %eq3A_14 = arith.cmpi eq, %arg0, %eq3A : i32
    %convert_element_type3A = arith.extui %eq3A_14 : i1 to i32
    %cond3A = arith.constant 0 : i32
    %cond3A_15 = arith.cmpi ne, %convert_element_type3A, %cond3A : i32
    scf.if %cond3A_15 {
      "tpu.region"() ({
        %run_scoped3A = tpu.sem_alloc : memref<!tpu.dma_semaphore, #tpu.memory_space<semaphore_mem>>
        %dma_start3A_56 = arith.constant 0 : i32
        %dma_start3A_57 = arith.constant 0 : i32
        %dma_start3A_58 = tpu.memref_slice %arg3[%arg1, %dma_start3A_56, %dma_start3A_57] : memref<16x80x128xi32, #tpu.memory_space<hbm>> -> memref<1x40x128xi32, #tpu.memory_space<hbm>>
        %dma_start3A_59 = tpu.memref_squeeze %dma_start3A_58 : memref<1x40x128xi32, #tpu.memory_space<hbm>> -> memref<40x128xi32, #tpu.memory_space<hbm>>
        %dma_start3A_60 = arith.constant 0 : i32
        %dma_start3A_61 = arith.constant 0 : i32
        %dma_start3A_62 = tpu.memref_slice %arg3[%arg1, %dma_start3A_60, %dma_start3A_61] : memref<16x80x128xi32, #tpu.memory_space<hbm>> -> memref<1x40x128xi32, #tpu.memory_space<hbm>>
        %dma_start3A_63 = tpu.memref_squeeze %dma_start3A_62 : memref<1x40x128xi32, #tpu.memory_space<hbm>> -> memref<40x128xi32, #tpu.memory_space<hbm>>
        tpu.enqueue_dma source(%dma_start3A_63 : memref<40x128xi32, #tpu.memory_space<hbm>>) target(%arg8 : memref<40x128xi32, #tpu.memory_space<vmem>>) target_semaphore(%run_scoped3A : memref<!tpu.dma_semaphore, #tpu.memory_space<semaphore_mem>>)
        %dma_wait3A_64 = arith.constant 0 : i32
        %dma_wait3A_65 = arith.constant 0 : i32
        %dma_wait3A_66 = tpu.memref_slice %arg3[%arg1, %dma_wait3A_64, %dma_wait3A_65] : memref<16x80x128xi32, #tpu.memory_space<hbm>> -> memref<1x40x128xi32, #tpu.memory_space<hbm>>
        %dma_wait3A_67 = tpu.memref_squeeze %dma_wait3A_66 : memref<1x40x128xi32, #tpu.memory_space<hbm>> -> memref<40x128xi32, #tpu.memory_space<hbm>>
        %dma_wait3A_68 = arith.constant 0 : i32
        %dma_wait3A_69 = arith.constant 0 : i32
        %dma_wait3A_70 = tpu.memref_slice %arg3[%arg1, %dma_wait3A_68, %dma_wait3A_69] : memref<16x80x128xi32, #tpu.memory_space<hbm>> -> memref<1x40x128xi32, #tpu.memory_space<hbm>>
        %dma_wait3A_71 = tpu.memref_squeeze %dma_wait3A_70 : memref<1x40x128xi32, #tpu.memory_space<hbm>> -> memref<40x128xi32, #tpu.memory_space<hbm>>
        tpu.wait_dma2 semaphore(%run_scoped3A : memref<!tpu.dma_semaphore, #tpu.memory_space<semaphore_mem>>) src(%dma_wait3A_71 : memref<40x128xi32, #tpu.memory_space<hbm>>) dst(%arg8 : memref<40x128xi32, #tpu.memory_space<vmem>>)
        tpu.yield
      }) : () -> ()
      "tpu.region"() ({
        %run_scoped3A = tpu.sem_alloc : memref<!tpu.dma_semaphore, #tpu.memory_space<semaphore_mem>>
        %dma_start3A_56 = arith.constant 0 : i32
        %dma_start3A_57 = arith.constant 0 : i32
        %dma_start3A_58 = tpu.memref_slice %arg4[%arg1, %dma_start3A_56, %dma_start3A_57] : memref<16x80x128xi32, #tpu.memory_space<hbm>> -> memref<1x40x128xi32, #tpu.memory_space<hbm>>
        %dma_start3A_59 = tpu.memref_squeeze %dma_start3A_58 : memref<1x40x128xi32, #tpu.memory_space<hbm>> -> memref<40x128xi32, #tpu.memory_space<hbm>>
        %dma_start3A_60 = arith.constant 0 : i32
        %dma_start3A_61 = arith.constant 0 : i32
        %dma_start3A_62 = tpu.memref_slice %arg4[%arg1, %dma_start3A_60, %dma_start3A_61] : memref<16x80x128xi32, #tpu.memory_space<hbm>> -> memref<1x40x128xi32, #tpu.memory_space<hbm>>
        %dma_start3A_63 = tpu.memref_squeeze %dma_start3A_62 : memref<1x40x128xi32, #tpu.memory_space<hbm>> -> memref<40x128xi32, #tpu.memory_space<hbm>>
        tpu.enqueue_dma source(%dma_start3A_63 : memref<40x128xi32, #tpu.memory_space<hbm>>) target(%arg9 : memref<40x128xi32, #tpu.memory_space<vmem>>) target_semaphore(%run_scoped3A : memref<!tpu.dma_semaphore, #tpu.memory_space<semaphore_mem>>)
        %dma_wait3A_64 = arith.constant 0 : i32
        %dma_wait3A_65 = arith.constant 0 : i32
        %dma_wait3A_66 = tpu.memref_slice %arg4[%arg1, %dma_wait3A_64, %dma_wait3A_65] : memref<16x80x128xi32, #tpu.memory_space<hbm>> -> memref<1x40x128xi32, #tpu.memory_space<hbm>>
        %dma_wait3A_67 = tpu.memref_squeeze %dma_wait3A_66 : memref<1x40x128xi32, #tpu.memory_space<hbm>> -> memref<40x128xi32, #tpu.memory_space<hbm>>
        %dma_wait3A_68 = arith.constant 0 : i32
        %dma_wait3A_69 = arith.constant 0 : i32
        %dma_wait3A_70 = tpu.memref_slice %arg4[%arg1, %dma_wait3A_68, %dma_wait3A_69] : memref<16x80x128xi32, #tpu.memory_space<hbm>> -> memref<1x40x128xi32, #tpu.memory_space<hbm>>
        %dma_wait3A_71 = tpu.memref_squeeze %dma_wait3A_70 : memref<1x40x128xi32, #tpu.memory_space<hbm>> -> memref<40x128xi32, #tpu.memory_space<hbm>>
        tpu.wait_dma2 semaphore(%run_scoped3A : memref<!tpu.dma_semaphore, #tpu.memory_space<semaphore_mem>>) src(%dma_wait3A_71 : memref<40x128xi32, #tpu.memory_space<hbm>>) dst(%arg9 : memref<40x128xi32, #tpu.memory_space<vmem>>)
        tpu.yield
      }) : () -> ()
      %dma_start3A = arith.constant 0 : i32
      %dma_start3A_22 = arith.constant 0 : i32
      %dma_start3A_23 = tpu.memref_slice %arg8[%dma_start3A, %dma_start3A_22] : memref<40x128xi32, #tpu.memory_space<vmem>> -> memref<1x128xi32, #tpu.memory_space<vmem>>
      %dma_start3A_24 = tpu.memref_squeeze %dma_start3A_23 : memref<1x128xi32, #tpu.memory_space<vmem>> -> memref<128xi32, #tpu.memory_space<vmem>>
      %dma_start3A_25 = arith.constant 0 : i32
      %dma_start3A_26 = arith.constant 0 : i32
      %dma_start3A_27 = tpu.memref_slice %arg2[%dma_start3A_25, %dma_start3A_26] : memref<10000x128xf32, #tpu.memory_space<hbm>> -> memref<10000x128xf32, #tpu.memory_space<hbm>>
      tpu.enqueue_indirect_dma source(%dma_start3A_27 : memref<10000x128xf32, #tpu.memory_space<hbm>>) target(%arg10 : memref<128x128xf32, #tpu.memory_space<vmem>>) offsets(%dma_start3A_24 : memref<128xi32, #tpu.memory_space<vmem>>) semaphore(%arg13 : memref<!tpu.dma_semaphore, #tpu.memory_space<semaphore_mem>>)
      %scan3A_28 = arith.constant 0 : i32
      %scan3A_29 = arith.constant 20 : i32
      %scan3A_30 = arith.addi %scan3A_28, %scan3A_29 : i32
      %scan3A_31 = arith.constant 1 : i32
      scf.for %scan3A_56 = %scan3A_28 to %scan3A_30 step %scan3A_31  : i32 {
        %mul3A_57 = arith.constant 2 : i32
        %mul3A_58 = arith.muli %mul3A_57, %scan3A_56 : i32
        %mul3A_59 = arith.constant 2 : i32
        %mul3A_60 = arith.muli %mul3A_59, %scan3A_56 : i32
        %add3A_61 = arith.constant 1 : i32
        %add3A_62 = arith.addi %mul3A_60, %add3A_61 : i32
        %mul3A_63 = arith.constant 2 : i32
        %mul3A_64 = arith.muli %mul3A_63, %scan3A_56 : i32
        %add3A_65 = arith.constant 2 : i32
        %add3A_66 = arith.addi %mul3A_64, %add3A_65 : i32
        %rem3A = arith.constant 40 : i32
        %rem3A_67 = arith.remsi %add3A_66, %rem3A : i32
        %dma_start3A_68 = arith.constant 0 : i32
        %dma_start3A_69 = tpu.memref_slice %arg8[%add3A_62, %dma_start3A_68] : memref<40x128xi32, #tpu.memory_space<vmem>> -> memref<1x128xi32, #tpu.memory_space<vmem>>
        %dma_start3A_70 = tpu.memref_squeeze %dma_start3A_69 : memref<1x128xi32, #tpu.memory_space<vmem>> -> memref<128xi32, #tpu.memory_space<vmem>>
        %dma_start3A_71 = arith.constant 0 : i32
        %dma_start3A_72 = arith.constant 0 : i32
        %dma_start3A_73 = tpu.memref_slice %arg2[%dma_start3A_71, %dma_start3A_72] : memref<10000x128xf32, #tpu.memory_space<hbm>> -> memref<10000x128xf32, #tpu.memory_space<hbm>>
        tpu.enqueue_indirect_dma source(%dma_start3A_73 : memref<10000x128xf32, #tpu.memory_space<hbm>>) target(%arg11 : memref<128x128xf32, #tpu.memory_space<vmem>>) offsets(%dma_start3A_70 : memref<128xi32, #tpu.memory_space<vmem>>) semaphore(%arg14 : memref<!tpu.dma_semaphore, #tpu.memory_space<semaphore_mem>>)
        %dma_wait3A_74 = arith.constant 0 : i32
        %dma_wait3A_75 = arith.constant 0 : i32
        %dma_wait3A_76 = tpu.memref_slice %arg2[%dma_wait3A_74, %dma_wait3A_75] : memref<10000x128xf32, #tpu.memory_space<hbm>> -> memref<128x128xf32, #tpu.memory_space<hbm>>
        %dma_wait3A_77 = arith.constant 0 : i32
        %dma_wait3A_78 = arith.constant 0 : i32
        %dma_wait3A_79 = tpu.memref_slice %arg2[%dma_wait3A_77, %dma_wait3A_78] : memref<10000x128xf32, #tpu.memory_space<hbm>> -> memref<128x128xf32, #tpu.memory_space<hbm>>
        tpu.wait_dma2 semaphore(%arg13 : memref<!tpu.dma_semaphore, #tpu.memory_space<semaphore_mem>>) src(%dma_wait3A_79 : memref<128x128xf32, #tpu.memory_space<hbm>>) dst(%arg10 : memref<128x128xf32, #tpu.memory_space<vmem>>)
        "tpu.region"() ({
          %run_scoped3A = tpu.sem_alloc : memref<!tpu.dma_semaphore, #tpu.memory_space<semaphore_mem>>
          %dma_start3A_92 = arith.constant 0 : i32
          %dma_start3A_93 = tpu.memref_slice %arg9[%mul3A_58, %dma_start3A_92] : memref<40x128xi32, #tpu.memory_space<vmem>> -> memref<1x128xi32, #tpu.memory_space<vmem>>
          %dma_start3A_94 = tpu.memref_squeeze %dma_start3A_93 : memref<1x128xi32, #tpu.memory_space<vmem>> -> memref<128xi32, #tpu.memory_space<vmem>>
          %dma_start3A_95 = arith.constant 0 : i32
          %dma_start3A_96 = arith.constant 0 : i32
          %dma_start3A_97 = tpu.memref_slice %arg12[%dma_start3A_95, %dma_start3A_96] : memref<10112x128xf32, #tpu.memory_space<vmem_shared>> -> memref<10112x128xf32, #tpu.memory_space<vmem_shared>>
          tpu.enqueue_indirect_dma source(%arg10 : memref<128x128xf32, #tpu.memory_space<vmem>>) target(%dma_start3A_97 : memref<10112x128xf32, #tpu.memory_space<vmem_shared>>) offsets(%dma_start3A_94 : memref<128xi32, #tpu.memory_space<vmem>>) semaphore(%run_scoped3A : memref<!tpu.dma_semaphore, #tpu.memory_space<semaphore_mem>>) {add = true}
          %dma_wait3A_98 = arith.constant 0 : i32
          %dma_wait3A_99 = tpu.memref_slice %arg9[%mul3A_58, %dma_wait3A_98] : memref<40x128xi32, #tpu.memory_space<vmem>> -> memref<1x128xi32, #tpu.memory_space<vmem>>
          %dma_wait3A_100 = tpu.memref_squeeze %dma_wait3A_99 : memref<1x128xi32, #tpu.memory_space<vmem>> -> memref<128xi32, #tpu.memory_space<vmem>>
          %dma_wait3A_101 = arith.constant 0 : i32
          %dma_wait3A_102 = arith.constant 0 : i32
          %dma_wait3A_103 = tpu.memref_slice %arg12[%dma_wait3A_101, %dma_wait3A_102] : memref<10112x128xf32, #tpu.memory_space<vmem_shared>> -> memref<10112x128xf32, #tpu.memory_space<vmem_shared>>
          tpu.wait_indirect_dma semaphore(%run_scoped3A : memref<!tpu.dma_semaphore, #tpu.memory_space<semaphore_mem>>) src(%arg10 : memref<128x128xf32, #tpu.memory_space<vmem>>) dst(%dma_wait3A_103 : memref<10112x128xf32, #tpu.memory_space<vmem_shared>>)
          tpu.yield
        }) : () -> ()
        %dma_start3A_80 = arith.constant 0 : i32
        %dma_start3A_81 = tpu.memref_slice %arg8[%rem3A_67, %dma_start3A_80] : memref<40x128xi32, #tpu.memory_space<vmem>> -> memref<1x128xi32, #tpu.memory_space<vmem>>
        %dma_start3A_82 = tpu.memref_squeeze %dma_start3A_81 : memref<1x128xi32, #tpu.memory_space<vmem>> -> memref<128xi32, #tpu.memory_space<vmem>>
        %dma_start3A_83 = arith.constant 0 : i32
        %dma_start3A_84 = arith.constant 0 : i32
        %dma_start3A_85 = tpu.memref_slice %arg2[%dma_start3A_83, %dma_start3A_84] : memref<10000x128xf32, #tpu.memory_space<hbm>> -> memref<10000x128xf32, #tpu.memory_space<hbm>>
        tpu.enqueue_indirect_dma source(%dma_start3A_85 : memref<10000x128xf32, #tpu.memory_space<hbm>>) target(%arg10 : memref<128x128xf32, #tpu.memory_space<vmem>>) offsets(%dma_start3A_82 : memref<128xi32, #tpu.memory_space<vmem>>) semaphore(%arg13 : memref<!tpu.dma_semaphore, #tpu.memory_space<semaphore_mem>>)
        %dma_wait3A_86 = arith.constant 0 : i32
        %dma_wait3A_87 = tpu.memref_slice %arg8[%add3A_62, %dma_wait3A_86] : memref<40x128xi32, #tpu.memory_space<vmem>> -> memref<1x128xi32, #tpu.memory_space<vmem>>
        %dma_wait3A_88 = tpu.memref_squeeze %dma_wait3A_87 : memref<1x128xi32, #tpu.memory_space<vmem>> -> memref<128xi32, #tpu.memory_space<vmem>>
        %dma_wait3A_89 = arith.constant 0 : i32
        %dma_wait3A_90 = arith.constant 0 : i32
        %dma_wait3A_91 = tpu.memref_slice %arg2[%dma_wait3A_89, %dma_wait3A_90] : memref<10000x128xf32, #tpu.memory_space<hbm>> -> memref<10000x128xf32, #tpu.memory_space<hbm>>
        tpu.wait_indirect_dma semaphore(%arg14 : memref<!tpu.dma_semaphore, #tpu.memory_space<semaphore_mem>>) src(%dma_wait3A_91 : memref<10000x128xf32, #tpu.memory_space<hbm>>) dst(%arg11 : memref<128x128xf32, #tpu.memory_space<vmem>>)
        "tpu.region"() ({
          %run_scoped3A = tpu.sem_alloc : memref<!tpu.dma_semaphore, #tpu.memory_space<semaphore_mem>>
          %dma_start3A_92 = arith.constant 0 : i32
          %dma_start3A_93 = tpu.memref_slice %arg9[%add3A_62, %dma_start3A_92] : memref<40x128xi32, #tpu.memory_space<vmem>> -> memref<1x128xi32, #tpu.memory_space<vmem>>
          %dma_start3A_94 = tpu.memref_squeeze %dma_start3A_93 : memref<1x128xi32, #tpu.memory_space<vmem>> -> memref<128xi32, #tpu.memory_space<vmem>>
          %dma_start3A_95 = arith.constant 0 : i32
          %dma_start3A_96 = arith.constant 0 : i32
          %dma_start3A_97 = tpu.memref_slice %arg12[%dma_start3A_95, %dma_start3A_96] : memref<10112x128xf32, #tpu.memory_space<vmem_shared>> -> memref<10112x128xf32, #tpu.memory_space<vmem_shared>>
          tpu.enqueue_indirect_dma source(%arg11 : memref<128x128xf32, #tpu.memory_space<vmem>>) target(%dma_start3A_97 : memref<10112x128xf32, #tpu.memory_space<vmem_shared>>) offsets(%dma_start3A_94 : memref<128xi32, #tpu.memory_space<vmem>>) semaphore(%run_scoped3A : memref<!tpu.dma_semaphore, #tpu.memory_space<semaphore_mem>>) {add = true}
          %dma_wait3A_98 = arith.constant 0 : i32
          %dma_wait3A_99 = tpu.memref_slice %arg9[%add3A_62, %dma_wait3A_98] : memref<40x128xi32, #tpu.memory_space<vmem>> -> memref<1x128xi32, #tpu.memory_space<vmem>>
          %dma_wait3A_100 = tpu.memref_squeeze %dma_wait3A_99 : memref<1x128xi32, #tpu.memory_space<vmem>> -> memref<128xi32, #tpu.memory_space<vmem>>
          %dma_wait3A_101 = arith.constant 0 : i32
          %dma_wait3A_102 = arith.constant 0 : i32
          %dma_wait3A_103 = tpu.memref_slice %arg12[%dma_wait3A_101, %dma_wait3A_102] : memref<10112x128xf32, #tpu.memory_space<vmem_shared>> -> memref<10112x128xf32, #tpu.memory_space<vmem_shared>>
          tpu.wait_indirect_dma semaphore(%run_scoped3A : memref<!tpu.dma_semaphore, #tpu.memory_space<semaphore_mem>>) src(%arg11 : memref<128x128xf32, #tpu.memory_space<vmem>>) dst(%dma_wait3A_103 : memref<10112x128xf32, #tpu.memory_space<vmem_shared>>)
          tpu.yield
        }) : () -> ()
      }
      %scan3A_32 = arith.constant 20 : i32
      %dma_wait3A = arith.constant 0 : i32
      %dma_wait3A_33 = arith.constant 0 : i32
      %dma_wait3A_34 = tpu.memref_slice %arg2[%dma_wait3A, %dma_wait3A_33] : memref<10000x128xf32, #tpu.memory_space<hbm>> -> memref<128x128xf32, #tpu.memory_space<hbm>>
      %dma_wait3A_35 = arith.constant 0 : i32
      %dma_wait3A_36 = arith.constant 0 : i32
      %dma_wait3A_37 = tpu.memref_slice %arg2[%dma_wait3A_35, %dma_wait3A_36] : memref<10000x128xf32, #tpu.memory_space<hbm>> -> memref<128x128xf32, #tpu.memory_space<hbm>>
      tpu.wait_dma2 semaphore(%arg13 : memref<!tpu.dma_semaphore, #tpu.memory_space<semaphore_mem>>) src(%dma_wait3A_37 : memref<128x128xf32, #tpu.memory_space<hbm>>) dst(%arg10 : memref<128x128xf32, #tpu.memory_space<vmem>>)
      "tpu.region"() ({
        %run_scoped3A = tpu.sem_alloc : memref<!tpu.dma_semaphore, #tpu.memory_space<semaphore_mem>>
        %dma_start3A_56 = arith.constant 40 : i32
        %dma_start3A_57 = arith.constant 0 : i32
        %dma_start3A_58 = tpu.memref_slice %arg3[%arg1, %dma_start3A_56, %dma_start3A_57] : memref<16x80x128xi32, #tpu.memory_space<hbm>> -> memref<1x40x128xi32, #tpu.memory_space<hbm>>
        %dma_start3A_59 = tpu.memref_squeeze %dma_start3A_58 : memref<1x40x128xi32, #tpu.memory_space<hbm>> -> memref<40x128xi32, #tpu.memory_space<hbm>>
        %dma_start3A_60 = arith.constant 40 : i32
        %dma_start3A_61 = arith.constant 0 : i32
        %dma_start3A_62 = tpu.memref_slice %arg3[%arg1, %dma_start3A_60, %dma_start3A_61] : memref<16x80x128xi32, #tpu.memory_space<hbm>> -> memref<1x40x128xi32, #tpu.memory_space<hbm>>
        %dma_start3A_63 = tpu.memref_squeeze %dma_start3A_62 : memref<1x40x128xi32, #tpu.memory_space<hbm>> -> memref<40x128xi32, #tpu.memory_space<hbm>>
        tpu.enqueue_dma source(%dma_start3A_63 : memref<40x128xi32, #tpu.memory_space<hbm>>) target(%arg8 : memref<40x128xi32, #tpu.memory_space<vmem>>) target_semaphore(%run_scoped3A : memref<!tpu.dma_semaphore, #tpu.memory_space<semaphore_mem>>)
        %dma_wait3A_64 = arith.constant 40 : i32
        %dma_wait3A_65 = arith.constant 0 : i32
        %dma_wait3A_66 = tpu.memref_slice %arg3[%arg1, %dma_wait3A_64, %dma_wait3A_65] : memref<16x80x128xi32, #tpu.memory_space<hbm>> -> memref<1x40x128xi32, #tpu.memory_space<hbm>>
        %dma_wait3A_67 = tpu.memref_squeeze %dma_wait3A_66 : memref<1x40x128xi32, #tpu.memory_space<hbm>> -> memref<40x128xi32, #tpu.memory_space<hbm>>
        %dma_wait3A_68 = arith.constant 40 : i32
        %dma_wait3A_69 = arith.constant 0 : i32
        %dma_wait3A_70 = tpu.memref_slice %arg3[%arg1, %dma_wait3A_68, %dma_wait3A_69] : memref<16x80x128xi32, #tpu.memory_space<hbm>> -> memref<1x40x128xi32, #tpu.memory_space<hbm>>
        %dma_wait3A_71 = tpu.memref_squeeze %dma_wait3A_70 : memref<1x40x128xi32, #tpu.memory_space<hbm>> -> memref<40x128xi32, #tpu.memory_space<hbm>>
        tpu.wait_dma2 semaphore(%run_scoped3A : memref<!tpu.dma_semaphore, #tpu.memory_space<semaphore_mem>>) src(%dma_wait3A_71 : memref<40x128xi32, #tpu.memory_space<hbm>>) dst(%arg8 : memref<40x128xi32, #tpu.memory_space<vmem>>)
        tpu.yield
      }) : () -> ()
      "tpu.region"() ({
        %run_scoped3A = tpu.sem_alloc : memref<!tpu.dma_semaphore, #tpu.memory_space<semaphore_mem>>
        %dma_start3A_56 = arith.constant 40 : i32
        %dma_start3A_57 = arith.constant 0 : i32
        %dma_start3A_58 = tpu.memref_slice %arg4[%arg1, %dma_start3A_56, %dma_start3A_57] : memref<16x80x128xi32, #tpu.memory_space<hbm>> -> memref<1x40x128xi32, #tpu.memory_space<hbm>>
        %dma_start3A_59 = tpu.memref_squeeze %dma_start3A_58 : memref<1x40x128xi32, #tpu.memory_space<hbm>> -> memref<40x128xi32, #tpu.memory_space<hbm>>
        %dma_start3A_60 = arith.constant 40 : i32
        %dma_start3A_61 = arith.constant 0 : i32
        %dma_start3A_62 = tpu.memref_slice %arg4[%arg1, %dma_start3A_60, %dma_start3A_61] : memref<16x80x128xi32, #tpu.memory_space<hbm>> -> memref<1x40x128xi32, #tpu.memory_space<hbm>>
        %dma_start3A_63 = tpu.memref_squeeze %dma_start3A_62 : memref<1x40x128xi32, #tpu.memory_space<hbm>> -> memref<40x128xi32, #tpu.memory_space<hbm>>
        tpu.enqueue_dma source(%dma_start3A_63 : memref<40x128xi32, #tpu.memory_space<hbm>>) target(%arg9 : memref<40x128xi32, #tpu.memory_space<vmem>>) target_semaphore(%run_scoped3A : memref<!tpu.dma_semaphore, #tpu.memory_space<semaphore_mem>>)
        %dma_wait3A_64 = arith.constant 40 : i32
        %dma_wait3A_65 = arith.constant 0 : i32
        %dma_wait3A_66 = tpu.memref_slice %arg4[%arg1, %dma_wait3A_64, %dma_wait3A_65] : memref<16x80x128xi32, #tpu.memory_space<hbm>> -> memref<1x40x128xi32, #tpu.memory_space<hbm>>
        %dma_wait3A_67 = tpu.memref_squeeze %dma_wait3A_66 : memref<1x40x128xi32, #tpu.memory_space<hbm>> -> memref<40x128xi32, #tpu.memory_space<hbm>>
        %dma_wait3A_68 = arith.constant 40 : i32
        %dma_wait3A_69 = arith.constant 0 : i32
        %dma_wait3A_70 = tpu.memref_slice %arg4[%arg1, %dma_wait3A_68, %dma_wait3A_69] : memref<16x80x128xi32, #tpu.memory_space<hbm>> -> memref<1x40x128xi32, #tpu.memory_space<hbm>>
        %dma_wait3A_71 = tpu.memref_squeeze %dma_wait3A_70 : memref<1x40x128xi32, #tpu.memory_space<hbm>> -> memref<40x128xi32, #tpu.memory_space<hbm>>
        tpu.wait_dma2 semaphore(%run_scoped3A : memref<!tpu.dma_semaphore, #tpu.memory_space<semaphore_mem>>) src(%dma_wait3A_71 : memref<40x128xi32, #tpu.memory_space<hbm>>) dst(%arg9 : memref<40x128xi32, #tpu.memory_space<vmem>>)
        tpu.yield
      }) : () -> ()
      %dma_start3A_38 = arith.constant 0 : i32
      %dma_start3A_39 = arith.constant 0 : i32
      %dma_start3A_40 = tpu.memref_slice %arg8[%dma_start3A_38, %dma_start3A_39] : memref<40x128xi32, #tpu.memory_space<vmem>> -> memref<1x128xi32, #tpu.memory_space<vmem>>
      %dma_start3A_41 = tpu.memref_squeeze %dma_start3A_40 : memref<1x128xi32, #tpu.memory_space<vmem>> -> memref<128xi32, #tpu.memory_space<vmem>>
      %dma_start3A_42 = arith.constant 0 : i32
      %dma_start3A_43 = arith.constant 0 : i32
      %dma_start3A_44 = tpu.memref_slice %arg2[%dma_start3A_42, %dma_start3A_43] : memref<10000x128xf32, #tpu.memory_space<hbm>> -> memref<10000x128xf32, #tpu.memory_space<hbm>>
      tpu.enqueue_indirect_dma source(%dma_start3A_44 : memref<10000x128xf32, #tpu.memory_space<hbm>>) target(%arg10 : memref<128x128xf32, #tpu.memory_space<vmem>>) offsets(%dma_start3A_41 : memref<128xi32, #tpu.memory_space<vmem>>) semaphore(%arg13 : memref<!tpu.dma_semaphore, #tpu.memory_space<semaphore_mem>>)
      %scan3A_45 = arith.constant 0 : i32
      %scan3A_46 = arith.constant 20 : i32
      %scan3A_47 = arith.addi %scan3A_45, %scan3A_46 : i32
      %scan3A_48 = arith.constant 1 : i32
      scf.for %scan3A_56 = %scan3A_45 to %scan3A_47 step %scan3A_48  : i32 {
        %mul3A_57 = arith.constant 2 : i32
        %mul3A_58 = arith.muli %mul3A_57, %scan3A_56 : i32
        %mul3A_59 = arith.constant 2 : i32
        %mul3A_60 = arith.muli %mul3A_59, %scan3A_56 : i32
        %add3A_61 = arith.constant 1 : i32
        %add3A_62 = arith.addi %mul3A_60, %add3A_61 : i32
        %mul3A_63 = arith.constant 2 : i32
        %mul3A_64 = arith.muli %mul3A_63, %scan3A_56 : i32
        %add3A_65 = arith.constant 2 : i32
        %add3A_66 = arith.addi %mul3A_64, %add3A_65 : i32
        %rem3A = arith.constant 40 : i32
        %rem3A_67 = arith.remsi %add3A_66, %rem3A : i32
        %dma_start3A_68 = arith.constant 0 : i32
        %dma_start3A_69 = tpu.memref_slice %arg8[%add3A_62, %dma_start3A_68] : memref<40x128xi32, #tpu.memory_space<vmem>> -> memref<1x128xi32, #tpu.memory_space<vmem>>
        %dma_start3A_70 = tpu.memref_squeeze %dma_start3A_69 : memref<1x128xi32, #tpu.memory_space<vmem>> -> memref<128xi32, #tpu.memory_space<vmem>>
        %dma_start3A_71 = arith.constant 0 : i32
        %dma_start3A_72 = arith.constant 0 : i32
        %dma_start3A_73 = tpu.memref_slice %arg2[%dma_start3A_71, %dma_start3A_72] : memref<10000x128xf32, #tpu.memory_space<hbm>> -> memref<10000x128xf32, #tpu.memory_space<hbm>>
        tpu.enqueue_indirect_dma source(%dma_start3A_73 : memref<10000x128xf32, #tpu.memory_space<hbm>>) target(%arg11 : memref<128x128xf32, #tpu.memory_space<vmem>>) offsets(%dma_start3A_70 : memref<128xi32, #tpu.memory_space<vmem>>) semaphore(%arg14 : memref<!tpu.dma_semaphore, #tpu.memory_space<semaphore_mem>>)
        %dma_wait3A_74 = arith.constant 0 : i32
        %dma_wait3A_75 = arith.constant 0 : i32
        %dma_wait3A_76 = tpu.memref_slice %arg2[%dma_wait3A_74, %dma_wait3A_75] : memref<10000x128xf32, #tpu.memory_space<hbm>> -> memref<128x128xf32, #tpu.memory_space<hbm>>
        %dma_wait3A_77 = arith.constant 0 : i32
        %dma_wait3A_78 = arith.constant 0 : i32
        %dma_wait3A_79 = tpu.memref_slice %arg2[%dma_wait3A_77, %dma_wait3A_78] : memref<10000x128xf32, #tpu.memory_space<hbm>> -> memref<128x128xf32, #tpu.memory_space<hbm>>
        tpu.wait_dma2 semaphore(%arg13 : memref<!tpu.dma_semaphore, #tpu.memory_space<semaphore_mem>>) src(%dma_wait3A_79 : memref<128x128xf32, #tpu.memory_space<hbm>>) dst(%arg10 : memref<128x128xf32, #tpu.memory_space<vmem>>)
        "tpu.region"() ({
          %run_scoped3A = tpu.sem_alloc : memref<!tpu.dma_semaphore, #tpu.memory_space<semaphore_mem>>
          %dma_start3A_92 = arith.constant 0 : i32
          %dma_start3A_93 = tpu.memref_slice %arg9[%mul3A_58, %dma_start3A_92] : memref<40x128xi32, #tpu.memory_space<vmem>> -> memref<1x128xi32, #tpu.memory_space<vmem>>
          %dma_start3A_94 = tpu.memref_squeeze %dma_start3A_93 : memref<1x128xi32, #tpu.memory_space<vmem>> -> memref<128xi32, #tpu.memory_space<vmem>>
          %dma_start3A_95 = arith.constant 0 : i32
          %dma_start3A_96 = arith.constant 0 : i32
          %dma_start3A_97 = tpu.memref_slice %arg12[%dma_start3A_95, %dma_start3A_96] : memref<10112x128xf32, #tpu.memory_space<vmem_shared>> -> memref<10112x128xf32, #tpu.memory_space<vmem_shared>>
          tpu.enqueue_indirect_dma source(%arg10 : memref<128x128xf32, #tpu.memory_space<vmem>>) target(%dma_start3A_97 : memref<10112x128xf32, #tpu.memory_space<vmem_shared>>) offsets(%dma_start3A_94 : memref<128xi32, #tpu.memory_space<vmem>>) semaphore(%run_scoped3A : memref<!tpu.dma_semaphore, #tpu.memory_space<semaphore_mem>>) {add = true}
          %dma_wait3A_98 = arith.constant 0 : i32
          %dma_wait3A_99 = tpu.memref_slice %arg9[%mul3A_58, %dma_wait3A_98] : memref<40x128xi32, #tpu.memory_space<vmem>> -> memref<1x128xi32, #tpu.memory_space<vmem>>
          %dma_wait3A_100 = tpu.memref_squeeze %dma_wait3A_99 : memref<1x128xi32, #tpu.memory_space<vmem>> -> memref<128xi32, #tpu.memory_space<vmem>>
          %dma_wait3A_101 = arith.constant 0 : i32
          %dma_wait3A_102 = arith.constant 0 : i32
          %dma_wait3A_103 = tpu.memref_slice %arg12[%dma_wait3A_101, %dma_wait3A_102] : memref<10112x128xf32, #tpu.memory_space<vmem_shared>> -> memref<10112x128xf32, #tpu.memory_space<vmem_shared>>
          tpu.wait_indirect_dma semaphore(%run_scoped3A : memref<!tpu.dma_semaphore, #tpu.memory_space<semaphore_mem>>) src(%arg10 : memref<128x128xf32, #tpu.memory_space<vmem>>) dst(%dma_wait3A_103 : memref<10112x128xf32, #tpu.memory_space<vmem_shared>>)
          tpu.yield
        }) : () -> ()
        %dma_start3A_80 = arith.constant 0 : i32
        %dma_start3A_81 = tpu.memref_slice %arg8[%rem3A_67, %dma_start3A_80] : memref<40x128xi32, #tpu.memory_space<vmem>> -> memref<1x128xi32, #tpu.memory_space<vmem>>
        %dma_start3A_82 = tpu.memref_squeeze %dma_start3A_81 : memref<1x128xi32, #tpu.memory_space<vmem>> -> memref<128xi32, #tpu.memory_space<vmem>>
        %dma_start3A_83 = arith.constant 0 : i32
        %dma_start3A_84 = arith.constant 0 : i32
        %dma_start3A_85 = tpu.memref_slice %arg2[%dma_start3A_83, %dma_start3A_84] : memref<10000x128xf32, #tpu.memory_space<hbm>> -> memref<10000x128xf32, #tpu.memory_space<hbm>>
        tpu.enqueue_indirect_dma source(%dma_start3A_85 : memref<10000x128xf32, #tpu.memory_space<hbm>>) target(%arg10 : memref<128x128xf32, #tpu.memory_space<vmem>>) offsets(%dma_start3A_82 : memref<128xi32, #tpu.memory_space<vmem>>) semaphore(%arg13 : memref<!tpu.dma_semaphore, #tpu.memory_space<semaphore_mem>>)
        %dma_wait3A_86 = arith.constant 0 : i32
        %dma_wait3A_87 = tpu.memref_slice %arg8[%add3A_62, %dma_wait3A_86] : memref<40x128xi32, #tpu.memory_space<vmem>> -> memref<1x128xi32, #tpu.memory_space<vmem>>
        %dma_wait3A_88 = tpu.memref_squeeze %dma_wait3A_87 : memref<1x128xi32, #tpu.memory_space<vmem>> -> memref<128xi32, #tpu.memory_space<vmem>>
        %dma_wait3A_89 = arith.constant 0 : i32
        %dma_wait3A_90 = arith.constant 0 : i32
        %dma_wait3A_91 = tpu.memref_slice %arg2[%dma_wait3A_89, %dma_wait3A_90] : memref<10000x128xf32, #tpu.memory_space<hbm>> -> memref<10000x128xf32, #tpu.memory_space<hbm>>
        tpu.wait_indirect_dma semaphore(%arg14 : memref<!tpu.dma_semaphore, #tpu.memory_space<semaphore_mem>>) src(%dma_wait3A_91 : memref<10000x128xf32, #tpu.memory_space<hbm>>) dst(%arg11 : memref<128x128xf32, #tpu.memory_space<vmem>>)
        "tpu.region"() ({
          %run_scoped3A = tpu.sem_alloc : memref<!tpu.dma_semaphore, #tpu.memory_space<semaphore_mem>>
          %dma_start3A_92 = arith.constant 0 : i32
          %dma_start3A_93 = tpu.memref_slice %arg9[%add3A_62, %dma_start3A_92] : memref<40x128xi32, #tpu.memory_space<vmem>> -> memref<1x128xi32, #tpu.memory_space<vmem>>
          %dma_start3A_94 = tpu.memref_squeeze %dma_start3A_93 : memref<1x128xi32, #tpu.memory_space<vmem>> -> memref<128xi32, #tpu.memory_space<vmem>>
          %dma_start3A_95 = arith.constant 0 : i32
          %dma_start3A_96 = arith.constant 0 : i32
          %dma_start3A_97 = tpu.memref_slice %arg12[%dma_start3A_95, %dma_start3A_96] : memref<10112x128xf32, #tpu.memory_space<vmem_shared>> -> memref<10112x128xf32, #tpu.memory_space<vmem_shared>>
          tpu.enqueue_indirect_dma source(%arg11 : memref<128x128xf32, #tpu.memory_space<vmem>>) target(%dma_start3A_97 : memref<10112x128xf32, #tpu.memory_space<vmem_shared>>) offsets(%dma_start3A_94 : memref<128xi32, #tpu.memory_space<vmem>>) semaphore(%run_scoped3A : memref<!tpu.dma_semaphore, #tpu.memory_space<semaphore_mem>>) {add = true}
          %dma_wait3A_98 = arith.constant 0 : i32
          %dma_wait3A_99 = tpu.memref_slice %arg9[%add3A_62, %dma_wait3A_98] : memref<40x128xi32, #tpu.memory_space<vmem>> -> memref<1x128xi32, #tpu.memory_space<vmem>>
          %dma_wait3A_100 = tpu.memref_squeeze %dma_wait3A_99 : memref<1x128xi32, #tpu.memory_space<vmem>> -> memref<128xi32, #tpu.memory_space<vmem>>
          %dma_wait3A_101 = arith.constant 0 : i32
          %dma_wait3A_102 = arith.constant 0 : i32
          %dma_wait3A_103 = tpu.memref_slice %arg12[%dma_wait3A_101, %dma_wait3A_102] : memref<10112x128xf32, #tpu.memory_space<vmem_shared>> -> memref<10112x128xf32, #tpu.memory_space<vmem_shared>>
          tpu.wait_indirect_dma semaphore(%run_scoped3A : memref<!tpu.dma_semaphore, #tpu.memory_space<semaphore_mem>>) src(%arg11 : memref<128x128xf32, #tpu.memory_space<vmem>>) dst(%dma_wait3A_103 : memref<10112x128xf32, #tpu.memory_space<vmem_shared>>)
          tpu.yield
        }) : () -> ()
      }
      %scan3A_49 = arith.constant 20 : i32
      %dma_wait3A_50 = arith.constant 0 : i32
      %dma_wait3A_51 = arith.constant 0 : i32
      %dma_wait3A_52 = tpu.memref_slice %arg2[%dma_wait3A_50, %dma_wait3A_51] : memref<10000x128xf32, #tpu.memory_space<hbm>> -> memref<128x128xf32, #tpu.memory_space<hbm>>
      %dma_wait3A_53 = arith.constant 0 : i32
      %dma_wait3A_54 = arith.constant 0 : i32
      %dma_wait3A_55 = tpu.memref_slice %arg2[%dma_wait3A_53, %dma_wait3A_54] : memref<10000x128xf32, #tpu.memory_space<hbm>> -> memref<128x128xf32, #tpu.memory_space<hbm>>
      tpu.wait_dma2 semaphore(%arg13 : memref<!tpu.dma_semaphore, #tpu.memory_space<semaphore_mem>>) src(%dma_wait3A_55 : memref<128x128xf32, #tpu.memory_space<hbm>>) dst(%arg10 : memref<128x128xf32, #tpu.memory_space<vmem>>)
    } else {
    }
    %eq3A_16 = arith.constant 1 : i32
    %eq3A_17 = arith.cmpi eq, %arg0, %eq3A_16 : i32
    %convert_element_type3A_18 = arith.extui %eq3A_17 : i1 to i32
    %cond3A_19 = arith.constant 0 : i32
    %cond3A_20 = arith.cmpi ne, %convert_element_type3A_18, %cond3A_19 : i32
    scf.if %cond3A_20 {
      "tpu.region"() ({
        %run_scoped3A = tpu.sem_alloc : memref<!tpu.dma_semaphore, #tpu.memory_space<semaphore_mem>>
        %dma_start3A_56 = arith.constant 0 : i32
        %dma_start3A_57 = arith.constant 0 : i32
        %dma_start3A_58 = tpu.memref_slice %arg5[%arg1, %dma_start3A_56, %dma_start3A_57] : memref<16x80x128xi32, #tpu.memory_space<hbm>> -> memref<1x40x128xi32, #tpu.memory_space<hbm>>
        %dma_start3A_59 = tpu.memref_squeeze %dma_start3A_58 : memref<1x40x128xi32, #tpu.memory_space<hbm>> -> memref<40x128xi32, #tpu.memory_space<hbm>>
        %dma_start3A_60 = arith.constant 0 : i32
        %dma_start3A_61 = arith.constant 0 : i32
        %dma_start3A_62 = tpu.memref_slice %arg5[%arg1, %dma_start3A_60, %dma_start3A_61] : memref<16x80x128xi32, #tpu.memory_space<hbm>> -> memref<1x40x128xi32, #tpu.memory_space<hbm>>
        %dma_start3A_63 = tpu.memref_squeeze %dma_start3A_62 : memref<1x40x128xi32, #tpu.memory_space<hbm>> -> memref<40x128xi32, #tpu.memory_space<hbm>>
        tpu.enqueue_dma source(%dma_start3A_63 : memref<40x128xi32, #tpu.memory_space<hbm>>) target(%arg8 : memref<40x128xi32, #tpu.memory_space<vmem>>) target_semaphore(%run_scoped3A : memref<!tpu.dma_semaphore, #tpu.memory_space<semaphore_mem>>)
        %dma_wait3A_64 = arith.constant 0 : i32
        %dma_wait3A_65 = arith.constant 0 : i32
        %dma_wait3A_66 = tpu.memref_slice %arg5[%arg1, %dma_wait3A_64, %dma_wait3A_65] : memref<16x80x128xi32, #tpu.memory_space<hbm>> -> memref<1x40x128xi32, #tpu.memory_space<hbm>>
        %dma_wait3A_67 = tpu.memref_squeeze %dma_wait3A_66 : memref<1x40x128xi32, #tpu.memory_space<hbm>> -> memref<40x128xi32, #tpu.memory_space<hbm>>
        %dma_wait3A_68 = arith.constant 0 : i32
        %dma_wait3A_69 = arith.constant 0 : i32
        %dma_wait3A_70 = tpu.memref_slice %arg5[%arg1, %dma_wait3A_68, %dma_wait3A_69] : memref<16x80x128xi32, #tpu.memory_space<hbm>> -> memref<1x40x128xi32, #tpu.memory_space<hbm>>
        %dma_wait3A_71 = tpu.memref_squeeze %dma_wait3A_70 : memref<1x40x128xi32, #tpu.memory_space<hbm>> -> memref<40x128xi32, #tpu.memory_space<hbm>>
        tpu.wait_dma2 semaphore(%run_scoped3A : memref<!tpu.dma_semaphore, #tpu.memory_space<semaphore_mem>>) src(%dma_wait3A_71 : memref<40x128xi32, #tpu.memory_space<hbm>>) dst(%arg8 : memref<40x128xi32, #tpu.memory_space<vmem>>)
        tpu.yield
      }) : () -> ()
      "tpu.region"() ({
        %run_scoped3A = tpu.sem_alloc : memref<!tpu.dma_semaphore, #tpu.memory_space<semaphore_mem>>
        %dma_start3A_56 = arith.constant 0 : i32
        %dma_start3A_57 = arith.constant 0 : i32
        %dma_start3A_58 = tpu.memref_slice %arg6[%arg1, %dma_start3A_56, %dma_start3A_57] : memref<16x80x128xi32, #tpu.memory_space<hbm>> -> memref<1x40x128xi32, #tpu.memory_space<hbm>>
        %dma_start3A_59 = tpu.memref_squeeze %dma_start3A_58 : memref<1x40x128xi32, #tpu.memory_space<hbm>> -> memref<40x128xi32, #tpu.memory_space<hbm>>
        %dma_start3A_60 = arith.constant 0 : i32
        %dma_start3A_61 = arith.constant 0 : i32
        %dma_start3A_62 = tpu.memref_slice %arg6[%arg1, %dma_start3A_60, %dma_start3A_61] : memref<16x80x128xi32, #tpu.memory_space<hbm>> -> memref<1x40x128xi32, #tpu.memory_space<hbm>>
        %dma_start3A_63 = tpu.memref_squeeze %dma_start3A_62 : memref<1x40x128xi32, #tpu.memory_space<hbm>> -> memref<40x128xi32, #tpu.memory_space<hbm>>
        tpu.enqueue_dma source(%dma_start3A_63 : memref<40x128xi32, #tpu.memory_space<hbm>>) target(%arg9 : memref<40x128xi32, #tpu.memory_space<vmem>>) target_semaphore(%run_scoped3A : memref<!tpu.dma_semaphore, #tpu.memory_space<semaphore_mem>>)
        %dma_wait3A_64 = arith.constant 0 : i32
        %dma_wait3A_65 = arith.constant 0 : i32
        %dma_wait3A_66 = tpu.memref_slice %arg6[%arg1, %dma_wait3A_64, %dma_wait3A_65] : memref<16x80x128xi32, #tpu.memory_space<hbm>> -> memref<1x40x128xi32, #tpu.memory_space<hbm>>
        %dma_wait3A_67 = tpu.memref_squeeze %dma_wait3A_66 : memref<1x40x128xi32, #tpu.memory_space<hbm>> -> memref<40x128xi32, #tpu.memory_space<hbm>>
        %dma_wait3A_68 = arith.constant 0 : i32
        %dma_wait3A_69 = arith.constant 0 : i32
        %dma_wait3A_70 = tpu.memref_slice %arg6[%arg1, %dma_wait3A_68, %dma_wait3A_69] : memref<16x80x128xi32, #tpu.memory_space<hbm>> -> memref<1x40x128xi32, #tpu.memory_space<hbm>>
        %dma_wait3A_71 = tpu.memref_squeeze %dma_wait3A_70 : memref<1x40x128xi32, #tpu.memory_space<hbm>> -> memref<40x128xi32, #tpu.memory_space<hbm>>
        tpu.wait_dma2 semaphore(%run_scoped3A : memref<!tpu.dma_semaphore, #tpu.memory_space<semaphore_mem>>) src(%dma_wait3A_71 : memref<40x128xi32, #tpu.memory_space<hbm>>) dst(%arg9 : memref<40x128xi32, #tpu.memory_space<vmem>>)
        tpu.yield
      }) : () -> ()
      %dma_start3A = arith.constant 0 : i32
      %dma_start3A_22 = arith.constant 0 : i32
      %dma_start3A_23 = tpu.memref_slice %arg8[%dma_start3A, %dma_start3A_22] : memref<40x128xi32, #tpu.memory_space<vmem>> -> memref<1x128xi32, #tpu.memory_space<vmem>>
      %dma_start3A_24 = tpu.memref_squeeze %dma_start3A_23 : memref<1x128xi32, #tpu.memory_space<vmem>> -> memref<128xi32, #tpu.memory_space<vmem>>
      %dma_start3A_25 = arith.constant 0 : i32
      %dma_start3A_26 = arith.constant 0 : i32
      %dma_start3A_27 = tpu.memref_slice %arg2[%dma_start3A_25, %dma_start3A_26] : memref<10000x128xf32, #tpu.memory_space<hbm>> -> memref<10000x128xf32, #tpu.memory_space<hbm>>
      tpu.enqueue_indirect_dma source(%dma_start3A_27 : memref<10000x128xf32, #tpu.memory_space<hbm>>) target(%arg10 : memref<128x128xf32, #tpu.memory_space<vmem>>) offsets(%dma_start3A_24 : memref<128xi32, #tpu.memory_space<vmem>>) semaphore(%arg13 : memref<!tpu.dma_semaphore, #tpu.memory_space<semaphore_mem>>)
      %scan3A_28 = arith.constant 0 : i32
      %scan3A_29 = arith.constant 20 : i32
      %scan3A_30 = arith.addi %scan3A_28, %scan3A_29 : i32
      %scan3A_31 = arith.constant 1 : i32
      scf.for %scan3A_56 = %scan3A_28 to %scan3A_30 step %scan3A_31  : i32 {
        %mul3A_57 = arith.constant 2 : i32
        %mul3A_58 = arith.muli %mul3A_57, %scan3A_56 : i32
        %mul3A_59 = arith.constant 2 : i32
        %mul3A_60 = arith.muli %mul3A_59, %scan3A_56 : i32
        %add3A_61 = arith.constant 1 : i32
        %add3A_62 = arith.addi %mul3A_60, %add3A_61 : i32
        %mul3A_63 = arith.constant 2 : i32
        %mul3A_64 = arith.muli %mul3A_63, %scan3A_56 : i32
        %add3A_65 = arith.constant 2 : i32
        %add3A_66 = arith.addi %mul3A_64, %add3A_65 : i32
        %rem3A = arith.constant 40 : i32
        %rem3A_67 = arith.remsi %add3A_66, %rem3A : i32
        %dma_start3A_68 = arith.constant 0 : i32
        %dma_start3A_69 = tpu.memref_slice %arg8[%add3A_62, %dma_start3A_68] : memref<40x128xi32, #tpu.memory_space<vmem>> -> memref<1x128xi32, #tpu.memory_space<vmem>>
        %dma_start3A_70 = tpu.memref_squeeze %dma_start3A_69 : memref<1x128xi32, #tpu.memory_space<vmem>> -> memref<128xi32, #tpu.memory_space<vmem>>
        %dma_start3A_71 = arith.constant 0 : i32
        %dma_start3A_72 = arith.constant 0 : i32
        %dma_start3A_73 = tpu.memref_slice %arg2[%dma_start3A_71, %dma_start3A_72] : memref<10000x128xf32, #tpu.memory_space<hbm>> -> memref<10000x128xf32, #tpu.memory_space<hbm>>
        tpu.enqueue_indirect_dma source(%dma_start3A_73 : memref<10000x128xf32, #tpu.memory_space<hbm>>) target(%arg11 : memref<128x128xf32, #tpu.memory_space<vmem>>) offsets(%dma_start3A_70 : memref<128xi32, #tpu.memory_space<vmem>>) semaphore(%arg14 : memref<!tpu.dma_semaphore, #tpu.memory_space<semaphore_mem>>)
        %dma_wait3A_74 = arith.constant 0 : i32
        %dma_wait3A_75 = arith.constant 0 : i32
        %dma_wait3A_76 = tpu.memref_slice %arg2[%dma_wait3A_74, %dma_wait3A_75] : memref<10000x128xf32, #tpu.memory_space<hbm>> -> memref<128x128xf32, #tpu.memory_space<hbm>>
        %dma_wait3A_77 = arith.constant 0 : i32
        %dma_wait3A_78 = arith.constant 0 : i32
        %dma_wait3A_79 = tpu.memref_slice %arg2[%dma_wait3A_77, %dma_wait3A_78] : memref<10000x128xf32, #tpu.memory_space<hbm>> -> memref<128x128xf32, #tpu.memory_space<hbm>>
        tpu.wait_dma2 semaphore(%arg13 : memref<!tpu.dma_semaphore, #tpu.memory_space<semaphore_mem>>) src(%dma_wait3A_79 : memref<128x128xf32, #tpu.memory_space<hbm>>) dst(%arg10 : memref<128x128xf32, #tpu.memory_space<vmem>>)
        "tpu.region"() ({
          %run_scoped3A = tpu.sem_alloc : memref<!tpu.dma_semaphore, #tpu.memory_space<semaphore_mem>>
          %dma_start3A_92 = arith.constant 0 : i32
          %dma_start3A_93 = tpu.memref_slice %arg9[%mul3A_58, %dma_start3A_92] : memref<40x128xi32, #tpu.memory_space<vmem>> -> memref<1x128xi32, #tpu.memory_space<vmem>>
          %dma_start3A_94 = tpu.memref_squeeze %dma_start3A_93 : memref<1x128xi32, #tpu.memory_space<vmem>> -> memref<128xi32, #tpu.memory_space<vmem>>
          %dma_start3A_95 = arith.constant 0 : i32
          %dma_start3A_96 = arith.constant 0 : i32
          %dma_start3A_97 = tpu.memref_slice %arg12[%dma_start3A_95, %dma_start3A_96] : memref<10112x128xf32, #tpu.memory_space<vmem_shared>> -> memref<10112x128xf32, #tpu.memory_space<vmem_shared>>
          tpu.enqueue_indirect_dma source(%arg10 : memref<128x128xf32, #tpu.memory_space<vmem>>) target(%dma_start3A_97 : memref<10112x128xf32, #tpu.memory_space<vmem_shared>>) offsets(%dma_start3A_94 : memref<128xi32, #tpu.memory_space<vmem>>) semaphore(%run_scoped3A : memref<!tpu.dma_semaphore, #tpu.memory_space<semaphore_mem>>) {add = true}
          %dma_wait3A_98 = arith.constant 0 : i32
          %dma_wait3A_99 = tpu.memref_slice %arg9[%mul3A_58, %dma_wait3A_98] : memref<40x128xi32, #tpu.memory_space<vmem>> -> memref<1x128xi32, #tpu.memory_space<vmem>>
          %dma_wait3A_100 = tpu.memref_squeeze %dma_wait3A_99 : memref<1x128xi32, #tpu.memory_space<vmem>> -> memref<128xi32, #tpu.memory_space<vmem>>
          %dma_wait3A_101 = arith.constant 0 : i32
          %dma_wait3A_102 = arith.constant 0 : i32
          %dma_wait3A_103 = tpu.memref_slice %arg12[%dma_wait3A_101, %dma_wait3A_102] : memref<10112x128xf32, #tpu.memory_space<vmem_shared>> -> memref<10112x128xf32, #tpu.memory_space<vmem_shared>>
          tpu.wait_indirect_dma semaphore(%run_scoped3A : memref<!tpu.dma_semaphore, #tpu.memory_space<semaphore_mem>>) src(%arg10 : memref<128x128xf32, #tpu.memory_space<vmem>>) dst(%dma_wait3A_103 : memref<10112x128xf32, #tpu.memory_space<vmem_shared>>)
          tpu.yield
        }) : () -> ()
        %dma_start3A_80 = arith.constant 0 : i32
        %dma_start3A_81 = tpu.memref_slice %arg8[%rem3A_67, %dma_start3A_80] : memref<40x128xi32, #tpu.memory_space<vmem>> -> memref<1x128xi32, #tpu.memory_space<vmem>>
        %dma_start3A_82 = tpu.memref_squeeze %dma_start3A_81 : memref<1x128xi32, #tpu.memory_space<vmem>> -> memref<128xi32, #tpu.memory_space<vmem>>
        %dma_start3A_83 = arith.constant 0 : i32
        %dma_start3A_84 = arith.constant 0 : i32
        %dma_start3A_85 = tpu.memref_slice %arg2[%dma_start3A_83, %dma_start3A_84] : memref<10000x128xf32, #tpu.memory_space<hbm>> -> memref<10000x128xf32, #tpu.memory_space<hbm>>
        tpu.enqueue_indirect_dma source(%dma_start3A_85 : memref<10000x128xf32, #tpu.memory_space<hbm>>) target(%arg10 : memref<128x128xf32, #tpu.memory_space<vmem>>) offsets(%dma_start3A_82 : memref<128xi32, #tpu.memory_space<vmem>>) semaphore(%arg13 : memref<!tpu.dma_semaphore, #tpu.memory_space<semaphore_mem>>)
        %dma_wait3A_86 = arith.constant 0 : i32
        %dma_wait3A_87 = tpu.memref_slice %arg8[%add3A_62, %dma_wait3A_86] : memref<40x128xi32, #tpu.memory_space<vmem>> -> memref<1x128xi32, #tpu.memory_space<vmem>>
        %dma_wait3A_88 = tpu.memref_squeeze %dma_wait3A_87 : memref<1x128xi32, #tpu.memory_space<vmem>> -> memref<128xi32, #tpu.memory_space<vmem>>
        %dma_wait3A_89 = arith.constant 0 : i32
        %dma_wait3A_90 = arith.constant 0 : i32
        %dma_wait3A_91 = tpu.memref_slice %arg2[%dma_wait3A_89, %dma_wait3A_90] : memref<10000x128xf32, #tpu.memory_space<hbm>> -> memref<10000x128xf32, #tpu.memory_space<hbm>>
        tpu.wait_indirect_dma semaphore(%arg14 : memref<!tpu.dma_semaphore, #tpu.memory_space<semaphore_mem>>) src(%dma_wait3A_91 : memref<10000x128xf32, #tpu.memory_space<hbm>>) dst(%arg11 : memref<128x128xf32, #tpu.memory_space<vmem>>)
        "tpu.region"() ({
          %run_scoped3A = tpu.sem_alloc : memref<!tpu.dma_semaphore, #tpu.memory_space<semaphore_mem>>
          %dma_start3A_92 = arith.constant 0 : i32
          %dma_start3A_93 = tpu.memref_slice %arg9[%add3A_62, %dma_start3A_92] : memref<40x128xi32, #tpu.memory_space<vmem>> -> memref<1x128xi32, #tpu.memory_space<vmem>>
          %dma_start3A_94 = tpu.memref_squeeze %dma_start3A_93 : memref<1x128xi32, #tpu.memory_space<vmem>> -> memref<128xi32, #tpu.memory_space<vmem>>
          %dma_start3A_95 = arith.constant 0 : i32
          %dma_start3A_96 = arith.constant 0 : i32
          %dma_start3A_97 = tpu.memref_slice %arg12[%dma_start3A_95, %dma_start3A_96] : memref<10112x128xf32, #tpu.memory_space<vmem_shared>> -> memref<10112x128xf32, #tpu.memory_space<vmem_shared>>
          tpu.enqueue_indirect_dma source(%arg11 : memref<128x128xf32, #tpu.memory_space<vmem>>) target(%dma_start3A_97 : memref<10112x128xf32, #tpu.memory_space<vmem_shared>>) offsets(%dma_start3A_94 : memref<128xi32, #tpu.memory_space<vmem>>) semaphore(%run_scoped3A : memref<!tpu.dma_semaphore, #tpu.memory_space<semaphore_mem>>) {add = true}
          %dma_wait3A_98 = arith.constant 0 : i32
          %dma_wait3A_99 = tpu.memref_slice %arg9[%add3A_62, %dma_wait3A_98] : memref<40x128xi32, #tpu.memory_space<vmem>> -> memref<1x128xi32, #tpu.memory_space<vmem>>
          %dma_wait3A_100 = tpu.memref_squeeze %dma_wait3A_99 : memref<1x128xi32, #tpu.memory_space<vmem>> -> memref<128xi32, #tpu.memory_space<vmem>>
          %dma_wait3A_101 = arith.constant 0 : i32
          %dma_wait3A_102 = arith.constant 0 : i32
          %dma_wait3A_103 = tpu.memref_slice %arg12[%dma_wait3A_101, %dma_wait3A_102] : memref<10112x128xf32, #tpu.memory_space<vmem_shared>> -> memref<10112x128xf32, #tpu.memory_space<vmem_shared>>
          tpu.wait_indirect_dma semaphore(%run_scoped3A : memref<!tpu.dma_semaphore, #tpu.memory_space<semaphore_mem>>) src(%arg11 : memref<128x128xf32, #tpu.memory_space<vmem>>) dst(%dma_wait3A_103 : memref<10112x128xf32, #tpu.memory_space<vmem_shared>>)
          tpu.yield
        }) : () -> ()
      }
      %scan3A_32 = arith.constant 20 : i32
      %dma_wait3A = arith.constant 0 : i32
      %dma_wait3A_33 = arith.constant 0 : i32
      %dma_wait3A_34 = tpu.memref_slice %arg2[%dma_wait3A, %dma_wait3A_33] : memref<10000x128xf32, #tpu.memory_space<hbm>> -> memref<128x128xf32, #tpu.memory_space<hbm>>
      %dma_wait3A_35 = arith.constant 0 : i32
      %dma_wait3A_36 = arith.constant 0 : i32
      %dma_wait3A_37 = tpu.memref_slice %arg2[%dma_wait3A_35, %dma_wait3A_36] : memref<10000x128xf32, #tpu.memory_space<hbm>> -> memref<128x128xf32, #tpu.memory_space<hbm>>
      tpu.wait_dma2 semaphore(%arg13 : memref<!tpu.dma_semaphore, #tpu.memory_space<semaphore_mem>>) src(%dma_wait3A_37 : memref<128x128xf32, #tpu.memory_space<hbm>>) dst(%arg10 : memref<128x128xf32, #tpu.memory_space<vmem>>)
      "tpu.region"() ({
        %run_scoped3A = tpu.sem_alloc : memref<!tpu.dma_semaphore, #tpu.memory_space<semaphore_mem>>
        %dma_start3A_56 = arith.constant 40 : i32
        %dma_start3A_57 = arith.constant 0 : i32
        %dma_start3A_58 = tpu.memref_slice %arg5[%arg1, %dma_start3A_56, %dma_start3A_57] : memref<16x80x128xi32, #tpu.memory_space<hbm>> -> memref<1x40x128xi32, #tpu.memory_space<hbm>>
        %dma_start3A_59 = tpu.memref_squeeze %dma_start3A_58 : memref<1x40x128xi32, #tpu.memory_space<hbm>> -> memref<40x128xi32, #tpu.memory_space<hbm>>
        %dma_start3A_60 = arith.constant 40 : i32
        %dma_start3A_61 = arith.constant 0 : i32
        %dma_start3A_62 = tpu.memref_slice %arg5[%arg1, %dma_start3A_60, %dma_start3A_61] : memref<16x80x128xi32, #tpu.memory_space<hbm>> -> memref<1x40x128xi32, #tpu.memory_space<hbm>>
        %dma_start3A_63 = tpu.memref_squeeze %dma_start3A_62 : memref<1x40x128xi32, #tpu.memory_space<hbm>> -> memref<40x128xi32, #tpu.memory_space<hbm>>
        tpu.enqueue_dma source(%dma_start3A_63 : memref<40x128xi32, #tpu.memory_space<hbm>>) target(%arg8 : memref<40x128xi32, #tpu.memory_space<vmem>>) target_semaphore(%run_scoped3A : memref<!tpu.dma_semaphore, #tpu.memory_space<semaphore_mem>>)
        %dma_wait3A_64 = arith.constant 40 : i32
        %dma_wait3A_65 = arith.constant 0 : i32
        %dma_wait3A_66 = tpu.memref_slice %arg5[%arg1, %dma_wait3A_64, %dma_wait3A_65] : memref<16x80x128xi32, #tpu.memory_space<hbm>> -> memref<1x40x128xi32, #tpu.memory_space<hbm>>
        %dma_wait3A_67 = tpu.memref_squeeze %dma_wait3A_66 : memref<1x40x128xi32, #tpu.memory_space<hbm>> -> memref<40x128xi32, #tpu.memory_space<hbm>>
        %dma_wait3A_68 = arith.constant 40 : i32
        %dma_wait3A_69 = arith.constant 0 : i32
        %dma_wait3A_70 = tpu.memref_slice %arg5[%arg1, %dma_wait3A_68, %dma_wait3A_69] : memref<16x80x128xi32, #tpu.memory_space<hbm>> -> memref<1x40x128xi32, #tpu.memory_space<hbm>>
        %dma_wait3A_71 = tpu.memref_squeeze %dma_wait3A_70 : memref<1x40x128xi32, #tpu.memory_space<hbm>> -> memref<40x128xi32, #tpu.memory_space<hbm>>
        tpu.wait_dma2 semaphore(%run_scoped3A : memref<!tpu.dma_semaphore, #tpu.memory_space<semaphore_mem>>) src(%dma_wait3A_71 : memref<40x128xi32, #tpu.memory_space<hbm>>) dst(%arg8 : memref<40x128xi32, #tpu.memory_space<vmem>>)
        tpu.yield
      }) : () -> ()
      "tpu.region"() ({
        %run_scoped3A = tpu.sem_alloc : memref<!tpu.dma_semaphore, #tpu.memory_space<semaphore_mem>>
        %dma_start3A_56 = arith.constant 40 : i32
        %dma_start3A_57 = arith.constant 0 : i32
        %dma_start3A_58 = tpu.memref_slice %arg6[%arg1, %dma_start3A_56, %dma_start3A_57] : memref<16x80x128xi32, #tpu.memory_space<hbm>> -> memref<1x40x128xi32, #tpu.memory_space<hbm>>
        %dma_start3A_59 = tpu.memref_squeeze %dma_start3A_58 : memref<1x40x128xi32, #tpu.memory_space<hbm>> -> memref<40x128xi32, #tpu.memory_space<hbm>>
        %dma_start3A_60 = arith.constant 40 : i32
        %dma_start3A_61 = arith.constant 0 : i32
        %dma_start3A_62 = tpu.memref_slice %arg6[%arg1, %dma_start3A_60, %dma_start3A_61] : memref<16x80x128xi32, #tpu.memory_space<hbm>> -> memref<1x40x128xi32, #tpu.memory_space<hbm>>
        %dma_start3A_63 = tpu.memref_squeeze %dma_start3A_62 : memref<1x40x128xi32, #tpu.memory_space<hbm>> -> memref<40x128xi32, #tpu.memory_space<hbm>>
        tpu.enqueue_dma source(%dma_start3A_63 : memref<40x128xi32, #tpu.memory_space<hbm>>) target(%arg9 : memref<40x128xi32, #tpu.memory_space<vmem>>) target_semaphore(%run_scoped3A : memref<!tpu.dma_semaphore, #tpu.memory_space<semaphore_mem>>)
        %dma_wait3A_64 = arith.constant 40 : i32
        %dma_wait3A_65 = arith.constant 0 : i32
        %dma_wait3A_66 = tpu.memref_slice %arg6[%arg1, %dma_wait3A_64, %dma_wait3A_65] : memref<16x80x128xi32, #tpu.memory_space<hbm>> -> memref<1x40x128xi32, #tpu.memory_space<hbm>>
        %dma_wait3A_67 = tpu.memref_squeeze %dma_wait3A_66 : memref<1x40x128xi32, #tpu.memory_space<hbm>> -> memref<40x128xi32, #tpu.memory_space<hbm>>
        %dma_wait3A_68 = arith.constant 40 : i32
        %dma_wait3A_69 = arith.constant 0 : i32
        %dma_wait3A_70 = tpu.memref_slice %arg6[%arg1, %dma_wait3A_68, %dma_wait3A_69] : memref<16x80x128xi32, #tpu.memory_space<hbm>> -> memref<1x40x128xi32, #tpu.memory_space<hbm>>
        %dma_wait3A_71 = tpu.memref_squeeze %dma_wait3A_70 : memref<1x40x128xi32, #tpu.memory_space<hbm>> -> memref<40x128xi32, #tpu.memory_space<hbm>>
        tpu.wait_dma2 semaphore(%run_scoped3A : memref<!tpu.dma_semaphore, #tpu.memory_space<semaphore_mem>>) src(%dma_wait3A_71 : memref<40x128xi32, #tpu.memory_space<hbm>>) dst(%arg9 : memref<40x128xi32, #tpu.memory_space<vmem>>)
        tpu.yield
      }) : () -> ()
      %dma_start3A_38 = arith.constant 0 : i32
      %dma_start3A_39 = arith.constant 0 : i32
      %dma_start3A_40 = tpu.memref_slice %arg8[%dma_start3A_38, %dma_start3A_39] : memref<40x128xi32, #tpu.memory_space<vmem>> -> memref<1x128xi32, #tpu.memory_space<vmem>>
      %dma_start3A_41 = tpu.memref_squeeze %dma_start3A_40 : memref<1x128xi32, #tpu.memory_space<vmem>> -> memref<128xi32, #tpu.memory_space<vmem>>
      %dma_start3A_42 = arith.constant 0 : i32
      %dma_start3A_43 = arith.constant 0 : i32
      %dma_start3A_44 = tpu.memref_slice %arg2[%dma_start3A_42, %dma_start3A_43] : memref<10000x128xf32, #tpu.memory_space<hbm>> -> memref<10000x128xf32, #tpu.memory_space<hbm>>
      tpu.enqueue_indirect_dma source(%dma_start3A_44 : memref<10000x128xf32, #tpu.memory_space<hbm>>) target(%arg10 : memref<128x128xf32, #tpu.memory_space<vmem>>) offsets(%dma_start3A_41 : memref<128xi32, #tpu.memory_space<vmem>>) semaphore(%arg13 : memref<!tpu.dma_semaphore, #tpu.memory_space<semaphore_mem>>)
      %scan3A_45 = arith.constant 0 : i32
      %scan3A_46 = arith.constant 20 : i32
      %scan3A_47 = arith.addi %scan3A_45, %scan3A_46 : i32
      %scan3A_48 = arith.constant 1 : i32
      scf.for %scan3A_56 = %scan3A_45 to %scan3A_47 step %scan3A_48  : i32 {
        %mul3A_57 = arith.constant 2 : i32
        %mul3A_58 = arith.muli %mul3A_57, %scan3A_56 : i32
        %mul3A_59 = arith.constant 2 : i32
        %mul3A_60 = arith.muli %mul3A_59, %scan3A_56 : i32
        %add3A_61 = arith.constant 1 : i32
        %add3A_62 = arith.addi %mul3A_60, %add3A_61 : i32
        %mul3A_63 = arith.constant 2 : i32
        %mul3A_64 = arith.muli %mul3A_63, %scan3A_56 : i32
        %add3A_65 = arith.constant 2 : i32
        %add3A_66 = arith.addi %mul3A_64, %add3A_65 : i32
        %rem3A = arith.constant 40 : i32
        %rem3A_67 = arith.remsi %add3A_66, %rem3A : i32
        %dma_start3A_68 = arith.constant 0 : i32
        %dma_start3A_69 = tpu.memref_slice %arg8[%add3A_62, %dma_start3A_68] : memref<40x128xi32, #tpu.memory_space<vmem>> -> memref<1x128xi32, #tpu.memory_space<vmem>>
        %dma_start3A_70 = tpu.memref_squeeze %dma_start3A_69 : memref<1x128xi32, #tpu.memory_space<vmem>> -> memref<128xi32, #tpu.memory_space<vmem>>
        %dma_start3A_71 = arith.constant 0 : i32
        %dma_start3A_72 = arith.constant 0 : i32
        %dma_start3A_73 = tpu.memref_slice %arg2[%dma_start3A_71, %dma_start3A_72] : memref<10000x128xf32, #tpu.memory_space<hbm>> -> memref<10000x128xf32, #tpu.memory_space<hbm>>
        tpu.enqueue_indirect_dma source(%dma_start3A_73 : memref<10000x128xf32, #tpu.memory_space<hbm>>) target(%arg11 : memref<128x128xf32, #tpu.memory_space<vmem>>) offsets(%dma_start3A_70 : memref<128xi32, #tpu.memory_space<vmem>>) semaphore(%arg14 : memref<!tpu.dma_semaphore, #tpu.memory_space<semaphore_mem>>)
        %dma_wait3A_74 = arith.constant 0 : i32
        %dma_wait3A_75 = arith.constant 0 : i32
        %dma_wait3A_76 = tpu.memref_slice %arg2[%dma_wait3A_74, %dma_wait3A_75] : memref<10000x128xf32, #tpu.memory_space<hbm>> -> memref<128x128xf32, #tpu.memory_space<hbm>>
        %dma_wait3A_77 = arith.constant 0 : i32
        %dma_wait3A_78 = arith.constant 0 : i32
        %dma_wait3A_79 = tpu.memref_slice %arg2[%dma_wait3A_77, %dma_wait3A_78] : memref<10000x128xf32, #tpu.memory_space<hbm>> -> memref<128x128xf32, #tpu.memory_space<hbm>>
        tpu.wait_dma2 semaphore(%arg13 : memref<!tpu.dma_semaphore, #tpu.memory_space<semaphore_mem>>) src(%dma_wait3A_79 : memref<128x128xf32, #tpu.memory_space<hbm>>) dst(%arg10 : memref<128x128xf32, #tpu.memory_space<vmem>>)
        "tpu.region"() ({
          %run_scoped3A = tpu.sem_alloc : memref<!tpu.dma_semaphore, #tpu.memory_space<semaphore_mem>>
          %dma_start3A_92 = arith.constant 0 : i32
          %dma_start3A_93 = tpu.memref_slice %arg9[%mul3A_58, %dma_start3A_92] : memref<40x128xi32, #tpu.memory_space<vmem>> -> memref<1x128xi32, #tpu.memory_space<vmem>>
          %dma_start3A_94 = tpu.memref_squeeze %dma_start3A_93 : memref<1x128xi32, #tpu.memory_space<vmem>> -> memref<128xi32, #tpu.memory_space<vmem>>
          %dma_start3A_95 = arith.constant 0 : i32
          %dma_start3A_96 = arith.constant 0 : i32
          %dma_start3A_97 = tpu.memref_slice %arg12[%dma_start3A_95, %dma_start3A_96] : memref<10112x128xf32, #tpu.memory_space<vmem_shared>> -> memref<10112x128xf32, #tpu.memory_space<vmem_shared>>
          tpu.enqueue_indirect_dma source(%arg10 : memref<128x128xf32, #tpu.memory_space<vmem>>) target(%dma_start3A_97 : memref<10112x128xf32, #tpu.memory_space<vmem_shared>>) offsets(%dma_start3A_94 : memref<128xi32, #tpu.memory_space<vmem>>) semaphore(%run_scoped3A : memref<!tpu.dma_semaphore, #tpu.memory_space<semaphore_mem>>) {add = true}
          %dma_wait3A_98 = arith.constant 0 : i32
          %dma_wait3A_99 = tpu.memref_slice %arg9[%mul3A_58, %dma_wait3A_98] : memref<40x128xi32, #tpu.memory_space<vmem>> -> memref<1x128xi32, #tpu.memory_space<vmem>>
          %dma_wait3A_100 = tpu.memref_squeeze %dma_wait3A_99 : memref<1x128xi32, #tpu.memory_space<vmem>> -> memref<128xi32, #tpu.memory_space<vmem>>
          %dma_wait3A_101 = arith.constant 0 : i32
          %dma_wait3A_102 = arith.constant 0 : i32
          %dma_wait3A_103 = tpu.memref_slice %arg12[%dma_wait3A_101, %dma_wait3A_102] : memref<10112x128xf32, #tpu.memory_space<vmem_shared>> -> memref<10112x128xf32, #tpu.memory_space<vmem_shared>>
          tpu.wait_indirect_dma semaphore(%run_scoped3A : memref<!tpu.dma_semaphore, #tpu.memory_space<semaphore_mem>>) src(%arg10 : memref<128x128xf32, #tpu.memory_space<vmem>>) dst(%dma_wait3A_103 : memref<10112x128xf32, #tpu.memory_space<vmem_shared>>)
          tpu.yield
        }) : () -> ()
        %dma_start3A_80 = arith.constant 0 : i32
        %dma_start3A_81 = tpu.memref_slice %arg8[%rem3A_67, %dma_start3A_80] : memref<40x128xi32, #tpu.memory_space<vmem>> -> memref<1x128xi32, #tpu.memory_space<vmem>>
        %dma_start3A_82 = tpu.memref_squeeze %dma_start3A_81 : memref<1x128xi32, #tpu.memory_space<vmem>> -> memref<128xi32, #tpu.memory_space<vmem>>
        %dma_start3A_83 = arith.constant 0 : i32
        %dma_start3A_84 = arith.constant 0 : i32
        %dma_start3A_85 = tpu.memref_slice %arg2[%dma_start3A_83, %dma_start3A_84] : memref<10000x128xf32, #tpu.memory_space<hbm>> -> memref<10000x128xf32, #tpu.memory_space<hbm>>
        tpu.enqueue_indirect_dma source(%dma_start3A_85 : memref<10000x128xf32, #tpu.memory_space<hbm>>) target(%arg10 : memref<128x128xf32, #tpu.memory_space<vmem>>) offsets(%dma_start3A_82 : memref<128xi32, #tpu.memory_space<vmem>>) semaphore(%arg13 : memref<!tpu.dma_semaphore, #tpu.memory_space<semaphore_mem>>)
        %dma_wait3A_86 = arith.constant 0 : i32
        %dma_wait3A_87 = tpu.memref_slice %arg8[%add3A_62, %dma_wait3A_86] : memref<40x128xi32, #tpu.memory_space<vmem>> -> memref<1x128xi32, #tpu.memory_space<vmem>>
        %dma_wait3A_88 = tpu.memref_squeeze %dma_wait3A_87 : memref<1x128xi32, #tpu.memory_space<vmem>> -> memref<128xi32, #tpu.memory_space<vmem>>
        %dma_wait3A_89 = arith.constant 0 : i32
        %dma_wait3A_90 = arith.constant 0 : i32
        %dma_wait3A_91 = tpu.memref_slice %arg2[%dma_wait3A_89, %dma_wait3A_90] : memref<10000x128xf32, #tpu.memory_space<hbm>> -> memref<10000x128xf32, #tpu.memory_space<hbm>>
        tpu.wait_indirect_dma semaphore(%arg14 : memref<!tpu.dma_semaphore, #tpu.memory_space<semaphore_mem>>) src(%dma_wait3A_91 : memref<10000x128xf32, #tpu.memory_space<hbm>>) dst(%arg11 : memref<128x128xf32, #tpu.memory_space<vmem>>)
        "tpu.region"() ({
          %run_scoped3A = tpu.sem_alloc : memref<!tpu.dma_semaphore, #tpu.memory_space<semaphore_mem>>
          %dma_start3A_92 = arith.constant 0 : i32
          %dma_start3A_93 = tpu.memref_slice %arg9[%add3A_62, %dma_start3A_92] : memref<40x128xi32, #tpu.memory_space<vmem>> -> memref<1x128xi32, #tpu.memory_space<vmem>>
          %dma_start3A_94 = tpu.memref_squeeze %dma_start3A_93 : memref<1x128xi32, #tpu.memory_space<vmem>> -> memref<128xi32, #tpu.memory_space<vmem>>
          %dma_start3A_95 = arith.constant 0 : i32
          %dma_start3A_96 = arith.constant 0 : i32
          %dma_start3A_97 = tpu.memref_slice %arg12[%dma_start3A_95, %dma_start3A_96] : memref<10112x128xf32, #tpu.memory_space<vmem_shared>> -> memref<10112x128xf32, #tpu.memory_space<vmem_shared>>
          tpu.enqueue_indirect_dma source(%arg11 : memref<128x128xf32, #tpu.memory_space<vmem>>) target(%dma_start3A_97 : memref<10112x128xf32, #tpu.memory_space<vmem_shared>>) offsets(%dma_start3A_94 : memref<128xi32, #tpu.memory_space<vmem>>) semaphore(%run_scoped3A : memref<!tpu.dma_semaphore, #tpu.memory_space<semaphore_mem>>) {add = true}
          %dma_wait3A_98 = arith.constant 0 : i32
          %dma_wait3A_99 = tpu.memref_slice %arg9[%add3A_62, %dma_wait3A_98] : memref<40x128xi32, #tpu.memory_space<vmem>> -> memref<1x128xi32, #tpu.memory_space<vmem>>
          %dma_wait3A_100 = tpu.memref_squeeze %dma_wait3A_99 : memref<1x128xi32, #tpu.memory_space<vmem>> -> memref<128xi32, #tpu.memory_space<vmem>>
          %dma_wait3A_101 = arith.constant 0 : i32
          %dma_wait3A_102 = arith.constant 0 : i32
          %dma_wait3A_103 = tpu.memref_slice %arg12[%dma_wait3A_101, %dma_wait3A_102] : memref<10112x128xf32, #tpu.memory_space<vmem_shared>> -> memref<10112x128xf32, #tpu.memory_space<vmem_shared>>
          tpu.wait_indirect_dma semaphore(%run_scoped3A : memref<!tpu.dma_semaphore, #tpu.memory_space<semaphore_mem>>) src(%arg11 : memref<128x128xf32, #tpu.memory_space<vmem>>) dst(%dma_wait3A_103 : memref<10112x128xf32, #tpu.memory_space<vmem_shared>>)
          tpu.yield
        }) : () -> ()
      }
      %scan3A_49 = arith.constant 20 : i32
      %dma_wait3A_50 = arith.constant 0 : i32
      %dma_wait3A_51 = arith.constant 0 : i32
      %dma_wait3A_52 = tpu.memref_slice %arg2[%dma_wait3A_50, %dma_wait3A_51] : memref<10000x128xf32, #tpu.memory_space<hbm>> -> memref<128x128xf32, #tpu.memory_space<hbm>>
      %dma_wait3A_53 = arith.constant 0 : i32
      %dma_wait3A_54 = arith.constant 0 : i32
      %dma_wait3A_55 = tpu.memref_slice %arg2[%dma_wait3A_53, %dma_wait3A_54] : memref<10000x128xf32, #tpu.memory_space<hbm>> -> memref<128x128xf32, #tpu.memory_space<hbm>>
      tpu.wait_dma2 semaphore(%arg13 : memref<!tpu.dma_semaphore, #tpu.memory_space<semaphore_mem>>) src(%dma_wait3A_55 : memref<128x128xf32, #tpu.memory_space<hbm>>) dst(%arg10 : memref<128x128xf32, #tpu.memory_space<vmem>>)
    } else {
    }
    %barrier3A_21 = arith.constant 0 : index
    tpu.barrier barrier_id(%barrier3A_21)
    "tpu.region"() ({
      %run_scoped3A = tpu.sem_alloc : memref<!tpu.dma_semaphore, #tpu.memory_space<semaphore_mem>>
      %dma_start3A = arith.constant 0 : i32
      %dma_start3A_22 = tpu.memref_slice %arg7[%arg0, %mul3A_0, %dma_start3A] : memref<2x10112x128xf32, #tpu.memory_space<hbm>> -> memref<1x632x128xf32, #tpu.memory_space<hbm>>
      %dma_start3A_23 = tpu.memref_squeeze %dma_start3A_22 : memref<1x632x128xf32, #tpu.memory_space<hbm>> -> memref<632x128xf32, #tpu.memory_space<hbm>>
      %dma_start3A_24 = arith.constant 0 : i32
      %dma_start3A_25 = tpu.memref_slice %arg12[%mul3A_0, %dma_start3A_24] : memref<10112x128xf32, #tpu.memory_space<vmem_shared>> -> memref<632x128xf32, #tpu.memory_space<vmem_shared>>
      tpu.enqueue_dma source(%dma_start3A_25 : memref<632x128xf32, #tpu.memory_space<vmem_shared>>) target(%dma_start3A_23 : memref<632x128xf32, #tpu.memory_space<hbm>>) target_semaphore(%run_scoped3A : memref<!tpu.dma_semaphore, #tpu.memory_space<semaphore_mem>>)
      %dma_wait3A = arith.constant 0 : i32
      %dma_wait3A_26 = tpu.memref_slice %arg7[%arg0, %mul3A_0, %dma_wait3A] : memref<2x10112x128xf32, #tpu.memory_space<hbm>> -> memref<1x632x128xf32, #tpu.memory_space<hbm>>
      %dma_wait3A_27 = tpu.memref_squeeze %dma_wait3A_26 : memref<1x632x128xf32, #tpu.memory_space<hbm>> -> memref<632x128xf32, #tpu.memory_space<hbm>>
      %dma_wait3A_28 = arith.constant 0 : i32
      %dma_wait3A_29 = tpu.memref_slice %arg12[%mul3A_0, %dma_wait3A_28] : memref<10112x128xf32, #tpu.memory_space<vmem_shared>> -> memref<632x128xf32, #tpu.memory_space<vmem_shared>>
      tpu.wait_dma2 semaphore(%run_scoped3A : memref<!tpu.dma_semaphore, #tpu.memory_space<semaphore_mem>>) src(%dma_wait3A_29 : memref<632x128xf32, #tpu.memory_space<vmem_shared>>) dst(%dma_wait3A_27 : memref<632x128xf32, #tpu.memory_space<hbm>>)
      tpu.yield
    }) : () -> ()
    return
  }
}

#map = affine_map<(d0, d1) -> (0, 0, 0)>
module attributes {stable_mosaic.version = 14 : i64} {
  func.func @body(%arg0: i32, %arg1: i32, %arg2: memref<32x80x128xi32, #tpu.memory_space<hbm>>, %arg3: memref<2x10112x128xf32, #tpu.memory_space<hbm>>, %arg4: memref<40x128xi32, #tpu.memory_space<vmem>>, %arg5: memref<128x128xf32, #tpu.memory_space<vmem>>, %arg6: memref<10112x128xf32, #tpu.memory_space<vmem_shared>>) attributes {dimension_semantics = [#tpu.dimension_semantics<core_parallel>, #tpu.dimension_semantics<subcore_parallel>], iteration_bounds = array<i64: 2, 16>, scalar_prefetch = 0 : i64, scratch_operands = 3 : i64, tpu.core_type = #tpu.core_type<sc_vector_subcore>, window_params = [{transform_indices = #map}, {transform_indices = #map}]} {
    %mul3A = arith.constant 16 : i32
    %mul3A_0 = arith.muli %arg0, %mul3A : i32
    %add3A = arith.addi %mul3A_0, %arg1 : i32
    %mul3A_1 = arith.constant 632 : i32
    %mul3A_2 = arith.muli %arg1, %mul3A_1 : i32
    %scan3A = arith.constant 0 : i32
    %scan3A_3 = arith.constant 128 : i32
    %scan3A_4 = arith.addi %scan3A, %scan3A_3 : i32
    %scan3A_5 = arith.constant 1 : i32
    scf.for %scan3A_33 = %scan3A to %scan3A_4 step %scan3A_5  : i32 {
      %broadcast_in_dim3A = arith.constant 0.000000e+00 : f32
      %broadcast_in_dim3A_34 = vector.broadcast %broadcast_in_dim3A : f32 to vector<16xf32>
      %swap3A = arith.index_cast %scan3A_33 : i32 to index
      %swap3A_35 = arith.constant 0 : index
      %swap3A_36 = tpu.vector_load %arg5[%swap3A, %swap3A_35] {strides = array<i32>} : memref<128x128xf32, #tpu.memory_space<vmem>>, vector<1x16xf32>,
      %swap3A_37 = vector.shape_cast %swap3A_36 : vector<1x16xf32> to vector<16xf32>
      %swap3A_38 = vector.shape_cast %broadcast_in_dim3A_34 : vector<16xf32> to vector<1x16xf32>
      tpu.vector_store %arg5[%swap3A, %swap3A_35], %swap3A_38 {strides = array<i32>} : memref<128x128xf32, #tpu.memory_space<vmem>>, vector<1x16xf32>,
      %broadcast_in_dim3A_39 = arith.constant 0.000000e+00 : f32
      %broadcast_in_dim3A_40 = vector.broadcast %broadcast_in_dim3A_39 : f32 to vector<16xf32>
      %swap3A_41 = arith.index_cast %scan3A_33 : i32 to index
      %swap3A_42 = arith.constant 16 : index
      %swap3A_43 = tpu.vector_load %arg5[%swap3A_41, %swap3A_42] {strides = array<i32>} : memref<128x128xf32, #tpu.memory_space<vmem>>, vector<1x16xf32>,
      %swap3A_44 = vector.shape_cast %swap3A_43 : vector<1x16xf32> to vector<16xf32>
      %swap3A_45 = vector.shape_cast %broadcast_in_dim3A_40 : vector<16xf32> to vector<1x16xf32>
      tpu.vector_store %arg5[%swap3A_41, %swap3A_42], %swap3A_45 {strides = array<i32>} : memref<128x128xf32, #tpu.memory_space<vmem>>, vector<1x16xf32>,
      %broadcast_in_dim3A_46 = arith.constant 0.000000e+00 : f32
      %broadcast_in_dim3A_47 = vector.broadcast %broadcast_in_dim3A_46 : f32 to vector<16xf32>
      %swap3A_48 = arith.index_cast %scan3A_33 : i32 to index
      %swap3A_49 = arith.constant 32 : index
      %swap3A_50 = tpu.vector_load %arg5[%swap3A_48, %swap3A_49] {strides = array<i32>} : memref<128x128xf32, #tpu.memory_space<vmem>>, vector<1x16xf32>,
      %swap3A_51 = vector.shape_cast %swap3A_50 : vector<1x16xf32> to vector<16xf32>
      %swap3A_52 = vector.shape_cast %broadcast_in_dim3A_47 : vector<16xf32> to vector<1x16xf32>
      tpu.vector_store %arg5[%swap3A_48, %swap3A_49], %swap3A_52 {strides = array<i32>} : memref<128x128xf32, #tpu.memory_space<vmem>>, vector<1x16xf32>,
      %broadcast_in_dim3A_53 = arith.constant 0.000000e+00 : f32
      %broadcast_in_dim3A_54 = vector.broadcast %broadcast_in_dim3A_53 : f32 to vector<16xf32>
      %swap3A_55 = arith.index_cast %scan3A_33 : i32 to index
      %swap3A_56 = arith.constant 48 : index
      %swap3A_57 = tpu.vector_load %arg5[%swap3A_55, %swap3A_56] {strides = array<i32>} : memref<128x128xf32, #tpu.memory_space<vmem>>, vector<1x16xf32>,
      %swap3A_58 = vector.shape_cast %swap3A_57 : vector<1x16xf32> to vector<16xf32>
      %swap3A_59 = vector.shape_cast %broadcast_in_dim3A_54 : vector<16xf32> to vector<1x16xf32>
      tpu.vector_store %arg5[%swap3A_55, %swap3A_56], %swap3A_59 {strides = array<i32>} : memref<128x128xf32, #tpu.memory_space<vmem>>, vector<1x16xf32>,
      %broadcast_in_dim3A_60 = arith.constant 0.000000e+00 : f32
      %broadcast_in_dim3A_61 = vector.broadcast %broadcast_in_dim3A_60 : f32 to vector<16xf32>
      %swap3A_62 = arith.index_cast %scan3A_33 : i32 to index
      %swap3A_63 = arith.constant 64 : index
      %swap3A_64 = tpu.vector_load %arg5[%swap3A_62, %swap3A_63] {strides = array<i32>} : memref<128x128xf32, #tpu.memory_space<vmem>>, vector<1x16xf32>,
      %swap3A_65 = vector.shape_cast %swap3A_64 : vector<1x16xf32> to vector<16xf32>
      %swap3A_66 = vector.shape_cast %broadcast_in_dim3A_61 : vector<16xf32> to vector<1x16xf32>
      tpu.vector_store %arg5[%swap3A_62, %swap3A_63], %swap3A_66 {strides = array<i32>} : memref<128x128xf32, #tpu.memory_space<vmem>>, vector<1x16xf32>,
      %broadcast_in_dim3A_67 = arith.constant 0.000000e+00 : f32
      %broadcast_in_dim3A_68 = vector.broadcast %broadcast_in_dim3A_67 : f32 to vector<16xf32>
      %swap3A_69 = arith.index_cast %scan3A_33 : i32 to index
      %swap3A_70 = arith.constant 80 : index
      %swap3A_71 = tpu.vector_load %arg5[%swap3A_69, %swap3A_70] {strides = array<i32>} : memref<128x128xf32, #tpu.memory_space<vmem>>, vector<1x16xf32>,
      %swap3A_72 = vector.shape_cast %swap3A_71 : vector<1x16xf32> to vector<16xf32>
      %swap3A_73 = vector.shape_cast %broadcast_in_dim3A_68 : vector<16xf32> to vector<1x16xf32>
      tpu.vector_store %arg5[%swap3A_69, %swap3A_70], %swap3A_73 {strides = array<i32>} : memref<128x128xf32, #tpu.memory_space<vmem>>, vector<1x16xf32>,
      %broadcast_in_dim3A_74 = arith.constant 0.000000e+00 : f32
      %broadcast_in_dim3A_75 = vector.broadcast %broadcast_in_dim3A_74 : f32 to vector<16xf32>
      %swap3A_76 = arith.index_cast %scan3A_33 : i32 to index
      %swap3A_77 = arith.constant 96 : index
      %swap3A_78 = tpu.vector_load %arg5[%swap3A_76, %swap3A_77] {strides = array<i32>} : memref<128x128xf32, #tpu.memory_space<vmem>>, vector<1x16xf32>,
      %swap3A_79 = vector.shape_cast %swap3A_78 : vector<1x16xf32> to vector<16xf32>
      %swap3A_80 = vector.shape_cast %broadcast_in_dim3A_75 : vector<16xf32> to vector<1x16xf32>
      tpu.vector_store %arg5[%swap3A_76, %swap3A_77], %swap3A_80 {strides = array<i32>} : memref<128x128xf32, #tpu.memory_space<vmem>>, vector<1x16xf32>,
      %broadcast_in_dim3A_81 = arith.constant 0.000000e+00 : f32
      %broadcast_in_dim3A_82 = vector.broadcast %broadcast_in_dim3A_81 : f32 to vector<16xf32>
      %swap3A_83 = arith.index_cast %scan3A_33 : i32 to index
      %swap3A_84 = arith.constant 112 : index
      %swap3A_85 = tpu.vector_load %arg5[%swap3A_83, %swap3A_84] {strides = array<i32>} : memref<128x128xf32, #tpu.memory_space<vmem>>, vector<1x16xf32>,
      %swap3A_86 = vector.shape_cast %swap3A_85 : vector<1x16xf32> to vector<16xf32>
      %swap3A_87 = vector.shape_cast %broadcast_in_dim3A_82 : vector<16xf32> to vector<1x16xf32>
      tpu.vector_store %arg5[%swap3A_83, %swap3A_84], %swap3A_87 {strides = array<i32>} : memref<128x128xf32, #tpu.memory_space<vmem>>, vector<1x16xf32>,
    }
    %scan3A_6 = arith.constant 128 : i32
    %add3A_7 = arith.constant 0 : i32
    %add3A_8 = arith.addi %mul3A_2, %add3A_7 : i32
    "tpu.region"() ({
      %run_scoped3A = tpu.sem_alloc : memref<!tpu.dma_semaphore, #tpu.memory_space<semaphore_mem>>
      %dma_start3A = arith.constant 0 : i32
      %dma_start3A_33 = tpu.memref_slice %arg6[%add3A_8, %dma_start3A] : memref<10112x128xf32, #tpu.memory_space<vmem_shared>> -> memref<128x128xf32, #tpu.memory_space<vmem_shared>>
      %dma_start3A_34 = arith.constant 0 : i32
      %dma_start3A_35 = tpu.memref_slice %arg6[%add3A_8, %dma_start3A_34] : memref<10112x128xf32, #tpu.memory_space<vmem_shared>> -> memref<128x128xf32, #tpu.memory_space<vmem_shared>>
      tpu.enqueue_dma source(%arg5 : memref<128x128xf32, #tpu.memory_space<vmem>>) target(%dma_start3A_35 : memref<128x128xf32, #tpu.memory_space<vmem_shared>>) target_semaphore(%run_scoped3A : memref<!tpu.dma_semaphore, #tpu.memory_space<semaphore_mem>>)
      %dma_wait3A = arith.constant 0 : i32
      %dma_wait3A_36 = tpu.memref_slice %arg6[%add3A_8, %dma_wait3A] : memref<10112x128xf32, #tpu.memory_space<vmem_shared>> -> memref<128x128xf32, #tpu.memory_space<vmem_shared>>
      %dma_wait3A_37 = arith.constant 0 : i32
      %dma_wait3A_38 = tpu.memref_slice %arg6[%add3A_8, %dma_wait3A_37] : memref<10112x128xf32, #tpu.memory_space<vmem_shared>> -> memref<128x128xf32, #tpu.memory_space<vmem_shared>>
      tpu.wait_dma2 semaphore(%run_scoped3A : memref<!tpu.dma_semaphore, #tpu.memory_space<semaphore_mem>>) src(%arg5 : memref<128x128xf32, #tpu.memory_space<vmem>>) dst(%dma_wait3A_38 : memref<128x128xf32, #tpu.memory_space<vmem_shared>>)
      tpu.yield
    }) : () -> ()
    %add3A_9 = arith.constant 128 : i32
    %add3A_10 = arith.addi %mul3A_2, %add3A_9 : i32
    "tpu.region"() ({
      %run_scoped3A = tpu.sem_alloc : memref<!tpu.dma_semaphore, #tpu.memory_space<semaphore_mem>>
      %dma_start3A = arith.constant 0 : i32
      %dma_start3A_33 = tpu.memref_slice %arg6[%add3A_10, %dma_start3A] : memref<10112x128xf32, #tpu.memory_space<vmem_shared>> -> memref<128x128xf32, #tpu.memory_space<vmem_shared>>
      %dma_start3A_34 = arith.constant 0 : i32
      %dma_start3A_35 = tpu.memref_slice %arg6[%add3A_10, %dma_start3A_34] : memref<10112x128xf32, #tpu.memory_space<vmem_shared>> -> memref<128x128xf32, #tpu.memory_space<vmem_shared>>
      tpu.enqueue_dma source(%arg5 : memref<128x128xf32, #tpu.memory_space<vmem>>) target(%dma_start3A_35 : memref<128x128xf32, #tpu.memory_space<vmem_shared>>) target_semaphore(%run_scoped3A : memref<!tpu.dma_semaphore, #tpu.memory_space<semaphore_mem>>)
      %dma_wait3A = arith.constant 0 : i32
      %dma_wait3A_36 = tpu.memref_slice %arg6[%add3A_10, %dma_wait3A] : memref<10112x128xf32, #tpu.memory_space<vmem_shared>> -> memref<128x128xf32, #tpu.memory_space<vmem_shared>>
      %dma_wait3A_37 = arith.constant 0 : i32
      %dma_wait3A_38 = tpu.memref_slice %arg6[%add3A_10, %dma_wait3A_37] : memref<10112x128xf32, #tpu.memory_space<vmem_shared>> -> memref<128x128xf32, #tpu.memory_space<vmem_shared>>
      tpu.wait_dma2 semaphore(%run_scoped3A : memref<!tpu.dma_semaphore, #tpu.memory_space<semaphore_mem>>) src(%arg5 : memref<128x128xf32, #tpu.memory_space<vmem>>) dst(%dma_wait3A_38 : memref<128x128xf32, #tpu.memory_space<vmem_shared>>)
      tpu.yield
    }) : () -> ()
    %add3A_11 = arith.constant 256 : i32
    %add3A_12 = arith.addi %mul3A_2, %add3A_11 : i32
    "tpu.region"() ({
      %run_scoped3A = tpu.sem_alloc : memref<!tpu.dma_semaphore, #tpu.memory_space<semaphore_mem>>
      %dma_start3A = arith.constant 0 : i32
      %dma_start3A_33 = tpu.memref_slice %arg6[%add3A_12, %dma_start3A] : memref<10112x128xf32, #tpu.memory_space<vmem_shared>> -> memref<128x128xf32, #tpu.memory_space<vmem_shared>>
      %dma_start3A_34 = arith.constant 0 : i32
      %dma_start3A_35 = tpu.memref_slice %arg6[%add3A_12, %dma_start3A_34] : memref<10112x128xf32, #tpu.memory_space<vmem_shared>> -> memref<128x128xf32, #tpu.memory_space<vmem_shared>>
      tpu.enqueue_dma source(%arg5 : memref<128x128xf32, #tpu.memory_space<vmem>>) target(%dma_start3A_35 : memref<128x128xf32, #tpu.memory_space<vmem_shared>>) target_semaphore(%run_scoped3A : memref<!tpu.dma_semaphore, #tpu.memory_space<semaphore_mem>>)
      %dma_wait3A = arith.constant 0 : i32
      %dma_wait3A_36 = tpu.memref_slice %arg6[%add3A_12, %dma_wait3A] : memref<10112x128xf32, #tpu.memory_space<vmem_shared>> -> memref<128x128xf32, #tpu.memory_space<vmem_shared>>
      %dma_wait3A_37 = arith.constant 0 : i32
      %dma_wait3A_38 = tpu.memref_slice %arg6[%add3A_12, %dma_wait3A_37] : memref<10112x128xf32, #tpu.memory_space<vmem_shared>> -> memref<128x128xf32, #tpu.memory_space<vmem_shared>>
      tpu.wait_dma2 semaphore(%run_scoped3A : memref<!tpu.dma_semaphore, #tpu.memory_space<semaphore_mem>>) src(%arg5 : memref<128x128xf32, #tpu.memory_space<vmem>>) dst(%dma_wait3A_38 : memref<128x128xf32, #tpu.memory_space<vmem_shared>>)
      tpu.yield
    }) : () -> ()
    %add3A_13 = arith.constant 384 : i32
    %add3A_14 = arith.addi %mul3A_2, %add3A_13 : i32
    "tpu.region"() ({
      %run_scoped3A = tpu.sem_alloc : memref<!tpu.dma_semaphore, #tpu.memory_space<semaphore_mem>>
      %dma_start3A = arith.constant 0 : i32
      %dma_start3A_33 = tpu.memref_slice %arg6[%add3A_14, %dma_start3A] : memref<10112x128xf32, #tpu.memory_space<vmem_shared>> -> memref<128x128xf32, #tpu.memory_space<vmem_shared>>
      %dma_start3A_34 = arith.constant 0 : i32
      %dma_start3A_35 = tpu.memref_slice %arg6[%add3A_14, %dma_start3A_34] : memref<10112x128xf32, #tpu.memory_space<vmem_shared>> -> memref<128x128xf32, #tpu.memory_space<vmem_shared>>
      tpu.enqueue_dma source(%arg5 : memref<128x128xf32, #tpu.memory_space<vmem>>) target(%dma_start3A_35 : memref<128x128xf32, #tpu.memory_space<vmem_shared>>) target_semaphore(%run_scoped3A : memref<!tpu.dma_semaphore, #tpu.memory_space<semaphore_mem>>)
      %dma_wait3A = arith.constant 0 : i32
      %dma_wait3A_36 = tpu.memref_slice %arg6[%add3A_14, %dma_wait3A] : memref<10112x128xf32, #tpu.memory_space<vmem_shared>> -> memref<128x128xf32, #tpu.memory_space<vmem_shared>>
      %dma_wait3A_37 = arith.constant 0 : i32
      %dma_wait3A_38 = tpu.memref_slice %arg6[%add3A_14, %dma_wait3A_37] : memref<10112x128xf32, #tpu.memory_space<vmem_shared>> -> memref<128x128xf32, #tpu.memory_space<vmem_shared>>
      tpu.wait_dma2 semaphore(%run_scoped3A : memref<!tpu.dma_semaphore, #tpu.memory_space<semaphore_mem>>) src(%arg5 : memref<128x128xf32, #tpu.memory_space<vmem>>) dst(%dma_wait3A_38 : memref<128x128xf32, #tpu.memory_space<vmem_shared>>)
      tpu.yield
    }) : () -> ()
    %add3A_15 = arith.constant 512 : i32
    %add3A_16 = arith.addi %mul3A_2, %add3A_15 : i32
    "tpu.region"() ({
      %run_scoped3A = tpu.sem_alloc : memref<!tpu.dma_semaphore, #tpu.memory_space<semaphore_mem>>
      %dma_start3A = arith.constant 0 : i32
      %dma_start3A_33 = arith.constant 0 : i32
      %dma_start3A_34 = tpu.memref_slice %arg5[%dma_start3A, %dma_start3A_33] : memref<128x128xf32, #tpu.memory_space<vmem>> -> memref<120x128xf32, #tpu.memory_space<vmem>>
      %dma_start3A_35 = arith.constant 0 : i32
      %dma_start3A_36 = tpu.memref_slice %arg6[%add3A_16, %dma_start3A_35] : memref<10112x128xf32, #tpu.memory_space<vmem_shared>> -> memref<120x128xf32, #tpu.memory_space<vmem_shared>>
      %dma_start3A_37 = arith.constant 0 : i32
      %dma_start3A_38 = tpu.memref_slice %arg6[%add3A_16, %dma_start3A_37] : memref<10112x128xf32, #tpu.memory_space<vmem_shared>> -> memref<120x128xf32, #tpu.memory_space<vmem_shared>>
      %dma_start3A_39 = arith.constant 0 : i32
      %dma_start3A_40 = arith.constant 0 : i32
      %dma_start3A_41 = tpu.memref_slice %arg5[%dma_start3A_39, %dma_start3A_40] : memref<128x128xf32, #tpu.memory_space<vmem>> -> memref<120x128xf32, #tpu.memory_space<vmem>>
      tpu.enqueue_dma source(%dma_start3A_41 : memref<120x128xf32, #tpu.memory_space<vmem>>) target(%dma_start3A_38 : memref<120x128xf32, #tpu.memory_space<vmem_shared>>) target_semaphore(%run_scoped3A : memref<!tpu.dma_semaphore, #tpu.memory_space<semaphore_mem>>)
      %dma_wait3A = arith.constant 0 : i32
      %dma_wait3A_42 = arith.constant 0 : i32
      %dma_wait3A_43 = tpu.memref_slice %arg5[%dma_wait3A, %dma_wait3A_42] : memref<128x128xf32, #tpu.memory_space<vmem>> -> memref<120x128xf32, #tpu.memory_space<vmem>>
      %dma_wait3A_44 = arith.constant 0 : i32
      %dma_wait3A_45 = tpu.memref_slice %arg6[%add3A_16, %dma_wait3A_44] : memref<10112x128xf32, #tpu.memory_space<vmem_shared>> -> memref<120x128xf32, #tpu.memory_space<vmem_shared>>
      %dma_wait3A_46 = arith.constant 0 : i32
      %dma_wait3A_47 = tpu.memref_slice %arg6[%add3A_16, %dma_wait3A_46] : memref<10112x128xf32, #tpu.memory_space<vmem_shared>> -> memref<120x128xf32, #tpu.memory_space<vmem_shared>>
      %dma_wait3A_48 = arith.constant 0 : i32
      %dma_wait3A_49 = arith.constant 0 : i32
      %dma_wait3A_50 = tpu.memref_slice %arg5[%dma_wait3A_48, %dma_wait3A_49] : memref<128x128xf32, #tpu.memory_space<vmem>> -> memref<120x128xf32, #tpu.memory_space<vmem>>
      tpu.wait_dma2 semaphore(%run_scoped3A : memref<!tpu.dma_semaphore, #tpu.memory_space<semaphore_mem>>) src(%dma_wait3A_50 : memref<120x128xf32, #tpu.memory_space<vmem>>) dst(%dma_wait3A_47 : memref<120x128xf32, #tpu.memory_space<vmem_shared>>)
      tpu.yield
    }) : () -> ()
    %scan3A_17 = arith.constant 0 : i32
    %scan3A_18 = arith.constant 128 : i32
    %scan3A_19 = arith.addi %scan3A_17, %scan3A_18 : i32
    %scan3A_20 = arith.constant 1 : i32
    scf.for %scan3A_33 = %scan3A_17 to %scan3A_19 step %scan3A_20  : i32 {
      %broadcast_in_dim3A = arith.constant 1.000000e+00 : f32
      %broadcast_in_dim3A_34 = vector.broadcast %broadcast_in_dim3A : f32 to vector<16xf32>
      %swap3A = arith.index_cast %scan3A_33 : i32 to index
      %swap3A_35 = arith.constant 0 : index
      %swap3A_36 = tpu.vector_load %arg5[%swap3A, %swap3A_35] {strides = array<i32>} : memref<128x128xf32, #tpu.memory_space<vmem>>, vector<1x16xf32>,
      %swap3A_37 = vector.shape_cast %swap3A_36 : vector<1x16xf32> to vector<16xf32>
      %swap3A_38 = vector.shape_cast %broadcast_in_dim3A_34 : vector<16xf32> to vector<1x16xf32>
      tpu.vector_store %arg5[%swap3A, %swap3A_35], %swap3A_38 {strides = array<i32>} : memref<128x128xf32, #tpu.memory_space<vmem>>, vector<1x16xf32>,
      %broadcast_in_dim3A_39 = arith.constant 1.000000e+00 : f32
      %broadcast_in_dim3A_40 = vector.broadcast %broadcast_in_dim3A_39 : f32 to vector<16xf32>
      %swap3A_41 = arith.index_cast %scan3A_33 : i32 to index
      %swap3A_42 = arith.constant 16 : index
      %swap3A_43 = tpu.vector_load %arg5[%swap3A_41, %swap3A_42] {strides = array<i32>} : memref<128x128xf32, #tpu.memory_space<vmem>>, vector<1x16xf32>,
      %swap3A_44 = vector.shape_cast %swap3A_43 : vector<1x16xf32> to vector<16xf32>
      %swap3A_45 = vector.shape_cast %broadcast_in_dim3A_40 : vector<16xf32> to vector<1x16xf32>
      tpu.vector_store %arg5[%swap3A_41, %swap3A_42], %swap3A_45 {strides = array<i32>} : memref<128x128xf32, #tpu.memory_space<vmem>>, vector<1x16xf32>,
      %broadcast_in_dim3A_46 = arith.constant 1.000000e+00 : f32
      %broadcast_in_dim3A_47 = vector.broadcast %broadcast_in_dim3A_46 : f32 to vector<16xf32>
      %swap3A_48 = arith.index_cast %scan3A_33 : i32 to index
      %swap3A_49 = arith.constant 32 : index
      %swap3A_50 = tpu.vector_load %arg5[%swap3A_48, %swap3A_49] {strides = array<i32>} : memref<128x128xf32, #tpu.memory_space<vmem>>, vector<1x16xf32>,
      %swap3A_51 = vector.shape_cast %swap3A_50 : vector<1x16xf32> to vector<16xf32>
      %swap3A_52 = vector.shape_cast %broadcast_in_dim3A_47 : vector<16xf32> to vector<1x16xf32>
      tpu.vector_store %arg5[%swap3A_48, %swap3A_49], %swap3A_52 {strides = array<i32>} : memref<128x128xf32, #tpu.memory_space<vmem>>, vector<1x16xf32>,
      %broadcast_in_dim3A_53 = arith.constant 1.000000e+00 : f32
      %broadcast_in_dim3A_54 = vector.broadcast %broadcast_in_dim3A_53 : f32 to vector<16xf32>
      %swap3A_55 = arith.index_cast %scan3A_33 : i32 to index
      %swap3A_56 = arith.constant 48 : index
      %swap3A_57 = tpu.vector_load %arg5[%swap3A_55, %swap3A_56] {strides = array<i32>} : memref<128x128xf32, #tpu.memory_space<vmem>>, vector<1x16xf32>,
      %swap3A_58 = vector.shape_cast %swap3A_57 : vector<1x16xf32> to vector<16xf32>
      %swap3A_59 = vector.shape_cast %broadcast_in_dim3A_54 : vector<16xf32> to vector<1x16xf32>
      tpu.vector_store %arg5[%swap3A_55, %swap3A_56], %swap3A_59 {strides = array<i32>} : memref<128x128xf32, #tpu.memory_space<vmem>>, vector<1x16xf32>,
      %broadcast_in_dim3A_60 = arith.constant 1.000000e+00 : f32
      %broadcast_in_dim3A_61 = vector.broadcast %broadcast_in_dim3A_60 : f32 to vector<16xf32>
      %swap3A_62 = arith.index_cast %scan3A_33 : i32 to index
      %swap3A_63 = arith.constant 64 : index
      %swap3A_64 = tpu.vector_load %arg5[%swap3A_62, %swap3A_63] {strides = array<i32>} : memref<128x128xf32, #tpu.memory_space<vmem>>, vector<1x16xf32>,
      %swap3A_65 = vector.shape_cast %swap3A_64 : vector<1x16xf32> to vector<16xf32>
      %swap3A_66 = vector.shape_cast %broadcast_in_dim3A_61 : vector<16xf32> to vector<1x16xf32>
      tpu.vector_store %arg5[%swap3A_62, %swap3A_63], %swap3A_66 {strides = array<i32>} : memref<128x128xf32, #tpu.memory_space<vmem>>, vector<1x16xf32>,
      %broadcast_in_dim3A_67 = arith.constant 1.000000e+00 : f32
      %broadcast_in_dim3A_68 = vector.broadcast %broadcast_in_dim3A_67 : f32 to vector<16xf32>
      %swap3A_69 = arith.index_cast %scan3A_33 : i32 to index
      %swap3A_70 = arith.constant 80 : index
      %swap3A_71 = tpu.vector_load %arg5[%swap3A_69, %swap3A_70] {strides = array<i32>} : memref<128x128xf32, #tpu.memory_space<vmem>>, vector<1x16xf32>,
      %swap3A_72 = vector.shape_cast %swap3A_71 : vector<1x16xf32> to vector<16xf32>
      %swap3A_73 = vector.shape_cast %broadcast_in_dim3A_68 : vector<16xf32> to vector<1x16xf32>
      tpu.vector_store %arg5[%swap3A_69, %swap3A_70], %swap3A_73 {strides = array<i32>} : memref<128x128xf32, #tpu.memory_space<vmem>>, vector<1x16xf32>,
      %broadcast_in_dim3A_74 = arith.constant 1.000000e+00 : f32
      %broadcast_in_dim3A_75 = vector.broadcast %broadcast_in_dim3A_74 : f32 to vector<16xf32>
      %swap3A_76 = arith.index_cast %scan3A_33 : i32 to index
      %swap3A_77 = arith.constant 96 : index
      %swap3A_78 = tpu.vector_load %arg5[%swap3A_76, %swap3A_77] {strides = array<i32>} : memref<128x128xf32, #tpu.memory_space<vmem>>, vector<1x16xf32>,
      %swap3A_79 = vector.shape_cast %swap3A_78 : vector<1x16xf32> to vector<16xf32>
      %swap3A_80 = vector.shape_cast %broadcast_in_dim3A_75 : vector<16xf32> to vector<1x16xf32>
      tpu.vector_store %arg5[%swap3A_76, %swap3A_77], %swap3A_80 {strides = array<i32>} : memref<128x128xf32, #tpu.memory_space<vmem>>, vector<1x16xf32>,
      %broadcast_in_dim3A_81 = arith.constant 1.000000e+00 : f32
      %broadcast_in_dim3A_82 = vector.broadcast %broadcast_in_dim3A_81 : f32 to vector<16xf32>
      %swap3A_83 = arith.index_cast %scan3A_33 : i32 to index
      %swap3A_84 = arith.constant 112 : index
      %swap3A_85 = tpu.vector_load %arg5[%swap3A_83, %swap3A_84] {strides = array<i32>} : memref<128x128xf32, #tpu.memory_space<vmem>>, vector<1x16xf32>,
      %swap3A_86 = vector.shape_cast %swap3A_85 : vector<1x16xf32> to vector<16xf32>
      %swap3A_87 = vector.shape_cast %broadcast_in_dim3A_82 : vector<16xf32> to vector<1x16xf32>
      tpu.vector_store %arg5[%swap3A_83, %swap3A_84], %swap3A_87 {strides = array<i32>} : memref<128x128xf32, #tpu.memory_space<vmem>>, vector<1x16xf32>,
    }
    %scan3A_21 = arith.constant 128 : i32
    %barrier3A = arith.constant 0 : index
    tpu.barrier barrier_id(%barrier3A)
    "tpu.region"() ({
      %run_scoped3A = tpu.sem_alloc : memref<!tpu.dma_semaphore, #tpu.memory_space<semaphore_mem>>
      %dma_start3A = arith.constant 0 : i32
      %dma_start3A_33 = arith.constant 0 : i32
      %dma_start3A_34 = tpu.memref_slice %arg2[%add3A, %dma_start3A, %dma_start3A_33] : memref<32x80x128xi32, #tpu.memory_space<hbm>> -> memref<1x40x128xi32, #tpu.memory_space<hbm>>
      %dma_start3A_35 = tpu.memref_squeeze %dma_start3A_34 : memref<1x40x128xi32, #tpu.memory_space<hbm>> -> memref<40x128xi32, #tpu.memory_space<hbm>>
      %dma_start3A_36 = arith.constant 0 : i32
      %dma_start3A_37 = arith.constant 0 : i32
      %dma_start3A_38 = tpu.memref_slice %arg2[%add3A, %dma_start3A_36, %dma_start3A_37] : memref<32x80x128xi32, #tpu.memory_space<hbm>> -> memref<1x40x128xi32, #tpu.memory_space<hbm>>
      %dma_start3A_39 = tpu.memref_squeeze %dma_start3A_38 : memref<1x40x128xi32, #tpu.memory_space<hbm>> -> memref<40x128xi32, #tpu.memory_space<hbm>>
      tpu.enqueue_dma source(%dma_start3A_39 : memref<40x128xi32, #tpu.memory_space<hbm>>) target(%arg4 : memref<40x128xi32, #tpu.memory_space<vmem>>) target_semaphore(%run_scoped3A : memref<!tpu.dma_semaphore, #tpu.memory_space<semaphore_mem>>)
      %dma_wait3A = arith.constant 0 : i32
      %dma_wait3A_40 = arith.constant 0 : i32
      %dma_wait3A_41 = tpu.memref_slice %arg2[%add3A, %dma_wait3A, %dma_wait3A_40] : memref<32x80x128xi32, #tpu.memory_space<hbm>> -> memref<1x40x128xi32, #tpu.memory_space<hbm>>
      %dma_wait3A_42 = tpu.memref_squeeze %dma_wait3A_41 : memref<1x40x128xi32, #tpu.memory_space<hbm>> -> memref<40x128xi32, #tpu.memory_space<hbm>>
      %dma_wait3A_43 = arith.constant 0 : i32
      %dma_wait3A_44 = arith.constant 0 : i32
      %dma_wait3A_45 = tpu.memref_slice %arg2[%add3A, %dma_wait3A_43, %dma_wait3A_44] : memref<32x80x128xi32, #tpu.memory_space<hbm>> -> memref<1x40x128xi32, #tpu.memory_space<hbm>>
      %dma_wait3A_46 = tpu.memref_squeeze %dma_wait3A_45 : memref<1x40x128xi32, #tpu.memory_space<hbm>> -> memref<40x128xi32, #tpu.memory_space<hbm>>
      tpu.wait_dma2 semaphore(%run_scoped3A : memref<!tpu.dma_semaphore, #tpu.memory_space<semaphore_mem>>) src(%dma_wait3A_46 : memref<40x128xi32, #tpu.memory_space<hbm>>) dst(%arg4 : memref<40x128xi32, #tpu.memory_space<vmem>>)
      tpu.yield
    }) : () -> ()
    %scan3A_22 = arith.constant 0 : i32
    %scan3A_23 = arith.constant 40 : i32
    %scan3A_24 = arith.addi %scan3A_22, %scan3A_23 : i32
    %scan3A_25 = arith.constant 1 : i32
    scf.for %scan3A_33 = %scan3A_22 to %scan3A_24 step %scan3A_25  : i32 {
      "tpu.region"() ({
        %run_scoped3A = tpu.sem_alloc : memref<!tpu.dma_semaphore, #tpu.memory_space<semaphore_mem>>
        %dma_start3A = arith.constant 0 : i32
        %dma_start3A_34 = tpu.memref_slice %arg4[%scan3A_33, %dma_start3A] : memref<40x128xi32, #tpu.memory_space<vmem>> -> memref<1x128xi32, #tpu.memory_space<vmem>>
        %dma_start3A_35 = tpu.memref_squeeze %dma_start3A_34 : memref<1x128xi32, #tpu.memory_space<vmem>> -> memref<128xi32, #tpu.memory_space<vmem>>
        %dma_start3A_36 = arith.constant 0 : i32
        %dma_start3A_37 = arith.constant 0 : i32
        %dma_start3A_38 = tpu.memref_slice %arg6[%dma_start3A_36, %dma_start3A_37] : memref<10112x128xf32, #tpu.memory_space<vmem_shared>> -> memref<10112x128xf32, #tpu.memory_space<vmem_shared>>
        tpu.enqueue_indirect_dma source(%arg5 : memref<128x128xf32, #tpu.memory_space<vmem>>) target(%dma_start3A_38 : memref<10112x128xf32, #tpu.memory_space<vmem_shared>>) offsets(%dma_start3A_35 : memref<128xi32, #tpu.memory_space<vmem>>) semaphore(%run_scoped3A : memref<!tpu.dma_semaphore, #tpu.memory_space<semaphore_mem>>) {add = true}
        %dma_wait3A = arith.constant 0 : i32
        %dma_wait3A_39 = tpu.memref_slice %arg4[%scan3A_33, %dma_wait3A] : memref<40x128xi32, #tpu.memory_space<vmem>> -> memref<1x128xi32, #tpu.memory_space<vmem>>
        %dma_wait3A_40 = tpu.memref_squeeze %dma_wait3A_39 : memref<1x128xi32, #tpu.memory_space<vmem>> -> memref<128xi32, #tpu.memory_space<vmem>>
        %dma_wait3A_41 = arith.constant 0 : i32
        %dma_wait3A_42 = arith.constant 0 : i32
        %dma_wait3A_43 = tpu.memref_slice %arg6[%dma_wait3A_41, %dma_wait3A_42] : memref<10112x128xf32, #tpu.memory_space<vmem_shared>> -> memref<10112x128xf32, #tpu.memory_space<vmem_shared>>
        tpu.wait_indirect_dma semaphore(%run_scoped3A : memref<!tpu.dma_semaphore, #tpu.memory_space<semaphore_mem>>) src(%arg5 : memref<128x128xf32, #tpu.memory_space<vmem>>) dst(%dma_wait3A_43 : memref<10112x128xf32, #tpu.memory_space<vmem_shared>>)
        tpu.yield
      }) : () -> ()
    }
    %scan3A_26 = arith.constant 40 : i32
    "tpu.region"() ({
      %run_scoped3A = tpu.sem_alloc : memref<!tpu.dma_semaphore, #tpu.memory_space<semaphore_mem>>
      %dma_start3A = arith.constant 40 : i32
      %dma_start3A_33 = arith.constant 0 : i32
      %dma_start3A_34 = tpu.memref_slice %arg2[%add3A, %dma_start3A, %dma_start3A_33] : memref<32x80x128xi32, #tpu.memory_space<hbm>> -> memref<1x40x128xi32, #tpu.memory_space<hbm>>
      %dma_start3A_35 = tpu.memref_squeeze %dma_start3A_34 : memref<1x40x128xi32, #tpu.memory_space<hbm>> -> memref<40x128xi32, #tpu.memory_space<hbm>>
      %dma_start3A_36 = arith.constant 40 : i32
      %dma_start3A_37 = arith.constant 0 : i32
      %dma_start3A_38 = tpu.memref_slice %arg2[%add3A, %dma_start3A_36, %dma_start3A_37] : memref<32x80x128xi32, #tpu.memory_space<hbm>> -> memref<1x40x128xi32, #tpu.memory_space<hbm>>
      %dma_start3A_39 = tpu.memref_squeeze %dma_start3A_38 : memref<1x40x128xi32, #tpu.memory_space<hbm>> -> memref<40x128xi32, #tpu.memory_space<hbm>>
      tpu.enqueue_dma source(%dma_start3A_39 : memref<40x128xi32, #tpu.memory_space<hbm>>) target(%arg4 : memref<40x128xi32, #tpu.memory_space<vmem>>) target_semaphore(%run_scoped3A : memref<!tpu.dma_semaphore, #tpu.memory_space<semaphore_mem>>)
      %dma_wait3A = arith.constant 40 : i32
      %dma_wait3A_40 = arith.constant 0 : i32
      %dma_wait3A_41 = tpu.memref_slice %arg2[%add3A, %dma_wait3A, %dma_wait3A_40] : memref<32x80x128xi32, #tpu.memory_space<hbm>> -> memref<1x40x128xi32, #tpu.memory_space<hbm>>
      %dma_wait3A_42 = tpu.memref_squeeze %dma_wait3A_41 : memref<1x40x128xi32, #tpu.memory_space<hbm>> -> memref<40x128xi32, #tpu.memory_space<hbm>>
      %dma_wait3A_43 = arith.constant 40 : i32
      %dma_wait3A_44 = arith.constant 0 : i32
      %dma_wait3A_45 = tpu.memref_slice %arg2[%add3A, %dma_wait3A_43, %dma_wait3A_44] : memref<32x80x128xi32, #tpu.memory_space<hbm>> -> memref<1x40x128xi32, #tpu.memory_space<hbm>>
      %dma_wait3A_46 = tpu.memref_squeeze %dma_wait3A_45 : memref<1x40x128xi32, #tpu.memory_space<hbm>> -> memref<40x128xi32, #tpu.memory_space<hbm>>
      tpu.wait_dma2 semaphore(%run_scoped3A : memref<!tpu.dma_semaphore, #tpu.memory_space<semaphore_mem>>) src(%dma_wait3A_46 : memref<40x128xi32, #tpu.memory_space<hbm>>) dst(%arg4 : memref<40x128xi32, #tpu.memory_space<vmem>>)
      tpu.yield
    }) : () -> ()
    %scan3A_27 = arith.constant 0 : i32
    %scan3A_28 = arith.constant 40 : i32
    %scan3A_29 = arith.addi %scan3A_27, %scan3A_28 : i32
    %scan3A_30 = arith.constant 1 : i32
    scf.for %scan3A_33 = %scan3A_27 to %scan3A_29 step %scan3A_30  : i32 {
      "tpu.region"() ({
        %run_scoped3A = tpu.sem_alloc : memref<!tpu.dma_semaphore, #tpu.memory_space<semaphore_mem>>
        %dma_start3A = arith.constant 0 : i32
        %dma_start3A_34 = tpu.memref_slice %arg4[%scan3A_33, %dma_start3A] : memref<40x128xi32, #tpu.memory_space<vmem>> -> memref<1x128xi32, #tpu.memory_space<vmem>>
        %dma_start3A_35 = tpu.memref_squeeze %dma_start3A_34 : memref<1x128xi32, #tpu.memory_space<vmem>> -> memref<128xi32, #tpu.memory_space<vmem>>
        %dma_start3A_36 = arith.constant 0 : i32
        %dma_start3A_37 = arith.constant 0 : i32
        %dma_start3A_38 = tpu.memref_slice %arg6[%dma_start3A_36, %dma_start3A_37] : memref<10112x128xf32, #tpu.memory_space<vmem_shared>> -> memref<10112x128xf32, #tpu.memory_space<vmem_shared>>
        tpu.enqueue_indirect_dma source(%arg5 : memref<128x128xf32, #tpu.memory_space<vmem>>) target(%dma_start3A_38 : memref<10112x128xf32, #tpu.memory_space<vmem_shared>>) offsets(%dma_start3A_35 : memref<128xi32, #tpu.memory_space<vmem>>) semaphore(%run_scoped3A : memref<!tpu.dma_semaphore, #tpu.memory_space<semaphore_mem>>) {add = true}
        %dma_wait3A = arith.constant 0 : i32
        %dma_wait3A_39 = tpu.memref_slice %arg4[%scan3A_33, %dma_wait3A] : memref<40x128xi32, #tpu.memory_space<vmem>> -> memref<1x128xi32, #tpu.memory_space<vmem>>
        %dma_wait3A_40 = tpu.memref_squeeze %dma_wait3A_39 : memref<1x128xi32, #tpu.memory_space<vmem>> -> memref<128xi32, #tpu.memory_space<vmem>>
        %dma_wait3A_41 = arith.constant 0 : i32
        %dma_wait3A_42 = arith.constant 0 : i32
        %dma_wait3A_43 = tpu.memref_slice %arg6[%dma_wait3A_41, %dma_wait3A_42] : memref<10112x128xf32, #tpu.memory_space<vmem_shared>> -> memref<10112x128xf32, #tpu.memory_space<vmem_shared>>
        tpu.wait_indirect_dma semaphore(%run_scoped3A : memref<!tpu.dma_semaphore, #tpu.memory_space<semaphore_mem>>) src(%arg5 : memref<128x128xf32, #tpu.memory_space<vmem>>) dst(%dma_wait3A_43 : memref<10112x128xf32, #tpu.memory_space<vmem_shared>>)
        tpu.yield
      }) : () -> ()
    }
    %scan3A_31 = arith.constant 40 : i32
    %barrier3A_32 = arith.constant 0 : index
    tpu.barrier barrier_id(%barrier3A_32)
    "tpu.region"() ({
      %run_scoped3A = tpu.sem_alloc : memref<!tpu.dma_semaphore, #tpu.memory_space<semaphore_mem>>
      %dma_start3A = arith.constant 0 : i32
      %dma_start3A_33 = tpu.memref_slice %arg3[%arg0, %mul3A_2, %dma_start3A] : memref<2x10112x128xf32, #tpu.memory_space<hbm>> -> memref<1x632x128xf32, #tpu.memory_space<hbm>>
      %dma_start3A_34 = tpu.memref_squeeze %dma_start3A_33 : memref<1x632x128xf32, #tpu.memory_space<hbm>> -> memref<632x128xf32, #tpu.memory_space<hbm>>
      %dma_start3A_35 = arith.constant 0 : i32
      %dma_start3A_36 = tpu.memref_slice %arg6[%mul3A_2, %dma_start3A_35] : memref<10112x128xf32, #tpu.memory_space<vmem_shared>> -> memref<632x128xf32, #tpu.memory_space<vmem_shared>>
      tpu.enqueue_dma source(%dma_start3A_36 : memref<632x128xf32, #tpu.memory_space<vmem_shared>>) target(%dma_start3A_34 : memref<632x128xf32, #tpu.memory_space<hbm>>) target_semaphore(%run_scoped3A : memref<!tpu.dma_semaphore, #tpu.memory_space<semaphore_mem>>)
      %dma_wait3A = arith.constant 0 : i32
      %dma_wait3A_37 = tpu.memref_slice %arg3[%arg0, %mul3A_2, %dma_wait3A] : memref<2x10112x128xf32, #tpu.memory_space<hbm>> -> memref<1x632x128xf32, #tpu.memory_space<hbm>>
      %dma_wait3A_38 = tpu.memref_squeeze %dma_wait3A_37 : memref<1x632x128xf32, #tpu.memory_space<hbm>> -> memref<632x128xf32, #tpu.memory_space<hbm>>
      %dma_wait3A_39 = arith.constant 0 : i32
      %dma_wait3A_40 = tpu.memref_slice %arg6[%mul3A_2, %dma_wait3A_39] : memref<10112x128xf32, #tpu.memory_space<vmem_shared>> -> memref<632x128xf32, #tpu.memory_space<vmem_shared>>
      tpu.wait_dma2 semaphore(%run_scoped3A : memref<!tpu.dma_semaphore, #tpu.memory_space<semaphore_mem>>) src(%dma_wait3A_40 : memref<632x128xf32, #tpu.memory_space<vmem_shared>>) dst(%dma_wait3A_38 : memref<632x128xf32, #tpu.memory_space<hbm>>)
      tpu.yield
    }) : () -> ()
    return
  }
}

module attributes {stable_mosaic.version = 14 : i64} {
  func.func @_tc_layer_body(%arg0: i32, %arg1: memref<400x128xf32, #tpu.memory_space<vmem>>, %arg2: memref<400x128xf32, #tpu.memory_space<vmem>>, %arg3: memref<400x128xf32, #tpu.memory_space<vmem>>, %arg4: memref<400x128xf32, #tpu.memory_space<vmem>>, %arg5: memref<400x128xf32, #tpu.memory_space<vmem>>, %arg6: memref<128x128xf32, #tpu.memory_space<vmem>>, %arg7: memref<128x128xf32, #tpu.memory_space<vmem>>, %arg8: memref<1x128xf32, #tpu.memory_space<vmem>>, %arg9: memref<400x128xf32, #tpu.memory_space<vmem>>) attributes {dimension_semantics = [#tpu.dimension_semantics<arbitrary>], iteration_bounds = array<i64: 25>, scalar_prefetch = 0 : i64, scratch_operands = 0 : i64, tpu.core_type = #tpu.core_type<tc>, window_params = [{transform_indices = @transform_0, window_bounds = array<i64: 400, 128>}, {transform_indices = @transform_1, window_bounds = array<i64: 400, 128>}, {transform_indices = @transform_2, window_bounds = array<i64: 400, 128>}, {transform_indices = @transform_3, window_bounds = array<i64: 400, 128>}, {transform_indices = @transform_4, window_bounds = array<i64: 400, 128>}, {pipeline_mode = #tpu.pipeline_mode<synchronous>, transform_indices = @transform_5, window_bounds = array<i64: 128, 128>}, {pipeline_mode = #tpu.pipeline_mode<synchronous>, transform_indices = @transform_6, window_bounds = array<i64: 128, 128>}, {pipeline_mode = #tpu.pipeline_mode<synchronous>, transform_indices = @transform_7, window_bounds = array<i64: 1, 128>}, {transform_indices = @transform_8, window_bounds = array<i64: 400, 128>}]} {
    %get3A = arith.constant 0 : index
    %get3A_0 = arith.constant 0 : index
    %get3A_1 = vector.load %arg3[%get3A, %get3A_0] : memref<400x128xf32, #tpu.memory_space<vmem>>, vector<400x1xf32>
    %get3A_2 = arith.constant 0 : index
    %get3A_3 = arith.constant 0 : index
    %get3A_4 = vector.load %arg4[%get3A_2, %get3A_3] : memref<400x128xf32, #tpu.memory_space<vmem>>, vector<400x1xf32>
    %add3A = arith.addf %get3A_1, %get3A_4 : vector<400x1xf32>
    %max3A = arith.constant 1.000000e+00 : f32
    %max3A_5 = vector.broadcast %max3A : f32 to vector<400x1xf32>
    %max3A_6 = arith.maximumf %add3A, %max3A_5 : vector<400x1xf32>
    %div3A = arith.constant 1.000000e+00 : f32
    %div3A_7 = vector.broadcast %div3A : f32 to vector<400x1xf32>
    %div3A_8 = arith.divf %div3A_7, %max3A_6 : vector<400x1xf32>
    %get3A_9 = arith.constant 0 : index
    %get3A_10 = arith.constant 0 : index
    %get3A_11 = vector.load %arg1[%get3A_9, %get3A_10] : memref<400x128xf32, #tpu.memory_space<vmem>>, vector<400x128xf32>
    %get3A_12 = arith.constant 0 : index
    %get3A_13 = arith.constant 0 : index
    %get3A_14 = vector.load %arg2[%get3A_12, %get3A_13] : memref<400x128xf32, #tpu.memory_space<vmem>>, vector<400x128xf32>
    %add3A_15 = arith.addf %get3A_11, %get3A_14 : vector<400x128xf32>
    %mul3A = vector.broadcast %div3A_8 : vector<400x1xf32> to vector<400x128xf32>
    %mul3A_16 = arith.mulf %add3A_15, %mul3A : vector<400x128xf32>
    %get3A_17 = arith.constant 0 : index
    %get3A_18 = arith.constant 0 : index
    %get3A_19 = vector.load %arg6[%get3A_17, %get3A_18] : memref<128x128xf32, #tpu.memory_space<vmem>>, vector<128x128xf32>
    %dot_general3A = arith.constant dense<0.000000e+00> : vector<400x128xf32>
    %dot_general3A_20 = tpu.matmul %mul3A_16, %get3A_19, %dot_general3A {dimension_numbers = #tpu.dot_dimension_numbers<[1], [0], [0], [1], [0, 0, 1, 1], [], []>, transpose_lhs_hint = false} : vector<400x128xf32>, vector<128x128xf32>, vector<400x128xf32> -> vector<400x128xf32>
    %get3A_21 = arith.constant 0 : index
    %get3A_22 = arith.constant 0 : index
    %get3A_23 = vector.load %arg5[%get3A_21, %get3A_22] : memref<400x128xf32, #tpu.memory_space<vmem>>, vector<400x128xf32>
    %get3A_24 = arith.constant 0 : index
    %get3A_25 = arith.constant 0 : index
    %get3A_26 = vector.load %arg7[%get3A_24, %get3A_25] : memref<128x128xf32, #tpu.memory_space<vmem>>, vector<128x128xf32>
    %dot_general3A_27 = arith.constant dense<0.000000e+00> : vector<400x128xf32>
    %dot_general3A_28 = tpu.matmul %get3A_23, %get3A_26, %dot_general3A_27 {dimension_numbers = #tpu.dot_dimension_numbers<[1], [0], [0], [1], [0, 0, 1, 1], [], []>, transpose_lhs_hint = false} : vector<400x128xf32>, vector<128x128xf32>, vector<400x128xf32> -> vector<400x128xf32>
    %add3A_29 = arith.addf %dot_general3A_20, %dot_general3A_28 : vector<400x128xf32>
    %get3A_30 = arith.constant 0 : index
    %get3A_31 = arith.constant 0 : index
    %get3A_32 = vector.load %arg8[%get3A_30, %get3A_31] : memref<1x128xf32, #tpu.memory_space<vmem>>, vector<1x128xf32>
    %add3A_33 = vector.broadcast %get3A_32 : vector<1x128xf32> to vector<400x128xf32>
    %add3A_34 = arith.addf %add3A_29, %add3A_33 : vector<400x128xf32>
    %swap3A = arith.constant 0 : index
    %swap3A_35 = arith.constant 0 : index
    %swap3A_36 = vector.load %arg9[%swap3A, %swap3A_35] : memref<400x128xf32, #tpu.memory_space<vmem>>, vector<400x128xf32>
    tpu.vector_store %arg9[%swap3A, %swap3A_35], %add3A_34 {strides = array<i32>} : memref<400x128xf32, #tpu.memory_space<vmem>>, vector<400x128xf32>,
    return
  }
  func.func @transform_0(%arg0: i32) -> (i32, i32) {
    %c0_i32 = arith.constant 0 : i32
    %c0_i32_0 = arith.constant 0 : i32
    return %arg0, %c0_i32 : i32, i32
  }
  func.func @transform_1(%arg0: i32) -> (i32, i32) {
    %c0_i32 = arith.constant 0 : i32
    %c0_i32_0 = arith.constant 0 : i32
    return %arg0, %c0_i32 : i32, i32
  }
  func.func @transform_2(%arg0: i32) -> (i32, i32) {
    %c0_i32 = arith.constant 0 : i32
    %c0_i32_0 = arith.constant 0 : i32
    return %arg0, %c0_i32 : i32, i32
  }
  func.func @transform_3(%arg0: i32) -> (i32, i32) {
    %c0_i32 = arith.constant 0 : i32
    %c0_i32_0 = arith.constant 0 : i32
    return %arg0, %c0_i32 : i32, i32
  }
  func.func @transform_4(%arg0: i32) -> (i32, i32) {
    %c0_i32 = arith.constant 0 : i32
    %c0_i32_0 = arith.constant 0 : i32
    return %arg0, %c0_i32 : i32, i32
  }
  func.func @transform_5(%arg0: i32) -> (i32, i32) {
    %c0_i32 = arith.constant 0 : i32
    %c0_i32_0 = arith.constant 0 : i32
    %c0_i32_1 = arith.constant 0 : i32
    return %c0_i32, %c0_i32_0 : i32, i32
  }
  func.func @transform_6(%arg0: i32) -> (i32, i32) {
    %c0_i32 = arith.constant 0 : i32
    %c0_i32_0 = arith.constant 0 : i32
    %c0_i32_1 = arith.constant 0 : i32
    return %c0_i32, %c0_i32_0 : i32, i32
  }
  func.func @transform_7(%arg0: i32) -> (i32, i32) {
    %c0_i32 = arith.constant 0 : i32
    %c0_i32_0 = arith.constant 0 : i32
    %c0_i32_1 = arith.constant 0 : i32
    return %c0_i32, %c0_i32_0 : i32, i32
  }
  func.func @transform_8(%arg0: i32) -> (i32, i32) {
    %c0_i32 = arith.constant 0 : i32
    %c0_i32_0 = arith.constant 0 : i32
    return %arg0, %c0_i32 : i32, i32
  }
}

module attributes {stable_mosaic.version = 14 : i64} {
  func.func @_tc_final_body(%arg0: i32, %arg1: memref<400x128xf32, #tpu.memory_space<vmem>>, %arg2: memref<400x128xf32, #tpu.memory_space<vmem>>, %arg3: memref<400x128xf32, #tpu.memory_space<vmem>>, %arg4: memref<400x128xf32, #tpu.memory_space<vmem>>, %arg5: memref<400x128xf32, #tpu.memory_space<vmem>>, %arg6: memref<128x128xf32, #tpu.memory_space<vmem>>, %arg7: memref<128x128xf32, #tpu.memory_space<vmem>>, %arg8: memref<1x128xf32, #tpu.memory_space<vmem>>, %arg9: memref<128x40xf32, #tpu.memory_space<vmem>>, %arg10: memref<1x40xf32, #tpu.memory_space<vmem>>, %arg11: memref<400x40xf32, #tpu.memory_space<vmem>>) attributes {dimension_semantics = [#tpu.dimension_semantics<arbitrary>], iteration_bounds = array<i64: 25>, scalar_prefetch = 0 : i64, scratch_operands = 0 : i64, tpu.core_type = #tpu.core_type<tc>, window_params = [{transform_indices = @transform_0, window_bounds = array<i64: 400, 128>}, {transform_indices = @transform_1, window_bounds = array<i64: 400, 128>}, {transform_indices = @transform_2, window_bounds = array<i64: 400, 128>}, {transform_indices = @transform_3, window_bounds = array<i64: 400, 128>}, {transform_indices = @transform_4, window_bounds = array<i64: 400, 128>}, {pipeline_mode = #tpu.pipeline_mode<synchronous>, transform_indices = @transform_5, window_bounds = array<i64: 128, 128>}, {pipeline_mode = #tpu.pipeline_mode<synchronous>, transform_indices = @transform_6, window_bounds = array<i64: 128, 128>}, {pipeline_mode = #tpu.pipeline_mode<synchronous>, transform_indices = @transform_7, window_bounds = array<i64: 1, 128>}, {pipeline_mode = #tpu.pipeline_mode<synchronous>, transform_indices = @transform_8, window_bounds = array<i64: 128, 40>}, {pipeline_mode = #tpu.pipeline_mode<synchronous>, transform_indices = @transform_9, window_bounds = array<i64: 1, 40>}, {transform_indices = @transform_10, window_bounds = array<i64: 400, 40>}]} {
    %get3A = arith.constant 0 : index
    %get3A_0 = arith.constant 0 : index
    %get3A_1 = vector.load %arg3[%get3A, %get3A_0] : memref<400x128xf32, #tpu.memory_space<vmem>>, vector<400x1xf32>
    %get3A_2 = arith.constant 0 : index
    %get3A_3 = arith.constant 0 : index
    %get3A_4 = vector.load %arg4[%get3A_2, %get3A_3] : memref<400x128xf32, #tpu.memory_space<vmem>>, vector<400x1xf32>
    %add3A = arith.addf %get3A_1, %get3A_4 : vector<400x1xf32>
    %max3A = arith.constant 1.000000e+00 : f32
    %max3A_5 = vector.broadcast %max3A : f32 to vector<400x1xf32>
    %max3A_6 = arith.maximumf %add3A, %max3A_5 : vector<400x1xf32>
    %div3A = arith.constant 1.000000e+00 : f32
    %div3A_7 = vector.broadcast %div3A : f32 to vector<400x1xf32>
    %div3A_8 = arith.divf %div3A_7, %max3A_6 : vector<400x1xf32>
    %get3A_9 = arith.constant 0 : index
    %get3A_10 = arith.constant 0 : index
    %get3A_11 = vector.load %arg1[%get3A_9, %get3A_10] : memref<400x128xf32, #tpu.memory_space<vmem>>, vector<400x128xf32>
    %get3A_12 = arith.constant 0 : index
    %get3A_13 = arith.constant 0 : index
    %get3A_14 = vector.load %arg2[%get3A_12, %get3A_13] : memref<400x128xf32, #tpu.memory_space<vmem>>, vector<400x128xf32>
    %add3A_15 = arith.addf %get3A_11, %get3A_14 : vector<400x128xf32>
    %mul3A = vector.broadcast %div3A_8 : vector<400x1xf32> to vector<400x128xf32>
    %mul3A_16 = arith.mulf %add3A_15, %mul3A : vector<400x128xf32>
    %get3A_17 = arith.constant 0 : index
    %get3A_18 = arith.constant 0 : index
    %get3A_19 = vector.load %arg6[%get3A_17, %get3A_18] : memref<128x128xf32, #tpu.memory_space<vmem>>, vector<128x128xf32>
    %dot_general3A = arith.constant dense<0.000000e+00> : vector<400x128xf32>
    %dot_general3A_20 = tpu.matmul %mul3A_16, %get3A_19, %dot_general3A {dimension_numbers = #tpu.dot_dimension_numbers<[1], [0], [0], [1], [0, 0, 1, 1], [], []>, transpose_lhs_hint = false} : vector<400x128xf32>, vector<128x128xf32>, vector<400x128xf32> -> vector<400x128xf32>
    %get3A_21 = arith.constant 0 : index
    %get3A_22 = arith.constant 0 : index
    %get3A_23 = vector.load %arg5[%get3A_21, %get3A_22] : memref<400x128xf32, #tpu.memory_space<vmem>>, vector<400x128xf32>
    %get3A_24 = arith.constant 0 : index
    %get3A_25 = arith.constant 0 : index
    %get3A_26 = vector.load %arg7[%get3A_24, %get3A_25] : memref<128x128xf32, #tpu.memory_space<vmem>>, vector<128x128xf32>
    %dot_general3A_27 = arith.constant dense<0.000000e+00> : vector<400x128xf32>
    %dot_general3A_28 = tpu.matmul %get3A_23, %get3A_26, %dot_general3A_27 {dimension_numbers = #tpu.dot_dimension_numbers<[1], [0], [0], [1], [0, 0, 1, 1], [], []>, transpose_lhs_hint = false} : vector<400x128xf32>, vector<128x128xf32>, vector<400x128xf32> -> vector<400x128xf32>
    %add3A_29 = arith.addf %dot_general3A_20, %dot_general3A_28 : vector<400x128xf32>
    %get3A_30 = arith.constant 0 : index
    %get3A_31 = arith.constant 0 : index
    %get3A_32 = vector.load %arg8[%get3A_30, %get3A_31] : memref<1x128xf32, #tpu.memory_space<vmem>>, vector<1x128xf32>
    %add3A_33 = vector.broadcast %get3A_32 : vector<1x128xf32> to vector<400x128xf32>
    %add3A_34 = arith.addf %add3A_29, %add3A_33 : vector<400x128xf32>
    %get3A_35 = arith.constant 0 : index
    %get3A_36 = arith.constant 0 : index
    %get3A_37 = vector.load %arg9[%get3A_35, %get3A_36] : memref<128x40xf32, #tpu.memory_space<vmem>>, vector<128x40xf32>
    %dot_general3A_38 = arith.constant dense<0.000000e+00> : vector<400x40xf32>
    %dot_general3A_39 = tpu.matmul %add3A_34, %get3A_37, %dot_general3A_38 {dimension_numbers = #tpu.dot_dimension_numbers<[1], [0], [0], [1], [0, 0, 1, 1], [], []>, transpose_lhs_hint = false} : vector<400x128xf32>, vector<128x40xf32>, vector<400x40xf32> -> vector<400x40xf32>
    %get3A_40 = arith.constant 0 : index
    %get3A_41 = arith.constant 0 : index
    %get3A_42 = vector.load %arg10[%get3A_40, %get3A_41] : memref<1x40xf32, #tpu.memory_space<vmem>>, vector<1x40xf32>
    %add3A_43 = vector.broadcast %get3A_42 : vector<1x40xf32> to vector<400x40xf32>
    %add3A_44 = arith.addf %dot_general3A_39, %add3A_43 : vector<400x40xf32>
    %swap3A = arith.constant 0 : index
    %swap3A_45 = arith.constant 0 : index
    %swap3A_46 = vector.load %arg11[%swap3A, %swap3A_45] : memref<400x40xf32, #tpu.memory_space<vmem>>, vector<400x40xf32>
    tpu.vector_store %arg11[%swap3A, %swap3A_45], %add3A_44 {strides = array<i32>} : memref<400x40xf32, #tpu.memory_space<vmem>>, vector<400x40xf32>,
    return
  }
  func.func @transform_0(%arg0: i32) -> (i32, i32) {
    %c0_i32 = arith.constant 0 : i32
    %c0_i32_0 = arith.constant 0 : i32
    return %arg0, %c0_i32 : i32, i32
  }
  func.func @transform_1(%arg0: i32) -> (i32, i32) {
    %c0_i32 = arith.constant 0 : i32
    %c0_i32_0 = arith.constant 0 : i32
    return %arg0, %c0_i32 : i32, i32
  }
  func.func @transform_2(%arg0: i32) -> (i32, i32) {
    %c0_i32 = arith.constant 0 : i32
    %c0_i32_0 = arith.constant 0 : i32
    return %arg0, %c0_i32 : i32, i32
  }
  func.func @transform_3(%arg0: i32) -> (i32, i32) {
    %c0_i32 = arith.constant 0 : i32
    %c0_i32_0 = arith.constant 0 : i32
    return %arg0, %c0_i32 : i32, i32
  }
  func.func @transform_4(%arg0: i32) -> (i32, i32) {
    %c0_i32 = arith.constant 0 : i32
    %c0_i32_0 = arith.constant 0 : i32
    return %arg0, %c0_i32 : i32, i32
  }
  func.func @transform_5(%arg0: i32) -> (i32, i32) {
    %c0_i32 = arith.constant 0 : i32
    %c0_i32_0 = arith.constant 0 : i32
    %c0_i32_1 = arith.constant 0 : i32
    return %c0_i32, %c0_i32_0 : i32, i32
  }
  func.func @transform_6(%arg0: i32) -> (i32, i32) {
    %c0_i32 = arith.constant 0 : i32
    %c0_i32_0 = arith.constant 0 : i32
    %c0_i32_1 = arith.constant 0 : i32
    return %c0_i32, %c0_i32_0 : i32, i32
  }
  func.func @transform_7(%arg0: i32) -> (i32, i32) {
    %c0_i32 = arith.constant 0 : i32
    %c0_i32_0 = arith.constant 0 : i32
    %c0_i32_1 = arith.constant 0 : i32
    return %c0_i32, %c0_i32_0 : i32, i32
  }
  func.func @transform_8(%arg0: i32) -> (i32, i32) {
    %c0_i32 = arith.constant 0 : i32
    %c0_i32_0 = arith.constant 0 : i32
    %c0_i32_1 = arith.constant 0 : i32
    return %c0_i32, %c0_i32_0 : i32, i32
  }
  func.func @transform_9(%arg0: i32) -> (i32, i32) {
    %c0_i32 = arith.constant 0 : i32
    %c0_i32_0 = arith.constant 0 : i32
    %c0_i32_1 = arith.constant 0 : i32
    return %c0_i32, %c0_i32_0 : i32, i32
  }
  func.func @transform_10(%arg0: i32) -> (i32, i32) {
    %c0_i32 = arith.constant 0 : i32
    %c0_i32_0 = arith.constant 0 : i32
    return %arg0, %c0_i32 : i32, i32
  }
}

</mosaic_0001>

<sc_bundles>
// kernel: kernel.12.cloned.1.call-start
scs
__scs_entry_jumppad:
0x0: {  	(pc) =	sbr.rel $0x88, $3  }
0x1: {  	(tag) =	ssettag $0x0;
	lr =	simm.s32 $0x1  }
0x2: {  	[smem:$0x3F94] =	sst lr;
	_ =	strace $0xD0000000  }
0x3: {  	_ = 	snop  }
0x4: {  	_ = 	snop  }
0x5: {  	_ = 	snop  }
0x6: {  	_ = 	snop  }
0x7: {  	_ = 	snop  }
__scs_overlays_trampoline_lowered:
0x8: {  	[smem:$0x3FA3] =	sst s0  }
0x9: {  	[smem:$0x3FA4] =	sst s1  }
0xa: {  	[smem:$0x3FA5] =	sst s2  }
0xb: {  	[smem:$0x3FA6] =	sst s3  }
0xc: {  	[smem:$0x3FA7] =	sst s4  }
0xd: {  	[smem:$0x3FA8] =	sst s5  }
0xe: {  	[smem:$0x3FA9] =	sst s6  }
0xf: {  	[smem:$0x3FAA] =	sst s7  }
0x10: {  	[smem:$0x3FAB] =	sst s8  }
0x11: {  	[smem:$0x3FAC] =	sst s9;
	s0 =	simm.s32 @!p0 $0x0  }
0x12: {  	s1 =	sld [smem:$0x3F92];
	s0 =	simm.s32 @p0 $0x1  }
0x13: {  	[smem:$0x3FAD] =	sst s0;
	s0 =	simm.s32 @!p1 $0x0  }
0x14: {  	s2 =	sld [smem:$0x3F91];
	s0 =	simm.s32 @p1 $0x1  }
0x15: {  	[smem:$0x3FAE] =	sst s0;
	s0 =	simm.s32 @!p2 $0x0  }
0x16: {  	s3 =	sld [smem:$0x3FDB];
	s0 =	simm.s32 @p2 $0x1  }
0x17: {  	s4 =	simm.s32 $0x1BF5;
	[smem:$0x3FB0] =	sst s0  }
0x18: {  	s0 =	sld [smem:$0x3F93];
	_ =	swait.ge [sflag:s4], $0x0  }
0x19: {  	s7 =	sld [smem:$0x3F94]  }
0x1a: {  	s8 =	sadd.s32 $0xFFFFE003, lr  }
0x1b: {  	s9 =	sadd.s32 $0xFFFFFEF7, lr;
	s5 =	simm.s32 $0xFFFFFFFF;
	p2 =	slt.u32 s8, $0xFFFFF086  }
0x1c: {  	p1 =	slt.u32 s9, $0xF7A;
	s5 =	simm.s32 @!p2 $0x0  }
0x1d: {  	s5 =	simm.s32 @p1 $0x1;
	p0 =	seq.s32 s7, s2  }
0x1e: {  	s7 =	smul.u32 @!p0 $0xF7A, s2;
	p2 =	seq.s32 @!p0 s5, $0x0  }
0x1f: {  	s9 =	smul.u32 $0xF7A, s1;
	s8 =	simm.s32 @!p0 $0x1BF5;
	p2 =	por !p2, p0  }
0x20: {  	[sflag:s8] =	ssyncset.s32 @!p0 $0xFFFFF086;
	s6 =	sadd.s32 @!p0 s3, s7;
	s7 =	simm.s32 @!p0 $0x108  }
0x21: {  	s3 =	sadd.s32 s3, s9;
	s6 =	sadd.s32 @!p0 $0x88, s6;
	s7 =	simm.s32 @p2 $0x1082  }
0x22: {  	[simem:s7], [sflag:s8] =	dma.local @!p0 [hbm:s6], $0xF7A  }
0x23: {  	s9 =	sor.u32 $0xD0000000, s2;
	s6 =	simm.s32 $0x108;
	_ =	swait.ge @!p0 [sflag:s8], $0x0  }
0x24: {  	s3 =	sadd.s32 $0x88, s3;
	s6 =	simm.s32 @!p1 $0x1082;
	[sflag:s4] =	ssyncset.s32 $0xFFFFF086  }
0x25: {  	[simem:s6], [sflag:s4] =	dma.local [hbm:s3], $0xF7A  }
0x26: {  	[smem:$0x3F94] =	sst s1;
	(tag) =	ssettag s2;
	_ =	strace s9  }
0x27: {  	s1 =	sld [smem:$0x3FA4]  }
0x28: {  	s2 =	sld [smem:$0x3FA5]  }
0x29: {  	s4 =	sld [smem:$0x3FA7]  }
0x2a: {  	p0 =	seq.s32 s5, $0x0;
	s5 =	sld [smem:$0x3FA8]  }
0x2b: {  	s6 =	sld [smem:$0x3FA9]  }
0x2c: {  	s7 =	sld [smem:$0x3FAA]  }
0x2d: {  	s3 =	simm.s32 $0x108;
	s8 =	sld [smem:$0x3FAB]  }
0x2e: {  	s3 =	simm.s32 @!p0 $0x1082;
	s9 =	sld [smem:$0x3FAC]  }
0x2f: {  	lr =	sadd.s32 s0, s3;
	s0 =	sld [smem:$0x3FA3]  }
0x30: {  	s3 =	sld [smem:$0x3FA6]  }
0x31: {  	[smem:$0x3FAF] =	sst s10  }
0x32: {  	s10 =	sld [smem:$0x3FAD];
	_ =	sdelay $0x3  }
0x33: {  	p0 =	seq.s32 s10, $0x1;
	s10 =	sld [smem:$0x3FAF];
	_ =	sdelay $0x3  }
0x34: {  	[smem:$0x3FAF] =	sst s10  }
0x35: {  	s10 =	sld [smem:$0x3FAE];
	_ =	sdelay $0x3  }
0x36: {  	p1 =	seq.s32 s10, $0x1;
	s10 =	sld [smem:$0x3FAF];
	_ =	sdelay $0x3  }
0x37: {  	[smem:$0x3FAF] =	sst s10  }
0x38: {  	s10 =	sld [smem:$0x3FB0]  }
0x39: {  	_ = 	snop;
	(pc) =	sbr.ind lr, $3  }
0x3a: {  	_ = 	snop  }
0x3b: {  	_ = 	snop  }
0x3c: {  	p2 =	seq.s32 s10, $0x1;
	s10 =	sld [smem:$0x3FAF]  }
0x3d: {  	_ =	shalt  }
0x3e: {  	_ =	shalt  }
0x3f: {  	_ =	shalt  }
0x40: {  	_ =	shalt  }
0x41: {  	_ =	shalt  }
0x42: {  	_ =	shalt  }
0x43: {  	_ =	shalt  }
0x44: {  	_ =	shalt  }
0x45: {  	_ =	shalt  }
0x46: {  	_ =	shalt  }
0x47: {  	_ =	shalt  }
0x48: {  	_ =	shalt  }
0x49: {  	_ =	shalt  }
0x4a: {  	_ =	shalt  }
0x4b: {  	_ =	shalt  }
0x4c: {  	_ =	shalt  }
0x4d: {  	_ =	shalt  }
0x4e: {  	_ =	shalt  }
0x4f: {  	_ =	shalt  }
0x50: {  	_ =	shalt  }
0x51: {  	_ =	shalt  }
0x52: {  	_ =	shalt  }
0x53: {  	_ =	shalt  }
0x54: {  	_ =	shalt  }
0x55: {  	_ =	shalt  }
0x56: {  	_ =	shalt  }
0x57: {  	_ =	shalt  }
0x58: {  	_ =	shalt  }
0x59: {  	_ =	shalt  }
0x5a: {  	_ =	shalt  }
0x5b: {  	_ =	shalt  }
0x5c: {  	_ =	shalt  }
0x5d: {  	_ =	shalt  }
0x5e: {  	_ =	shalt  }
0x5f: {  	_ =	shalt  }
0x60: {  	_ =	shalt  }
0x61: {  	_ =	shalt  }
0x62: {  	_ =	shalt  }
0x63: {  	_ =	shalt  }
0x64: {  	_ =	shalt  }
0x65: {  	_ =	shalt  }
0x66: {  	_ =	shalt  }
0x67: {  	_ =	shalt  }
0x68: {  	_ =	shalt  }
0x69: {  	_ =	shalt  }
0x6a: {  	_ =	shalt  }
0x6b: {  	_ =	shalt  }
0x6c: {  	_ =	shalt  }
0x6d: {  	_ =	shalt  }
0x6e: {  	_ =	shalt  }
0x6f: {  	_ =	shalt  }
0x70: {  	_ =	shalt  }
0x71: {  	_ =	shalt  }
0x72: {  	_ =	shalt  }
0x73: {  	_ =	shalt  }
0x74: {  	_ =	shalt  }
0x75: {  	_ =	shalt  }
0x76: {  	_ =	shalt  }
0x77: {  	_ =	shalt  }
0x78: {  	_ =	shalt  }
0x79: {  	_ =	shalt  }
0x7a: {  	_ =	shalt  }
0x7b: {  	_ =	shalt  }
0x7c: {  	_ =	shalt  }
0x7d: {  	_ =	shalt  }
0x7e: {  	_ =	shalt  }
0x7f: {  	_ =	shalt  }
0x80: {  	_ =	shalt  }
0x81: {  	_ =	shalt  }
0x82: {  	_ =	shalt  }
0x83: {  	_ =	shalt  }
0x84: {  	_ =	shalt  }
0x85: {  	_ =	shalt  }
0x86: {  	_ =	shalt  }
0x87: {  	_ =	shalt  }
.Lfunc_end0:
.L_simem_size_0:
called_computation.1_lowered:
.L_overlay_start_0:
0x88: {  	s2 =	sld [smem:$0x3FD9]  }
0x89: {  	s3 =	sld [smem:$0x3FFE];
	_ =	sdelay $0x1  }
0x8a: {  	s1 =	srdreg.scid  }
0x8b: {  	s0 =	sand.u32 $0x1, s1  }
0x8c: {  	s17 =	sshll.u32 s0, $0xA;
	s2 =	sadd.s32 s3, s2  }
0x8d: {  	s2 =	sadd.s32 s2, s17  }
0x8e: {  	[smem:$0x3FBB] =	sst s2  }
0x8f: {  	_ = 	snop  }
0x90: {  	s2 =	sld [smem:$0x3FC9];
	(tm) =	ssettm $0x1  }
0x91: {  	s18 =	sld [smem:$0x3FFB];
	_ =	sdelay $0x3  }
0x92: {  	_ =	strace s18  }
0x93: {  	s3 =	sld [smem:$0x3FFC];
	_ =	sdelay $0x3  }
0x94: {  	_ =	strace s3  }
0x95: {  	s3 =	sld [smem:$0x3FFD];
	_ =	sdelay $0x3  }
0x96: {  	_ =	strace s3  }
0x97: {  	_ =	strace $0x8FFFFFFF  }
0x98: {  	s19 =	sld [smem:$0x3FDB];
	_ =	sdelay $0x1  }
0x99: {  	s4 =	simm.s32 $_scs_section_size  }
0x9a: {  	s5 =	simm.s32 $_size__tile_overlayer_lowered;
	s6 =	simm.s32 $_tile_overlayer_lowered  }
0x9b: {  	s22 =	simm.s32 $0x1BFF;
	s21 =	sshll.u32 s6, $0x1;
	s3 =	sadd.s32 s4, s19  }
0x9c: {  	s7 =	simm.s32 $0x0;
	s20 =	sshll.u32 s5, $0x1;
	s5 =	sadd.s32 s21, s3  }
0x9d: {  	[timem:s7], [sflag:s22] =	dma.local [hbm:s5], s20  }
0x9e: {  	_ =	swait.ge [sflag:s22], s20  }
0x9f: {  	s4 =	ssub.s32 $0x0, s20;
	[sflag:s22] =	ssyncset.done $0x0  }
0xa0: {  	[sflag:s22] =	ssyncadd.s32 s4;
	_ =	sdelay $0x1  }
0xa1: {  	s23 =	simm.s32 $0x1B8B  }
0xa2: {  	_ =	swait.ge [sflag:s23], $0x1  }
0xa3: {  	[sflag:s23] =	ssyncset.done $0x0  }
0xa4: {  	s25 =	simm.s32 $0x1B8E;
	s24 =	sld [smem:$0x3FFE];
	[sflag:s23] =	ssyncadd.s32 $0xFFFFFFFF  }
0xa5: {  	s26 =	simm.s32 $execute0_lowered;
	[smem:$0x3FD2] =	sst s25  }
0xa6: {  	s5 =	sshll.u32 s26, $0x1;
	_ =	strace $0x80000046;
	[dreg:$0x1] =	wrdreg $0xFFFFFFFF  }
0xa7: {  	s28 =	simm.s32 $_size_execute0_lowered;
	s3 =	sadd.s32 s3, s5;
	[dreg:$0x0] =	wrdreg $0x0  }
0xa8: {  	s5 =	sshll.u32 s28, $0x1;
	[dreg:$0x2] =	wrdreg s3  }
0xa9: {  	[dreg:$0x3] =	wrdreg s5  }
0xaa: {  	[dreg:$0x4] =	wrdreg $0xC0  }
0xab: {  	_ =	task [dreg:s7], $0x5FFFF  }
0xac: {  	[dreg:$0x1] =	wrdreg $0xFFFFFFFF  }
0xad: {  	[dreg:$0x0] =	wrdreg $0x60  }
0xae: {  	[dreg:$0x2] =	wrdreg s2  }
0xaf: {  	[dreg:$0x3] =	wrdreg s24  }
0xb0: {  	[dreg:$0x4] =	wrdreg $0xA8000  }
0xb1: {  	[dreg:$0x5] =	wrdreg $0xA  }
0xb2: {  	_ =	task.clear_ibuf [dreg:s7], $0x6FFFF;
	_ =	strace $0x90000046  }
0xb3: {  	s29 =	simm.s32 $0xA;
	_ =	strace $0x80000048  }
0xb4: {  	_ =	swait.ge [sflag:s29], $0x1  }
0xb5: {  	[sflag:s29] =	ssyncadd.s32 $0xFFFFFFFF  }
0xb6: {  	_ =	strace $0x90000048  }
0xb7: {  	_ =	sfence  }
0xb8: {  	s30 =	sld [smem:$0x0];
	_ =	sdelay $0x2  }
0xb9: {  	s31 =	sshll.u32 s1, $0xD;
	s1 =	sshrl.u32 s1, $0x2  }
0xba: {  	s3 =	sand.u32 $0x4000, s31;
	s1 =	sadd.s32 s1, s30  }
0xbb: {  	s0 =	sor.u32 s3, s0;
	s1 =	sshll.u32 s1, $0x11  }
0xbc: {  	s0 =	sor.u32 s1, s0  }
0xbd: {  	s0 =	sadd.s32 $0x8F2B, s0  }
0xbe: {  	[sflag:s0] =	ssyncadd.remote.s32 $0x1  }
0xbf: {  	_ =	sfence.sel $0xFFFF  }
0xc0: {  	[dreg:$0x0] =	wrdreg $0xFFFFFFFF;
	(pc) =	sbr.abs _section_cstart, $3  }
0xc1: {  	[dreg:$0x1] =	wrdreg $0xFFFFFFFF  }
0xc2: {  	_ =	task.clear_ibuf [dreg:s7], $0x2FFFF;
	_ =	strace $0x9FFFFFFF  }
0xc3: {  	(tm) =	ssettm $0x7FFFFFFF  }
tec
execute0_lowered:
.L_overlay_start_1:
0x0: {  	(tag) =	ssettag $0x1  }
0x1: {  	s1 =	rddreg [dreg:$0x0]  }
0x2: {  	s0 =	rddreg [dreg:$0x1]  }
0x3: {  	s2 =	rddreg [dreg:$0x2]  }
0x4: {  	s4 =	simm.s32 $0x0;
	s3 =	srdreg.scid;
	s20 =	simm.s32 $0x2800  }
0x5: {  	s28 =	simm.s32 $0x1380;
	s29 =	simm.s32 $0x2700;
	s30 =	simm.s32 $0x2780  }
0x6: {  	s31 =	simm.s32 $0x0;
	[smem:$0x7FF] =	sst s4;
	s21 =	sand.u32 $0x1, s3  }
0x7: {  	s3 =	stileid.u32;
	s12 =	sadd.s32 $0x9600, s0;
	s5 =	smul.u32 $0x13C000, s21  }
0x8: {  	s13 =	sadd.s32 $0x4600, s0;
	s16 =	sadd.s32 $0x13600, s0;
	s6 =	smul.u32 $0x13C00, s3  }
0x9: {  	s17 =	sadd.s32 $0xE600, s0;
	_ =	strace $0x80000047;
	s7 =	smul.u32 $0x4F000, s3  }
0xa: {  	s8 =	ssub.s32 $0x2, s21;
	s9 =	smul.u32 $0x2800, s3;
	p0 =	seq.s32 s21, $0x1  }
0xb: {  	s21 =	simm.s32 $0x3;
	s23 =	sshrl.u32 s8, $0x1;
	s5 =	sadd.s32 s6, s5  }
0xc: {  	s22 =	sshrl.u32 s7, $0x2;
	s19 =	ssub.s32 s8, s23;
	s15 =	sshrl.u32 s9, $0x3  }
0xd: {  	s23 =	simm.s32 $0x80;
	s6 =	sshrl.u32 s5, $0x3;
	s5 =	sadd.s32 s22, s2  }
0xe: {  	s24 =	sadd.s32 $0x280, s15;
	s10 =	sadd.s32 s12, s15;
	s25 =	sadd.s32 s13, s15  }
0xf: {  	s14 =	sadd.s32 s16, s15;
	s15 =	sadd.s32 s17, s15;
	s19 =	smax.u32 s19, $0x1  }
0x10: {  	s22 =	simm.s32 $0x1400;
	s0 =	sadd.s32 s6, s0;
	s6 =	sadd.s32 $0x4000, s5  }
.Ltmp0:
0x11: {  	s7 =	sadd.s32 $0x8000, s5;
	[dreg:$0x4] =	wrdreg s10;
	(pc) =	sbr.rel .LBB2_1-.Ltmp0, $4  }
0x12: {  	s8 =	sadd.s32 $0xC000, s5;
	s9 =	sadd.s32 $0x10000, s5;
	[dreg:$0x5] =	wrdreg s25  }
0x13: {  	s26 =	sadd.s32 s12, s24;
	s13 =	sadd.s32 s13, s24;
	s16 =	sadd.s32 s16, s24  }
0x14: {  	s17 =	sadd.s32 s17, s24;
	s24 =	simm.s32 $0x6800;
	s25 =	simm.s32 $0x1  }
0x15: {  	v0 =	vimm.f32 $0.0e+00;
	[dreg:$0x6] =	wrdreg s26;
	s18 =	sadd.s32 $0x18600, s0;
	s26 =	simm.s32 $0x2  }
.LBB2_8:
0x16: {  	s4 =	sadd.s32 $0x80, s0;
	[sflag:s21] =	ssyncadd.s32 $0xFFFFC000  }
0x17: {  	[tilespmem:s24], [sflag:$0x2] =	stream.indirect.gather [hbm4b:s1+s23], $0x80, s4, s23, $0xb8;
	[tilespmem:$0x1E400] =	vst v63  }
0x18: {  	_ =	swait.ge [sflag:s25], $0x4000  }
0x19: {  	[sflag:s25] =	ssyncset.done $0x0  }
0x1a: {  	s10 =	sadd.s32 $0x1400, s0;
	[sflag:s25] =	ssyncadd.s32 $0xFFFFC000  }
0x1b: {  	[spmem:s2] =	stream.indirect.scatter.add.f32 [tilespmem:s20], [sflag:$0x3], $0x80, s10, s23, $0xb8;
	[tilespmem:$0x1E400] =	vst v63  }
0x1c: {  	_ =	swait.ge [sflag:s21], $0x4000  }
0x1d: {  	[sflag:s21] =	ssyncset.done $0x0  }
0x1e: {  	s11 =	sadd.s32 $0x100, s0;
	[sflag:s21] =	ssyncadd.s32 $0xFFFFC000  }
0x1f: {  	[tilespmem:s20], [sflag:$0x1] =	stream.indirect.gather [hbm4b:s1+s23], $0x80, s11, s23, $0xb8;
	[tilespmem:$0x1E400] =	vst v63  }
0x20: {  	_ =	swait.ge [sflag:s26], $0x4000  }
0x21: {  	[sflag:s26] =	ssyncset.done $0x0  }
0x22: {  	s12 =	sadd.s32 $0x1480, s0;
	[sflag:s26] =	ssyncadd.s32 $0xFFFFC000  }
0x23: {  	[spmem:s2] =	stream.indirect.scatter.add.f32 [tilespmem:s24], [sflag:$0x3], $0x80, s12, s23, $0xb8;
	[tilespmem:$0x1E400] =	vst v63  }
0x24: {  	_ =	swait.ge [sflag:s21], $0x4000  }
0x25: {  	[sflag:s21] =	ssyncset.done $0x0  }
0x26: {  	[sflag:s21] =	ssyncadd.s32 $0xFFFFC000  }
.LBB2_14:
0x27: {  	[tilespmem:s24], [sflag:$0x2] =	stream.indirect.gather [hbm4b:s1+s23], $0x80, s28, s23, $0xb8;
	[tilespmem:$0x1E400] =	vst v63  }
0x28: {  	_ =	swait.ge [sflag:s25], $0x4000  }
0x29: {  	[sflag:s25] =	ssyncset.done $0x0  }
0x2a: {  	[sflag:s25] =	ssyncadd.s32 $0xFFFFC000  }
0x2b: {  	[spmem:s2] =	stream.indirect.scatter.add.f32 [tilespmem:s20], [sflag:$0x3], $0x80, s29, s23, $0xb8;
	[tilespmem:$0x1E400] =	vst v63  }
0x2c: {  	_ =	swait.ge [sflag:s21], $0x4000  }
0x2d: {  	[sflag:s21] =	ssyncset.done $0x0  }
0x2e: {  	s0 =	simm.s32 $0x0;
	[sflag:s21] =	ssyncadd.s32 $0xFFFFC000  }
0x2f: {  	[tilespmem:s20], [sflag:$0x1] =	stream.indirect.gather [hbm4b:s1+s23], $0x80, s0, s23, $0xb8;
	[tilespmem:$0x1E400] =	vst v63  }
0x30: {  	_ =	swait.ge [sflag:s26], $0x4000  }
0x31: {  	[sflag:s26] =	ssyncset.done $0x0  }
0x32: {  	[sflag:s26] =	ssyncadd.s32 $0xFFFFC000  }
0x33: {  	[spmem:s2] =	stream.indirect.scatter.add.f32 [tilespmem:s24], [sflag:$0x3], $0x80, s30, s23, $0xb8;
	[tilespmem:$0x1E400] =	vst v63  }
0x34: {  	_ =	swait.ge [sflag:s21], $0x4000  }
0x35: {  	[sflag:s21] =	ssyncset.done $0x0  }
0x36: {  	[sflag:s21] =	ssyncadd.s32 $0xFFFFC000  }
0x37: {  	_ =	swait.ge [sflag:s25], $0x4000  }
0x38: {  	s12 =	sshll.u32 s3, $0x6;
	s31 =	sadd.s32 $0x1, s31;
	[sflag:s25] =	ssyncset.done $0x0  }
0x39: {  	s4 =	sshrl.u32 s5, $0x3;
	p1 =	sne.s32 s31, s19;
	[sflag:s25] =	ssyncadd.s32 $0xFFFFC000  }
.Ltmp1:
0x3a: {  	s0 =	sor.u32 $0x1C03, s12;
	[bflag:$0x0] =	sbarrier.arrive $0xFFFF;
	(pc) =	sbr.rel @!p1 .LBB2_15-.Ltmp1, $4  }
0x3b: {  	[hbm:s18], [sflag:s0] =	dma.local [spmem:s4], $0x2780  }
0x3c: {  	_ =	swait.ge [sflag:s21], $0x2780  }
0x3d: {  	[sflag:s21] =	ssyncset.done $0x0  }
0x3e: {  	[sflag:s21] =	ssyncadd.s32 $0xFFFFD880  }
.LBB2_1:
0x3f: {  	s0 =	simm.s32 $0x0;
	s4 =	simm.s32 $0x200  }
.LBB2_2:
0x40: {  	p1 =	sne.s32 s4, $0xFE00;
	[tilespmem:s0+$0x2870] =	vst v0  }
0x41: {  	[tilespmem:s0+$0x2800] =	vst v0  }
0x42: {  	[tilespmem:s0+$0x2810] =	vst v0  }
.Ltmp2:
0x43: {  	[tilespmem:s0+$0x2820] =	vst v0;
	(pc) =	sbr.rel @p1 .LBB2_2-.Ltmp2, $4  }
0x44: {  	[tilespmem:s0+$0x2830] =	vst v0  }
0x45: {  	[tilespmem:s0+$0x2840] =	vst v0  }
0x46: {  	[tilespmem:s0+$0x2850] =	vst v0  }
0x47: {  	[tilespmem:s0+$0x2860] =	vst v0;
	s0 =	sshra.s32 s4, $0x2;
	s4 =	sadd.s32 $0x200, s4  }
0x48: {  	[tilespmem:s0+$0x2870] =	vst v0  }
0x49: {  	[tilespmem:s0+$0x2800] =	vst v0  }
0x4a: {  	[tilespmem:s0+$0x2810] =	vst v0  }
0x4b: {  	[tilespmem:s0+$0x2820] =	vst v0  }
0x4c: {  	[tilespmem:s0+$0x2830] =	vst v0  }
0x4d: {  	[tilespmem:s0+$0x2840] =	vst v0  }
0x4e: {  	[tilespmem:s0+$0x2850] =	vst v0  }
0x4f: {  	[tilespmem:s0+$0x2860] =	vst v0  }
0x50: {  	[spmem:s5] =	stream.linear.scatter [tilespmem:s20], [sflag:$0x3], $0x4000, $0x38;
	[tilespmem:$0x1E400] =	vst v63  }
0x51: {  	_ =	swait.ge [sflag:s21], $0x4000  }
0x52: {  	[sflag:s21] =	ssyncset.done $0x0  }
0x53: {  	[sflag:s21] =	ssyncadd.s32 $0xFFFFC000  }
0x54: {  	[spmem:s6] =	stream.linear.scatter [tilespmem:s20], [sflag:$0x3], $0x4000, $0x38;
	[tilespmem:$0x1E400] =	vst v63  }
0x55: {  	_ =	swait.ge [sflag:s21], $0x4000  }
0x56: {  	[sflag:s21] =	ssyncset.done $0x0  }
0x57: {  	[sflag:s21] =	ssyncadd.s32 $0xFFFFC000  }
0x58: {  	[spmem:s7] =	stream.linear.scatter [tilespmem:s20], [sflag:$0x3], $0x4000, $0x38;
	[tilespmem:$0x1E400] =	vst v63  }
0x59: {  	_ =	swait.ge [sflag:s21], $0x4000  }
0x5a: {  	[sflag:s21] =	ssyncset.done $0x0  }
0x5b: {  	[sflag:s21] =	ssyncadd.s32 $0xFFFFC000  }
0x5c: {  	[spmem:s8] =	stream.linear.scatter [tilespmem:s20], [sflag:$0x3], $0x4000, $0x38;
	[tilespmem:$0x1E400] =	vst v63  }
0x5d: {  	_ =	swait.ge [sflag:s21], $0x4000  }
0x5e: {  	[sflag:s21] =	ssyncset.done $0x0  }
0x5f: {  	[sflag:s21] =	ssyncadd.s32 $0xFFFFC000  }
0x60: {  	[spmem:s9] =	stream.linear.scatter [tilespmem:s20], [sflag:$0x3], $0x3C00, $0x38;
	[tilespmem:$0x1E400] =	vst v63  }
.Ltmp3:
0x61: {  	_ =	swait.ge [sflag:s21], $0x3C00;
	(pc) =	sbr.rel @!p0 .LBB2_4-.Ltmp3, $4  }
0x62: {  	[sflag:s21] =	ssyncset.done $0x0  }
0x63: {  	[sflag:s21] =	ssyncadd.s32 $0xFFFFC400  }
0x64: {  	[bflag:$0x0] =	sbarrier.arrive $0xFFFF  }
0x65: {  	s0 =	simm.s32 $0x0  }
0x66: {  	[tilespmem:s0], [sflag:$0x3] =	stream.linear.gather [hbm4b:s14+s0], $0x1400, $0x38;
	[tilespmem:$0x1E400] =	vst v63  }
0x67: {  	_ =	swait.ge [sflag:s21], $0x1400  }
0x68: {  	[sflag:s21] =	ssyncset.done $0x0  }
0x69: {  	[sflag:s21] =	ssyncadd.s32 $0xFFFFEC00  }
0x6a: {  	[tilespmem:s22], [sflag:$0x3] =	stream.linear.gather [hbm4b:s15+s0], $0x1400, $0x38;
	[tilespmem:$0x1E400] =	vst v63  }
0x6b: {  	_ =	swait.ge [sflag:s21], $0x1400  }
0x6c: {  	[sflag:s21] =	ssyncset.done $0x0  }
0x6d: {  	[sflag:s21] =	ssyncadd.s32 $0xFFFFEC00  }
0x6e: {  	[tilespmem:s20], [sflag:$0x1] =	stream.indirect.gather [hbm4b:s1+s23], $0x80, s0, s23, $0xb8;
	[tilespmem:$0x1E400] =	vst v63  }
0x6f: {  	s4 =	simm.s32 $0x80  }
0x70: {  	[tilespmem:s24], [sflag:$0x2] =	stream.indirect.gather [hbm4b:s1+s23], $0x80, s4, s23, $0xb8;
	[tilespmem:$0x1E400] =	vst v63  }
0x71: {  	_ =	swait.ge [sflag:s25], $0x4000  }
0x72: {  	[sflag:s25] =	ssyncset.done $0x0  }
0x73: {  	s10 =	simm.s32 $0x1400;
	[sflag:s25] =	ssyncadd.s32 $0xFFFFC000  }
0x74: {  	[spmem:s2] =	stream.indirect.scatter.add.f32 [tilespmem:s20], [sflag:$0x3], $0x80, s10, s23, $0xb8;
	[tilespmem:$0x1E400] =	vst v63  }
0x75: {  	_ =	swait.ge [sflag:s21], $0x4000  }
0x76: {  	[sflag:s21] =	ssyncset.done $0x0  }
0x77: {  	s11 =	simm.s32 $0x100;
	[sflag:s21] =	ssyncadd.s32 $0xFFFFC000  }
0x78: {  	[tilespmem:s20], [sflag:$0x1] =	stream.indirect.gather [hbm4b:s1+s23], $0x80, s11, s23, $0xb8;
	[tilespmem:$0x1E400] =	vst v63  }
0x79: {  	_ =	swait.ge [sflag:s26], $0x4000  }
0x7a: {  	[sflag:s26] =	ssyncset.done $0x0  }
0x7b: {  	s12 =	simm.s32 $0x1480;
	[sflag:s26] =	ssyncadd.s32 $0xFFFFC000  }
0x7c: {  	[spmem:s2] =	stream.indirect.scatter.add.f32 [tilespmem:s24], [sflag:$0x3], $0x80, s12, s23, $0xb8;
	[tilespmem:$0x1E400] =	vst v63  }
0x7d: {  	_ =	swait.ge [sflag:s21], $0x4000  }
0x7e: {  	s0 =	simm.s32 $0x100;
	s4 =	simm.s32 $0x800;
	[sflag:s21] =	ssyncset.done $0x0  }
.LBB2_10:
0x7f: {  	s10 =	sadd.s32 $0x80, s0  }
0x80: {  	[sflag:s21] =	ssyncadd.s32 $0xFFFFC000;
	s11 =	smov.u32 s4;
	s12 =	sadd.s32 $0x400, s4  }
0x81: {  	[tilespmem:s24], [sflag:$0x2] =	stream.indirect.gather [hbm4b:s1+s23], $0x80, s10, s23, $0xb8;
	[tilespmem:$0x1E400] =	vst v63  }
0x82: {  	p1 =	sne.s32 s4, $0x4800;
	_ =	swait.ge [sflag:s25], $0x4000  }
0x83: {  	[sflag:s25] =	ssyncset.done $0x0  }
0x84: {  	s4 =	sadd.s32 $0x1400, s0;
	[sflag:s25] =	ssyncadd.s32 $0xFFFFC000  }
0x85: {  	[spmem:s2] =	stream.indirect.scatter.add.f32 [tilespmem:s20], [sflag:$0x3], $0x80, s4, s23, $0xb8;
	[tilespmem:$0x1E400] =	vst v63  }
0x86: {  	_ =	swait.ge [sflag:s21], $0x4000  }
0x87: {  	[sflag:s21] =	ssyncset.done $0x0  }
0x88: {  	s4 =	sadd.s32 $0x100, s0;
	[sflag:s21] =	ssyncadd.s32 $0xFFFFC000  }
0x89: {  	[tilespmem:s20], [sflag:$0x1] =	stream.indirect.gather [hbm4b:s1+s23], $0x80, s4, s23, $0xb8;
	[tilespmem:$0x1E400] =	vst v63  }
0x8a: {  	_ =	swait.ge [sflag:s26], $0x4000  }
.Ltmp4:
0x8b: {  	[sflag:s26] =	ssyncset.done $0x0;
	(pc) =	sbr.rel @p1 .LBB2_10-.Ltmp4, $4  }
0x8c: {  	s0 =	sadd.s32 $0x1480, s0;
	[sflag:s26] =	ssyncadd.s32 $0xFFFFC000  }
0x8d: {  	[spmem:s2] =	stream.indirect.scatter.add.f32 [tilespmem:s24], [sflag:$0x3], $0x80, s0, s23, $0xb8;
	[tilespmem:$0x1E400] =	vst v63  }
0x8e: {  	_ =	swait.ge [sflag:s21], $0x4000  }
0x8f: {  	s4 =	smov.u32 s12;
	s0 =	sshra.s32 s11, $0x2;
	[sflag:s21] =	ssyncset.done $0x0  }
0x90: {  	s4 =	sadd.s32 $0x80, s0;
	[sflag:s21] =	ssyncadd.s32 $0xFFFFC000  }
0x91: {  	[tilespmem:s24], [sflag:$0x2] =	stream.indirect.gather [hbm4b:s1+s23], $0x80, s4, s23, $0xb8;
	[tilespmem:$0x1E400] =	vst v63  }
0x92: {  	_ =	swait.ge [sflag:s25], $0x4000  }
0x93: {  	[sflag:s25] =	ssyncset.done $0x0  }
0x94: {  	s12 =	sadd.s32 $0x1400, s0;
	[sflag:s25] =	ssyncadd.s32 $0xFFFFC000  }
0x95: {  	[spmem:s2] =	stream.indirect.scatter.add.f32 [tilespmem:s20], [sflag:$0x3], $0x80, s12, s23, $0xb8;
	[tilespmem:$0x1E400] =	vst v63  }
0x96: {  	_ =	swait.ge [sflag:s21], $0x4000  }
0x97: {  	[sflag:s21] =	ssyncset.done $0x0  }
0x98: {  	s10 =	sadd.s32 $0x100, s0;
	[sflag:s21] =	ssyncadd.s32 $0xFFFFC000  }
0x99: {  	[tilespmem:s20], [sflag:$0x1] =	stream.indirect.gather [hbm4b:s1+s23], $0x80, s10, s23, $0xb8;
	[tilespmem:$0x1E400] =	vst v63  }
0x9a: {  	_ =	swait.ge [sflag:s26], $0x4000  }
0x9b: {  	[sflag:s26] =	ssyncset.done $0x0  }
0x9c: {  	s11 =	sadd.s32 $0x1480, s0;
	[sflag:s26] =	ssyncadd.s32 $0xFFFFC000  }
0x9d: {  	[spmem:s2] =	stream.indirect.scatter.add.f32 [tilespmem:s24], [sflag:$0x3], $0x80, s11, s23, $0xb8;
	[tilespmem:$0x1E400] =	vst v63  }
0x9e: {  	_ =	swait.ge [sflag:s21], $0x4000  }
0x9f: {  	[sflag:s21] =	ssyncset.done $0x0  }
0xa0: {  	[sflag:s21] =	ssyncadd.s32 $0xFFFFC000  }
0xa1: {  	[tilespmem:s24], [sflag:$0x2] =	stream.indirect.gather [hbm4b:s1+s23], $0x80, s28, s23, $0xb8;
	[tilespmem:$0x1E400] =	vst v63  }
0xa2: {  	_ =	swait.ge [sflag:s25], $0x4000  }
0xa3: {  	[sflag:s25] =	ssyncset.done $0x0  }
0xa4: {  	[sflag:s25] =	ssyncadd.s32 $0xFFFFC000  }
0xa5: {  	[spmem:s2] =	stream.indirect.scatter.add.f32 [tilespmem:s20], [sflag:$0x3], $0x80, s29, s23, $0xb8;
	[tilespmem:$0x1E400] =	vst v63  }
0xa6: {  	_ =	swait.ge [sflag:s21], $0x4000  }
0xa7: {  	[sflag:s21] =	ssyncset.done $0x0  }
0xa8: {  	s12 =	simm.s32 $0x0;
	[sflag:s21] =	ssyncadd.s32 $0xFFFFC000  }
0xa9: {  	[tilespmem:s20], [sflag:$0x1] =	stream.indirect.gather [hbm4b:s1+s23], $0x80, s12, s23, $0xb8;
	[tilespmem:$0x1E400] =	vst v63  }
0xaa: {  	_ =	swait.ge [sflag:s26], $0x4000  }
0xab: {  	[sflag:s26] =	ssyncset.done $0x0  }
0xac: {  	[sflag:s26] =	ssyncadd.s32 $0xFFFFC000  }
0xad: {  	[spmem:s2] =	stream.indirect.scatter.add.f32 [tilespmem:s24], [sflag:$0x3], $0x80, s30, s23, $0xb8;
	[tilespmem:$0x1E400] =	vst v63  }
0xae: {  	_ =	swait.ge [sflag:s21], $0x4000  }
0xaf: {  	[sflag:s21] =	ssyncset.done $0x0  }
0xb0: {  	[sflag:s21] =	ssyncadd.s32 $0xFFFFC000  }
0xb1: {  	_ =	swait.ge [sflag:s25], $0x4000  }
0xb2: {  	[sflag:s25] =	ssyncset.done $0x0  }
0xb3: {  	[sflag:s25] =	ssyncadd.s32 $0xFFFFC000  }
0xb4: {  	[tilespmem:s12], [sflag:$0x3] =	stream.linear.gather [hbm4b:s16+s12], $0x1400, $0x38;
	[tilespmem:$0x1E400] =	vst v63  }
0xb5: {  	_ =	swait.ge [sflag:s21], $0x1400  }
0xb6: {  	[sflag:s21] =	ssyncset.done $0x0  }
0xb7: {  	[sflag:s21] =	ssyncadd.s32 $0xFFFFEC00  }
0xb8: {  	[tilespmem:s22], [sflag:$0x3] =	stream.linear.gather [hbm4b:s17+s12], $0x1400, $0x38;
	[tilespmem:$0x1E400] =	vst v63  }
0xb9: {  	_ =	swait.ge [sflag:s21], $0x1400  }
0xba: {  	[sflag:s21] =	ssyncset.done $0x0  }
0xbb: {  	[sflag:s21] =	ssyncadd.s32 $0xFFFFEC00  }
0xbc: {  	[tilespmem:s20], [sflag:$0x1] =	stream.indirect.gather [hbm4b:s1+s23], $0x80, s12, s23, $0xb8;
	[tilespmem:$0x1E400] =	vst v63  }
0xbd: {  	s4 =	simm.s32 $0x80  }
0xbe: {  	[tilespmem:s24], [sflag:$0x2] =	stream.indirect.gather [hbm4b:s1+s23], $0x80, s4, s23, $0xb8;
	[tilespmem:$0x1E400] =	vst v63  }
0xbf: {  	_ =	swait.ge [sflag:s25], $0x4000  }
0xc0: {  	[sflag:s25] =	ssyncset.done $0x0  }
0xc1: {  	s10 =	simm.s32 $0x1400;
	[sflag:s25] =	ssyncadd.s32 $0xFFFFC000  }
0xc2: {  	[spmem:s2] =	stream.indirect.scatter.add.f32 [tilespmem:s20], [sflag:$0x3], $0x80, s10, s23, $0xb8;
	[tilespmem:$0x1E400] =	vst v63  }
0xc3: {  	_ =	swait.ge [sflag:s21], $0x4000  }
0xc4: {  	[sflag:s21] =	ssyncset.done $0x0  }
0xc5: {  	s11 =	simm.s32 $0x100;
	[sflag:s21] =	ssyncadd.s32 $0xFFFFC000  }
0xc6: {  	[tilespmem:s20], [sflag:$0x1] =	stream.indirect.gather [hbm4b:s1+s23], $0x80, s11, s23, $0xb8;
	[tilespmem:$0x1E400] =	vst v63  }
0xc7: {  	_ =	swait.ge [sflag:s26], $0x4000  }
0xc8: {  	[sflag:s26] =	ssyncset.done $0x0  }
0xc9: {  	s12 =	simm.s32 $0x1480;
	[sflag:s26] =	ssyncadd.s32 $0xFFFFC000  }
0xca: {  	[spmem:s2] =	stream.indirect.scatter.add.f32 [tilespmem:s24], [sflag:$0x3], $0x80, s12, s23, $0xb8;
	[tilespmem:$0x1E400] =	vst v63  }
0xcb: {  	_ =	swait.ge [sflag:s21], $0x4000  }
0xcc: {  	s0 =	simm.s32 $0x100;
	s4 =	simm.s32 $0x800;
	[sflag:s21] =	ssyncset.done $0x0  }
.LBB2_12:
0xcd: {  	s10 =	sadd.s32 $0x80, s0  }
0xce: {  	[sflag:s21] =	ssyncadd.s32 $0xFFFFC000;
	s11 =	smov.u32 s4;
	s12 =	sadd.s32 $0x400, s4  }
0xcf: {  	[tilespmem:s24], [sflag:$0x2] =	stream.indirect.gather [hbm4b:s1+s23], $0x80, s10, s23, $0xb8;
	[tilespmem:$0x1E400] =	vst v63  }
0xd0: {  	p1 =	sne.s32 s4, $0x4800;
	_ =	swait.ge [sflag:s25], $0x4000  }
0xd1: {  	[sflag:s25] =	ssyncset.done $0x0  }
0xd2: {  	s4 =	sadd.s32 $0x1400, s0;
	[sflag:s25] =	ssyncadd.s32 $0xFFFFC000  }
0xd3: {  	[spmem:s2] =	stream.indirect.scatter.add.f32 [tilespmem:s20], [sflag:$0x3], $0x80, s4, s23, $0xb8;
	[tilespmem:$0x1E400] =	vst v63  }
0xd4: {  	_ =	swait.ge [sflag:s21], $0x4000  }
0xd5: {  	[sflag:s21] =	ssyncset.done $0x0  }
0xd6: {  	s4 =	sadd.s32 $0x100, s0;
	[sflag:s21] =	ssyncadd.s32 $0xFFFFC000  }
0xd7: {  	[tilespmem:s20], [sflag:$0x1] =	stream.indirect.gather [hbm4b:s1+s23], $0x80, s4, s23, $0xb8;
	[tilespmem:$0x1E400] =	vst v63  }
0xd8: {  	_ =	swait.ge [sflag:s26], $0x4000  }
.Ltmp5:
0xd9: {  	[sflag:s26] =	ssyncset.done $0x0;
	(pc) =	sbr.rel @p1 .LBB2_12-.Ltmp5, $4  }
0xda: {  	s0 =	sadd.s32 $0x1480, s0;
	[sflag:s26] =	ssyncadd.s32 $0xFFFFC000  }
0xdb: {  	[spmem:s2] =	stream.indirect.scatter.add.f32 [tilespmem:s24], [sflag:$0x3], $0x80, s0, s23, $0xb8;
	[tilespmem:$0x1E400] =	vst v63  }
0xdc: {  	_ =	swait.ge [sflag:s21], $0x4000  }
0xdd: {  	s4 =	smov.u32 s12;
	s0 =	sshra.s32 s11, $0x2;
	[sflag:s21] =	ssyncset.done $0x0  }
0xde: {  	s4 =	sadd.s32 $0x80, s0;
	[sflag:s21] =	ssyncadd.s32 $0xFFFFC000  }
0xdf: {  	[tilespmem:s24], [sflag:$0x2] =	stream.indirect.gather [hbm4b:s1+s23], $0x80, s4, s23, $0xb8;
	[tilespmem:$0x1E400] =	vst v63  }
0xe0: {  	_ =	swait.ge [sflag:s25], $0x4000  }
0xe1: {  	[sflag:s25] =	ssyncset.done $0x0  }
0xe2: {  	s10 =	sadd.s32 $0x1400, s0;
	[sflag:s25] =	ssyncadd.s32 $0xFFFFC000  }
0xe3: {  	[spmem:s2] =	stream.indirect.scatter.add.f32 [tilespmem:s20], [sflag:$0x3], $0x80, s10, s23, $0xb8;
	[tilespmem:$0x1E400] =	vst v63  }
0xe4: {  	_ =	swait.ge [sflag:s21], $0x4000  }
0xe5: {  	[sflag:s21] =	ssyncset.done $0x0  }
0xe6: {  	s11 =	sadd.s32 $0x100, s0;
	[sflag:s21] =	ssyncadd.s32 $0xFFFFC000  }
0xe7: {  	[tilespmem:s20], [sflag:$0x1] =	stream.indirect.gather [hbm4b:s1+s23], $0x80, s11, s23, $0xb8;
	[tilespmem:$0x1E400] =	vst v63  }
0xe8: {  	_ =	swait.ge [sflag:s26], $0x4000  }
0xe9: {  	[sflag:s26] =	ssyncset.done $0x0  }
.Ltmp6:
0xea: {  	s12 =	sadd.s32 $0x1480, s0;
	[sflag:s26] =	ssyncadd.s32 $0xFFFFC000;
	(pc) =	sbr.rel .LBB2_14-.Ltmp6, $4  }
0xeb: {  	[spmem:s2] =	stream.indirect.scatter.add.f32 [tilespmem:s24], [sflag:$0x3], $0x80, s12, s23, $0xb8;
	[tilespmem:$0x1E400] =	vst v63  }
0xec: {  	_ =	swait.ge [sflag:s21], $0x4000  }
0xed: {  	[sflag:s21] =	ssyncset.done $0x0  }
0xee: {  	[sflag:s21] =	ssyncadd.s32 $0xFFFFC000  }
.LBB2_4:
0xef: {  	s4 =	rddreg [dreg:$0x4]  }
0xf0: {  	[tilespmem:s0], [sflag:$0x3] =	stream.linear.gather [hbm4b:s4+s0], $0x1400, $0x38;
	[tilespmem:$0x1E400] =	vst v63  }
0xf1: {  	_ =	swait.ge [sflag:s21], $0x1400  }
0xf2: {  	[sflag:s21] =	ssyncset.done $0x0  }
0xf3: {  	s12 =	rddreg [dreg:$0x5];
	[sflag:s21] =	ssyncadd.s32 $0xFFFFEC00  }
0xf4: {  	[tilespmem:s22], [sflag:$0x3] =	stream.linear.gather [hbm4b:s12+s0], $0x1400, $0x38;
	[tilespmem:$0x1E400] =	vst v63  }
0xf5: {  	_ =	swait.ge [sflag:s21], $0x1400  }
0xf6: {  	[sflag:s21] =	ssyncset.done $0x0  }
0xf7: {  	[sflag:s21] =	ssyncadd.s32 $0xFFFFEC00  }
0xf8: {  	[tilespmem:s20], [sflag:$0x1] =	stream.indirect.gather [hbm4b:s1+s23], $0x80, s0, s23, $0xb8;
	[tilespmem:$0x1E400] =	vst v63  }
0xf9: {  	s4 =	simm.s32 $0x80  }
0xfa: {  	[tilespmem:s24], [sflag:$0x2] =	stream.indirect.gather [hbm4b:s1+s23], $0x80, s4, s23, $0xb8;
	[tilespmem:$0x1E400] =	vst v63  }
0xfb: {  	_ =	swait.ge [sflag:s25], $0x4000  }
0xfc: {  	[sflag:s25] =	ssyncset.done $0x0  }
0xfd: {  	s10 =	simm.s32 $0x1400;
	[sflag:s25] =	ssyncadd.s32 $0xFFFFC000  }
0xfe: {  	[spmem:s2] =	stream.indirect.scatter.add.f32 [tilespmem:s20], [sflag:$0x3], $0x80, s10, s23, $0xb8;
	[tilespmem:$0x1E400] =	vst v63  }
0xff: {  	_ =	swait.ge [sflag:s21], $0x4000  }
0x100: {  	[sflag:s21] =	ssyncset.done $0x0  }
0x101: {  	s11 =	simm.s32 $0x100;
	[sflag:s21] =	ssyncadd.s32 $0xFFFFC000  }
0x102: {  	[tilespmem:s20], [sflag:$0x1] =	stream.indirect.gather [hbm4b:s1+s23], $0x80, s11, s23, $0xb8;
	[tilespmem:$0x1E400] =	vst v63  }
0x103: {  	_ =	swait.ge [sflag:s26], $0x4000  }
0x104: {  	[sflag:s26] =	ssyncset.done $0x0  }
0x105: {  	s12 =	simm.s32 $0x1480;
	[sflag:s26] =	ssyncadd.s32 $0xFFFFC000  }
0x106: {  	[spmem:s2] =	stream.indirect.scatter.add.f32 [tilespmem:s24], [sflag:$0x3], $0x80, s12, s23, $0xb8;
	[tilespmem:$0x1E400] =	vst v63  }
0x107: {  	_ =	swait.ge [sflag:s21], $0x4000  }
0x108: {  	s0 =	simm.s32 $0x100;
	s4 =	simm.s32 $0x800;
	[sflag:s21] =	ssyncset.done $0x0  }
.LBB2_5:
0x109: {  	s10 =	sadd.s32 $0x80, s0  }
0x10a: {  	[sflag:s21] =	ssyncadd.s32 $0xFFFFC000;
	s11 =	smov.u32 s4;
	s12 =	sadd.s32 $0x400, s4  }
0x10b: {  	[tilespmem:s24], [sflag:$0x2] =	stream.indirect.gather [hbm4b:s1+s23], $0x80, s10, s23, $0xb8;
	[tilespmem:$0x1E400] =	vst v63  }
0x10c: {  	p1 =	sne.s32 s4, $0x4800;
	_ =	swait.ge [sflag:s25], $0x4000  }
0x10d: {  	[sflag:s25] =	ssyncset.done $0x0  }
0x10e: {  	s4 =	sadd.s32 $0x1400, s0;
	[sflag:s25] =	ssyncadd.s32 $0xFFFFC000  }
0x10f: {  	[spmem:s2] =	stream.indirect.scatter.add.f32 [tilespmem:s20], [sflag:$0x3], $0x80, s4, s23, $0xb8;
	[tilespmem:$0x1E400] =	vst v63  }
0x110: {  	_ =	swait.ge [sflag:s21], $0x4000  }
0x111: {  	[sflag:s21] =	ssyncset.done $0x0  }
0x112: {  	s4 =	sadd.s32 $0x100, s0;
	[sflag:s21] =	ssyncadd.s32 $0xFFFFC000  }
0x113: {  	[tilespmem:s20], [sflag:$0x1] =	stream.indirect.gather [hbm4b:s1+s23], $0x80, s4, s23, $0xb8;
	[tilespmem:$0x1E400] =	vst v63  }
0x114: {  	_ =	swait.ge [sflag:s26], $0x4000  }
.Ltmp7:
0x115: {  	[sflag:s26] =	ssyncset.done $0x0;
	(pc) =	sbr.rel @p1 .LBB2_5-.Ltmp7, $4  }
0x116: {  	s0 =	sadd.s32 $0x1480, s0;
	[sflag:s26] =	ssyncadd.s32 $0xFFFFC000  }
0x117: {  	[spmem:s2] =	stream.indirect.scatter.add.f32 [tilespmem:s24], [sflag:$0x3], $0x80, s0, s23, $0xb8;
	[tilespmem:$0x1E400] =	vst v63  }
0x118: {  	_ =	swait.ge [sflag:s21], $0x4000  }
0x119: {  	s4 =	smov.u32 s12;
	s0 =	sshra.s32 s11, $0x2;
	[sflag:s21] =	ssyncset.done $0x0  }
0x11a: {  	s4 =	sadd.s32 $0x80, s0;
	[sflag:s21] =	ssyncadd.s32 $0xFFFFC000  }
0x11b: {  	[tilespmem:s24], [sflag:$0x2] =	stream.indirect.gather [hbm4b:s1+s23], $0x80, s4, s23, $0xb8;
	[tilespmem:$0x1E400] =	vst v63  }
0x11c: {  	_ =	swait.ge [sflag:s25], $0x4000  }
0x11d: {  	[sflag:s25] =	ssyncset.done $0x0  }
0x11e: {  	s11 =	sadd.s32 $0x1400, s0;
	[sflag:s25] =	ssyncadd.s32 $0xFFFFC000  }
0x11f: {  	[spmem:s2] =	stream.indirect.scatter.add.f32 [tilespmem:s20], [sflag:$0x3], $0x80, s11, s23, $0xb8;
	[tilespmem:$0x1E400] =	vst v63  }
0x120: {  	_ =	swait.ge [sflag:s21], $0x4000  }
0x121: {  	[sflag:s21] =	ssyncset.done $0x0  }
0x122: {  	s12 =	sadd.s32 $0x100, s0;
	[sflag:s21] =	ssyncadd.s32 $0xFFFFC000  }
0x123: {  	[tilespmem:s20], [sflag:$0x1] =	stream.indirect.gather [hbm4b:s1+s23], $0x80, s12, s23, $0xb8;
	[tilespmem:$0x1E400] =	vst v63  }
0x124: {  	_ =	swait.ge [sflag:s26], $0x4000  }
0x125: {  	[sflag:s26] =	ssyncset.done $0x0  }
0x126: {  	s10 =	sadd.s32 $0x1480, s0;
	[sflag:s26] =	ssyncadd.s32 $0xFFFFC000  }
0x127: {  	[spmem:s2] =	stream.indirect.scatter.add.f32 [tilespmem:s24], [sflag:$0x3], $0x80, s10, s23, $0xb8;
	[tilespmem:$0x1E400] =	vst v63  }
0x128: {  	_ =	swait.ge [sflag:s21], $0x4000  }
0x129: {  	[sflag:s21] =	ssyncset.done $0x0  }
0x12a: {  	[sflag:s21] =	ssyncadd.s32 $0xFFFFC000  }
0x12b: {  	[tilespmem:s24], [sflag:$0x2] =	stream.indirect.gather [hbm4b:s1+s23], $0x80, s28, s23, $0xb8;
	[tilespmem:$0x1E400] =	vst v63  }
0x12c: {  	_ =	swait.ge [sflag:s25], $0x4000  }
0x12d: {  	[sflag:s25] =	ssyncset.done $0x0  }
0x12e: {  	[sflag:s25] =	ssyncadd.s32 $0xFFFFC000  }
0x12f: {  	[spmem:s2] =	stream.indirect.scatter.add.f32 [tilespmem:s20], [sflag:$0x3], $0x80, s29, s23, $0xb8;
	[tilespmem:$0x1E400] =	vst v63  }
0x130: {  	_ =	swait.ge [sflag:s21], $0x4000  }
0x131: {  	[sflag:s21] =	ssyncset.done $0x0  }
0x132: {  	s11 =	simm.s32 $0x0;
	[sflag:s21] =	ssyncadd.s32 $0xFFFFC000  }
0x133: {  	[tilespmem:s20], [sflag:$0x1] =	stream.indirect.gather [hbm4b:s1+s23], $0x80, s11, s23, $0xb8;
	[tilespmem:$0x1E400] =	vst v63  }
0x134: {  	_ =	swait.ge [sflag:s26], $0x4000  }
0x135: {  	[sflag:s26] =	ssyncset.done $0x0  }
0x136: {  	[sflag:s26] =	ssyncadd.s32 $0xFFFFC000  }
0x137: {  	[spmem:s2] =	stream.indirect.scatter.add.f32 [tilespmem:s24], [sflag:$0x3], $0x80, s30, s23, $0xb8;
	[tilespmem:$0x1E400] =	vst v63  }
0x138: {  	_ =	swait.ge [sflag:s21], $0x4000  }
0x139: {  	[sflag:s21] =	ssyncset.done $0x0  }
0x13a: {  	[sflag:s21] =	ssyncadd.s32 $0xFFFFC000  }
0x13b: {  	_ =	swait.ge [sflag:s25], $0x4000  }
0x13c: {  	[sflag:s25] =	ssyncset.done $0x0  }
0x13d: {  	s12 =	rddreg [dreg:$0x6];
	[sflag:s25] =	ssyncadd.s32 $0xFFFFC000  }
0x13e: {  	[tilespmem:s11], [sflag:$0x3] =	stream.linear.gather [hbm4b:s12+s11], $0x1400, $0x38;
	[tilespmem:$0x1E400] =	vst v63  }
0x13f: {  	_ =	swait.ge [sflag:s21], $0x1400  }
0x140: {  	[sflag:s21] =	ssyncset.done $0x0  }
0x141: {  	[sflag:s21] =	ssyncadd.s32 $0xFFFFEC00  }
0x142: {  	[tilespmem:s22], [sflag:$0x3] =	stream.linear.gather [hbm4b:s13+s11], $0x1400, $0x38;
	[tilespmem:$0x1E400] =	vst v63  }
0x143: {  	_ =	swait.ge [sflag:s21], $0x1400  }
0x144: {  	[sflag:s21] =	ssyncset.done $0x0  }
0x145: {  	[sflag:s21] =	ssyncadd.s32 $0xFFFFEC00  }
0x146: {  	[tilespmem:s20], [sflag:$0x1] =	stream.indirect.gather [hbm4b:s1+s23], $0x80, s11, s23, $0xb8;
	[tilespmem:$0x1E400] =	vst v63  }
0x147: {  	s4 =	simm.s32 $0x80  }
0x148: {  	[tilespmem:s24], [sflag:$0x2] =	stream.indirect.gather [hbm4b:s1+s23], $0x80, s4, s23, $0xb8;
	[tilespmem:$0x1E400] =	vst v63  }
0x149: {  	_ =	swait.ge [sflag:s25], $0x4000  }
0x14a: {  	[sflag:s25] =	ssyncset.done $0x0  }
0x14b: {  	s10 =	simm.s32 $0x1400;
	[sflag:s25] =	ssyncadd.s32 $0xFFFFC000  }
0x14c: {  	[spmem:s2] =	stream.indirect.scatter.add.f32 [tilespmem:s20], [sflag:$0x3], $0x80, s10, s23, $0xb8;
	[tilespmem:$0x1E400] =	vst v63  }
0x14d: {  	_ =	swait.ge [sflag:s21], $0x4000  }
0x14e: {  	[sflag:s21] =	ssyncset.done $0x0  }
0x14f: {  	s11 =	simm.s32 $0x100;
	[sflag:s21] =	ssyncadd.s32 $0xFFFFC000  }
0x150: {  	[tilespmem:s20], [sflag:$0x1] =	stream.indirect.gather [hbm4b:s1+s23], $0x80, s11, s23, $0xb8;
	[tilespmem:$0x1E400] =	vst v63  }
0x151: {  	_ =	swait.ge [sflag:s26], $0x4000  }
0x152: {  	[sflag:s26] =	ssyncset.done $0x0  }
0x153: {  	s12 =	simm.s32 $0x1480;
	[sflag:s26] =	ssyncadd.s32 $0xFFFFC000  }
0x154: {  	[spmem:s2] =	stream.indirect.scatter.add.f32 [tilespmem:s24], [sflag:$0x3], $0x80, s12, s23, $0xb8;
	[tilespmem:$0x1E400] =	vst v63  }
0x155: {  	_ =	swait.ge [sflag:s21], $0x4000  }
0x156: {  	s0 =	simm.s32 $0x100;
	s4 =	simm.s32 $0x800;
	[sflag:s21] =	ssyncset.done $0x0  }
.LBB2_7:
0x157: {  	s10 =	sadd.s32 $0x80, s0  }
0x158: {  	[sflag:s21] =	ssyncadd.s32 $0xFFFFC000;
	s11 =	smov.u32 s4;
	s12 =	sadd.s32 $0x400, s4  }
0x159: {  	[tilespmem:s24], [sflag:$0x2] =	stream.indirect.gather [hbm4b:s1+s23], $0x80, s10, s23, $0xb8;
	[tilespmem:$0x1E400] =	vst v63  }
0x15a: {  	p1 =	seq.s32 s4, $0x4800;
	_ =	swait.ge [sflag:s25], $0x4000  }
0x15b: {  	[sflag:s25] =	ssyncset.done $0x0  }
0x15c: {  	s4 =	sadd.s32 $0x1400, s0;
	[sflag:s25] =	ssyncadd.s32 $0xFFFFC000  }
0x15d: {  	[spmem:s2] =	stream.indirect.scatter.add.f32 [tilespmem:s20], [sflag:$0x3], $0x80, s4, s23, $0xb8;
	[tilespmem:$0x1E400] =	vst v63  }
0x15e: {  	_ =	swait.ge [sflag:s21], $0x4000  }
0x15f: {  	[sflag:s21] =	ssyncset.done $0x0  }
0x160: {  	s4 =	sadd.s32 $0x100, s0;
	[sflag:s21] =	ssyncadd.s32 $0xFFFFC000  }
0x161: {  	[tilespmem:s20], [sflag:$0x1] =	stream.indirect.gather [hbm4b:s1+s23], $0x80, s4, s23, $0xb8;
	[tilespmem:$0x1E400] =	vst v63  }
0x162: {  	_ =	swait.ge [sflag:s26], $0x4000  }
.Ltmp8:
0x163: {  	[sflag:s26] =	ssyncset.done $0x0;
	(pc) =	sbr.rel @!p1 .LBB2_7-.Ltmp8, $4  }
0x164: {  	s0 =	sadd.s32 $0x1480, s0;
	[sflag:s26] =	ssyncadd.s32 $0xFFFFC000  }
0x165: {  	[spmem:s2] =	stream.indirect.scatter.add.f32 [tilespmem:s24], [sflag:$0x3], $0x80, s0, s23, $0xb8;
	[tilespmem:$0x1E400] =	vst v63  }
0x166: {  	_ =	swait.ge [sflag:s21], $0x4000  }
0x167: {  	s4 =	smov.u32 s12;
	s0 =	sshra.s32 s11, $0x2;
	[sflag:s21] =	ssyncset.done $0x0  }
.Ltmp9:
0x168: {  	_ = 	snop;
	(pc) =	sbr.rel .LBB2_8-.Ltmp9, $1  }
0x169: {  	_ =	sdelay $0x3  }
.LBB2_15:
0x16a: {  	_ =	sfence.sel $0x180000  }
0x16b: {  	[bflag:$0x0] =	sbarrier.arrive $0xFFFF  }
0x16c: {  	_ =	strace $0x90000047  }
0x16d: {  	[bflag:$0x2] =	sbarrier.arrive $0xFFFF  }
0x16e: {  	p0 =	sne.s32 s3, $0x0;
	s0 =	rddreg [dreg:$0x3]  }
0x16f: {  	s0 =	sadd.s32 @!p0 $0x100000, s0  }
0x170: {  	[sflag:s0] =	ssyncadd.tile.s32 @!p0 $0x1;
	_ =	shalt  }
.Lfunc_end2:
_tile_overlayer_lowered:
.L_overlay_start_2:
0x171: {  	(tag) =	ssettag $0x2  }
0x172: {  	s0 =	rddreg [dreg:$0x0];
	s2 =	stileid.u32  }
0x173: {  	s1 =	rddreg [dreg:$0x1];
	p0 =	sne.s32 s2, $0x0  }
0x174: {  	s3 =	rddreg [dreg:$0x2];
	[bflag:$0x3] =	sbarrier.arrive $0xFFFF;
	s2 =	simm.s32 @!p0 $0x1C03  }
0x175: {  	[timem:s3], [sflag:s2] =	dma.local @!p0 [hbm:s0], s1  }
0x176: {  	s0 =	simm.s32 @!p0 $0x3  }
0x177: {  	_ =	swait.ge @!p0 [sflag:s0], s1  }
0x178: {  	s1 =	ssub.s32 @!p0 $0x0, s1;
	[sflag:s0] =	ssyncset.done @!p0 $0x0  }
0x179: {  	[sflag:s0] =	ssyncadd.s32 @!p0 s1  }
0x17a: {  	[bflag:$0x3] =	sbarrier.arrive $0xFFFF  }
0x17b: {  	_ =	shalt  }

// kernel: kernel.15.cloned.1.call-start
scs
__scs_entry_jumppad:
0x0: {  	(pc) =	sbr.rel $0x88, $3  }
0x1: {  	(tag) =	ssettag $0x0;
	lr =	simm.s32 $0x1  }
0x2: {  	[smem:$0x3F94] =	sst lr;
	_ =	strace $0xD0000000  }
0x3: {  	_ = 	snop  }
0x4: {  	_ = 	snop  }
0x5: {  	_ = 	snop  }
0x6: {  	_ = 	snop  }
0x7: {  	_ = 	snop  }
__scs_overlays_trampoline_lowered:
0x8: {  	[smem:$0x3FA3] =	sst s0  }
0x9: {  	[smem:$0x3FA4] =	sst s1  }
0xa: {  	[smem:$0x3FA5] =	sst s2  }
0xb: {  	[smem:$0x3FA6] =	sst s3  }
0xc: {  	[smem:$0x3FA7] =	sst s4  }
0xd: {  	[smem:$0x3FA8] =	sst s5  }
0xe: {  	[smem:$0x3FA9] =	sst s6  }
0xf: {  	[smem:$0x3FAA] =	sst s7  }
0x10: {  	[smem:$0x3FAB] =	sst s8  }
0x11: {  	[smem:$0x3FAC] =	sst s9;
	s0 =	simm.s32 @!p0 $0x0  }
0x12: {  	s1 =	sld [smem:$0x3F92];
	s0 =	simm.s32 @p0 $0x1  }
0x13: {  	[smem:$0x3FAD] =	sst s0;
	s0 =	simm.s32 @!p1 $0x0  }
0x14: {  	s2 =	sld [smem:$0x3F91];
	s0 =	simm.s32 @p1 $0x1  }
0x15: {  	[smem:$0x3FAE] =	sst s0;
	s0 =	simm.s32 @!p2 $0x0  }
0x16: {  	s3 =	sld [smem:$0x3FDB];
	s0 =	simm.s32 @p2 $0x1  }
0x17: {  	s4 =	simm.s32 $0x1BF5;
	[smem:$0x3FB0] =	sst s0  }
0x18: {  	s0 =	sld [smem:$0x3F93];
	_ =	swait.ge [sflag:s4], $0x0  }
0x19: {  	s7 =	sld [smem:$0x3F94]  }
0x1a: {  	s8 =	sadd.s32 $0xFFFFE003, lr  }
0x1b: {  	s9 =	sadd.s32 $0xFFFFFEF7, lr;
	s5 =	simm.s32 $0xFFFFFFFF;
	p2 =	slt.u32 s8, $0xFFFFF086  }
0x1c: {  	p1 =	slt.u32 s9, $0xF7A;
	s5 =	simm.s32 @!p2 $0x0  }
0x1d: {  	s5 =	simm.s32 @p1 $0x1;
	p0 =	seq.s32 s7, s2  }
0x1e: {  	s7 =	smul.u32 @!p0 $0xF7A, s2;
	p2 =	seq.s32 @!p0 s5, $0x0  }
0x1f: {  	s9 =	smul.u32 $0xF7A, s1;
	s8 =	simm.s32 @!p0 $0x1BF5;
	p2 =	por !p2, p0  }
0x20: {  	[sflag:s8] =	ssyncset.s32 @!p0 $0xFFFFF086;
	s6 =	sadd.s32 @!p0 s3, s7;
	s7 =	simm.s32 @!p0 $0x108  }
0x21: {  	s3 =	sadd.s32 s3, s9;
	s6 =	sadd.s32 @!p0 $0x88, s6;
	s7 =	simm.s32 @p2 $0x1082  }
0x22: {  	[simem:s7], [sflag:s8] =	dma.local @!p0 [hbm:s6], $0xF7A  }
0x23: {  	s9 =	sor.u32 $0xD0000000, s2;
	s6 =	simm.s32 $0x108;
	_ =	swait.ge @!p0 [sflag:s8], $0x0  }
0x24: {  	s3 =	sadd.s32 $0x88, s3;
	s6 =	simm.s32 @!p1 $0x1082;
	[sflag:s4] =	ssyncset.s32 $0xFFFFF086  }
0x25: {  	[simem:s6], [sflag:s4] =	dma.local [hbm:s3], $0xF7A  }
0x26: {  	[smem:$0x3F94] =	sst s1;
	(tag) =	ssettag s2;
	_ =	strace s9  }
0x27: {  	s1 =	sld [smem:$0x3FA4]  }
0x28: {  	s2 =	sld [smem:$0x3FA5]  }
0x29: {  	s4 =	sld [smem:$0x3FA7]  }
0x2a: {  	p0 =	seq.s32 s5, $0x0;
	s5 =	sld [smem:$0x3FA8]  }
0x2b: {  	s6 =	sld [smem:$0x3FA9]  }
0x2c: {  	s7 =	sld [smem:$0x3FAA]  }
0x2d: {  	s3 =	simm.s32 $0x108;
	s8 =	sld [smem:$0x3FAB]  }
0x2e: {  	s3 =	simm.s32 @!p0 $0x1082;
	s9 =	sld [smem:$0x3FAC]  }
0x2f: {  	lr =	sadd.s32 s0, s3;
	s0 =	sld [smem:$0x3FA3]  }
0x30: {  	s3 =	sld [smem:$0x3FA6]  }
0x31: {  	[smem:$0x3FAF] =	sst s10  }
0x32: {  	s10 =	sld [smem:$0x3FAD];
	_ =	sdelay $0x3  }
0x33: {  	p0 =	seq.s32 s10, $0x1;
	s10 =	sld [smem:$0x3FAF];
	_ =	sdelay $0x3  }
0x34: {  	[smem:$0x3FAF] =	sst s10  }
0x35: {  	s10 =	sld [smem:$0x3FAE];
	_ =	sdelay $0x3  }
0x36: {  	p1 =	seq.s32 s10, $0x1;
	s10 =	sld [smem:$0x3FAF];
	_ =	sdelay $0x3  }
0x37: {  	[smem:$0x3FAF] =	sst s10  }
0x38: {  	s10 =	sld [smem:$0x3FB0]  }
0x39: {  	_ = 	snop;
	(pc) =	sbr.ind lr, $3  }
0x3a: {  	_ = 	snop  }
0x3b: {  	_ = 	snop  }
0x3c: {  	p2 =	seq.s32 s10, $0x1;
	s10 =	sld [smem:$0x3FAF]  }
0x3d: {  	_ =	shalt  }
0x3e: {  	_ =	shalt  }
0x3f: {  	_ =	shalt  }
0x40: {  	_ =	shalt  }
0x41: {  	_ =	shalt  }
0x42: {  	_ =	shalt  }
0x43: {  	_ =	shalt  }
0x44: {  	_ =	shalt  }
0x45: {  	_ =	shalt  }
0x46: {  	_ =	shalt  }
0x47: {  	_ =	shalt  }
0x48: {  	_ =	shalt  }
0x49: {  	_ =	shalt  }
0x4a: {  	_ =	shalt  }
0x4b: {  	_ =	shalt  }
0x4c: {  	_ =	shalt  }
0x4d: {  	_ =	shalt  }
0x4e: {  	_ =	shalt  }
0x4f: {  	_ =	shalt  }
0x50: {  	_ =	shalt  }
0x51: {  	_ =	shalt  }
0x52: {  	_ =	shalt  }
0x53: {  	_ =	shalt  }
0x54: {  	_ =	shalt  }
0x55: {  	_ =	shalt  }
0x56: {  	_ =	shalt  }
0x57: {  	_ =	shalt  }
0x58: {  	_ =	shalt  }
0x59: {  	_ =	shalt  }
0x5a: {  	_ =	shalt  }
0x5b: {  	_ =	shalt  }
0x5c: {  	_ =	shalt  }
0x5d: {  	_ =	shalt  }
0x5e: {  	_ =	shalt  }
0x5f: {  	_ =	shalt  }
0x60: {  	_ =	shalt  }
0x61: {  	_ =	shalt  }
0x62: {  	_ =	shalt  }
0x63: {  	_ =	shalt  }
0x64: {  	_ =	shalt  }
0x65: {  	_ =	shalt  }
0x66: {  	_ =	shalt  }
0x67: {  	_ =	shalt  }
0x68: {  	_ =	shalt  }
0x69: {  	_ =	shalt  }
0x6a: {  	_ =	shalt  }
0x6b: {  	_ =	shalt  }
0x6c: {  	_ =	shalt  }
0x6d: {  	_ =	shalt  }
0x6e: {  	_ =	shalt  }
0x6f: {  	_ =	shalt  }
0x70: {  	_ =	shalt  }
0x71: {  	_ =	shalt  }
0x72: {  	_ =	shalt  }
0x73: {  	_ =	shalt  }
0x74: {  	_ =	shalt  }
0x75: {  	_ =	shalt  }
0x76: {  	_ =	shalt  }
0x77: {  	_ =	shalt  }
0x78: {  	_ =	shalt  }
0x79: {  	_ =	shalt  }
0x7a: {  	_ =	shalt  }
0x7b: {  	_ =	shalt  }
0x7c: {  	_ =	shalt  }
0x7d: {  	_ =	shalt  }
0x7e: {  	_ =	shalt  }
0x7f: {  	_ =	shalt  }
0x80: {  	_ =	shalt  }
0x81: {  	_ =	shalt  }
0x82: {  	_ =	shalt  }
0x83: {  	_ =	shalt  }
0x84: {  	_ =	shalt  }
0x85: {  	_ =	shalt  }
0x86: {  	_ =	shalt  }
0x87: {  	_ =	shalt  }
.Lfunc_end0:
.L_simem_size_0:
called_computation.2_lowered:
.L_overlay_start_0:
0x88: {  	s2 =	sld [smem:$0x3FD9]  }
0x89: {  	s3 =	sld [smem:$0x3FFE];
	_ =	sdelay $0x1  }
0x8a: {  	s1 =	srdreg.scid  }
0x8b: {  	s0 =	sand.u32 $0x1, s1  }
0x8c: {  	s16 =	sshll.u32 s0, $0xA;
	s2 =	sadd.s32 s3, s2  }
0x8d: {  	s2 =	sadd.s32 s2, s16  }
0x8e: {  	[smem:$0x3FBB] =	sst s2  }
0x8f: {  	_ = 	snop  }
0x90: {  	(tm) =	ssettm $0x1  }
0x91: {  	s17 =	sld [smem:$0x3FFB];
	_ =	sdelay $0x3  }
0x92: {  	_ =	strace s17  }
0x93: {  	s2 =	sld [smem:$0x3FFC];
	_ =	sdelay $0x3  }
0x94: {  	_ =	strace s2  }
0x95: {  	s2 =	sld [smem:$0x3FFD];
	_ =	sdelay $0x3  }
0x96: {  	_ =	strace s2  }
0x97: {  	_ =	strace $0x8FFFFFFF  }
0x98: {  	s18 =	sld [smem:$0x3FDB];
	_ =	sdelay $0x1  }
0x99: {  	s19 =	simm.s32 $_scs_section_size  }
0x9a: {  	s4 =	simm.s32 $_size__tile_overlayer_lowered;
	s5 =	simm.s32 $_tile_overlayer_lowered  }
0x9b: {  	s22 =	simm.s32 $0x1BFF;
	s21 =	sshll.u32 s5, $0x1;
	s2 =	sadd.s32 s19, s18  }
0x9c: {  	s6 =	simm.s32 $0x0;
	s20 =	sshll.u32 s4, $0x1;
	s4 =	sadd.s32 s21, s2  }
0x9d: {  	[timem:s6], [sflag:s22] =	dma.local [hbm:s4], s20  }
0x9e: {  	_ =	swait.ge [sflag:s22], s20  }
0x9f: {  	s3 =	ssub.s32 $0x0, s20;
	[sflag:s22] =	ssyncset.done $0x0  }
0xa0: {  	[sflag:s22] =	ssyncadd.s32 s3;
	_ =	sdelay $0x1  }
0xa1: {  	s23 =	simm.s32 $0x1B8B  }
0xa2: {  	_ =	swait.ge [sflag:s23], $0x1  }
0xa3: {  	[sflag:s23] =	ssyncset.done $0x0  }
0xa4: {  	s25 =	simm.s32 $0x1B8E;
	s24 =	sld [smem:$0x3FFE];
	[sflag:s23] =	ssyncadd.s32 $0xFFFFFFFF  }
0xa5: {  	s26 =	simm.s32 $execute0_lowered;
	[smem:$0x3FD2] =	sst s25  }
0xa6: {  	s4 =	sshll.u32 s26, $0x1;
	_ =	strace $0x8000004C;
	[dreg:$0x1] =	wrdreg $0xFFFFFFFF  }
0xa7: {  	s28 =	simm.s32 $_size_execute0_lowered;
	s2 =	sadd.s32 s2, s4;
	[dreg:$0x0] =	wrdreg $0x0  }
0xa8: {  	s4 =	sshll.u32 s28, $0x1;
	[dreg:$0x2] =	wrdreg s2  }
0xa9: {  	[dreg:$0x3] =	wrdreg s4  }
0xaa: {  	[dreg:$0x4] =	wrdreg $0xC0  }
0xab: {  	_ =	task [dreg:s6], $0x5FFFF  }
0xac: {  	[dreg:$0x1] =	wrdreg $0xFFFFFFFF  }
0xad: {  	[dreg:$0x0] =	wrdreg $0x60  }
0xae: {  	[dreg:$0x2] =	wrdreg s24  }
0xaf: {  	[dreg:$0x3] =	wrdreg $0xA8000  }
0xb0: {  	[dreg:$0x4] =	wrdreg $0x9  }
0xb1: {  	_ =	task.clear_ibuf [dreg:s6], $0x5FFFF;
	_ =	strace $0x9000004C  }
0xb2: {  	s29 =	simm.s32 $0x9;
	_ =	strace $0x8000004E  }
0xb3: {  	_ =	swait.ge [sflag:s29], $0x1  }
0xb4: {  	[sflag:s29] =	ssyncadd.s32 $0xFFFFFFFF  }
0xb5: {  	_ =	strace $0x9000004E  }
0xb6: {  	_ =	sfence  }
0xb7: {  	s30 =	sld [smem:$0x0];
	_ =	sdelay $0x2  }
0xb8: {  	s31 =	sshll.u32 s1, $0xD;
	s1 =	sshrl.u32 s1, $0x2  }
0xb9: {  	s3 =	sand.u32 $0x4000, s31;
	s1 =	sadd.s32 s1, s30  }
0xba: {  	s0 =	sor.u32 s3, s0;
	s1 =	sshll.u32 s1, $0x11  }
0xbb: {  	s0 =	sor.u32 s1, s0  }
0xbc: {  	s0 =	sadd.s32 $0x8F2B, s0  }
0xbd: {  	[sflag:s0] =	ssyncadd.remote.s32 $0x1  }
0xbe: {  	_ =	sfence.sel $0xFFFF  }
0xbf: {  	[dreg:$0x0] =	wrdreg $0xFFFFFFFF;
	(pc) =	sbr.abs _section_cstart, $3  }
0xc0: {  	[dreg:$0x1] =	wrdreg $0xFFFFFFFF  }
0xc1: {  	_ =	task.clear_ibuf [dreg:s6], $0x2FFFF;
	_ =	strace $0x9FFFFFFF  }
0xc2: {  	(tm) =	ssettm $0x7FFFFFFF  }
0xc3: {  	_ =	shalt  }
tec
execute0_lowered:
.L_overlay_start_1:
0x0: {  	(tag) =	ssettag $0x1  }
0x1: {  	s0 =	rddreg [dreg:$0x0]  }
0x2: {  	s1 =	rddreg [dreg:$0x1];
	s3 =	simm.s32 $0x0  }
0x3: {  	s2 =	srdreg.scid;
	s20 =	simm.s32 $0x2800;
	s28 =	simm.s32 $0x1380  }
0x4: {  	s29 =	simm.s32 $0x2700;
	s30 =	simm.s32 $0x2780;
	s31 =	simm.s32 $0x0  }
0x5: {  	[smem:$0x7FF] =	sst s3;
	s21 =	sand.u32 $0x1, s2;
	s2 =	stileid.u32  }
0x6: {  	s4 =	sadd.s32 $0x18600, s0;
	s12 =	sadd.s32 $0x9600, s0;
	s5 =	smul.u32 $0x13C000, s21  }
0x7: {  	s13 =	sadd.s32 $0x4600, s0;
	s16 =	sadd.s32 $0x13600, s0;
	s6 =	smul.u32 $0x13C00, s2  }
0x8: {  	s17 =	sadd.s32 $0xE600, s0;
	_ =	strace $0x8000004D;
	s7 =	smul.u32 $0x4F000, s2  }
0x9: {  	s8 =	ssub.s32 $0x2, s21;
	s9 =	smul.u32 $0x2800, s2;
	p0 =	seq.s32 s21, $0x1  }
0xa: {  	s21 =	simm.s32 $0x3;
	s23 =	sshrl.u32 s8, $0x1;
	s5 =	sadd.s32 s6, s5  }
0xb: {  	s22 =	sshrl.u32 s7, $0x2;
	s19 =	ssub.s32 s8, s23;
	s15 =	sshrl.u32 s9, $0x3  }
0xc: {  	s23 =	simm.s32 $0x80;
	s6 =	sshrl.u32 s5, $0x3;
	s5 =	sadd.s32 s22, s1  }
0xd: {  	s24 =	sadd.s32 $0x280, s15;
	s10 =	sadd.s32 s12, s15;
	s25 =	sadd.s32 s13, s15  }
0xe: {  	s14 =	sadd.s32 s16, s15;
	s15 =	sadd.s32 s17, s15;
	s19 =	smax.u32 s19, $0x1  }
0xf: {  	s22 =	simm.s32 $0x1400;
	s0 =	sadd.s32 s6, s0;
	s6 =	sadd.s32 $0x4000, s5  }
.Ltmp0:
0x10: {  	s7 =	sadd.s32 $0x8000, s5;
	[dreg:$0x3] =	wrdreg s10;
	(pc) =	sbr.rel .LBB2_1-.Ltmp0, $4  }
0x11: {  	s8 =	sadd.s32 $0xC000, s5;
	s9 =	sadd.s32 $0x10000, s5;
	[dreg:$0x4] =	wrdreg s25  }
0x12: {  	s26 =	sadd.s32 s12, s24;
	s13 =	sadd.s32 s13, s24;
	s16 =	sadd.s32 s16, s24  }
0x13: {  	s17 =	sadd.s32 s17, s24;
	s24 =	simm.s32 $0x6800;
	s25 =	simm.s32 $0x1  }
0x14: {  	v0 =	vimm.f32 $0.0e+00;
	[dreg:$0x5] =	wrdreg s26;
	s18 =	sadd.s32 $0x3F800, s0;
	s26 =	simm.s32 $0x2  }
.LBB2_8:
0x15: {  	s3 =	sadd.s32 $0x80, s0;
	[sflag:s21] =	ssyncadd.s32 $0xFFFFC000  }
0x16: {  	[tilespmem:s24], [sflag:$0x2] =	stream.indirect.gather [hbm4b:s4+s23], $0x80, s3, s23, $0xb8;
	[tilespmem:$0x1E400] =	vst v63  }
0x17: {  	_ =	swait.ge [sflag:s25], $0x4000  }
0x18: {  	[sflag:s25] =	ssyncset.done $0x0  }
0x19: {  	s10 =	sadd.s32 $0x1400, s0;
	[sflag:s25] =	ssyncadd.s32 $0xFFFFC000  }
0x1a: {  	[spmem:s1] =	stream.indirect.scatter.add.f32 [tilespmem:s20], [sflag:$0x3], $0x80, s10, s23, $0xb8;
	[tilespmem:$0x1E400] =	vst v63  }
0x1b: {  	_ =	swait.ge [sflag:s21], $0x4000  }
0x1c: {  	[sflag:s21] =	ssyncset.done $0x0  }
0x1d: {  	s11 =	sadd.s32 $0x100, s0;
	[sflag:s21] =	ssyncadd.s32 $0xFFFFC000  }
0x1e: {  	[tilespmem:s20], [sflag:$0x1] =	stream.indirect.gather [hbm4b:s4+s23], $0x80, s11, s23, $0xb8;
	[tilespmem:$0x1E400] =	vst v63  }
0x1f: {  	_ =	swait.ge [sflag:s26], $0x4000  }
0x20: {  	[sflag:s26] =	ssyncset.done $0x0  }
0x21: {  	s12 =	sadd.s32 $0x1480, s0;
	[sflag:s26] =	ssyncadd.s32 $0xFFFFC000  }
0x22: {  	[spmem:s1] =	stream.indirect.scatter.add.f32 [tilespmem:s24], [sflag:$0x3], $0x80, s12, s23, $0xb8;
	[tilespmem:$0x1E400] =	vst v63  }
0x23: {  	_ =	swait.ge [sflag:s21], $0x4000  }
0x24: {  	[sflag:s21] =	ssyncset.done $0x0  }
0x25: {  	[sflag:s21] =	ssyncadd.s32 $0xFFFFC000  }
.LBB2_14:
0x26: {  	[tilespmem:s24], [sflag:$0x2] =	stream.indirect.gather [hbm4b:s4+s23], $0x80, s28, s23, $0xb8;
	[tilespmem:$0x1E400] =	vst v63  }
0x27: {  	_ =	swait.ge [sflag:s25], $0x4000  }
0x28: {  	[sflag:s25] =	ssyncset.done $0x0  }
0x29: {  	[sflag:s25] =	ssyncadd.s32 $0xFFFFC000  }
0x2a: {  	[spmem:s1] =	stream.indirect.scatter.add.f32 [tilespmem:s20], [sflag:$0x3], $0x80, s29, s23, $0xb8;
	[tilespmem:$0x1E400] =	vst v63  }
0x2b: {  	_ =	swait.ge [sflag:s21], $0x4000  }
0x2c: {  	[sflag:s21] =	ssyncset.done $0x0  }
0x2d: {  	s0 =	simm.s32 $0x0;
	[sflag:s21] =	ssyncadd.s32 $0xFFFFC000  }
0x2e: {  	[tilespmem:s20], [sflag:$0x1] =	stream.indirect.gather [hbm4b:s4+s23], $0x80, s0, s23, $0xb8;
	[tilespmem:$0x1E400] =	vst v63  }
0x2f: {  	_ =	swait.ge [sflag:s26], $0x4000  }
0x30: {  	[sflag:s26] =	ssyncset.done $0x0  }
0x31: {  	[sflag:s26] =	ssyncadd.s32 $0xFFFFC000  }
0x32: {  	[spmem:s1] =	stream.indirect.scatter.add.f32 [tilespmem:s24], [sflag:$0x3], $0x80, s30, s23, $0xb8;
	[tilespmem:$0x1E400] =	vst v63  }
0x33: {  	_ =	swait.ge [sflag:s21], $0x4000  }
0x34: {  	[sflag:s21] =	ssyncset.done $0x0  }
0x35: {  	[sflag:s21] =	ssyncadd.s32 $0xFFFFC000  }
0x36: {  	_ =	swait.ge [sflag:s25], $0x4000  }
0x37: {  	s12 =	sshll.u32 s2, $0x6;
	s31 =	sadd.s32 $0x1, s31;
	[sflag:s25] =	ssyncset.done $0x0  }
0x38: {  	s3 =	sshrl.u32 s5, $0x3;
	p1 =	sne.s32 s31, s19;
	[sflag:s25] =	ssyncadd.s32 $0xFFFFC000  }
.Ltmp1:
0x39: {  	s0 =	sor.u32 $0x1C03, s12;
	[bflag:$0x0] =	sbarrier.arrive $0xFFFF;
	(pc) =	sbr.rel @!p1 .LBB2_15-.Ltmp1, $4  }
0x3a: {  	[hbm:s18], [sflag:s0] =	dma.local [spmem:s3], $0x2780  }
0x3b: {  	_ =	swait.ge [sflag:s21], $0x2780  }
0x3c: {  	[sflag:s21] =	ssyncset.done $0x0  }
0x3d: {  	[sflag:s21] =	ssyncadd.s32 $0xFFFFD880  }
.LBB2_1:
0x3e: {  	s0 =	simm.s32 $0x0;
	s3 =	simm.s32 $0x200  }
.LBB2_2:
0x3f: {  	p1 =	sne.s32 s3, $0xFE00;
	[tilespmem:s0+$0x2870] =	vst v0  }
0x40: {  	[tilespmem:s0+$0x2800] =	vst v0  }
0x41: {  	[tilespmem:s0+$0x2810] =	vst v0  }
.Ltmp2:
0x42: {  	[tilespmem:s0+$0x2820] =	vst v0;
	(pc) =	sbr.rel @p1 .LBB2_2-.Ltmp2, $4  }
0x43: {  	[tilespmem:s0+$0x2830] =	vst v0  }
0x44: {  	[tilespmem:s0+$0x2840] =	vst v0  }
0x45: {  	[tilespmem:s0+$0x2850] =	vst v0  }
0x46: {  	[tilespmem:s0+$0x2860] =	vst v0;
	s0 =	sshra.s32 s3, $0x2;
	s3 =	sadd.s32 $0x200, s3  }
0x47: {  	[tilespmem:s0+$0x2870] =	vst v0  }
0x48: {  	[tilespmem:s0+$0x2800] =	vst v0  }
0x49: {  	[tilespmem:s0+$0x2810] =	vst v0  }
0x4a: {  	[tilespmem:s0+$0x2820] =	vst v0  }
0x4b: {  	[tilespmem:s0+$0x2830] =	vst v0  }
0x4c: {  	[tilespmem:s0+$0x2840] =	vst v0  }
0x4d: {  	[tilespmem:s0+$0x2850] =	vst v0  }
0x4e: {  	[tilespmem:s0+$0x2860] =	vst v0  }
0x4f: {  	[spmem:s5] =	stream.linear.scatter [tilespmem:s20], [sflag:$0x3], $0x4000, $0x38;
	[tilespmem:$0x1E400] =	vst v63  }
0x50: {  	_ =	swait.ge [sflag:s21], $0x4000  }
0x51: {  	[sflag:s21] =	ssyncset.done $0x0  }
0x52: {  	[sflag:s21] =	ssyncadd.s32 $0xFFFFC000  }
0x53: {  	[spmem:s6] =	stream.linear.scatter [tilespmem:s20], [sflag:$0x3], $0x4000, $0x38;
	[tilespmem:$0x1E400] =	vst v63  }
0x54: {  	_ =	swait.ge [sflag:s21], $0x4000  }
0x55: {  	[sflag:s21] =	ssyncset.done $0x0  }
0x56: {  	[sflag:s21] =	ssyncadd.s32 $0xFFFFC000  }
0x57: {  	[spmem:s7] =	stream.linear.scatter [tilespmem:s20], [sflag:$0x3], $0x4000, $0x38;
	[tilespmem:$0x1E400] =	vst v63  }
0x58: {  	_ =	swait.ge [sflag:s21], $0x4000  }
0x59: {  	[sflag:s21] =	ssyncset.done $0x0  }
0x5a: {  	[sflag:s21] =	ssyncadd.s32 $0xFFFFC000  }
0x5b: {  	[spmem:s8] =	stream.linear.scatter [tilespmem:s20], [sflag:$0x3], $0x4000, $0x38;
	[tilespmem:$0x1E400] =	vst v63  }
0x5c: {  	_ =	swait.ge [sflag:s21], $0x4000  }
0x5d: {  	[sflag:s21] =	ssyncset.done $0x0  }
0x5e: {  	[sflag:s21] =	ssyncadd.s32 $0xFFFFC000  }
0x5f: {  	[spmem:s9] =	stream.linear.scatter [tilespmem:s20], [sflag:$0x3], $0x3C00, $0x38;
	[tilespmem:$0x1E400] =	vst v63  }
.Ltmp3:
0x60: {  	_ =	swait.ge [sflag:s21], $0x3C00;
	(pc) =	sbr.rel @!p0 .LBB2_4-.Ltmp3, $4  }
0x61: {  	[sflag:s21] =	ssyncset.done $0x0  }
0x62: {  	[sflag:s21] =	ssyncadd.s32 $0xFFFFC400  }
0x63: {  	[bflag:$0x0] =	sbarrier.arrive $0xFFFF  }
0x64: {  	s0 =	simm.s32 $0x0  }
0x65: {  	[tilespmem:s0], [sflag:$0x3] =	stream.linear.gather [hbm4b:s14+s0], $0x1400, $0x38;
	[tilespmem:$0x1E400] =	vst v63  }
0x66: {  	_ =	swait.ge [sflag:s21], $0x1400  }
0x67: {  	[sflag:s21] =	ssyncset.done $0x0  }
0x68: {  	[sflag:s21] =	ssyncadd.s32 $0xFFFFEC00  }
0x69: {  	[tilespmem:s22], [sflag:$0x3] =	stream.linear.gather [hbm4b:s15+s0], $0x1400, $0x38;
	[tilespmem:$0x1E400] =	vst v63  }
0x6a: {  	_ =	swait.ge [sflag:s21], $0x1400  }
0x6b: {  	[sflag:s21] =	ssyncset.done $0x0  }
0x6c: {  	[sflag:s21] =	ssyncadd.s32 $0xFFFFEC00  }
0x6d: {  	[tilespmem:s20], [sflag:$0x1] =	stream.indirect.gather [hbm4b:s4+s23], $0x80, s0, s23, $0xb8;
	[tilespmem:$0x1E400] =	vst v63  }
0x6e: {  	s3 =	simm.s32 $0x80  }
0x6f: {  	[tilespmem:s24], [sflag:$0x2] =	stream.indirect.gather [hbm4b:s4+s23], $0x80, s3, s23, $0xb8;
	[tilespmem:$0x1E400] =	vst v63  }
0x70: {  	_ =	swait.ge [sflag:s25], $0x4000  }
0x71: {  	[sflag:s25] =	ssyncset.done $0x0  }
0x72: {  	s10 =	simm.s32 $0x1400;
	[sflag:s25] =	ssyncadd.s32 $0xFFFFC000  }
0x73: {  	[spmem:s1] =	stream.indirect.scatter.add.f32 [tilespmem:s20], [sflag:$0x3], $0x80, s10, s23, $0xb8;
	[tilespmem:$0x1E400] =	vst v63  }
0x74: {  	_ =	swait.ge [sflag:s21], $0x4000  }
0x75: {  	[sflag:s21] =	ssyncset.done $0x0  }
0x76: {  	s11 =	simm.s32 $0x100;
	[sflag:s21] =	ssyncadd.s32 $0xFFFFC000  }
0x77: {  	[tilespmem:s20], [sflag:$0x1] =	stream.indirect.gather [hbm4b:s4+s23], $0x80, s11, s23, $0xb8;
	[tilespmem:$0x1E400] =	vst v63  }
0x78: {  	_ =	swait.ge [sflag:s26], $0x4000  }
0x79: {  	[sflag:s26] =	ssyncset.done $0x0  }
0x7a: {  	s12 =	simm.s32 $0x1480;
	[sflag:s26] =	ssyncadd.s32 $0xFFFFC000  }
0x7b: {  	[spmem:s1] =	stream.indirect.scatter.add.f32 [tilespmem:s24], [sflag:$0x3], $0x80, s12, s23, $0xb8;
	[tilespmem:$0x1E400] =	vst v63  }
0x7c: {  	_ =	swait.ge [sflag:s21], $0x4000  }
0x7d: {  	s0 =	simm.s32 $0x100;
	s3 =	simm.s32 $0x800;
	[sflag:s21] =	ssyncset.done $0x0  }
.LBB2_10:
0x7e: {  	s10 =	sadd.s32 $0x80, s0  }
0x7f: {  	[sflag:s21] =	ssyncadd.s32 $0xFFFFC000;
	s11 =	smov.u32 s3;
	s12 =	sadd.s32 $0x400, s3  }
0x80: {  	[tilespmem:s24], [sflag:$0x2] =	stream.indirect.gather [hbm4b:s4+s23], $0x80, s10, s23, $0xb8;
	[tilespmem:$0x1E400] =	vst v63  }
0x81: {  	p1 =	sne.s32 s3, $0x4800;
	_ =	swait.ge [sflag:s25], $0x4000  }
0x82: {  	[sflag:s25] =	ssyncset.done $0x0  }
0x83: {  	s3 =	sadd.s32 $0x1400, s0;
	[sflag:s25] =	ssyncadd.s32 $0xFFFFC000  }
0x84: {  	[spmem:s1] =	stream.indirect.scatter.add.f32 [tilespmem:s20], [sflag:$0x3], $0x80, s3, s23, $0xb8;
	[tilespmem:$0x1E400] =	vst v63  }
0x85: {  	_ =	swait.ge [sflag:s21], $0x4000  }
0x86: {  	[sflag:s21] =	ssyncset.done $0x0  }
0x87: {  	s3 =	sadd.s32 $0x100, s0;
	[sflag:s21] =	ssyncadd.s32 $0xFFFFC000  }
0x88: {  	[tilespmem:s20], [sflag:$0x1] =	stream.indirect.gather [hbm4b:s4+s23], $0x80, s3, s23, $0xb8;
	[tilespmem:$0x1E400] =	vst v63  }
0x89: {  	_ =	swait.ge [sflag:s26], $0x4000  }
.Ltmp4:
0x8a: {  	[sflag:s26] =	ssyncset.done $0x0;
	(pc) =	sbr.rel @p1 .LBB2_10-.Ltmp4, $4  }
0x8b: {  	s0 =	sadd.s32 $0x1480, s0;
	[sflag:s26] =	ssyncadd.s32 $0xFFFFC000  }
0x8c: {  	[spmem:s1] =	stream.indirect.scatter.add.f32 [tilespmem:s24], [sflag:$0x3], $0x80, s0, s23, $0xb8;
	[tilespmem:$0x1E400] =	vst v63  }
0x8d: {  	_ =	swait.ge [sflag:s21], $0x4000  }
0x8e: {  	s3 =	smov.u32 s12;
	s0 =	sshra.s32 s11, $0x2;
	[sflag:s21] =	ssyncset.done $0x0  }
0x8f: {  	s3 =	sadd.s32 $0x80, s0;
	[sflag:s21] =	ssyncadd.s32 $0xFFFFC000  }
0x90: {  	[tilespmem:s24], [sflag:$0x2] =	stream.indirect.gather [hbm4b:s4+s23], $0x80, s3, s23, $0xb8;
	[tilespmem:$0x1E400] =	vst v63  }
0x91: {  	_ =	swait.ge [sflag:s25], $0x4000  }
0x92: {  	[sflag:s25] =	ssyncset.done $0x0  }
0x93: {  	s12 =	sadd.s32 $0x1400, s0;
	[sflag:s25] =	ssyncadd.s32 $0xFFFFC000  }
0x94: {  	[spmem:s1] =	stream.indirect.scatter.add.f32 [tilespmem:s20], [sflag:$0x3], $0x80, s12, s23, $0xb8;
	[tilespmem:$0x1E400] =	vst v63  }
0x95: {  	_ =	swait.ge [sflag:s21], $0x4000  }
0x96: {  	[sflag:s21] =	ssyncset.done $0x0  }
0x97: {  	s10 =	sadd.s32 $0x100, s0;
	[sflag:s21] =	ssyncadd.s32 $0xFFFFC000  }
0x98: {  	[tilespmem:s20], [sflag:$0x1] =	stream.indirect.gather [hbm4b:s4+s23], $0x80, s10, s23, $0xb8;
	[tilespmem:$0x1E400] =	vst v63  }
0x99: {  	_ =	swait.ge [sflag:s26], $0x4000  }
0x9a: {  	[sflag:s26] =	ssyncset.done $0x0  }
0x9b: {  	s11 =	sadd.s32 $0x1480, s0;
	[sflag:s26] =	ssyncadd.s32 $0xFFFFC000  }
0x9c: {  	[spmem:s1] =	stream.indirect.scatter.add.f32 [tilespmem:s24], [sflag:$0x3], $0x80, s11, s23, $0xb8;
	[tilespmem:$0x1E400] =	vst v63  }
0x9d: {  	_ =	swait.ge [sflag:s21], $0x4000  }
0x9e: {  	[sflag:s21] =	ssyncset.done $0x0  }
0x9f: {  	[sflag:s21] =	ssyncadd.s32 $0xFFFFC000  }
0xa0: {  	[tilespmem:s24], [sflag:$0x2] =	stream.indirect.gather [hbm4b:s4+s23], $0x80, s28, s23, $0xb8;
	[tilespmem:$0x1E400] =	vst v63  }
0xa1: {  	_ =	swait.ge [sflag:s25], $0x4000  }
0xa2: {  	[sflag:s25] =	ssyncset.done $0x0  }
0xa3: {  	[sflag:s25] =	ssyncadd.s32 $0xFFFFC000  }
0xa4: {  	[spmem:s1] =	stream.indirect.scatter.add.f32 [tilespmem:s20], [sflag:$0x3], $0x80, s29, s23, $0xb8;
	[tilespmem:$0x1E400] =	vst v63  }
0xa5: {  	_ =	swait.ge [sflag:s21], $0x4000  }
0xa6: {  	[sflag:s21] =	ssyncset.done $0x0  }
0xa7: {  	s12 =	simm.s32 $0x0;
	[sflag:s21] =	ssyncadd.s32 $0xFFFFC000  }
0xa8: {  	[tilespmem:s20], [sflag:$0x1] =	stream.indirect.gather [hbm4b:s4+s23], $0x80, s12, s23, $0xb8;
	[tilespmem:$0x1E400] =	vst v63  }
0xa9: {  	_ =	swait.ge [sflag:s26], $0x4000  }
0xaa: {  	[sflag:s26] =	ssyncset.done $0x0  }
0xab: {  	[sflag:s26] =	ssyncadd.s32 $0xFFFFC000  }
0xac: {  	[spmem:s1] =	stream.indirect.scatter.add.f32 [tilespmem:s24], [sflag:$0x3], $0x80, s30, s23, $0xb8;
	[tilespmem:$0x1E400] =	vst v63  }
0xad: {  	_ =	swait.ge [sflag:s21], $0x4000  }
0xae: {  	[sflag:s21] =	ssyncset.done $0x0  }
0xaf: {  	[sflag:s21] =	ssyncadd.s32 $0xFFFFC000  }
0xb0: {  	_ =	swait.ge [sflag:s25], $0x4000  }
0xb1: {  	[sflag:s25] =	ssyncset.done $0x0  }
0xb2: {  	[sflag:s25] =	ssyncadd.s32 $0xFFFFC000  }
0xb3: {  	[tilespmem:s12], [sflag:$0x3] =	stream.linear.gather [hbm4b:s16+s12], $0x1400, $0x38;
	[tilespmem:$0x1E400] =	vst v63  }
0xb4: {  	_ =	swait.ge [sflag:s21], $0x1400  }
0xb5: {  	[sflag:s21] =	ssyncset.done $0x0  }
0xb6: {  	[sflag:s21] =	ssyncadd.s32 $0xFFFFEC00  }
0xb7: {  	[tilespmem:s22], [sflag:$0x3] =	stream.linear.gather [hbm4b:s17+s12], $0x1400, $0x38;
	[tilespmem:$0x1E400] =	vst v63  }
0xb8: {  	_ =	swait.ge [sflag:s21], $0x1400  }
0xb9: {  	[sflag:s21] =	ssyncset.done $0x0  }
0xba: {  	[sflag:s21] =	ssyncadd.s32 $0xFFFFEC00  }
0xbb: {  	[tilespmem:s20], [sflag:$0x1] =	stream.indirect.gather [hbm4b:s4+s23], $0x80, s12, s23, $0xb8;
	[tilespmem:$0x1E400] =	vst v63  }
0xbc: {  	s3 =	simm.s32 $0x80  }
0xbd: {  	[tilespmem:s24], [sflag:$0x2] =	stream.indirect.gather [hbm4b:s4+s23], $0x80, s3, s23, $0xb8;
	[tilespmem:$0x1E400] =	vst v63  }
0xbe: {  	_ =	swait.ge [sflag:s25], $0x4000  }
0xbf: {  	[sflag:s25] =	ssyncset.done $0x0  }
0xc0: {  	s10 =	simm.s32 $0x1400;
	[sflag:s25] =	ssyncadd.s32 $0xFFFFC000  }
0xc1: {  	[spmem:s1] =	stream.indirect.scatter.add.f32 [tilespmem:s20], [sflag:$0x3], $0x80, s10, s23, $0xb8;
	[tilespmem:$0x1E400] =	vst v63  }
0xc2: {  	_ =	swait.ge [sflag:s21], $0x4000  }
0xc3: {  	[sflag:s21] =	ssyncset.done $0x0  }
0xc4: {  	s11 =	simm.s32 $0x100;
	[sflag:s21] =	ssyncadd.s32 $0xFFFFC000  }
0xc5: {  	[tilespmem:s20], [sflag:$0x1] =	stream.indirect.gather [hbm4b:s4+s23], $0x80, s11, s23, $0xb8;
	[tilespmem:$0x1E400] =	vst v63  }
0xc6: {  	_ =	swait.ge [sflag:s26], $0x4000  }
0xc7: {  	[sflag:s26] =	ssyncset.done $0x0  }
0xc8: {  	s12 =	simm.s32 $0x1480;
	[sflag:s26] =	ssyncadd.s32 $0xFFFFC000  }
0xc9: {  	[spmem:s1] =	stream.indirect.scatter.add.f32 [tilespmem:s24], [sflag:$0x3], $0x80, s12, s23, $0xb8;
	[tilespmem:$0x1E400] =	vst v63  }
0xca: {  	_ =	swait.ge [sflag:s21], $0x4000  }
0xcb: {  	s0 =	simm.s32 $0x100;
	s3 =	simm.s32 $0x800;
	[sflag:s21] =	ssyncset.done $0x0  }
.LBB2_12:
0xcc: {  	s10 =	sadd.s32 $0x80, s0  }
0xcd: {  	[sflag:s21] =	ssyncadd.s32 $0xFFFFC000;
	s11 =	smov.u32 s3;
	s12 =	sadd.s32 $0x400, s3  }
0xce: {  	[tilespmem:s24], [sflag:$0x2] =	stream.indirect.gather [hbm4b:s4+s23], $0x80, s10, s23, $0xb8;
	[tilespmem:$0x1E400] =	vst v63  }
0xcf: {  	p1 =	sne.s32 s3, $0x4800;
	_ =	swait.ge [sflag:s25], $0x4000  }
0xd0: {  	[sflag:s25] =	ssyncset.done $0x0  }
0xd1: {  	s3 =	sadd.s32 $0x1400, s0;
	[sflag:s25] =	ssyncadd.s32 $0xFFFFC000  }
0xd2: {  	[spmem:s1] =	stream.indirect.scatter.add.f32 [tilespmem:s20], [sflag:$0x3], $0x80, s3, s23, $0xb8;
	[tilespmem:$0x1E400] =	vst v63  }
0xd3: {  	_ =	swait.ge [sflag:s21], $0x4000  }
0xd4: {  	[sflag:s21] =	ssyncset.done $0x0  }
0xd5: {  	s3 =	sadd.s32 $0x100, s0;
	[sflag:s21] =	ssyncadd.s32 $0xFFFFC000  }
0xd6: {  	[tilespmem:s20], [sflag:$0x1] =	stream.indirect.gather [hbm4b:s4+s23], $0x80, s3, s23, $0xb8;
	[tilespmem:$0x1E400] =	vst v63  }
0xd7: {  	_ =	swait.ge [sflag:s26], $0x4000  }
.Ltmp5:
0xd8: {  	[sflag:s26] =	ssyncset.done $0x0;
	(pc) =	sbr.rel @p1 .LBB2_12-.Ltmp5, $4  }
0xd9: {  	s0 =	sadd.s32 $0x1480, s0;
	[sflag:s26] =	ssyncadd.s32 $0xFFFFC000  }
0xda: {  	[spmem:s1] =	stream.indirect.scatter.add.f32 [tilespmem:s24], [sflag:$0x3], $0x80, s0, s23, $0xb8;
	[tilespmem:$0x1E400] =	vst v63  }
0xdb: {  	_ =	swait.ge [sflag:s21], $0x4000  }
0xdc: {  	s3 =	smov.u32 s12;
	s0 =	sshra.s32 s11, $0x2;
	[sflag:s21] =	ssyncset.done $0x0  }
0xdd: {  	s3 =	sadd.s32 $0x80, s0;
	[sflag:s21] =	ssyncadd.s32 $0xFFFFC000  }
0xde: {  	[tilespmem:s24], [sflag:$0x2] =	stream.indirect.gather [hbm4b:s4+s23], $0x80, s3, s23, $0xb8;
	[tilespmem:$0x1E400] =	vst v63  }
0xdf: {  	_ =	swait.ge [sflag:s25], $0x4000  }
0xe0: {  	[sflag:s25] =	ssyncset.done $0x0  }
0xe1: {  	s10 =	sadd.s32 $0x1400, s0;
	[sflag:s25] =	ssyncadd.s32 $0xFFFFC000  }
0xe2: {  	[spmem:s1] =	stream.indirect.scatter.add.f32 [tilespmem:s20], [sflag:$0x3], $0x80, s10, s23, $0xb8;
	[tilespmem:$0x1E400] =	vst v63  }
0xe3: {  	_ =	swait.ge [sflag:s21], $0x4000  }
0xe4: {  	[sflag:s21] =	ssyncset.done $0x0  }
0xe5: {  	s11 =	sadd.s32 $0x100, s0;
	[sflag:s21] =	ssyncadd.s32 $0xFFFFC000  }
0xe6: {  	[tilespmem:s20], [sflag:$0x1] =	stream.indirect.gather [hbm4b:s4+s23], $0x80, s11, s23, $0xb8;
	[tilespmem:$0x1E400] =	vst v63  }
0xe7: {  	_ =	swait.ge [sflag:s26], $0x4000  }
0xe8: {  	[sflag:s26] =	ssyncset.done $0x0  }
.Ltmp6:
0xe9: {  	s12 =	sadd.s32 $0x1480, s0;
	[sflag:s26] =	ssyncadd.s32 $0xFFFFC000;
	(pc) =	sbr.rel .LBB2_14-.Ltmp6, $4  }
0xea: {  	[spmem:s1] =	stream.indirect.scatter.add.f32 [tilespmem:s24], [sflag:$0x3], $0x80, s12, s23, $0xb8;
	[tilespmem:$0x1E400] =	vst v63  }
0xeb: {  	_ =	swait.ge [sflag:s21], $0x4000  }
0xec: {  	[sflag:s21] =	ssyncset.done $0x0  }
0xed: {  	[sflag:s21] =	ssyncadd.s32 $0xFFFFC000  }
.LBB2_4:
0xee: {  	s3 =	rddreg [dreg:$0x3]  }
0xef: {  	[tilespmem:s0], [sflag:$0x3] =	stream.linear.gather [hbm4b:s3+s0], $0x1400, $0x38;
	[tilespmem:$0x1E400] =	vst v63  }
0xf0: {  	_ =	swait.ge [sflag:s21], $0x1400  }
0xf1: {  	[sflag:s21] =	ssyncset.done $0x0  }
0xf2: {  	s12 =	rddreg [dreg:$0x4];
	[sflag:s21] =	ssyncadd.s32 $0xFFFFEC00  }
0xf3: {  	[tilespmem:s22], [sflag:$0x3] =	stream.linear.gather [hbm4b:s12+s0], $0x1400, $0x38;
	[tilespmem:$0x1E400] =	vst v63  }
0xf4: {  	_ =	swait.ge [sflag:s21], $0x1400  }
0xf5: {  	[sflag:s21] =	ssyncset.done $0x0  }
0xf6: {  	[sflag:s21] =	ssyncadd.s32 $0xFFFFEC00  }
0xf7: {  	[tilespmem:s20], [sflag:$0x1] =	stream.indirect.gather [hbm4b:s4+s23], $0x80, s0, s23, $0xb8;
	[tilespmem:$0x1E400] =	vst v63  }
0xf8: {  	s3 =	simm.s32 $0x80  }
0xf9: {  	[tilespmem:s24], [sflag:$0x2] =	stream.indirect.gather [hbm4b:s4+s23], $0x80, s3, s23, $0xb8;
	[tilespmem:$0x1E400] =	vst v63  }
0xfa: {  	_ =	swait.ge [sflag:s25], $0x4000  }
0xfb: {  	[sflag:s25] =	ssyncset.done $0x0  }
0xfc: {  	s10 =	simm.s32 $0x1400;
	[sflag:s25] =	ssyncadd.s32 $0xFFFFC000  }
0xfd: {  	[spmem:s1] =	stream.indirect.scatter.add.f32 [tilespmem:s20], [sflag:$0x3], $0x80, s10, s23, $0xb8;
	[tilespmem:$0x1E400] =	vst v63  }
0xfe: {  	_ =	swait.ge [sflag:s21], $0x4000  }
0xff: {  	[sflag:s21] =	ssyncset.done $0x0  }
0x100: {  	s11 =	simm.s32 $0x100;
	[sflag:s21] =	ssyncadd.s32 $0xFFFFC000  }
0x101: {  	[tilespmem:s20], [sflag:$0x1] =	stream.indirect.gather [hbm4b:s4+s23], $0x80, s11, s23, $0xb8;
	[tilespmem:$0x1E400] =	vst v63  }
0x102: {  	_ =	swait.ge [sflag:s26], $0x4000  }
0x103: {  	[sflag:s26] =	ssyncset.done $0x0  }
0x104: {  	s12 =	simm.s32 $0x1480;
	[sflag:s26] =	ssyncadd.s32 $0xFFFFC000  }
0x105: {  	[spmem:s1] =	stream.indirect.scatter.add.f32 [tilespmem:s24], [sflag:$0x3], $0x80, s12, s23, $0xb8;
	[tilespmem:$0x1E400] =	vst v63  }
0x106: {  	_ =	swait.ge [sflag:s21], $0x4000  }
0x107: {  	s0 =	simm.s32 $0x100;
	s3 =	simm.s32 $0x800;
	[sflag:s21] =	ssyncset.done $0x0  }
.LBB2_5:
0x108: {  	s10 =	sadd.s32 $0x80, s0  }
0x109: {  	[sflag:s21] =	ssyncadd.s32 $0xFFFFC000;
	s11 =	smov.u32 s3;
	s12 =	sadd.s32 $0x400, s3  }
0x10a: {  	[tilespmem:s24], [sflag:$0x2] =	stream.indirect.gather [hbm4b:s4+s23], $0x80, s10, s23, $0xb8;
	[tilespmem:$0x1E400] =	vst v63  }
0x10b: {  	p1 =	sne.s32 s3, $0x4800;
	_ =	swait.ge [sflag:s25], $0x4000  }
0x10c: {  	[sflag:s25] =	ssyncset.done $0x0  }
0x10d: {  	s3 =	sadd.s32 $0x1400, s0;
	[sflag:s25] =	ssyncadd.s32 $0xFFFFC000  }
0x10e: {  	[spmem:s1] =	stream.indirect.scatter.add.f32 [tilespmem:s20], [sflag:$0x3], $0x80, s3, s23, $0xb8;
	[tilespmem:$0x1E400] =	vst v63  }
0x10f: {  	_ =	swait.ge [sflag:s21], $0x4000  }
0x110: {  	[sflag:s21] =	ssyncset.done $0x0  }
0x111: {  	s3 =	sadd.s32 $0x100, s0;
	[sflag:s21] =	ssyncadd.s32 $0xFFFFC000  }
0x112: {  	[tilespmem:s20], [sflag:$0x1] =	stream.indirect.gather [hbm4b:s4+s23], $0x80, s3, s23, $0xb8;
	[tilespmem:$0x1E400] =	vst v63  }
0x113: {  	_ =	swait.ge [sflag:s26], $0x4000  }
.Ltmp7:
0x114: {  	[sflag:s26] =	ssyncset.done $0x0;
	(pc) =	sbr.rel @p1 .LBB2_5-.Ltmp7, $4  }
0x115: {  	s0 =	sadd.s32 $0x1480, s0;
	[sflag:s26] =	ssyncadd.s32 $0xFFFFC000  }
0x116: {  	[spmem:s1] =	stream.indirect.scatter.add.f32 [tilespmem:s24], [sflag:$0x3], $0x80, s0, s23, $0xb8;
	[tilespmem:$0x1E400] =	vst v63  }
0x117: {  	_ =	swait.ge [sflag:s21], $0x4000  }
0x118: {  	s3 =	smov.u32 s12;
	s0 =	sshra.s32 s11, $0x2;
	[sflag:s21] =	ssyncset.done $0x0  }
0x119: {  	s3 =	sadd.s32 $0x80, s0;
	[sflag:s21] =	ssyncadd.s32 $0xFFFFC000  }
0x11a: {  	[tilespmem:s24], [sflag:$0x2] =	stream.indirect.gather [hbm4b:s4+s23], $0x80, s3, s23, $0xb8;
	[tilespmem:$0x1E400] =	vst v63  }
0x11b: {  	_ =	swait.ge [sflag:s25], $0x4000  }
0x11c: {  	[sflag:s25] =	ssyncset.done $0x0  }
0x11d: {  	s11 =	sadd.s32 $0x1400, s0;
	[sflag:s25] =	ssyncadd.s32 $0xFFFFC000  }
0x11e: {  	[spmem:s1] =	stream.indirect.scatter.add.f32 [tilespmem:s20], [sflag:$0x3], $0x80, s11, s23, $0xb8;
	[tilespmem:$0x1E400] =	vst v63  }
0x11f: {  	_ =	swait.ge [sflag:s21], $0x4000  }
0x120: {  	[sflag:s21] =	ssyncset.done $0x0  }
0x121: {  	s12 =	sadd.s32 $0x100, s0;
	[sflag:s21] =	ssyncadd.s32 $0xFFFFC000  }
0x122: {  	[tilespmem:s20], [sflag:$0x1] =	stream.indirect.gather [hbm4b:s4+s23], $0x80, s12, s23, $0xb8;
	[tilespmem:$0x1E400] =	vst v63  }
0x123: {  	_ =	swait.ge [sflag:s26], $0x4000  }
0x124: {  	[sflag:s26] =	ssyncset.done $0x0  }
0x125: {  	s10 =	sadd.s32 $0x1480, s0;
	[sflag:s26] =	ssyncadd.s32 $0xFFFFC000  }
0x126: {  	[spmem:s1] =	stream.indirect.scatter.add.f32 [tilespmem:s24], [sflag:$0x3], $0x80, s10, s23, $0xb8;
	[tilespmem:$0x1E400] =	vst v63  }
0x127: {  	_ =	swait.ge [sflag:s21], $0x4000  }
0x128: {  	[sflag:s21] =	ssyncset.done $0x0  }
0x129: {  	[sflag:s21] =	ssyncadd.s32 $0xFFFFC000  }
0x12a: {  	[tilespmem:s24], [sflag:$0x2] =	stream.indirect.gather [hbm4b:s4+s23], $0x80, s28, s23, $0xb8;
	[tilespmem:$0x1E400] =	vst v63  }
0x12b: {  	_ =	swait.ge [sflag:s25], $0x4000  }
0x12c: {  	[sflag:s25] =	ssyncset.done $0x0  }
0x12d: {  	[sflag:s25] =	ssyncadd.s32 $0xFFFFC000  }
0x12e: {  	[spmem:s1] =	stream.indirect.scatter.add.f32 [tilespmem:s20], [sflag:$0x3], $0x80, s29, s23, $0xb8;
	[tilespmem:$0x1E400] =	vst v63  }
0x12f: {  	_ =	swait.ge [sflag:s21], $0x4000  }
0x130: {  	[sflag:s21] =	ssyncset.done $0x0  }
0x131: {  	s11 =	simm.s32 $0x0;
	[sflag:s21] =	ssyncadd.s32 $0xFFFFC000  }
0x132: {  	[tilespmem:s20], [sflag:$0x1] =	stream.indirect.gather [hbm4b:s4+s23], $0x80, s11, s23, $0xb8;
	[tilespmem:$0x1E400] =	vst v63  }
0x133: {  	_ =	swait.ge [sflag:s26], $0x4000  }
0x134: {  	[sflag:s26] =	ssyncset.done $0x0  }
0x135: {  	[sflag:s26] =	ssyncadd.s32 $0xFFFFC000  }
0x136: {  	[spmem:s1] =	stream.indirect.scatter.add.f32 [tilespmem:s24], [sflag:$0x3], $0x80, s30, s23, $0xb8;
	[tilespmem:$0x1E400] =	vst v63  }
0x137: {  	_ =	swait.ge [sflag:s21], $0x4000  }
0x138: {  	[sflag:s21] =	ssyncset.done $0x0  }
0x139: {  	[sflag:s21] =	ssyncadd.s32 $0xFFFFC000  }
0x13a: {  	_ =	swait.ge [sflag:s25], $0x4000  }
0x13b: {  	[sflag:s25] =	ssyncset.done $0x0  }
0x13c: {  	s12 =	rddreg [dreg:$0x5];
	[sflag:s25] =	ssyncadd.s32 $0xFFFFC000  }
0x13d: {  	[tilespmem:s11], [sflag:$0x3] =	stream.linear.gather [hbm4b:s12+s11], $0x1400, $0x38;
	[tilespmem:$0x1E400] =	vst v63  }
0x13e: {  	_ =	swait.ge [sflag:s21], $0x1400  }
0x13f: {  	[sflag:s21] =	ssyncset.done $0x0  }
0x140: {  	[sflag:s21] =	ssyncadd.s32 $0xFFFFEC00  }
0x141: {  	[tilespmem:s22], [sflag:$0x3] =	stream.linear.gather [hbm4b:s13+s11], $0x1400, $0x38;
	[tilespmem:$0x1E400] =	vst v63  }
0x142: {  	_ =	swait.ge [sflag:s21], $0x1400  }
0x143: {  	[sflag:s21] =	ssyncset.done $0x0  }
0x144: {  	[sflag:s21] =	ssyncadd.s32 $0xFFFFEC00  }
0x145: {  	[tilespmem:s20], [sflag:$0x1] =	stream.indirect.gather [hbm4b:s4+s23], $0x80, s11, s23, $0xb8;
	[tilespmem:$0x1E400] =	vst v63  }
0x146: {  	s3 =	simm.s32 $0x80  }
0x147: {  	[tilespmem:s24], [sflag:$0x2] =	stream.indirect.gather [hbm4b:s4+s23], $0x80, s3, s23, $0xb8;
	[tilespmem:$0x1E400] =	vst v63  }
0x148: {  	_ =	swait.ge [sflag:s25], $0x4000  }
0x149: {  	[sflag:s25] =	ssyncset.done $0x0  }
0x14a: {  	s10 =	simm.s32 $0x1400;
	[sflag:s25] =	ssyncadd.s32 $0xFFFFC000  }
0x14b: {  	[spmem:s1] =	stream.indirect.scatter.add.f32 [tilespmem:s20], [sflag:$0x3], $0x80, s10, s23, $0xb8;
	[tilespmem:$0x1E400] =	vst v63  }
0x14c: {  	_ =	swait.ge [sflag:s21], $0x4000  }
0x14d: {  	[sflag:s21] =	ssyncset.done $0x0  }
0x14e: {  	s11 =	simm.s32 $0x100;
	[sflag:s21] =	ssyncadd.s32 $0xFFFFC000  }
0x14f: {  	[tilespmem:s20], [sflag:$0x1] =	stream.indirect.gather [hbm4b:s4+s23], $0x80, s11, s23, $0xb8;
	[tilespmem:$0x1E400] =	vst v63  }
0x150: {  	_ =	swait.ge [sflag:s26], $0x4000  }
0x151: {  	[sflag:s26] =	ssyncset.done $0x0  }
0x152: {  	s12 =	simm.s32 $0x1480;
	[sflag:s26] =	ssyncadd.s32 $0xFFFFC000  }
0x153: {  	[spmem:s1] =	stream.indirect.scatter.add.f32 [tilespmem:s24], [sflag:$0x3], $0x80, s12, s23, $0xb8;
	[tilespmem:$0x1E400] =	vst v63  }
0x154: {  	_ =	swait.ge [sflag:s21], $0x4000  }
0x155: {  	s0 =	simm.s32 $0x100;
	s3 =	simm.s32 $0x800;
	[sflag:s21] =	ssyncset.done $0x0  }
.LBB2_7:
0x156: {  	s10 =	sadd.s32 $0x80, s0  }
0x157: {  	[sflag:s21] =	ssyncadd.s32 $0xFFFFC000;
	s11 =	smov.u32 s3;
	s12 =	sadd.s32 $0x400, s3  }
0x158: {  	[tilespmem:s24], [sflag:$0x2] =	stream.indirect.gather [hbm4b:s4+s23], $0x80, s10, s23, $0xb8;
	[tilespmem:$0x1E400] =	vst v63  }
0x159: {  	p1 =	seq.s32 s3, $0x4800;
	_ =	swait.ge [sflag:s25], $0x4000  }
0x15a: {  	[sflag:s25] =	ssyncset.done $0x0  }
0x15b: {  	s3 =	sadd.s32 $0x1400, s0;
	[sflag:s25] =	ssyncadd.s32 $0xFFFFC000  }
0x15c: {  	[spmem:s1] =	stream.indirect.scatter.add.f32 [tilespmem:s20], [sflag:$0x3], $0x80, s3, s23, $0xb8;
	[tilespmem:$0x1E400] =	vst v63  }
0x15d: {  	_ =	swait.ge [sflag:s21], $0x4000  }
0x15e: {  	[sflag:s21] =	ssyncset.done $0x0  }
0x15f: {  	s3 =	sadd.s32 $0x100, s0;
	[sflag:s21] =	ssyncadd.s32 $0xFFFFC000  }
0x160: {  	[tilespmem:s20], [sflag:$0x1] =	stream.indirect.gather [hbm4b:s4+s23], $0x80, s3, s23, $0xb8;
	[tilespmem:$0x1E400] =	vst v63  }
0x161: {  	_ =	swait.ge [sflag:s26], $0x4000  }
.Ltmp8:
0x162: {  	[sflag:s26] =	ssyncset.done $0x0;
	(pc) =	sbr.rel @!p1 .LBB2_7-.Ltmp8, $4  }
0x163: {  	s0 =	sadd.s32 $0x1480, s0;
	[sflag:s26] =	ssyncadd.s32 $0xFFFFC000  }
0x164: {  	[spmem:s1] =	stream.indirect.scatter.add.f32 [tilespmem:s24], [sflag:$0x3], $0x80, s0, s23, $0xb8;
	[tilespmem:$0x1E400] =	vst v63  }
0x165: {  	_ =	swait.ge [sflag:s21], $0x4000  }
0x166: {  	s3 =	smov.u32 s12;
	s0 =	sshra.s32 s11, $0x2;
	[sflag:s21] =	ssyncset.done $0x0  }
.Ltmp9:
0x167: {  	_ = 	snop;
	(pc) =	sbr.rel .LBB2_8-.Ltmp9, $1  }
0x168: {  	_ =	sdelay $0x3  }
.LBB2_15:
0x169: {  	_ =	sfence.sel $0x180000  }
0x16a: {  	[bflag:$0x0] =	sbarrier.arrive $0xFFFF  }
0x16b: {  	_ =	strace $0x9000004D  }
0x16c: {  	[bflag:$0x2] =	sbarrier.arrive $0xFFFF  }
0x16d: {  	p0 =	sne.s32 s2, $0x0;
	s0 =	rddreg [dreg:$0x2]  }
0x16e: {  	s0 =	sadd.s32 @!p0 $0x100000, s0  }
0x16f: {  	[sflag:s0] =	ssyncadd.tile.s32 @!p0 $0x1;
	_ =	shalt  }
.Lfunc_end2:
_tile_overlayer_lowered:
.L_overlay_start_2:
0x170: {  	(tag) =	ssettag $0x2  }
0x171: {  	s0 =	rddreg [dreg:$0x0];
	s2 =	stileid.u32  }
0x172: {  	s1 =	rddreg [dreg:$0x1];
	p0 =	sne.s32 s2, $0x0  }
0x173: {  	s3 =	rddreg [dreg:$0x2];
	[bflag:$0x3] =	sbarrier.arrive $0xFFFF;
	s2 =	simm.s32 @!p0 $0x1C03  }
0x174: {  	[timem:s3], [sflag:s2] =	dma.local @!p0 [hbm:s0], s1  }
0x175: {  	s0 =	simm.s32 @!p0 $0x3  }
0x176: {  	_ =	swait.ge @!p0 [sflag:s0], s1  }
0x177: {  	s1 =	ssub.s32 @!p0 $0x0, s1;
	[sflag:s0] =	ssyncset.done @!p0 $0x0  }
0x178: {  	[sflag:s0] =	ssyncadd.s32 @!p0 s1  }
0x179: {  	[bflag:$0x3] =	sbarrier.arrive $0xFFFF  }
0x17a: {  	_ =	shalt  }

// kernel: kernel.18.cloned.1.call-start
scs
__scs_entry_jumppad:
0x0: {  	(pc) =	sbr.rel $0x88, $3  }
0x1: {  	(tag) =	ssettag $0x0;
	lr =	simm.s32 $0x1  }
0x2: {  	[smem:$0x3F94] =	sst lr;
	_ =	strace $0xD0000000  }
0x3: {  	_ = 	snop  }
0x4: {  	_ = 	snop  }
0x5: {  	_ = 	snop  }
0x6: {  	_ = 	snop  }
0x7: {  	_ = 	snop  }
__scs_overlays_trampoline_lowered:
0x8: {  	[smem:$0x3FA3] =	sst s0  }
0x9: {  	[smem:$0x3FA4] =	sst s1  }
0xa: {  	[smem:$0x3FA5] =	sst s2  }
0xb: {  	[smem:$0x3FA6] =	sst s3  }
0xc: {  	[smem:$0x3FA7] =	sst s4  }
0xd: {  	[smem:$0x3FA8] =	sst s5  }
0xe: {  	[smem:$0x3FA9] =	sst s6  }
0xf: {  	[smem:$0x3FAA] =	sst s7  }
0x10: {  	[smem:$0x3FAB] =	sst s8  }
0x11: {  	[smem:$0x3FAC] =	sst s9;
	s0 =	simm.s32 @!p0 $0x0  }
0x12: {  	s1 =	sld [smem:$0x3F92];
	s0 =	simm.s32 @p0 $0x1  }
0x13: {  	[smem:$0x3FAD] =	sst s0;
	s0 =	simm.s32 @!p1 $0x0  }
0x14: {  	s2 =	sld [smem:$0x3F91];
	s0 =	simm.s32 @p1 $0x1  }
0x15: {  	[smem:$0x3FAE] =	sst s0;
	s0 =	simm.s32 @!p2 $0x0  }
0x16: {  	s3 =	sld [smem:$0x3FDB];
	s0 =	simm.s32 @p2 $0x1  }
0x17: {  	s4 =	simm.s32 $0x1BF5;
	[smem:$0x3FB0] =	sst s0  }
0x18: {  	s0 =	sld [smem:$0x3F93];
	_ =	swait.ge [sflag:s4], $0x0  }
0x19: {  	s7 =	sld [smem:$0x3F94]  }
0x1a: {  	s8 =	sadd.s32 $0xFFFFE003, lr  }
0x1b: {  	s9 =	sadd.s32 $0xFFFFFEF7, lr;
	s5 =	simm.s32 $0xFFFFFFFF;
	p2 =	slt.u32 s8, $0xFFFFF086  }
0x1c: {  	p1 =	slt.u32 s9, $0xF7A;
	s5 =	simm.s32 @!p2 $0x0  }
0x1d: {  	s5 =	simm.s32 @p1 $0x1;
	p0 =	seq.s32 s7, s2  }
0x1e: {  	s7 =	smul.u32 @!p0 $0xF7A, s2;
	p2 =	seq.s32 @!p0 s5, $0x0  }
0x1f: {  	s9 =	smul.u32 $0xF7A, s1;
	s8 =	simm.s32 @!p0 $0x1BF5;
	p2 =	por !p2, p0  }
0x20: {  	[sflag:s8] =	ssyncset.s32 @!p0 $0xFFFFF086;
	s6 =	sadd.s32 @!p0 s3, s7;
	s7 =	simm.s32 @!p0 $0x108  }
0x21: {  	s3 =	sadd.s32 s3, s9;
	s6 =	sadd.s32 @!p0 $0x88, s6;
	s7 =	simm.s32 @p2 $0x1082  }
0x22: {  	[simem:s7], [sflag:s8] =	dma.local @!p0 [hbm:s6], $0xF7A  }
0x23: {  	s9 =	sor.u32 $0xD0000000, s2;
	s6 =	simm.s32 $0x108;
	_ =	swait.ge @!p0 [sflag:s8], $0x0  }
0x24: {  	s3 =	sadd.s32 $0x88, s3;
	s6 =	simm.s32 @!p1 $0x1082;
	[sflag:s4] =	ssyncset.s32 $0xFFFFF086  }
0x25: {  	[simem:s6], [sflag:s4] =	dma.local [hbm:s3], $0xF7A  }
0x26: {  	[smem:$0x3F94] =	sst s1;
	(tag) =	ssettag s2;
	_ =	strace s9  }
0x27: {  	s1 =	sld [smem:$0x3FA4]  }
0x28: {  	s2 =	sld [smem:$0x3FA5]  }
0x29: {  	s4 =	sld [smem:$0x3FA7]  }
0x2a: {  	p0 =	seq.s32 s5, $0x0;
	s5 =	sld [smem:$0x3FA8]  }
0x2b: {  	s6 =	sld [smem:$0x3FA9]  }
0x2c: {  	s7 =	sld [smem:$0x3FAA]  }
0x2d: {  	s3 =	simm.s32 $0x108;
	s8 =	sld [smem:$0x3FAB]  }
0x2e: {  	s3 =	simm.s32 @!p0 $0x1082;
	s9 =	sld [smem:$0x3FAC]  }
0x2f: {  	lr =	sadd.s32 s0, s3;
	s0 =	sld [smem:$0x3FA3]  }
0x30: {  	s3 =	sld [smem:$0x3FA6]  }
0x31: {  	[smem:$0x3FAF] =	sst s10  }
0x32: {  	s10 =	sld [smem:$0x3FAD];
	_ =	sdelay $0x3  }
0x33: {  	p0 =	seq.s32 s10, $0x1;
	s10 =	sld [smem:$0x3FAF];
	_ =	sdelay $0x3  }
0x34: {  	[smem:$0x3FAF] =	sst s10  }
0x35: {  	s10 =	sld [smem:$0x3FAE];
	_ =	sdelay $0x3  }
0x36: {  	p1 =	seq.s32 s10, $0x1;
	s10 =	sld [smem:$0x3FAF];
	_ =	sdelay $0x3  }
0x37: {  	[smem:$0x3FAF] =	sst s10  }
0x38: {  	s10 =	sld [smem:$0x3FB0]  }
0x39: {  	_ = 	snop;
	(pc) =	sbr.ind lr, $3  }
0x3a: {  	_ = 	snop  }
0x3b: {  	_ = 	snop  }
0x3c: {  	p2 =	seq.s32 s10, $0x1;
	s10 =	sld [smem:$0x3FAF]  }
0x3d: {  	_ =	shalt  }
0x3e: {  	_ =	shalt  }
0x3f: {  	_ =	shalt  }
0x40: {  	_ =	shalt  }
0x41: {  	_ =	shalt  }
0x42: {  	_ =	shalt  }
0x43: {  	_ =	shalt  }
0x44: {  	_ =	shalt  }
0x45: {  	_ =	shalt  }
0x46: {  	_ =	shalt  }
0x47: {  	_ =	shalt  }
0x48: {  	_ =	shalt  }
0x49: {  	_ =	shalt  }
0x4a: {  	_ =	shalt  }
0x4b: {  	_ =	shalt  }
0x4c: {  	_ =	shalt  }
0x4d: {  	_ =	shalt  }
0x4e: {  	_ =	shalt  }
0x4f: {  	_ =	shalt  }
0x50: {  	_ =	shalt  }
0x51: {  	_ =	shalt  }
0x52: {  	_ =	shalt  }
0x53: {  	_ =	shalt  }
0x54: {  	_ =	shalt  }
0x55: {  	_ =	shalt  }
0x56: {  	_ =	shalt  }
0x57: {  	_ =	shalt  }
0x58: {  	_ =	shalt  }
0x59: {  	_ =	shalt  }
0x5a: {  	_ =	shalt  }
0x5b: {  	_ =	shalt  }
0x5c: {  	_ =	shalt  }
0x5d: {  	_ =	shalt  }
0x5e: {  	_ =	shalt  }
0x5f: {  	_ =	shalt  }
0x60: {  	_ =	shalt  }
0x61: {  	_ =	shalt  }
0x62: {  	_ =	shalt  }
0x63: {  	_ =	shalt  }
0x64: {  	_ =	shalt  }
0x65: {  	_ =	shalt  }
0x66: {  	_ =	shalt  }
0x67: {  	_ =	shalt  }
0x68: {  	_ =	shalt  }
0x69: {  	_ =	shalt  }
0x6a: {  	_ =	shalt  }
0x6b: {  	_ =	shalt  }
0x6c: {  	_ =	shalt  }
0x6d: {  	_ =	shalt  }
0x6e: {  	_ =	shalt  }
0x6f: {  	_ =	shalt  }
0x70: {  	_ =	shalt  }
0x71: {  	_ =	shalt  }
0x72: {  	_ =	shalt  }
0x73: {  	_ =	shalt  }
0x74: {  	_ =	shalt  }
0x75: {  	_ =	shalt  }
0x76: {  	_ =	shalt  }
0x77: {  	_ =	shalt  }
0x78: {  	_ =	shalt  }
0x79: {  	_ =	shalt  }
0x7a: {  	_ =	shalt  }
0x7b: {  	_ =	shalt  }
0x7c: {  	_ =	shalt  }
0x7d: {  	_ =	shalt  }
0x7e: {  	_ =	shalt  }
0x7f: {  	_ =	shalt  }
0x80: {  	_ =	shalt  }
0x81: {  	_ =	shalt  }
0x82: {  	_ =	shalt  }
0x83: {  	_ =	shalt  }
0x84: {  	_ =	shalt  }
0x85: {  	_ =	shalt  }
0x86: {  	_ =	shalt  }
0x87: {  	_ =	shalt  }
.Lfunc_end0:
.L_simem_size_0:
called_computation.3_lowered:
.L_overlay_start_0:
0x88: {  	s2 =	sld [smem:$0x3FD9]  }
0x89: {  	s3 =	sld [smem:$0x3FFE];
	_ =	sdelay $0x1  }
0x8a: {  	s1 =	srdreg.scid  }
0x8b: {  	s0 =	sand.u32 $0x1, s1  }
0x8c: {  	s16 =	sshll.u32 s0, $0xA;
	s2 =	sadd.s32 s3, s2  }
0x8d: {  	s2 =	sadd.s32 s2, s16  }
0x8e: {  	[smem:$0x3FBB] =	sst s2  }
0x8f: {  	_ = 	snop  }
0x90: {  	(tm) =	ssettm $0x1  }
0x91: {  	s17 =	sld [smem:$0x3FFB];
	_ =	sdelay $0x3  }
0x92: {  	_ =	strace s17  }
0x93: {  	s2 =	sld [smem:$0x3FFC];
	_ =	sdelay $0x3  }
0x94: {  	_ =	strace s2  }
0x95: {  	s2 =	sld [smem:$0x3FFD];
	_ =	sdelay $0x3  }
0x96: {  	_ =	strace s2  }
0x97: {  	_ =	strace $0x8FFFFFFF  }
0x98: {  	s18 =	sld [smem:$0x3FDB];
	_ =	sdelay $0x1  }
0x99: {  	s19 =	simm.s32 $_scs_section_size  }
0x9a: {  	s4 =	simm.s32 $_size__tile_overlayer_lowered;
	s5 =	simm.s32 $_tile_overlayer_lowered  }
0x9b: {  	s22 =	simm.s32 $0x1BFF;
	s21 =	sshll.u32 s5, $0x1;
	s2 =	sadd.s32 s19, s18  }
0x9c: {  	s6 =	simm.s32 $0x0;
	s20 =	sshll.u32 s4, $0x1;
	s4 =	sadd.s32 s21, s2  }
0x9d: {  	[timem:s6], [sflag:s22] =	dma.local [hbm:s4], s20  }
0x9e: {  	_ =	swait.ge [sflag:s22], s20  }
0x9f: {  	s3 =	ssub.s32 $0x0, s20;
	[sflag:s22] =	ssyncset.done $0x0  }
0xa0: {  	[sflag:s22] =	ssyncadd.s32 s3;
	_ =	sdelay $0x1  }
0xa1: {  	s23 =	simm.s32 $0x1B8B  }
0xa2: {  	_ =	swait.ge [sflag:s23], $0x1  }
0xa3: {  	[sflag:s23] =	ssyncset.done $0x0  }
0xa4: {  	s25 =	simm.s32 $0x1B8E;
	s24 =	sld [smem:$0x3FFE];
	[sflag:s23] =	ssyncadd.s32 $0xFFFFFFFF  }
0xa5: {  	s26 =	simm.s32 $execute0_lowered;
	[smem:$0x3FD2] =	sst s25  }
0xa6: {  	s4 =	sshll.u32 s26, $0x1;
	_ =	strace $0x8000004F;
	[dreg:$0x1] =	wrdreg $0xFFFFFFFF  }
0xa7: {  	s28 =	simm.s32 $_size_execute0_lowered;
	s2 =	sadd.s32 s2, s4;
	[dreg:$0x0] =	wrdreg $0x0  }
0xa8: {  	s4 =	sshll.u32 s28, $0x1;
	[dreg:$0x2] =	wrdreg s2  }
0xa9: {  	[dreg:$0x3] =	wrdreg s4  }
0xaa: {  	[dreg:$0x4] =	wrdreg $0xC0  }
0xab: {  	_ =	task [dreg:s6], $0x5FFFF  }
0xac: {  	[dreg:$0x1] =	wrdreg $0xFFFFFFFF  }
0xad: {  	[dreg:$0x0] =	wrdreg $0x60  }
0xae: {  	[dreg:$0x2] =	wrdreg s24  }
0xaf: {  	[dreg:$0x3] =	wrdreg $0xA8000  }
0xb0: {  	[dreg:$0x4] =	wrdreg $0x9  }
0xb1: {  	_ =	task.clear_ibuf [dreg:s6], $0x5FFFF;
	_ =	strace $0x9000004F  }
0xb2: {  	s29 =	simm.s32 $0x9;
	_ =	strace $0x80000051  }
0xb3: {  	_ =	swait.ge [sflag:s29], $0x1  }
0xb4: {  	[sflag:s29] =	ssyncadd.s32 $0xFFFFFFFF  }
0xb5: {  	_ =	strace $0x90000051  }
0xb6: {  	_ =	sfence  }
0xb7: {  	s30 =	sld [smem:$0x0];
	_ =	sdelay $0x2  }
0xb8: {  	s31 =	sshll.u32 s1, $0xD;
	s1 =	sshrl.u32 s1, $0x2  }
0xb9: {  	s3 =	sand.u32 $0x4000, s31;
	s1 =	sadd.s32 s1, s30  }
0xba: {  	s0 =	sor.u32 s3, s0;
	s1 =	sshll.u32 s1, $0x11  }
0xbb: {  	s0 =	sor.u32 s1, s0  }
0xbc: {  	s0 =	sadd.s32 $0x8F2B, s0  }
0xbd: {  	[sflag:s0] =	ssyncadd.remote.s32 $0x1  }
0xbe: {  	_ =	sfence.sel $0xFFFF  }
0xbf: {  	[dreg:$0x0] =	wrdreg $0xFFFFFFFF;
	(pc) =	sbr.abs _section_cstart, $3  }
0xc0: {  	[dreg:$0x1] =	wrdreg $0xFFFFFFFF  }
0xc1: {  	_ =	task.clear_ibuf [dreg:s6], $0x2FFFF;
	_ =	strace $0x9FFFFFFF  }
0xc2: {  	(tm) =	ssettm $0x7FFFFFFF  }
0xc3: {  	_ =	shalt  }
tec
execute0_lowered:
.L_overlay_start_1:
0x0: {  	(tag) =	ssettag $0x1  }
0x1: {  	s0 =	rddreg [dreg:$0x0]  }
0x2: {  	s1 =	rddreg [dreg:$0x1];
	s3 =	simm.s32 $0x0  }
0x3: {  	s2 =	srdreg.scid;
	s20 =	simm.s32 $0x2800;
	s28 =	simm.s32 $0x1380  }
0x4: {  	s29 =	simm.s32 $0x2700;
	s30 =	simm.s32 $0x2780;
	s31 =	simm.s32 $0x0  }
0x5: {  	[smem:$0x7FF] =	sst s3;
	s21 =	sand.u32 $0x1, s2;
	s2 =	stileid.u32  }
0x6: {  	s4 =	sadd.s32 $0x18600, s0;
	s12 =	sadd.s32 $0x9600, s0;
	s5 =	smul.u32 $0x13C000, s21  }
0x7: {  	s13 =	sadd.s32 $0x4600, s0;
	s16 =	sadd.s32 $0x13600, s0;
	s6 =	smul.u32 $0x13C00, s2  }
0x8: {  	s17 =	sadd.s32 $0xE600, s0;
	_ =	strace $0x80000050;
	s7 =	smul.u32 $0x4F000, s2  }
0x9: {  	s8 =	ssub.s32 $0x2, s21;
	s9 =	smul.u32 $0x2800, s2;
	p0 =	seq.s32 s21, $0x1  }
0xa: {  	s21 =	simm.s32 $0x3;
	s23 =	sshrl.u32 s8, $0x1;
	s5 =	sadd.s32 s6, s5  }
0xb: {  	s22 =	sshrl.u32 s7, $0x2;
	s19 =	ssub.s32 s8, s23;
	s15 =	sshrl.u32 s9, $0x3  }
0xc: {  	s23 =	simm.s32 $0x80;
	s6 =	sshrl.u32 s5, $0x3;
	s5 =	sadd.s32 s22, s1  }
0xd: {  	s24 =	sadd.s32 $0x280, s15;
	s10 =	sadd.s32 s12, s15;
	s25 =	sadd.s32 s13, s15  }
0xe: {  	s14 =	sadd.s32 s16, s15;
	s15 =	sadd.s32 s17, s15;
	s19 =	smax.u32 s19, $0x1  }
0xf: {  	s22 =	simm.s32 $0x1400;
	s0 =	sadd.s32 s6, s0;
	s6 =	sadd.s32 $0x4000, s5  }
.Ltmp0:
0x10: {  	s7 =	sadd.s32 $0x8000, s5;
	[dreg:$0x3] =	wrdreg s10;
	(pc) =	sbr.rel .LBB2_1-.Ltmp0, $4  }
0x11: {  	s8 =	sadd.s32 $0xC000, s5;
	s9 =	sadd.s32 $0x10000, s5;
	[dreg:$0x4] =	wrdreg s25  }
0x12: {  	s26 =	sadd.s32 s12, s24;
	s13 =	sadd.s32 s13, s24;
	s16 =	sadd.s32 s16, s24  }
0x13: {  	s17 =	sadd.s32 s17, s24;
	s24 =	simm.s32 $0x6800;
	s25 =	simm.s32 $0x1  }
0x14: {  	v0 =	vimm.f32 $0.0e+00;
	[dreg:$0x5] =	wrdreg s26;
	s18 =	sadd.s32 $0x3F800, s0;
	s26 =	simm.s32 $0x2  }
.LBB2_8:
0x15: {  	s3 =	sadd.s32 $0x80, s0;
	[sflag:s21] =	ssyncadd.s32 $0xFFFFC000  }
0x16: {  	[tilespmem:s24], [sflag:$0x2] =	stream.indirect.gather [hbm4b:s4+s23], $0x80, s3, s23, $0xb8;
	[tilespmem:$0x1E400] =	vst v63  }
0x17: {  	_ =	swait.ge [sflag:s25], $0x4000  }
0x18: {  	[sflag:s25] =	ssyncset.done $0x0  }
0x19: {  	s10 =	sadd.s32 $0x1400, s0;
	[sflag:s25] =	ssyncadd.s32 $0xFFFFC000  }
0x1a: {  	[spmem:s1] =	stream.indirect.scatter.add.f32 [tilespmem:s20], [sflag:$0x3], $0x80, s10, s23, $0xb8;
	[tilespmem:$0x1E400] =	vst v63  }
0x1b: {  	_ =	swait.ge [sflag:s21], $0x4000  }
0x1c: {  	[sflag:s21] =	ssyncset.done $0x0  }
0x1d: {  	s11 =	sadd.s32 $0x100, s0;
	[sflag:s21] =	ssyncadd.s32 $0xFFFFC000  }
0x1e: {  	[tilespmem:s20], [sflag:$0x1] =	stream.indirect.gather [hbm4b:s4+s23], $0x80, s11, s23, $0xb8;
	[tilespmem:$0x1E400] =	vst v63  }
0x1f: {  	_ =	swait.ge [sflag:s26], $0x4000  }
0x20: {  	[sflag:s26] =	ssyncset.done $0x0  }
0x21: {  	s12 =	sadd.s32 $0x1480, s0;
	[sflag:s26] =	ssyncadd.s32 $0xFFFFC000  }
0x22: {  	[spmem:s1] =	stream.indirect.scatter.add.f32 [tilespmem:s24], [sflag:$0x3], $0x80, s12, s23, $0xb8;
	[tilespmem:$0x1E400] =	vst v63  }
0x23: {  	_ =	swait.ge [sflag:s21], $0x4000  }
0x24: {  	[sflag:s21] =	ssyncset.done $0x0  }
0x25: {  	[sflag:s21] =	ssyncadd.s32 $0xFFFFC000  }
.LBB2_14:
0x26: {  	[tilespmem:s24], [sflag:$0x2] =	stream.indirect.gather [hbm4b:s4+s23], $0x80, s28, s23, $0xb8;
	[tilespmem:$0x1E400] =	vst v63  }
0x27: {  	_ =	swait.ge [sflag:s25], $0x4000  }
0x28: {  	[sflag:s25] =	ssyncset.done $0x0  }
0x29: {  	[sflag:s25] =	ssyncadd.s32 $0xFFFFC000  }
0x2a: {  	[spmem:s1] =	stream.indirect.scatter.add.f32 [tilespmem:s20], [sflag:$0x3], $0x80, s29, s23, $0xb8;
	[tilespmem:$0x1E400] =	vst v63  }
0x2b: {  	_ =	swait.ge [sflag:s21], $0x4000  }
0x2c: {  	[sflag:s21] =	ssyncset.done $0x0  }
0x2d: {  	s0 =	simm.s32 $0x0;
	[sflag:s21] =	ssyncadd.s32 $0xFFFFC000  }
0x2e: {  	[tilespmem:s20], [sflag:$0x1] =	stream.indirect.gather [hbm4b:s4+s23], $0x80, s0, s23, $0xb8;
	[tilespmem:$0x1E400] =	vst v63  }
0x2f: {  	_ =	swait.ge [sflag:s26], $0x4000  }
0x30: {  	[sflag:s26] =	ssyncset.done $0x0  }
0x31: {  	[sflag:s26] =	ssyncadd.s32 $0xFFFFC000  }
0x32: {  	[spmem:s1] =	stream.indirect.scatter.add.f32 [tilespmem:s24], [sflag:$0x3], $0x80, s30, s23, $0xb8;
	[tilespmem:$0x1E400] =	vst v63  }
0x33: {  	_ =	swait.ge [sflag:s21], $0x4000  }
0x34: {  	[sflag:s21] =	ssyncset.done $0x0  }
0x35: {  	[sflag:s21] =	ssyncadd.s32 $0xFFFFC000  }
0x36: {  	_ =	swait.ge [sflag:s25], $0x4000  }
0x37: {  	s12 =	sshll.u32 s2, $0x6;
	s31 =	sadd.s32 $0x1, s31;
	[sflag:s25] =	ssyncset.done $0x0  }
0x38: {  	s3 =	sshrl.u32 s5, $0x3;
	p1 =	sne.s32 s31, s19;
	[sflag:s25] =	ssyncadd.s32 $0xFFFFC000  }
.Ltmp1:
0x39: {  	s0 =	sor.u32 $0x1C03, s12;
	[bflag:$0x0] =	sbarrier.arrive $0xFFFF;
	(pc) =	sbr.rel @!p1 .LBB2_15-.Ltmp1, $4  }
0x3a: {  	[hbm:s18], [sflag:s0] =	dma.local [spmem:s3], $0x2780  }
0x3b: {  	_ =	swait.ge [sflag:s21], $0x2780  }
0x3c: {  	[sflag:s21] =	ssyncset.done $0x0  }
0x3d: {  	[sflag:s21] =	ssyncadd.s32 $0xFFFFD880  }
.LBB2_1:
0x3e: {  	s0 =	simm.s32 $0x0;
	s3 =	simm.s32 $0x200  }
.LBB2_2:
0x3f: {  	p1 =	sne.s32 s3, $0xFE00;
	[tilespmem:s0+$0x2870] =	vst v0  }
0x40: {  	[tilespmem:s0+$0x2800] =	vst v0  }
0x41: {  	[tilespmem:s0+$0x2810] =	vst v0  }
.Ltmp2:
0x42: {  	[tilespmem:s0+$0x2820] =	vst v0;
	(pc) =	sbr.rel @p1 .LBB2_2-.Ltmp2, $4  }
0x43: {  	[tilespmem:s0+$0x2830] =	vst v0  }
0x44: {  	[tilespmem:s0+$0x2840] =	vst v0  }
0x45: {  	[tilespmem:s0+$0x2850] =	vst v0  }
0x46: {  	[tilespmem:s0+$0x2860] =	vst v0;
	s0 =	sshra.s32 s3, $0x2;
	s3 =	sadd.s32 $0x200, s3  }
0x47: {  	[tilespmem:s0+$0x2870] =	vst v0  }
0x48: {  	[tilespmem:s0+$0x2800] =	vst v0  }
0x49: {  	[tilespmem:s0+$0x2810] =	vst v0  }
0x4a: {  	[tilespmem:s0+$0x2820] =	vst v0  }
0x4b: {  	[tilespmem:s0+$0x2830] =	vst v0  }
0x4c: {  	[tilespmem:s0+$0x2840] =	vst v0  }
0x4d: {  	[tilespmem:s0+$0x2850] =	vst v0  }
0x4e: {  	[tilespmem:s0+$0x2860] =	vst v0  }
0x4f: {  	[spmem:s5] =	stream.linear.scatter [tilespmem:s20], [sflag:$0x3], $0x4000, $0x38;
	[tilespmem:$0x1E400] =	vst v63  }
0x50: {  	_ =	swait.ge [sflag:s21], $0x4000  }
0x51: {  	[sflag:s21] =	ssyncset.done $0x0  }
0x52: {  	[sflag:s21] =	ssyncadd.s32 $0xFFFFC000  }
0x53: {  	[spmem:s6] =	stream.linear.scatter [tilespmem:s20], [sflag:$0x3], $0x4000, $0x38;
	[tilespmem:$0x1E400] =	vst v63  }
0x54: {  	_ =	swait.ge [sflag:s21], $0x4000  }
0x55: {  	[sflag:s21] =	ssyncset.done $0x0  }
0x56: {  	[sflag:s21] =	ssyncadd.s32 $0xFFFFC000  }
0x57: {  	[spmem:s7] =	stream.linear.scatter [tilespmem:s20], [sflag:$0x3], $0x4000, $0x38;
	[tilespmem:$0x1E400] =	vst v63  }
0x58: {  	_ =	swait.ge [sflag:s21], $0x4000  }
0x59: {  	[sflag:s21] =	ssyncset.done $0x0  }
0x5a: {  	[sflag:s21] =	ssyncadd.s32 $0xFFFFC000  }
0x5b: {  	[spmem:s8] =	stream.linear.scatter [tilespmem:s20], [sflag:$0x3], $0x4000, $0x38;
	[tilespmem:$0x1E400] =	vst v63  }
0x5c: {  	_ =	swait.ge [sflag:s21], $0x4000  }
0x5d: {  	[sflag:s21] =	ssyncset.done $0x0  }
0x5e: {  	[sflag:s21] =	ssyncadd.s32 $0xFFFFC000  }
0x5f: {  	[spmem:s9] =	stream.linear.scatter [tilespmem:s20], [sflag:$0x3], $0x3C00, $0x38;
	[tilespmem:$0x1E400] =	vst v63  }
.Ltmp3:
0x60: {  	_ =	swait.ge [sflag:s21], $0x3C00;
	(pc) =	sbr.rel @!p0 .LBB2_4-.Ltmp3, $4  }
0x61: {  	[sflag:s21] =	ssyncset.done $0x0  }
0x62: {  	[sflag:s21] =	ssyncadd.s32 $0xFFFFC400  }
0x63: {  	[bflag:$0x0] =	sbarrier.arrive $0xFFFF  }
0x64: {  	s0 =	simm.s32 $0x0  }
0x65: {  	[tilespmem:s0], [sflag:$0x3] =	stream.linear.gather [hbm4b:s14+s0], $0x1400, $0x38;
	[tilespmem:$0x1E400] =	vst v63  }
0x66: {  	_ =	swait.ge [sflag:s21], $0x1400  }
0x67: {  	[sflag:s21] =	ssyncset.done $0x0  }
0x68: {  	[sflag:s21] =	ssyncadd.s32 $0xFFFFEC00  }
0x69: {  	[tilespmem:s22], [sflag:$0x3] =	stream.linear.gather [hbm4b:s15+s0], $0x1400, $0x38;
	[tilespmem:$0x1E400] =	vst v63  }
0x6a: {  	_ =	swait.ge [sflag:s21], $0x1400  }
0x6b: {  	[sflag:s21] =	ssyncset.done $0x0  }
0x6c: {  	[sflag:s21] =	ssyncadd.s32 $0xFFFFEC00  }
0x6d: {  	[tilespmem:s20], [sflag:$0x1] =	stream.indirect.gather [hbm4b:s4+s23], $0x80, s0, s23, $0xb8;
	[tilespmem:$0x1E400] =	vst v63  }
0x6e: {  	s3 =	simm.s32 $0x80  }
0x6f: {  	[tilespmem:s24], [sflag:$0x2] =	stream.indirect.gather [hbm4b:s4+s23], $0x80, s3, s23, $0xb8;
	[tilespmem:$0x1E400] =	vst v63  }
0x70: {  	_ =	swait.ge [sflag:s25], $0x4000  }
0x71: {  	[sflag:s25] =	ssyncset.done $0x0  }
0x72: {  	s10 =	simm.s32 $0x1400;
	[sflag:s25] =	ssyncadd.s32 $0xFFFFC000  }
0x73: {  	[spmem:s1] =	stream.indirect.scatter.add.f32 [tilespmem:s20], [sflag:$0x3], $0x80, s10, s23, $0xb8;
	[tilespmem:$0x1E400] =	vst v63  }
0x74: {  	_ =	swait.ge [sflag:s21], $0x4000  }
0x75: {  	[sflag:s21] =	ssyncset.done $0x0  }
0x76: {  	s11 =	simm.s32 $0x100;
	[sflag:s21] =	ssyncadd.s32 $0xFFFFC000  }
0x77: {  	[tilespmem:s20], [sflag:$0x1] =	stream.indirect.gather [hbm4b:s4+s23], $0x80, s11, s23, $0xb8;
	[tilespmem:$0x1E400] =	vst v63  }
0x78: {  	_ =	swait.ge [sflag:s26], $0x4000  }
0x79: {  	[sflag:s26] =	ssyncset.done $0x0  }
0x7a: {  	s12 =	simm.s32 $0x1480;
	[sflag:s26] =	ssyncadd.s32 $0xFFFFC000  }
0x7b: {  	[spmem:s1] =	stream.indirect.scatter.add.f32 [tilespmem:s24], [sflag:$0x3], $0x80, s12, s23, $0xb8;
	[tilespmem:$0x1E400] =	vst v63  }
0x7c: {  	_ =	swait.ge [sflag:s21], $0x4000  }
0x7d: {  	s0 =	simm.s32 $0x100;
	s3 =	simm.s32 $0x800;
	[sflag:s21] =	ssyncset.done $0x0  }
.LBB2_10:
0x7e: {  	s10 =	sadd.s32 $0x80, s0  }
0x7f: {  	[sflag:s21] =	ssyncadd.s32 $0xFFFFC000;
	s11 =	smov.u32 s3;
	s12 =	sadd.s32 $0x400, s3  }
0x80: {  	[tilespmem:s24], [sflag:$0x2] =	stream.indirect.gather [hbm4b:s4+s23], $0x80, s10, s23, $0xb8;
	[tilespmem:$0x1E400] =	vst v63  }
0x81: {  	p1 =	sne.s32 s3, $0x4800;
	_ =	swait.ge [sflag:s25], $0x4000  }
0x82: {  	[sflag:s25] =	ssyncset.done $0x0  }
0x83: {  	s3 =	sadd.s32 $0x1400, s0;
	[sflag:s25] =	ssyncadd.s32 $0xFFFFC000  }
0x84: {  	[spmem:s1] =	stream.indirect.scatter.add.f32 [tilespmem:s20], [sflag:$0x3], $0x80, s3, s23, $0xb8;
	[tilespmem:$0x1E400] =	vst v63  }
0x85: {  	_ =	swait.ge [sflag:s21], $0x4000  }
0x86: {  	[sflag:s21] =	ssyncset.done $0x0  }
0x87: {  	s3 =	sadd.s32 $0x100, s0;
	[sflag:s21] =	ssyncadd.s32 $0xFFFFC000  }
0x88: {  	[tilespmem:s20], [sflag:$0x1] =	stream.indirect.gather [hbm4b:s4+s23], $0x80, s3, s23, $0xb8;
	[tilespmem:$0x1E400] =	vst v63  }
0x89: {  	_ =	swait.ge [sflag:s26], $0x4000  }
.Ltmp4:
0x8a: {  	[sflag:s26] =	ssyncset.done $0x0;
	(pc) =	sbr.rel @p1 .LBB2_10-.Ltmp4, $4  }
0x8b: {  	s0 =	sadd.s32 $0x1480, s0;
	[sflag:s26] =	ssyncadd.s32 $0xFFFFC000  }
0x8c: {  	[spmem:s1] =	stream.indirect.scatter.add.f32 [tilespmem:s24], [sflag:$0x3], $0x80, s0, s23, $0xb8;
	[tilespmem:$0x1E400] =	vst v63  }
0x8d: {  	_ =	swait.ge [sflag:s21], $0x4000  }
0x8e: {  	s3 =	smov.u32 s12;
	s0 =	sshra.s32 s11, $0x2;
	[sflag:s21] =	ssyncset.done $0x0  }
0x8f: {  	s3 =	sadd.s32 $0x80, s0;
	[sflag:s21] =	ssyncadd.s32 $0xFFFFC000  }
0x90: {  	[tilespmem:s24], [sflag:$0x2] =	stream.indirect.gather [hbm4b:s4+s23], $0x80, s3, s23, $0xb8;
	[tilespmem:$0x1E400] =	vst v63  }
0x91: {  	_ =	swait.ge [sflag:s25], $0x4000  }
0x92: {  	[sflag:s25] =	ssyncset.done $0x0  }
0x93: {  	s12 =	sadd.s32 $0x1400, s0;
	[sflag:s25] =	ssyncadd.s32 $0xFFFFC000  }
0x94: {  	[spmem:s1] =	stream.indirect.scatter.add.f32 [tilespmem:s20], [sflag:$0x3], $0x80, s12, s23, $0xb8;
	[tilespmem:$0x1E400] =	vst v63  }
0x95: {  	_ =	swait.ge [sflag:s21], $0x4000  }
0x96: {  	[sflag:s21] =	ssyncset.done $0x0  }
0x97: {  	s10 =	sadd.s32 $0x100, s0;
	[sflag:s21] =	ssyncadd.s32 $0xFFFFC000  }
0x98: {  	[tilespmem:s20], [sflag:$0x1] =	stream.indirect.gather [hbm4b:s4+s23], $0x80, s10, s23, $0xb8;
	[tilespmem:$0x1E400] =	vst v63  }
0x99: {  	_ =	swait.ge [sflag:s26], $0x4000  }
0x9a: {  	[sflag:s26] =	ssyncset.done $0x0  }
0x9b: {  	s11 =	sadd.s32 $0x1480, s0;
	[sflag:s26] =	ssyncadd.s32 $0xFFFFC000  }
0x9c: {  	[spmem:s1] =	stream.indirect.scatter.add.f32 [tilespmem:s24], [sflag:$0x3], $0x80, s11, s23, $0xb8;
	[tilespmem:$0x1E400] =	vst v63  }
0x9d: {  	_ =	swait.ge [sflag:s21], $0x4000  }
0x9e: {  	[sflag:s21] =	ssyncset.done $0x0  }
0x9f: {  	[sflag:s21] =	ssyncadd.s32 $0xFFFFC000  }
0xa0: {  	[tilespmem:s24], [sflag:$0x2] =	stream.indirect.gather [hbm4b:s4+s23], $0x80, s28, s23, $0xb8;
	[tilespmem:$0x1E400] =	vst v63  }
0xa1: {  	_ =	swait.ge [sflag:s25], $0x4000  }
0xa2: {  	[sflag:s25] =	ssyncset.done $0x0  }
0xa3: {  	[sflag:s25] =	ssyncadd.s32 $0xFFFFC000  }
0xa4: {  	[spmem:s1] =	stream.indirect.scatter.add.f32 [tilespmem:s20], [sflag:$0x3], $0x80, s29, s23, $0xb8;
	[tilespmem:$0x1E400] =	vst v63  }
0xa5: {  	_ =	swait.ge [sflag:s21], $0x4000  }
0xa6: {  	[sflag:s21] =	ssyncset.done $0x0  }
0xa7: {  	s12 =	simm.s32 $0x0;
	[sflag:s21] =	ssyncadd.s32 $0xFFFFC000  }
0xa8: {  	[tilespmem:s20], [sflag:$0x1] =	stream.indirect.gather [hbm4b:s4+s23], $0x80, s12, s23, $0xb8;
	[tilespmem:$0x1E400] =	vst v63  }
0xa9: {  	_ =	swait.ge [sflag:s26], $0x4000  }
0xaa: {  	[sflag:s26] =	ssyncset.done $0x0  }
0xab: {  	[sflag:s26] =	ssyncadd.s32 $0xFFFFC000  }
0xac: {  	[spmem:s1] =	stream.indirect.scatter.add.f32 [tilespmem:s24], [sflag:$0x3], $0x80, s30, s23, $0xb8;
	[tilespmem:$0x1E400] =	vst v63  }
0xad: {  	_ =	swait.ge [sflag:s21], $0x4000  }
0xae: {  	[sflag:s21] =	ssyncset.done $0x0  }
0xaf: {  	[sflag:s21] =	ssyncadd.s32 $0xFFFFC000  }
0xb0: {  	_ =	swait.ge [sflag:s25], $0x4000  }
0xb1: {  	[sflag:s25] =	ssyncset.done $0x0  }
0xb2: {  	[sflag:s25] =	ssyncadd.s32 $0xFFFFC000  }
0xb3: {  	[tilespmem:s12], [sflag:$0x3] =	stream.linear.gather [hbm4b:s16+s12], $0x1400, $0x38;
	[tilespmem:$0x1E400] =	vst v63  }
0xb4: {  	_ =	swait.ge [sflag:s21], $0x1400  }
0xb5: {  	[sflag:s21] =	ssyncset.done $0x0  }
0xb6: {  	[sflag:s21] =	ssyncadd.s32 $0xFFFFEC00  }
0xb7: {  	[tilespmem:s22], [sflag:$0x3] =	stream.linear.gather [hbm4b:s17+s12], $0x1400, $0x38;
	[tilespmem:$0x1E400] =	vst v63  }
0xb8: {  	_ =	swait.ge [sflag:s21], $0x1400  }
0xb9: {  	[sflag:s21] =	ssyncset.done $0x0  }
0xba: {  	[sflag:s21] =	ssyncadd.s32 $0xFFFFEC00  }
0xbb: {  	[tilespmem:s20], [sflag:$0x1] =	stream.indirect.gather [hbm4b:s4+s23], $0x80, s12, s23, $0xb8;
	[tilespmem:$0x1E400] =	vst v63  }
0xbc: {  	s3 =	simm.s32 $0x80  }
0xbd: {  	[tilespmem:s24], [sflag:$0x2] =	stream.indirect.gather [hbm4b:s4+s23], $0x80, s3, s23, $0xb8;
	[tilespmem:$0x1E400] =	vst v63  }
0xbe: {  	_ =	swait.ge [sflag:s25], $0x4000  }
0xbf: {  	[sflag:s25] =	ssyncset.done $0x0  }
0xc0: {  	s10 =	simm.s32 $0x1400;
	[sflag:s25] =	ssyncadd.s32 $0xFFFFC000  }
0xc1: {  	[spmem:s1] =	stream.indirect.scatter.add.f32 [tilespmem:s20], [sflag:$0x3], $0x80, s10, s23, $0xb8;
	[tilespmem:$0x1E400] =	vst v63  }
0xc2: {  	_ =	swait.ge [sflag:s21], $0x4000  }
0xc3: {  	[sflag:s21] =	ssyncset.done $0x0  }
0xc4: {  	s11 =	simm.s32 $0x100;
	[sflag:s21] =	ssyncadd.s32 $0xFFFFC000  }
0xc5: {  	[tilespmem:s20], [sflag:$0x1] =	stream.indirect.gather [hbm4b:s4+s23], $0x80, s11, s23, $0xb8;
	[tilespmem:$0x1E400] =	vst v63  }
0xc6: {  	_ =	swait.ge [sflag:s26], $0x4000  }
0xc7: {  	[sflag:s26] =	ssyncset.done $0x0  }
0xc8: {  	s12 =	simm.s32 $0x1480;
	[sflag:s26] =	ssyncadd.s32 $0xFFFFC000  }
0xc9: {  	[spmem:s1] =	stream.indirect.scatter.add.f32 [tilespmem:s24], [sflag:$0x3], $0x80, s12, s23, $0xb8;
	[tilespmem:$0x1E400] =	vst v63  }
0xca: {  	_ =	swait.ge [sflag:s21], $0x4000  }
0xcb: {  	s0 =	simm.s32 $0x100;
	s3 =	simm.s32 $0x800;
	[sflag:s21] =	ssyncset.done $0x0  }
.LBB2_12:
0xcc: {  	s10 =	sadd.s32 $0x80, s0  }
0xcd: {  	[sflag:s21] =	ssyncadd.s32 $0xFFFFC000;
	s11 =	smov.u32 s3;
	s12 =	sadd.s32 $0x400, s3  }
0xce: {  	[tilespmem:s24], [sflag:$0x2] =	stream.indirect.gather [hbm4b:s4+s23], $0x80, s10, s23, $0xb8;
	[tilespmem:$0x1E400] =	vst v63  }
0xcf: {  	p1 =	sne.s32 s3, $0x4800;
	_ =	swait.ge [sflag:s25], $0x4000  }
0xd0: {  	[sflag:s25] =	ssyncset.done $0x0  }
0xd1: {  	s3 =	sadd.s32 $0x1400, s0;
	[sflag:s25] =	ssyncadd.s32 $0xFFFFC000  }
0xd2: {  	[spmem:s1] =	stream.indirect.scatter.add.f32 [tilespmem:s20], [sflag:$0x3], $0x80, s3, s23, $0xb8;
	[tilespmem:$0x1E400] =	vst v63  }
0xd3: {  	_ =	swait.ge [sflag:s21], $0x4000  }
0xd4: {  	[sflag:s21] =	ssyncset.done $0x0  }
0xd5: {  	s3 =	sadd.s32 $0x100, s0;
	[sflag:s21] =	ssyncadd.s32 $0xFFFFC000  }
0xd6: {  	[tilespmem:s20], [sflag:$0x1] =	stream.indirect.gather [hbm4b:s4+s23], $0x80, s3, s23, $0xb8;
	[tilespmem:$0x1E400] =	vst v63  }
0xd7: {  	_ =	swait.ge [sflag:s26], $0x4000  }
.Ltmp5:
0xd8: {  	[sflag:s26] =	ssyncset.done $0x0;
	(pc) =	sbr.rel @p1 .LBB2_12-.Ltmp5, $4  }
0xd9: {  	s0 =	sadd.s32 $0x1480, s0;
	[sflag:s26] =	ssyncadd.s32 $0xFFFFC000  }
0xda: {  	[spmem:s1] =	stream.indirect.scatter.add.f32 [tilespmem:s24], [sflag:$0x3], $0x80, s0, s23, $0xb8;
	[tilespmem:$0x1E400] =	vst v63  }
0xdb: {  	_ =	swait.ge [sflag:s21], $0x4000  }
0xdc: {  	s3 =	smov.u32 s12;
	s0 =	sshra.s32 s11, $0x2;
	[sflag:s21] =	ssyncset.done $0x0  }
0xdd: {  	s3 =	sadd.s32 $0x80, s0;
	[sflag:s21] =	ssyncadd.s32 $0xFFFFC000  }
0xde: {  	[tilespmem:s24], [sflag:$0x2] =	stream.indirect.gather [hbm4b:s4+s23], $0x80, s3, s23, $0xb8;
	[tilespmem:$0x1E400] =	vst v63  }
0xdf: {  	_ =	swait.ge [sflag:s25], $0x4000  }
0xe0: {  	[sflag:s25] =	ssyncset.done $0x0  }
0xe1: {  	s10 =	sadd.s32 $0x1400, s0;
	[sflag:s25] =	ssyncadd.s32 $0xFFFFC000  }
0xe2: {  	[spmem:s1] =	stream.indirect.scatter.add.f32 [tilespmem:s20], [sflag:$0x3], $0x80, s10, s23, $0xb8;
	[tilespmem:$0x1E400] =	vst v63  }
0xe3: {  	_ =	swait.ge [sflag:s21], $0x4000  }
0xe4: {  	[sflag:s21] =	ssyncset.done $0x0  }
0xe5: {  	s11 =	sadd.s32 $0x100, s0;
	[sflag:s21] =	ssyncadd.s32 $0xFFFFC000  }
0xe6: {  	[tilespmem:s20], [sflag:$0x1] =	stream.indirect.gather [hbm4b:s4+s23], $0x80, s11, s23, $0xb8;
	[tilespmem:$0x1E400] =	vst v63  }
0xe7: {  	_ =	swait.ge [sflag:s26], $0x4000  }
0xe8: {  	[sflag:s26] =	ssyncset.done $0x0  }
.Ltmp6:
0xe9: {  	s12 =	sadd.s32 $0x1480, s0;
	[sflag:s26] =	ssyncadd.s32 $0xFFFFC000;
	(pc) =	sbr.rel .LBB2_14-.Ltmp6, $4  }
0xea: {  	[spmem:s1] =	stream.indirect.scatter.add.f32 [tilespmem:s24], [sflag:$0x3], $0x80, s12, s23, $0xb8;
	[tilespmem:$0x1E400] =	vst v63  }
0xeb: {  	_ =	swait.ge [sflag:s21], $0x4000  }
0xec: {  	[sflag:s21] =	ssyncset.done $0x0  }
0xed: {  	[sflag:s21] =	ssyncadd.s32 $0xFFFFC000  }
.LBB2_4:
0xee: {  	s3 =	rddreg [dreg:$0x3]  }
0xef: {  	[tilespmem:s0], [sflag:$0x3] =	stream.linear.gather [hbm4b:s3+s0], $0x1400, $0x38;
	[tilespmem:$0x1E400] =	vst v63  }
0xf0: {  	_ =	swait.ge [sflag:s21], $0x1400  }
0xf1: {  	[sflag:s21] =	ssyncset.done $0x0  }
0xf2: {  	s12 =	rddreg [dreg:$0x4];
	[sflag:s21] =	ssyncadd.s32 $0xFFFFEC00  }
0xf3: {  	[tilespmem:s22], [sflag:$0x3] =	stream.linear.gather [hbm4b:s12+s0], $0x1400, $0x38;
	[tilespmem:$0x1E400] =	vst v63  }
0xf4: {  	_ =	swait.ge [sflag:s21], $0x1400  }
0xf5: {  	[sflag:s21] =	ssyncset.done $0x0  }
0xf6: {  	[sflag:s21] =	ssyncadd.s32 $0xFFFFEC00  }
0xf7: {  	[tilespmem:s20], [sflag:$0x1] =	stream.indirect.gather [hbm4b:s4+s23], $0x80, s0, s23, $0xb8;
	[tilespmem:$0x1E400] =	vst v63  }
0xf8: {  	s3 =	simm.s32 $0x80  }
0xf9: {  	[tilespmem:s24], [sflag:$0x2] =	stream.indirect.gather [hbm4b:s4+s23], $0x80, s3, s23, $0xb8;
	[tilespmem:$0x1E400] =	vst v63  }
0xfa: {  	_ =	swait.ge [sflag:s25], $0x4000  }
0xfb: {  	[sflag:s25] =	ssyncset.done $0x0  }
0xfc: {  	s10 =	simm.s32 $0x1400;
	[sflag:s25] =	ssyncadd.s32 $0xFFFFC000  }
0xfd: {  	[spmem:s1] =	stream.indirect.scatter.add.f32 [tilespmem:s20], [sflag:$0x3], $0x80, s10, s23, $0xb8;
	[tilespmem:$0x1E400] =	vst v63  }
0xfe: {  	_ =	swait.ge [sflag:s21], $0x4000  }
0xff: {  	[sflag:s21] =	ssyncset.done $0x0  }
0x100: {  	s11 =	simm.s32 $0x100;
	[sflag:s21] =	ssyncadd.s32 $0xFFFFC000  }
0x101: {  	[tilespmem:s20], [sflag:$0x1] =	stream.indirect.gather [hbm4b:s4+s23], $0x80, s11, s23, $0xb8;
	[tilespmem:$0x1E400] =	vst v63  }
0x102: {  	_ =	swait.ge [sflag:s26], $0x4000  }
0x103: {  	[sflag:s26] =	ssyncset.done $0x0  }
0x104: {  	s12 =	simm.s32 $0x1480;
	[sflag:s26] =	ssyncadd.s32 $0xFFFFC000  }
0x105: {  	[spmem:s1] =	stream.indirect.scatter.add.f32 [tilespmem:s24], [sflag:$0x3], $0x80, s12, s23, $0xb8;
	[tilespmem:$0x1E400] =	vst v63  }
0x106: {  	_ =	swait.ge [sflag:s21], $0x4000  }
0x107: {  	s0 =	simm.s32 $0x100;
	s3 =	simm.s32 $0x800;
	[sflag:s21] =	ssyncset.done $0x0  }
.LBB2_5:
0x108: {  	s10 =	sadd.s32 $0x80, s0  }
0x109: {  	[sflag:s21] =	ssyncadd.s32 $0xFFFFC000;
	s11 =	smov.u32 s3;
	s12 =	sadd.s32 $0x400, s3  }
0x10a: {  	[tilespmem:s24], [sflag:$0x2] =	stream.indirect.gather [hbm4b:s4+s23], $0x80, s10, s23, $0xb8;
	[tilespmem:$0x1E400] =	vst v63  }
0x10b: {  	p1 =	sne.s32 s3, $0x4800;
	_ =	swait.ge [sflag:s25], $0x4000  }
0x10c: {  	[sflag:s25] =	ssyncset.done $0x0  }
0x10d: {  	s3 =	sadd.s32 $0x1400, s0;
	[sflag:s25] =	ssyncadd.s32 $0xFFFFC000  }
0x10e: {  	[spmem:s1] =	stream.indirect.scatter.add.f32 [tilespmem:s20], [sflag:$0x3], $0x80, s3, s23, $0xb8;
	[tilespmem:$0x1E400] =	vst v63  }
0x10f: {  	_ =	swait.ge [sflag:s21], $0x4000  }
0x110: {  	[sflag:s21] =	ssyncset.done $0x0  }
0x111: {  	s3 =	sadd.s32 $0x100, s0;
	[sflag:s21] =	ssyncadd.s32 $0xFFFFC000  }
0x112: {  	[tilespmem:s20], [sflag:$0x1] =	stream.indirect.gather [hbm4b:s4+s23], $0x80, s3, s23, $0xb8;
	[tilespmem:$0x1E400] =	vst v63  }
0x113: {  	_ =	swait.ge [sflag:s26], $0x4000  }
.Ltmp7:
0x114: {  	[sflag:s26] =	ssyncset.done $0x0;
	(pc) =	sbr.rel @p1 .LBB2_5-.Ltmp7, $4  }
0x115: {  	s0 =	sadd.s32 $0x1480, s0;
	[sflag:s26] =	ssyncadd.s32 $0xFFFFC000  }
0x116: {  	[spmem:s1] =	stream.indirect.scatter.add.f32 [tilespmem:s24], [sflag:$0x3], $0x80, s0, s23, $0xb8;
	[tilespmem:$0x1E400] =	vst v63  }
0x117: {  	_ =	swait.ge [sflag:s21], $0x4000  }
0x118: {  	s3 =	smov.u32 s12;
	s0 =	sshra.s32 s11, $0x2;
	[sflag:s21] =	ssyncset.done $0x0  }
0x119: {  	s3 =	sadd.s32 $0x80, s0;
	[sflag:s21] =	ssyncadd.s32 $0xFFFFC000  }
0x11a: {  	[tilespmem:s24], [sflag:$0x2] =	stream.indirect.gather [hbm4b:s4+s23], $0x80, s3, s23, $0xb8;
	[tilespmem:$0x1E400] =	vst v63  }
0x11b: {  	_ =	swait.ge [sflag:s25], $0x4000  }
0x11c: {  	[sflag:s25] =	ssyncset.done $0x0  }
0x11d: {  	s11 =	sadd.s32 $0x1400, s0;
	[sflag:s25] =	ssyncadd.s32 $0xFFFFC000  }
0x11e: {  	[spmem:s1] =	stream.indirect.scatter.add.f32 [tilespmem:s20], [sflag:$0x3], $0x80, s11, s23, $0xb8;
	[tilespmem:$0x1E400] =	vst v63  }
0x11f: {  	_ =	swait.ge [sflag:s21], $0x4000  }
0x120: {  	[sflag:s21] =	ssyncset.done $0x0  }
0x121: {  	s12 =	sadd.s32 $0x100, s0;
	[sflag:s21] =	ssyncadd.s32 $0xFFFFC000  }
0x122: {  	[tilespmem:s20], [sflag:$0x1] =	stream.indirect.gather [hbm4b:s4+s23], $0x80, s12, s23, $0xb8;
	[tilespmem:$0x1E400] =	vst v63  }
0x123: {  	_ =	swait.ge [sflag:s26], $0x4000  }
0x124: {  	[sflag:s26] =	ssyncset.done $0x0  }
0x125: {  	s10 =	sadd.s32 $0x1480, s0;
	[sflag:s26] =	ssyncadd.s32 $0xFFFFC000  }
0x126: {  	[spmem:s1] =	stream.indirect.scatter.add.f32 [tilespmem:s24], [sflag:$0x3], $0x80, s10, s23, $0xb8;
	[tilespmem:$0x1E400] =	vst v63  }
0x127: {  	_ =	swait.ge [sflag:s21], $0x4000  }
0x128: {  	[sflag:s21] =	ssyncset.done $0x0  }
0x129: {  	[sflag:s21] =	ssyncadd.s32 $0xFFFFC000  }
0x12a: {  	[tilespmem:s24], [sflag:$0x2] =	stream.indirect.gather [hbm4b:s4+s23], $0x80, s28, s23, $0xb8;
	[tilespmem:$0x1E400] =	vst v63  }
0x12b: {  	_ =	swait.ge [sflag:s25], $0x4000  }
0x12c: {  	[sflag:s25] =	ssyncset.done $0x0  }
0x12d: {  	[sflag:s25] =	ssyncadd.s32 $0xFFFFC000  }
0x12e: {  	[spmem:s1] =	stream.indirect.scatter.add.f32 [tilespmem:s20], [sflag:$0x3], $0x80, s29, s23, $0xb8;
	[tilespmem:$0x1E400] =	vst v63  }
0x12f: {  	_ =	swait.ge [sflag:s21], $0x4000  }
0x130: {  	[sflag:s21] =	ssyncset.done $0x0  }
0x131: {  	s11 =	simm.s32 $0x0;
	[sflag:s21] =	ssyncadd.s32 $0xFFFFC000  }
0x132: {  	[tilespmem:s20], [sflag:$0x1] =	stream.indirect.gather [hbm4b:s4+s23], $0x80, s11, s23, $0xb8;
	[tilespmem:$0x1E400] =	vst v63  }
0x133: {  	_ =	swait.ge [sflag:s26], $0x4000  }
0x134: {  	[sflag:s26] =	ssyncset.done $0x0  }
0x135: {  	[sflag:s26] =	ssyncadd.s32 $0xFFFFC000  }
0x136: {  	[spmem:s1] =	stream.indirect.scatter.add.f32 [tilespmem:s24], [sflag:$0x3], $0x80, s30, s23, $0xb8;
	[tilespmem:$0x1E400] =	vst v63  }
0x137: {  	_ =	swait.ge [sflag:s21], $0x4000  }
0x138: {  	[sflag:s21] =	ssyncset.done $0x0  }
0x139: {  	[sflag:s21] =	ssyncadd.s32 $0xFFFFC000  }
0x13a: {  	_ =	swait.ge [sflag:s25], $0x4000  }
0x13b: {  	[sflag:s25] =	ssyncset.done $0x0  }
0x13c: {  	s12 =	rddreg [dreg:$0x5];
	[sflag:s25] =	ssyncadd.s32 $0xFFFFC000  }
0x13d: {  	[tilespmem:s11], [sflag:$0x3] =	stream.linear.gather [hbm4b:s12+s11], $0x1400, $0x38;
	[tilespmem:$0x1E400] =	vst v63  }
0x13e: {  	_ =	swait.ge [sflag:s21], $0x1400  }
0x13f: {  	[sflag:s21] =	ssyncset.done $0x0  }
0x140: {  	[sflag:s21] =	ssyncadd.s32 $0xFFFFEC00  }
0x141: {  	[tilespmem:s22], [sflag:$0x3] =	stream.linear.gather [hbm4b:s13+s11], $0x1400, $0x38;
	[tilespmem:$0x1E400] =	vst v63  }
0x142: {  	_ =	swait.ge [sflag:s21], $0x1400  }
0x143: {  	[sflag:s21] =	ssyncset.done $0x0  }
0x144: {  	[sflag:s21] =	ssyncadd.s32 $0xFFFFEC00  }
0x145: {  	[tilespmem:s20], [sflag:$0x1] =	stream.indirect.gather [hbm4b:s4+s23], $0x80, s11, s23, $0xb8;
	[tilespmem:$0x1E400] =	vst v63  }
0x146: {  	s3 =	simm.s32 $0x80  }
0x147: {  	[tilespmem:s24], [sflag:$0x2] =	stream.indirect.gather [hbm4b:s4+s23], $0x80, s3, s23, $0xb8;
	[tilespmem:$0x1E400] =	vst v63  }
0x148: {  	_ =	swait.ge [sflag:s25], $0x4000  }
0x149: {  	[sflag:s25] =	ssyncset.done $0x0  }
0x14a: {  	s10 =	simm.s32 $0x1400;
	[sflag:s25] =	ssyncadd.s32 $0xFFFFC000  }
0x14b: {  	[spmem:s1] =	stream.indirect.scatter.add.f32 [tilespmem:s20], [sflag:$0x3], $0x80, s10, s23, $0xb8;
	[tilespmem:$0x1E400] =	vst v63  }
0x14c: {  	_ =	swait.ge [sflag:s21], $0x4000  }
0x14d: {  	[sflag:s21] =	ssyncset.done $0x0  }
0x14e: {  	s11 =	simm.s32 $0x100;
	[sflag:s21] =	ssyncadd.s32 $0xFFFFC000  }
0x14f: {  	[tilespmem:s20], [sflag:$0x1] =	stream.indirect.gather [hbm4b:s4+s23], $0x80, s11, s23, $0xb8;
	[tilespmem:$0x1E400] =	vst v63  }
0x150: {  	_ =	swait.ge [sflag:s26], $0x4000  }
0x151: {  	[sflag:s26] =	ssyncset.done $0x0  }
0x152: {  	s12 =	simm.s32 $0x1480;
	[sflag:s26] =	ssyncadd.s32 $0xFFFFC000  }
0x153: {  	[spmem:s1] =	stream.indirect.scatter.add.f32 [tilespmem:s24], [sflag:$0x3], $0x80, s12, s23, $0xb8;
	[tilespmem:$0x1E400] =	vst v63  }
0x154: {  	_ =	swait.ge [sflag:s21], $0x4000  }
0x155: {  	s0 =	simm.s32 $0x100;
	s3 =	simm.s32 $0x800;
	[sflag:s21] =	ssyncset.done $0x0  }
.LBB2_7:
0x156: {  	s10 =	sadd.s32 $0x80, s0  }
0x157: {  	[sflag:s21] =	ssyncadd.s32 $0xFFFFC000;
	s11 =	smov.u32 s3;
	s12 =	sadd.s32 $0x400, s3  }
0x158: {  	[tilespmem:s24], [sflag:$0x2] =	stream.indirect.gather [hbm4b:s4+s23], $0x80, s10, s23, $0xb8;
	[tilespmem:$0x1E400] =	vst v63  }
0x159: {  	p1 =	seq.s32 s3, $0x4800;
	_ =	swait.ge [sflag:s25], $0x4000  }
0x15a: {  	[sflag:s25] =	ssyncset.done $0x0  }
0x15b: {  	s3 =	sadd.s32 $0x1400, s0;
	[sflag:s25] =	ssyncadd.s32 $0xFFFFC000  }
0x15c: {  	[spmem:s1] =	stream.indirect.scatter.add.f32 [tilespmem:s20], [sflag:$0x3], $0x80, s3, s23, $0xb8;
	[tilespmem:$0x1E400] =	vst v63  }
0x15d: {  	_ =	swait.ge [sflag:s21], $0x4000  }
0x15e: {  	[sflag:s21] =	ssyncset.done $0x0  }
0x15f: {  	s3 =	sadd.s32 $0x100, s0;
	[sflag:s21] =	ssyncadd.s32 $0xFFFFC000  }
0x160: {  	[tilespmem:s20], [sflag:$0x1] =	stream.indirect.gather [hbm4b:s4+s23], $0x80, s3, s23, $0xb8;
	[tilespmem:$0x1E400] =	vst v63  }
0x161: {  	_ =	swait.ge [sflag:s26], $0x4000  }
.Ltmp8:
0x162: {  	[sflag:s26] =	ssyncset.done $0x0;
	(pc) =	sbr.rel @!p1 .LBB2_7-.Ltmp8, $4  }
0x163: {  	s0 =	sadd.s32 $0x1480, s0;
	[sflag:s26] =	ssyncadd.s32 $0xFFFFC000  }
0x164: {  	[spmem:s1] =	stream.indirect.scatter.add.f32 [tilespmem:s24], [sflag:$0x3], $0x80, s0, s23, $0xb8;
	[tilespmem:$0x1E400] =	vst v63  }
0x165: {  	_ =	swait.ge [sflag:s21], $0x4000  }
0x166: {  	s3 =	smov.u32 s12;
	s0 =	sshra.s32 s11, $0x2;
	[sflag:s21] =	ssyncset.done $0x0  }
.Ltmp9:
0x167: {  	_ = 	snop;
	(pc) =	sbr.rel .LBB2_8-.Ltmp9, $1  }
0x168: {  	_ =	sdelay $0x3  }
.LBB2_15:
0x169: {  	_ =	sfence.sel $0x180000  }
0x16a: {  	[bflag:$0x0] =	sbarrier.arrive $0xFFFF  }
0x16b: {  	_ =	strace $0x90000050  }
0x16c: {  	[bflag:$0x2] =	sbarrier.arrive $0xFFFF  }
0x16d: {  	p0 =	sne.s32 s2, $0x0;
	s0 =	rddreg [dreg:$0x2]  }
0x16e: {  	s0 =	sadd.s32 @!p0 $0x100000, s0  }
0x16f: {  	[sflag:s0] =	ssyncadd.tile.s32 @!p0 $0x1;
	_ =	shalt  }
.Lfunc_end2:
_tile_overlayer_lowered:
.L_overlay_start_2:
0x170: {  	(tag) =	ssettag $0x2  }
0x171: {  	s0 =	rddreg [dreg:$0x0];
	s2 =	stileid.u32  }
0x172: {  	s1 =	rddreg [dreg:$0x1];
	p0 =	sne.s32 s2, $0x0  }
0x173: {  	s3 =	rddreg [dreg:$0x2];
	[bflag:$0x3] =	sbarrier.arrive $0xFFFF;
	s2 =	simm.s32 @!p0 $0x1C03  }
0x174: {  	[timem:s3], [sflag:s2] =	dma.local @!p0 [hbm:s0], s1  }
0x175: {  	s0 =	simm.s32 @!p0 $0x3  }
0x176: {  	_ =	swait.ge @!p0 [sflag:s0], s1  }
0x177: {  	s1 =	ssub.s32 @!p0 $0x0, s1;
	[sflag:s0] =	ssyncset.done @!p0 $0x0  }
0x178: {  	[sflag:s0] =	ssyncadd.s32 @!p0 s1  }
0x179: {  	[bflag:$0x3] =	sbarrier.arrive $0xFFFF  }
0x17a: {  	_ =	shalt  }

// kernel: kernel.9.cloned.1.call-start
scs
__scs_entry_jumppad:
0x0: {  	(pc) =	sbr.rel $0x88, $3  }
0x1: {  	(tag) =	ssettag $0x0;
	lr =	simm.s32 $0x1  }
0x2: {  	[smem:$0x3F94] =	sst lr;
	_ =	strace $0xD0000000  }
0x3: {  	_ = 	snop  }
0x4: {  	_ = 	snop  }
0x5: {  	_ = 	snop  }
0x6: {  	_ = 	snop  }
0x7: {  	_ = 	snop  }
__scs_overlays_trampoline_lowered:
0x8: {  	[smem:$0x3FA3] =	sst s0  }
0x9: {  	[smem:$0x3FA4] =	sst s1  }
0xa: {  	[smem:$0x3FA5] =	sst s2  }
0xb: {  	[smem:$0x3FA6] =	sst s3  }
0xc: {  	[smem:$0x3FA7] =	sst s4  }
0xd: {  	[smem:$0x3FA8] =	sst s5  }
0xe: {  	[smem:$0x3FA9] =	sst s6  }
0xf: {  	[smem:$0x3FAA] =	sst s7  }
0x10: {  	[smem:$0x3FAB] =	sst s8  }
0x11: {  	[smem:$0x3FAC] =	sst s9;
	s0 =	simm.s32 @!p0 $0x0  }
0x12: {  	s1 =	sld [smem:$0x3F92];
	s0 =	simm.s32 @p0 $0x1  }
0x13: {  	[smem:$0x3FAD] =	sst s0;
	s0 =	simm.s32 @!p1 $0x0  }
0x14: {  	s2 =	sld [smem:$0x3F91];
	s0 =	simm.s32 @p1 $0x1  }
0x15: {  	[smem:$0x3FAE] =	sst s0;
	s0 =	simm.s32 @!p2 $0x0  }
0x16: {  	s3 =	sld [smem:$0x3FDB];
	s0 =	simm.s32 @p2 $0x1  }
0x17: {  	s4 =	simm.s32 $0x1BF5;
	[smem:$0x3FB0] =	sst s0  }
0x18: {  	s0 =	sld [smem:$0x3F93];
	_ =	swait.ge [sflag:s4], $0x0  }
0x19: {  	s7 =	sld [smem:$0x3F94]  }
0x1a: {  	s8 =	sadd.s32 $0xFFFFE003, lr  }
0x1b: {  	s9 =	sadd.s32 $0xFFFFFEF7, lr;
	s5 =	simm.s32 $0xFFFFFFFF;
	p2 =	slt.u32 s8, $0xFFFFF086  }
0x1c: {  	p1 =	slt.u32 s9, $0xF7A;
	s5 =	simm.s32 @!p2 $0x0  }
0x1d: {  	s5 =	simm.s32 @p1 $0x1;
	p0 =	seq.s32 s7, s2  }
0x1e: {  	s7 =	smul.u32 @!p0 $0xF7A, s2;
	p2 =	seq.s32 @!p0 s5, $0x0  }
0x1f: {  	s9 =	smul.u32 $0xF7A, s1;
	s8 =	simm.s32 @!p0 $0x1BF5;
	p2 =	por !p2, p0  }
0x20: {  	[sflag:s8] =	ssyncset.s32 @!p0 $0xFFFFF086;
	s6 =	sadd.s32 @!p0 s3, s7;
	s7 =	simm.s32 @!p0 $0x108  }
0x21: {  	s3 =	sadd.s32 s3, s9;
	s6 =	sadd.s32 @!p0 $0x88, s6;
	s7 =	simm.s32 @p2 $0x1082  }
0x22: {  	[simem:s7], [sflag:s8] =	dma.local @!p0 [hbm:s6], $0xF7A  }
0x23: {  	s9 =	sor.u32 $0xD0000000, s2;
	s6 =	simm.s32 $0x108;
	_ =	swait.ge @!p0 [sflag:s8], $0x0  }
0x24: {  	s3 =	sadd.s32 $0x88, s3;
	s6 =	simm.s32 @!p1 $0x1082;
	[sflag:s4] =	ssyncset.s32 $0xFFFFF086  }
0x25: {  	[simem:s6], [sflag:s4] =	dma.local [hbm:s3], $0xF7A  }
0x26: {  	[smem:$0x3F94] =	sst s1;
	(tag) =	ssettag s2;
	_ =	strace s9  }
0x27: {  	s1 =	sld [smem:$0x3FA4]  }
0x28: {  	s2 =	sld [smem:$0x3FA5]  }
0x29: {  	s4 =	sld [smem:$0x3FA7]  }
0x2a: {  	p0 =	seq.s32 s5, $0x0;
	s5 =	sld [smem:$0x3FA8]  }
0x2b: {  	s6 =	sld [smem:$0x3FA9]  }
0x2c: {  	s7 =	sld [smem:$0x3FAA]  }
0x2d: {  	s3 =	simm.s32 $0x108;
	s8 =	sld [smem:$0x3FAB]  }
0x2e: {  	s3 =	simm.s32 @!p0 $0x1082;
	s9 =	sld [smem:$0x3FAC]  }
0x2f: {  	lr =	sadd.s32 s0, s3;
	s0 =	sld [smem:$0x3FA3]  }
0x30: {  	s3 =	sld [smem:$0x3FA6]  }
0x31: {  	[smem:$0x3FAF] =	sst s10  }
0x32: {  	s10 =	sld [smem:$0x3FAD];
	_ =	sdelay $0x3  }
0x33: {  	p0 =	seq.s32 s10, $0x1;
	s10 =	sld [smem:$0x3FAF];
	_ =	sdelay $0x3  }
0x34: {  	[smem:$0x3FAF] =	sst s10  }
0x35: {  	s10 =	sld [smem:$0x3FAE];
	_ =	sdelay $0x3  }
0x36: {  	p1 =	seq.s32 s10, $0x1;
	s10 =	sld [smem:$0x3FAF];
	_ =	sdelay $0x3  }
0x37: {  	[smem:$0x3FAF] =	sst s10  }
0x38: {  	s10 =	sld [smem:$0x3FB0]  }
0x39: {  	_ = 	snop;
	(pc) =	sbr.ind lr, $3  }
0x3a: {  	_ = 	snop  }
0x3b: {  	_ = 	snop  }
0x3c: {  	p2 =	seq.s32 s10, $0x1;
	s10 =	sld [smem:$0x3FAF]  }
0x3d: {  	_ =	shalt  }
0x3e: {  	_ =	shalt  }
0x3f: {  	_ =	shalt  }
0x40: {  	_ =	shalt  }
0x41: {  	_ =	shalt  }
0x42: {  	_ =	shalt  }
0x43: {  	_ =	shalt  }
0x44: {  	_ =	shalt  }
0x45: {  	_ =	shalt  }
0x46: {  	_ =	shalt  }
0x47: {  	_ =	shalt  }
0x48: {  	_ =	shalt  }
0x49: {  	_ =	shalt  }
0x4a: {  	_ =	shalt  }
0x4b: {  	_ =	shalt  }
0x4c: {  	_ =	shalt  }
0x4d: {  	_ =	shalt  }
0x4e: {  	_ =	shalt  }
0x4f: {  	_ =	shalt  }
0x50: {  	_ =	shalt  }
0x51: {  	_ =	shalt  }
0x52: {  	_ =	shalt  }
0x53: {  	_ =	shalt  }
0x54: {  	_ =	shalt  }
0x55: {  	_ =	shalt  }
0x56: {  	_ =	shalt  }
0x57: {  	_ =	shalt  }
0x58: {  	_ =	shalt  }
0x59: {  	_ =	shalt  }
0x5a: {  	_ =	shalt  }
0x5b: {  	_ =	shalt  }
0x5c: {  	_ =	shalt  }
0x5d: {  	_ =	shalt  }
0x5e: {  	_ =	shalt  }
0x5f: {  	_ =	shalt  }
0x60: {  	_ =	shalt  }
0x61: {  	_ =	shalt  }
0x62: {  	_ =	shalt  }
0x63: {  	_ =	shalt  }
0x64: {  	_ =	shalt  }
0x65: {  	_ =	shalt  }
0x66: {  	_ =	shalt  }
0x67: {  	_ =	shalt  }
0x68: {  	_ =	shalt  }
0x69: {  	_ =	shalt  }
0x6a: {  	_ =	shalt  }
0x6b: {  	_ =	shalt  }
0x6c: {  	_ =	shalt  }
0x6d: {  	_ =	shalt  }
0x6e: {  	_ =	shalt  }
0x6f: {  	_ =	shalt  }
0x70: {  	_ =	shalt  }
0x71: {  	_ =	shalt  }
0x72: {  	_ =	shalt  }
0x73: {  	_ =	shalt  }
0x74: {  	_ =	shalt  }
0x75: {  	_ =	shalt  }
0x76: {  	_ =	shalt  }
0x77: {  	_ =	shalt  }
0x78: {  	_ =	shalt  }
0x79: {  	_ =	shalt  }
0x7a: {  	_ =	shalt  }
0x7b: {  	_ =	shalt  }
0x7c: {  	_ =	shalt  }
0x7d: {  	_ =	shalt  }
0x7e: {  	_ =	shalt  }
0x7f: {  	_ =	shalt  }
0x80: {  	_ =	shalt  }
0x81: {  	_ =	shalt  }
0x82: {  	_ =	shalt  }
0x83: {  	_ =	shalt  }
0x84: {  	_ =	shalt  }
0x85: {  	_ =	shalt  }
0x86: {  	_ =	shalt  }
0x87: {  	_ =	shalt  }
.Lfunc_end0:
.L_simem_size_0:
called_computation_lowered:
.L_overlay_start_0:
0x88: {  	s2 =	sld [smem:$0x3FD9]  }
0x89: {  	s3 =	sld [smem:$0x3FFE];
	_ =	sdelay $0x1  }
0x8a: {  	s1 =	srdreg.scid  }
0x8b: {  	s0 =	sand.u32 $0x1, s1  }
0x8c: {  	s17 =	sshll.u32 s0, $0xA;
	s2 =	sadd.s32 s3, s2  }
0x8d: {  	s2 =	sadd.s32 s2, s17  }
0x8e: {  	[smem:$0x3FBB] =	sst s2  }
0x8f: {  	_ = 	snop  }
0x90: {  	s18 =	sld [smem:$0x3FD0];
	(tm) =	ssettm $0x1  }
0x91: {  	s19 =	sld [smem:$0x3FFB];
	_ =	sdelay $0x3  }
0x92: {  	_ =	strace s19  }
0x93: {  	s2 =	sld [smem:$0x3FFC];
	_ =	sdelay $0x3  }
0x94: {  	_ =	strace s2  }
0x95: {  	s2 =	sld [smem:$0x3FFD];
	_ =	sdelay $0x3  }
0x96: {  	_ =	strace s2  }
0x97: {  	_ =	strace $0x8FFFFFFF  }
0x98: {  	s20 =	sld [smem:$0x3FDB];
	_ =	sdelay $0x1  }
0x99: {  	s4 =	simm.s32 $_scs_section_size  }
0x9a: {  	s5 =	simm.s32 $_size__tile_overlayer_lowered;
	s6 =	simm.s32 $_tile_overlayer_lowered  }
0x9b: {  	s7 =	simm.s32 $0x1BFF;
	s21 =	sshll.u32 s6, $0x1;
	s4 =	sadd.s32 s4, s20  }
0x9c: {  	s22 =	simm.s32 $0x0;
	s5 =	sshll.u32 s5, $0x1;
	s6 =	sadd.s32 s21, s4  }
0x9d: {  	[timem:s22], [sflag:s7] =	dma.local [hbm:s6], s5  }
0x9e: {  	_ =	swait.ge [sflag:s7], s5  }
0x9f: {  	s5 =	ssub.s32 $0x0, s5;
	[sflag:s7] =	ssyncset.done $0x0  }
0xa0: {  	[sflag:s7] =	ssyncadd.s32 s5;
	_ =	sdelay $0x1  }
0xa1: {  	s23 =	simm.s32 $0x1B8B  }
0xa2: {  	_ =	swait.ge [sflag:s23], $0x1  }
0xa3: {  	[sflag:s23] =	ssyncset.done $0x0  }
0xa4: {  	[sflag:s23] =	ssyncadd.s32 $0xFFFFFFFF  }
0xa5: {  	s5 =	sld [smem:$0x0]  }
0xa6: {  	s6 =	sand.u32 $0xFFFFFFFE, s1  }
0xa7: {  	p0 =	sne.s32 s1, s6  }
0xa8: {  	s6 =	sshll.u32 @p0 s6, $0xE  }
0xa9: {  	s6 =	sadd.s32 @p0 $0x11B8D, s6;
	s7 =	sshll.u32 @p0 s5, $0x11  }
0xaa: {  	s6 =	sor.u32 @p0 s7, s6  }
0xab: {  	[sflag:s6] =	ssyncadd.remote.s32 @p0 $0x1;
	_ =	sdelay $0x1  }
0xac: {  	s6 =	simm.s32 @p0 $0x1B8D  }
0xad: {  	_ =	swait.eq @p0 [sflag:s6], $0x1  }
0xae: {  	[sflag:s6] =	ssyncadd.s32 @p0 $0xFFFFFFFF  }
0xaf: {  	s7 =	sshll.u32 @!p0 s1, $0xE  }
0xb0: {  	s7 =	sor.u32 @!p0 $0x4000, s7;
	s6 =	simm.s32 @!p0 $0x1B8D  }
0xb1: {  	s5 =	sshll.u32 @!p0 s5, $0x11;
	s7 =	sadd.s32 @!p0 $0x11B8D, s7;
	_ =	swait.eq @!p0 [sflag:s6], $0x1  }
0xb2: {  	s5 =	sor.u32 @!p0 s5, s7;
	[sflag:s6] =	ssyncadd.s32 @!p0 $0xFFFFFFFF  }
0xb3: {  	s25 =	simm.s32 $0x1B8E;
	s24 =	sld [smem:$0x3FFE];
	[sflag:s5] =	ssyncadd.remote.s32 @!p0 $0x1  }
0xb4: {  	s26 =	simm.s32 $execute0_lowered;
	[smem:$0x3FD2] =	sst s25  }
0xb5: {  	s6 =	sshll.u32 s26, $0x1;
	_ =	strace $0x80000049;
	[dreg:$0x1] =	wrdreg $0xFFFFFFFF  }
0xb6: {  	s28 =	simm.s32 $_size_execute0_lowered;
	s4 =	sadd.s32 s4, s6;
	[dreg:$0x0] =	wrdreg $0x0  }
0xb7: {  	s6 =	sshll.u32 s28, $0x1;
	[dreg:$0x2] =	wrdreg s4  }
0xb8: {  	[dreg:$0x3] =	wrdreg s6  }
0xb9: {  	[dreg:$0x4] =	wrdreg $0xC0  }
0xba: {  	_ =	task [dreg:s22], $0x5FFFF  }
0xbb: {  	[dreg:$0x1] =	wrdreg $0xFFFFFFFF  }
0xbc: {  	[dreg:$0x0] =	wrdreg $0x60  }
0xbd: {  	[dreg:$0x2] =	wrdreg s18  }
0xbe: {  	[dreg:$0x3] =	wrdreg s24  }
0xbf: {  	[dreg:$0x4] =	wrdreg $0x54000  }
0xc0: {  	[dreg:$0x5] =	wrdreg $0x9  }
0xc1: {  	_ =	task.clear_ibuf [dreg:s22], $0x6FFFF;
	_ =	strace $0x90000049  }
0xc2: {  	s29 =	simm.s32 $0x9;
	_ =	strace $0x8000004B  }
0xc3: {  	_ =	swait.ge [sflag:s29], $0x1  }
0xc4: {  	[sflag:s29] =	ssyncadd.s32 $0xFFFFFFFF  }
0xc5: {  	_ =	strace $0x9000004B  }
0xc6: {  	_ =	sfence  }
0xc7: {  	s30 =	sld [smem:$0x0];
	_ =	sdelay $0x2  }
0xc8: {  	s31 =	sshll.u32 s1, $0xD;
	s1 =	sshrl.u32 s1, $0x2  }
0xc9: {  	s4 =	sand.u32 $0x4000, s31;
	s1 =	sadd.s32 s1, s30  }
0xca: {  	s0 =	sor.u32 s4, s0;
	s1 =	sshll.u32 s1, $0x11  }
0xcb: {  	s0 =	sor.u32 s1, s0  }
0xcc: {  	s0 =	sadd.s32 $0x8F2B, s0  }
0xcd: {  	[sflag:s0] =	ssyncadd.remote.s32 $0x1  }
0xce: {  	_ =	sfence.sel $0xFFFF  }
0xcf: {  	[dreg:$0x0] =	wrdreg $0xFFFFFFFF;
	(pc) =	sbr.abs _section_cstart, $3  }
0xd0: {  	[dreg:$0x1] =	wrdreg $0xFFFFFFFF  }
0xd1: {  	_ =	task.clear_ibuf [dreg:s22], $0x2FFFF;
	_ =	strace $0x9FFFFFFF  }
0xd2: {  	(tm) =	ssettm $0x7FFFFFFF  }
0xd3: {  	_ =	shalt  }
tec
execute0_lowered:
.L_overlay_start_1:
0x0: {  	(tag) =	ssettag $0x1  }
0x1: {  	s9 =	rddreg [dreg:$0x0]  }
0x2: {  	s4 =	rddreg [dreg:$0x1]  }
0x3: {  	s1 =	rddreg [dreg:$0x2]  }
0x4: {  	s2 =	srdreg.scid;
	s0 =	rddreg [dreg:$0x3];
	s3 =	simm.s32 $0x0  }
0x5: {  	s13 =	simm.s32 $0x1400;
	s14 =	simm.s32 $0x1;
	s5 =	sand.u32 $0x1, s2  }
0x6: {  	s15 =	simm.s32 $0x80;
	s2 =	stileid.u32;
	s6 =	smul.u32 $0x13C000, s5  }
0x7: {  	[smem:$0x7FF] =	sst s3;
	s7 =	smul.u32 $0x13C00, s2;
	s30 =	sshll.u32 s5, $0x4  }
0x8: {  	s8 =	smul.u32 $0x4F000, s2;
	s5 =	ssub.s32 $0x2, s5;
	s16 =	sshll.u32 s2, $0x6  }
0x9: {  	_ =	strace $0x8000004A;
	s10 =	sshrl.u32 s5, $0x1;
	s16 =	sor.u32 $0x1C01, s16  }
0xa: {  	s6 =	sadd.s32 s7, s6;
	s7 =	sor.u32 s2, s30;
	s8 =	sshrl.u32 s8, $0x2  }
0xb: {  	s12 =	ssub.s32 s5, s10;
	s6 =	sshrl.u32 s6, $0x3;
	s7 =	smul.u32 $0x2800, s7  }
0xc: {  	s12 =	smax.u32 s12, $0x1;
	s11 =	sadd.s32 s6, s4;
	s4 =	sadd.s32 s8, s1  }
0xd: {  	s5 =	sadd.s32 $0x4000, s4;
	s6 =	sadd.s32 $0x8000, s4;
	s31 =	sshrl.u32 s7, $0x3  }
0xe: {  	s7 =	sadd.s32 $0xC000, s4;
	s8 =	sadd.s32 $0x10000, s4;
	s9 =	sadd.s32 s9, s31  }
0xf: {  	v0 =	vimm.f32 $0.0e+00;
	v1 =	vimm.f32 $1.000000000e+00;
	s11 =	sadd.s32 $0x67600, s11;
	s17 =	sshrl.u32 s4, $0x3;
	s10 =	sadd.s32 $0x280, s9  }
.LBB2_1:
0x10: {  	s18 =	simm.s32 $0x0;
	s19 =	simm.s32 $0x200  }
.LBB2_2:
0x11: {  	p0 =	sne.s32 s19, $0xFE00;
	[tilespmem:s18+$0x1470] =	vst v0  }
0x12: {  	[tilespmem:s18+$0x1400] =	vst v0  }
0x13: {  	[tilespmem:s18+$0x1410] =	vst v0  }
.Ltmp0:
0x14: {  	[tilespmem:s18+$0x1420] =	vst v0;
	(pc) =	sbr.rel @p0 .LBB2_2-.Ltmp0, $4  }
0x15: {  	[tilespmem:s18+$0x1430] =	vst v0  }
0x16: {  	[tilespmem:s18+$0x1440] =	vst v0  }
0x17: {  	[tilespmem:s18+$0x1450] =	vst v0  }
0x18: {  	[tilespmem:s18+$0x1460] =	vst v0;
	s18 =	sshra.s32 s19, $0x2;
	s19 =	sadd.s32 $0x200, s19  }
0x19: {  	[tilespmem:s18+$0x1470] =	vst v0  }
0x1a: {  	[tilespmem:s18+$0x1400] =	vst v0  }
0x1b: {  	[tilespmem:s18+$0x1410] =	vst v0  }
0x1c: {  	[tilespmem:s18+$0x1420] =	vst v0  }
0x1d: {  	[tilespmem:s18+$0x1430] =	vst v0  }
0x1e: {  	[tilespmem:s18+$0x1440] =	vst v0  }
0x1f: {  	[tilespmem:s18+$0x1450] =	vst v0  }
0x20: {  	[tilespmem:s18+$0x1460] =	vst v0  }
0x21: {  	[spmem:s4] =	stream.linear.scatter [tilespmem:s13], [sflag:$0x1], $0x4000, $0x38;
	[tilespmem:$0x19000] =	vst v63  }
0x22: {  	_ =	swait.ge [sflag:s14], $0x4000  }
0x23: {  	[sflag:s14] =	ssyncset.done $0x0  }
0x24: {  	[sflag:s14] =	ssyncadd.s32 $0xFFFFC000  }
0x25: {  	[spmem:s5] =	stream.linear.scatter [tilespmem:s13], [sflag:$0x1], $0x4000, $0x38;
	[tilespmem:$0x19000] =	vst v63  }
0x26: {  	_ =	swait.ge [sflag:s14], $0x4000  }
0x27: {  	[sflag:s14] =	ssyncset.done $0x0  }
0x28: {  	[sflag:s14] =	ssyncadd.s32 $0xFFFFC000  }
0x29: {  	[spmem:s6] =	stream.linear.scatter [tilespmem:s13], [sflag:$0x1], $0x4000, $0x38;
	[tilespmem:$0x19000] =	vst v63  }
0x2a: {  	_ =	swait.ge [sflag:s14], $0x4000  }
0x2b: {  	[sflag:s14] =	ssyncset.done $0x0  }
0x2c: {  	[sflag:s14] =	ssyncadd.s32 $0xFFFFC000  }
0x2d: {  	[spmem:s7] =	stream.linear.scatter [tilespmem:s13], [sflag:$0x1], $0x4000, $0x38;
	[tilespmem:$0x19000] =	vst v63  }
0x2e: {  	_ =	swait.ge [sflag:s14], $0x4000  }
0x2f: {  	[sflag:s14] =	ssyncset.done $0x0  }
0x30: {  	[sflag:s14] =	ssyncadd.s32 $0xFFFFC000  }
0x31: {  	[spmem:s8] =	stream.linear.scatter [tilespmem:s13], [sflag:$0x1], $0x3C00, $0x38;
	[tilespmem:$0x19000] =	vst v63  }
0x32: {  	_ =	swait.ge [sflag:s14], $0x3C00  }
0x33: {  	[sflag:s14] =	ssyncset.done $0x0  }
0x34: {  	s18 =	simm.s32 $0x0;
	s19 =	simm.s32 $0x200;
	[sflag:s14] =	ssyncadd.s32 $0xFFFFC400  }
.LBB2_4:
0x35: {  	p0 =	sne.s32 s19, $0xFE00;
	[tilespmem:s18+$0x1470] =	vst v1  }
0x36: {  	[tilespmem:s18+$0x1400] =	vst v1  }
0x37: {  	[tilespmem:s18+$0x1410] =	vst v1  }
.Ltmp1:
0x38: {  	[tilespmem:s18+$0x1420] =	vst v1;
	(pc) =	sbr.rel @p0 .LBB2_4-.Ltmp1, $4  }
0x39: {  	[tilespmem:s18+$0x1430] =	vst v1  }
0x3a: {  	[tilespmem:s18+$0x1440] =	vst v1  }
0x3b: {  	[tilespmem:s18+$0x1450] =	vst v1  }
0x3c: {  	[tilespmem:s18+$0x1460] =	vst v1;
	s18 =	sshra.s32 s19, $0x2;
	s19 =	sadd.s32 $0x200, s19  }
0x3d: {  	[tilespmem:s18+$0x1470] =	vst v1  }
0x3e: {  	[tilespmem:s18+$0x1400] =	vst v1  }
0x3f: {  	[tilespmem:s18+$0x1410] =	vst v1  }
0x40: {  	[tilespmem:s18+$0x1420] =	vst v1  }
0x41: {  	[tilespmem:s18+$0x1430] =	vst v1  }
0x42: {  	[tilespmem:s18+$0x1440] =	vst v1  }
0x43: {  	[tilespmem:s18+$0x1450] =	vst v1  }
0x44: {  	[tilespmem:s18+$0x1460] =	vst v1  }
0x45: {  	s30 =	simm.s32 $0x0;
	[bflag:$0x0] =	sbarrier.arrive $0xFFFF  }
0x46: {  	[tilespmem:s30], [sflag:$0x1] =	stream.linear.gather [hbm4b:s9+s30], $0x1400, $0x38;
	[tilespmem:$0x19000] =	vst v63  }
0x47: {  	_ =	swait.ge [sflag:s14], $0x1400  }
0x48: {  	[sflag:s14] =	ssyncset.done $0x0  }
0x49: {  	s31 =	simm.s32 $0x0;
	[sflag:s14] =	ssyncadd.s32 $0xFFFFEC00  }
0x4a: {  	[spmem:s1] =	stream.indirect.scatter.add.f32 [tilespmem:s13], [sflag:$0x1], $0x80, s31, s15, $0xb8;
	[tilespmem:$0x19000] =	vst v63  }
0x4b: {  	_ =	swait.ge [sflag:s14], $0x4000  }
0x4c: {  	s18 =	simm.s32 $0x200;
	[sflag:s14] =	ssyncset.done $0x0  }
.LBB2_6:
0x4d: {  	s19 =	sshra.s32 s18, $0x2;
	[sflag:s14] =	ssyncadd.s32 $0xFFFFC000;
	p0 =	sne.s32 s18, $0x4E00  }
0x4e: {  	[spmem:s1] =	stream.indirect.scatter.add.f32 [tilespmem:s13], [sflag:$0x1], $0x80, s19, s15, $0xb8;
	[tilespmem:$0x19000] =	vst v63  }
.Ltmp2:
0x4f: {  	_ = 	snop;
	(pc) =	sbr.rel @p0 .LBB2_6-.Ltmp2, $4  }
0x50: {  	_ = 	snop  }
0x51: {  	s18 =	sadd.s32 $0x200, s18  }
0x52: {  	_ =	swait.ge [sflag:s14], $0x4000  }
0x53: {  	[sflag:s14] =	ssyncset.done $0x0  }
0x54: {  	[sflag:s14] =	ssyncadd.s32 $0xFFFFC000;
	s18 =	simm.s32 $0x0  }
0x55: {  	[tilespmem:s18], [sflag:$0x1] =	stream.linear.gather [hbm4b:s10+s18], $0x1400, $0x38;
	[tilespmem:$0x19000] =	vst v63  }
0x56: {  	_ =	swait.ge [sflag:s14], $0x1400  }
0x57: {  	[sflag:s14] =	ssyncset.done $0x0  }
0x58: {  	s31 =	simm.s32 $0x0;
	[sflag:s14] =	ssyncadd.s32 $0xFFFFEC00  }
0x59: {  	[spmem:s1] =	stream.indirect.scatter.add.f32 [tilespmem:s13], [sflag:$0x1], $0x80, s31, s15, $0xb8;
	[tilespmem:$0x19000] =	vst v63  }
0x5a: {  	_ =	swait.ge [sflag:s14], $0x4000  }
0x5b: {  	s18 =	simm.s32 $0x200;
	[sflag:s14] =	ssyncset.done $0x0  }
.LBB2_8:
0x5c: {  	s19 =	sshra.s32 s18, $0x2;
	[sflag:s14] =	ssyncadd.s32 $0xFFFFC000;
	p0 =	sne.s32 s18, $0x4E00  }
0x5d: {  	[spmem:s1] =	stream.indirect.scatter.add.f32 [tilespmem:s13], [sflag:$0x1], $0x80, s19, s15, $0xb8;
	[tilespmem:$0x19000] =	vst v63  }
.Ltmp3:
0x5e: {  	_ = 	snop;
	(pc) =	sbr.rel @p0 .LBB2_8-.Ltmp3, $4  }
0x5f: {  	_ = 	snop  }
0x60: {  	s18 =	sadd.s32 $0x200, s18  }
0x61: {  	_ =	swait.ge [sflag:s14], $0x4000  }
0x62: {  	[sflag:s14] =	ssyncset.done $0x0  }
0x63: {  	s3 =	sadd.s32 $0x1, s3  }
0x64: {  	[sflag:s14] =	ssyncadd.s32 $0xFFFFC000;
	p0 =	sne.s32 s3, s12  }
.Ltmp4:
0x65: {  	[bflag:$0x0] =	sbarrier.arrive $0xFFFF;
	(pc) =	sbr.rel @p0 .LBB2_1-.Ltmp4, $4  }
0x66: {  	[hbm:s11], [sflag:s16] =	dma.local [spmem:s17], $0x2780  }
0x67: {  	_ =	swait.ge [sflag:s14], $0x2780  }
0x68: {  	[sflag:s14] =	ssyncset.done $0x0  }
0x69: {  	[sflag:s14] =	ssyncadd.s32 $0xFFFFD880  }
0x6a: {  	_ =	sfence.sel $0x180000  }
0x6b: {  	[bflag:$0x0] =	sbarrier.arrive $0xFFFF  }
0x6c: {  	p0 =	sne.s32 s2, $0x0;
	_ =	strace $0x9000004A  }
0x6d: {  	s0 =	sadd.s32 @!p0 $0x100000, s0;
	[bflag:$0x2] =	sbarrier.arrive $0xFFFF  }
0x6e: {  	[sflag:s0] =	ssyncadd.tile.s32 @!p0 $0x1;
	_ =	shalt  }
.Lfunc_end2:
_tile_overlayer_lowered:
.L_overlay_start_2:
0x6f: {  	(tag) =	ssettag $0x2  }
0x70: {  	s0 =	rddreg [dreg:$0x0];
	s2 =	stileid.u32  }
0x71: {  	s1 =	rddreg [dreg:$0x1];
	p0 =	sne.s32 s2, $0x0  }
0x72: {  	s3 =	rddreg [dreg:$0x2];
	[bflag:$0x3] =	sbarrier.arrive $0xFFFF;
	s2 =	simm.s32 @!p0 $0x1C01  }
0x73: {  	[timem:s3], [sflag:s2] =	dma.local @!p0 [hbm:s0], s1  }
0x74: {  	s0 =	simm.s32 @!p0 $0x1  }
0x75: {  	_ =	swait.ge @!p0 [sflag:s0], s1  }
0x76: {  	s1 =	ssub.s32 @!p0 $0x0, s1;
	[sflag:s0] =	ssyncset.done @!p0 $0x0  }
0x77: {  	[sflag:s0] =	ssyncadd.s32 @!p0 s1  }
0x78: {  	[bflag:$0x3] =	sbarrier.arrive $0xFFFF  }
0x79: {  	_ =	shalt  }

</sc_bundles>
